<compile_context>
chip_gen: v7x
topology: tpu7x:2x2x1
jax: 0.10.2.dev20260603
libtpu: 0.0.44.dev20260713+nightly
codegen_flags: <defaults>
</compile_context>

<pallas_src>
import jax
import jax.numpy as jnp
import numpy as np
from jax import lax
from jax.experimental import pallas as pl
from jax.experimental.pallas import tpu as pltpu
from jax.experimental.pallas import tpu_sc as plsc

N = 10000
E = 320000
P = 30000
IN_CH = 9
LATENT = 128
K = 512
LEVELS = 3
COMMIT = 0.25

CPAD = 16
NW = 32
EPW = E // NW
C = 80
NCH = EPW // C
NPAD = 10240
RPT = NPAD // 16
NZCH = RPT // C

BN = 1000
G = N // BN



def _make_sc_agg(W):
    mesh = plsc.VectorSubcoreMesh(core_axis_name="c", subcore_axis_name="s")

    def body(table, src3, dst3, out, src_i, dst_i, rows_a, rows_b, acc_sh,
             sem_a, sem_b):
        c = lax.axis_index("c")
        s = lax.axis_index("s")
        wid = s * 2 + c

        pltpu.sync_copy(src3.at[wid], src_i)
        pltpu.sync_copy(dst3.at[wid], dst_i)
        pltpu.async_copy(table.at[src_i.at[0]], rows_a, sem_a)

        zvec = jnp.zeros((16,), jnp.float32)

        def zrow(r, carry):
            for j in range(W // 16):
                rows_b[r, pl.ds(j * 16, 16)] = zvec
            return carry

        lax.fori_loop(0, C, zrow, 0)
        for k2 in range(NZCH):
            pltpu.sync_copy(rows_b, acc_sh.at[pl.ds(s * RPT + k2 * C, C)])
        plsc.subcore_barrier()

        def ebody(p, carry):
            j0 = 2 * p
            pltpu.make_async_copy(table.at[src_i.at[j0]], rows_a, sem_a).wait()
            pltpu.async_copy(table.at[src_i.at[j0 + 1]], rows_b, sem_b)
            pltpu.sync_copy(rows_a, acc_sh.at[dst_i.at[j0]], add=True)
            pltpu.async_copy(table.at[src_i.at[j0 + 2]], rows_a, sem_a)
            pltpu.make_async_copy(table.at[src_i.at[j0 + 1]], rows_b, sem_b).wait()
            pltpu.sync_copy(rows_b, acc_sh.at[dst_i.at[j0 + 1]], add=True)
            return carry

        lax.fori_loop(0, (NCH - 1) // 2, ebody, 0)
        pltpu.make_async_copy(table.at[src_i.at[NCH - 1]], rows_a, sem_a).wait()
        pltpu.sync_copy(rows_a, acc_sh.at[dst_i.at[NCH - 1]], add=True)
        plsc.subcore_barrier()

        for k2 in range(NZCH):
            r0 = s * RPT + k2 * C
            pltpu.sync_copy(acc_sh.at[pl.ds(r0, C)], rows_a)
            pltpu.sync_copy(rows_a, out.at[pl.ds(c * NPAD + r0, C)])

    return pl.kernel(
        body,
        out_type=jax.ShapeDtypeStruct((2 * NPAD, W), jnp.float32),
        mesh=mesh,
        compiler_params=pltpu.CompilerParams(use_tc_tiling_on_sc=False),
        scratch_types=[
            pltpu.VMEM((NCH, C), jnp.int32),
            pltpu.VMEM((NCH, C), jnp.int32),
            pltpu.VMEM((C, W), jnp.float32),
            pltpu.VMEM((C, W), jnp.float32),
            pltpu.VMEM_SHARED((NPAD, W), jnp.float32),
            pltpu.SemaphoreType.DMA,
            pltpu.SemaphoreType.DMA,
        ],
    )



PPAD = 30720
PPW = PPAD // NW


def _sc_cons(rflat, ta, la, tb, lb):
    mesh = plsc.VectorSubcoreMesh(core_axis_name="c", subcore_axis_name="s")

    def body(rflat_h, ta_h, la_h, tb_h, lb_h, out, tab_v, ta_v, la_v, tb_v, lb_v, scr_v):
        c = lax.axis_index("c")
        s = lax.axis_index("s")
        wid = s * 2 + c
        pltpu.sync_copy(rflat_h, tab_v)
        pltpu.sync_copy(ta_h.at[wid], ta_v)
        pltpu.sync_copy(la_h.at[wid], la_v)
        pltpu.sync_copy(tb_h.at[wid], tb_v)
        pltpu.sync_copy(lb_h.at[wid], lb_v)

        def chunk(g, acc):
            tav = ta_v[pl.ds(g * 16, 16)]
            lav = la_v[pl.ds(g * 16, 16)]
            tbv = tb_v[pl.ds(g * 16, 16)]
            lbv = lb_v[pl.ds(g * 16, 16)]
            fa = tav * 9 + lav * 3
            fb = tbv * 9 + lbv * 3
            for cc in range(3):
                va = plsc.load_gather(tab_v, [fa + cc])
                vb = plsc.load_gather(tab_v, [fb + cc])
                d = va - vb
                acc = acc + d * d
            return acc

        acc = lax.fori_loop(0, PPW // 16, chunk, jnp.zeros((16,), jnp.float32))
        scr_v[...] = acc
        pltpu.sync_copy(scr_v, out.at[wid])

    k = pl.kernel(
        body,
        out_type=jax.ShapeDtypeStruct((NW, 16), jnp.float32),
        mesh=mesh,
        compiler_params=pltpu.CompilerParams(needs_layout_passes=False),
        scratch_types=[
            pltpu.VMEM((N * 9,), jnp.float32),
            pltpu.VMEM((PPW,), jnp.int32),
            pltpu.VMEM((PPW,), jnp.int32),
            pltpu.VMEM((PPW,), jnp.int32),
            pltpu.VMEM((PPW,), jnp.int32),
            pltpu.VMEM((16,), jnp.float32),
        ],
    )
    return k(rflat, ta, la, tb, lb)


def _tc_scalars_body(rl, vq, parts, rl_o, vq_o, c_o, t_o):
    rlv = rl[...] / N
    vqv = vq[...] * (1.0 + COMMIT) / (N * LATENT)
    cv = jnp.reshape(jnp.sum(parts[...]), (1, 1)) / (3.0 * P)
    rl_o[...] = rlv
    vq_o[...] = vqv
    c_o[...] = cv
    t_o[...] = rlv + vqv + 0.3 * cv



def _tc1_body(a0, a1, x, w, b, h_ref, dinv_ref):
    agg = a0[...] + a1[...]
    deg = jnp.clip(agg[:, 9:10], 1.0, None)
    dinv = 1.0 / deg
    comb = x[...] + agg * dinv
    h = jnp.dot(comb, w[...], preferred_element_type=jnp.float32) + b[...]
    h_ref[...] = jnp.maximum(h, 0.0)
    dinv_ref[...] = dinv


def _tc3u_body(a0, a1, x, dinv, w3, b3, w4p, u_ref):
    agg = a0[...] + a1[...]
    comb = x[...] + agg * dinv[...]
    h2 = jnp.maximum(jnp.dot(comb, w3[...], preferred_element_type=jnp.float32) + b3[...], 0.0)
    u_ref[...] = jnp.dot(h2, w4p[...], preferred_element_type=jnp.float32)


def _tc_ze_rvq_body(a0, a1, h, dinv, w2, b2, cb, ze_ref, zq_ref, idx_ref, loss_ref):
    i = pl.program_id(0)

    @pl.when(i == 0)
    def _():
        loss_ref[...] = jnp.zeros_like(loss_ref)

    agg = a0[...] + a1[...]
    comb = h[...] + agg * dinv[...]
    z = jnp.dot(comb, w2[...], preferred_element_type=jnp.float32) + b2[...]
    ze_ref[...] = z
    res = z
    zq = jnp.zeros_like(res)
    iota = lax.broadcasted_iota(jnp.int32, (1, K), 1)
    lsum = jnp.float32(0.0)
    idx_cols = []
    for l in range(LEVELS):
        cbl = cb[l]
        cn = jnp.sum(cbl * cbl, axis=1)[None, :]
        rn = jnp.sum(res * res, axis=1, keepdims=True)
        d = (rn - 2.0 * lax.dot_general(res, cbl, (((1,), (1,)), ((), ())),
                                        preferred_element_type=jnp.float32) + cn)
        mv = jnp.min(d, axis=1, keepdims=True)
        idxv = jnp.min(jnp.where(d == mv, iota, K), axis=1, keepdims=True)
        one = (iota == idxv).astype(jnp.float32)
        cb_hi = cbl.astype(jnp.bfloat16).astype(jnp.float32)
        rem1 = cbl - cb_hi
        cb_mid = rem1.astype(jnp.bfloat16).astype(jnp.float32)
        cb_lo = rem1 - cb_mid
        q = (jnp.dot(one, cb_hi, preferred_element_type=jnp.float32)
             + jnp.dot(one, cb_mid, preferred_element_type=jnp.float32)
             + jnp.dot(one, cb_lo, preferred_element_type=jnp.float32))
        lsum = lsum + jnp.sum((res - q) ** 2)
        zq = zq + q
        res = res - q
        idx_cols.append(idxv)
    zq_ref[...] = zq
    pad = jnp.zeros((idxv.shape[0], 8 - LEVELS), jnp.int32)
    idx_ref[...] = jnp.concatenate(idx_cols + [pad], axis=1)
    loss_ref[...] = loss_ref[...] + jnp.reshape(lsum, (1, 1))


def _tc_fin_body(u, a0, a1, dinv, b4p, y, p1m, p2m, r_ref, rl_ref):
    i = pl.program_id(0)

    @pl.when(i == 0)
    def _():
        rl_ref[...] = jnp.zeros_like(rl_ref)

    agg = a0[...] + a1[...]
    r = u[...] + agg * dinv[...] + b4p[...]
    r_ref[...] = r
    t = y[...]
    t1 = jnp.dot(t, p1m[...], preferred_element_type=jnp.float32)
    t2 = jnp.dot(t, p2m[...], preferred_element_type=jnp.float32)
    p0 = jnp.sum(jnp.abs(r - t), axis=1) / 9.0
    p1 = jnp.sum(jnp.abs(r - t1), axis=1) / 9.0
    p2 = jnp.sum(jnp.abs(r - t2), axis=1) / 9.0
    m = jnp.minimum(p0, jnp.minimum(p1, p2))
    rl_ref[...] = rl_ref[...] + jnp.reshape(jnp.sum(m), (1, 1))


def _row_spec(w):
    return pl.BlockSpec((BN, w), lambda i: (i, 0))


def _full_spec(shape):
    nd = len(shape)
    return pl.BlockSpec(shape, lambda i, _nd=nd: (0,) * _nd)


def _scalar_spec():
    return pl.BlockSpec((1, 1), lambda i: (0, 0))



_P1 = np.zeros((CPAD, CPAD), np.float32)
_P2 = np.zeros((CPAD, CPAD), np.float32)
for _j in range(9):
    _P1[(_j + 3) % 9, _j] = 1.0
    _P2[(_j + 6) % 9, _j] = 1.0
for _j in range(9, CPAD):
    _P1[_j, _j] = 1.0
    _P2[_j, _j] = 1.0


def kernel(x, edge_index, y, sv_tri_a, sv_local_a, sv_tri_b, sv_local_b,
           W1, b1, W2, b2, W3, b3, W4, b4, codebooks):
    src = edge_index[0].reshape(NW, NCH, C)
    dst = edge_index[1].reshape(NW, NCH, C)

    x16 = jnp.concatenate(
        [x, jnp.ones((N, 1), jnp.float32), jnp.zeros((N, CPAD - IN_CH - 1), jnp.float32)], axis=1)
    W1p = jnp.concatenate([W1, jnp.zeros((CPAD - IN_CH, LATENT), jnp.float32)], axis=0)
    W4p = jnp.concatenate([W4, jnp.zeros((LATENT, CPAD - IN_CH), jnp.float32)], axis=1)
    b4p = jnp.concatenate([b4, jnp.zeros((CPAD - IN_CH,), jnp.float32)])[None, :]
    y16 = jnp.concatenate([y, jnp.zeros((N, CPAD - IN_CH), jnp.float32)], axis=1)
    b1r = b1[None, :]
    b2r = b2[None, :]
    b3r = b3[None, :]
    p1m = jnp.asarray(_P1)
    p2m = jnp.asarray(_P2)

    agg16 = _make_sc_agg(CPAD)(x16, src, dst)
    a0, a1 = agg16[:N], agg16[NPAD:NPAD + N]

    h, dinv = pl.pallas_call(
        _tc1_body,
        grid=(G,),
        in_specs=[_row_spec(CPAD), _row_spec(CPAD), _row_spec(CPAD),
                  _full_spec((CPAD, LATENT)), _full_spec((1, LATENT))],
        out_specs=[_row_spec(LATENT), _row_spec(1)],
        out_shape=[jax.ShapeDtypeStruct((N, LATENT), jnp.float32),
                   jax.ShapeDtypeStruct((N, 1), jnp.float32)],
    )(a0, a1, x16, W1p, b1r)

    aggh = _make_sc_agg(LATENT)(h, src, dst)

    z_e, z_q, idx8, vqsum = pl.pallas_call(
        _tc_ze_rvq_body,
        grid=(G,),
        in_specs=[_row_spec(LATENT), _row_spec(LATENT), _row_spec(LATENT), _row_spec(1),
                  _full_spec((LATENT, LATENT)), _full_spec((1, LATENT)),
                  _full_spec((LEVELS, K, LATENT))],
        out_specs=[_row_spec(LATENT), _row_spec(LATENT), _row_spec(8), _scalar_spec()],
        out_shape=[jax.ShapeDtypeStruct((N, LATENT), jnp.float32),
                   jax.ShapeDtypeStruct((N, LATENT), jnp.float32),
                   jax.ShapeDtypeStruct((N, 8), jnp.int32),
                   jax.ShapeDtypeStruct((1, 1), jnp.float32)],
    )(aggh[:N], aggh[NPAD:NPAD + N], h, dinv, W2, b2r, codebooks)

    aggq = _make_sc_agg(LATENT)(z_q, src, dst)

    u16 = pl.pallas_call(
        _tc3u_body,
        grid=(G,),
        in_specs=[_row_spec(LATENT), _row_spec(LATENT), _row_spec(LATENT), _row_spec(1),
                  _full_spec((LATENT, LATENT)), _full_spec((1, LATENT)),
                  _full_spec((LATENT, CPAD))],
        out_specs=_row_spec(CPAD),
        out_shape=jax.ShapeDtypeStruct((N, CPAD), jnp.float32),
    )(aggq[:N], aggq[NPAD:NPAD + N], z_q, dinv, W3, b3r, W4p)

    aggu = _make_sc_agg(CPAD)(u16, src, dst)

    r16, rlsum = pl.pallas_call(
        _tc_fin_body,
        grid=(G,),
        in_specs=[_row_spec(CPAD), _row_spec(CPAD), _row_spec(CPAD), _row_spec(1),
                  _full_spec((1, CPAD)), _row_spec(CPAD),
                  _full_spec((CPAD, CPAD)), _full_spec((CPAD, CPAD))],
        out_specs=[_row_spec(CPAD), _scalar_spec()],
        out_shape=[jax.ShapeDtypeStruct((N, CPAD), jnp.float32),
                   jax.ShapeDtypeStruct((1, 1), jnp.float32)],
    )(u16, aggu[:N], aggu[NPAD:NPAD + N], dinv, b4p, y16, p1m, p2m)

    recon = r16[:, :IN_CH]
    rflat = recon.reshape(-1)

    zp = jnp.zeros((PPAD - P,), jnp.int32)
    parts = _sc_cons(rflat,
                     jnp.concatenate([sv_tri_a, zp]).reshape(NW, PPW),
                     jnp.concatenate([sv_local_a, zp]).reshape(NW, PPW),
                     jnp.concatenate([sv_tri_b, zp]).reshape(NW, PPW),
                     jnp.concatenate([sv_local_b, zp]).reshape(NW, PPW))

    rl_o, vq_o, c_o, t_o = pl.pallas_call(
        _tc_scalars_body,
        grid=(1,),
        in_specs=[_scalar_spec(), _scalar_spec(), _full_spec((NW, 16))],
        out_specs=[_scalar_spec(), _scalar_spec(), _scalar_spec(), _scalar_spec()],
        out_shape=[jax.ShapeDtypeStruct((1, 1), jnp.float32)] * 4,
    )(rlsum, vqsum, parts)

    indices = idx8[:, :LEVELS]
    return (recon, rl_o[0, 0], vq_o[0, 0], c_o[0, 0], t_o[0, 0], indices, z_e, z_q)

# --- scband reference (transcript-rebuilt; emitter-appended) ---
"""Pipeline reference for scband-mesh-vqvae-29377576305408 (READ-ONLY COPY).

The authoritative reference and input builder live on the scoring server;
editing this copy changes nothing except your own understanding.
"""

import jax, jax.numpy as jnp
import numpy as np

N = 10000
E = 320000
P = 30000
IN_CH = 9
LATENT = 128
K = 512
LEVELS = 3
COMMIT = 0.25


def setup_inputs(seed: int = 0) -> dict:
    key = jax.random.key(seed)
    ks = jax.random.split(key, 16)
    x = jax.random.normal(ks[0], (N, IN_CH), dtype=jnp.float32)
    edge_index = jax.random.randint(ks[1], (2, E), 0, N, dtype=jnp.int32)
    y = jax.random.normal(ks[2], (N, IN_CH), dtype=jnp.float32)
    sv_tri_a = jax.random.randint(ks[3], (P,), 0, N, dtype=jnp.int32)
    sv_local_a = jax.random.randint(ks[4], (P,), 0, 3, dtype=jnp.int32)
    sv_tri_b = jax.random.randint(ks[5], (P,), 0, N, dtype=jnp.int32)
    sv_local_b = jax.random.randint(ks[6], (P,), 0, 3, dtype=jnp.int32)
    s = 0.05
    W1 = jax.random.normal(ks[7], (IN_CH, LATENT), dtype=jnp.float32) * s
    b1 = jnp.zeros((LATENT,), dtype=jnp.float32)
    W2 = jax.random.normal(ks[8], (LATENT, LATENT), dtype=jnp.float32) * s
    b2 = jnp.zeros((LATENT,), dtype=jnp.float32)
    W3 = jax.random.normal(ks[9], (LATENT, LATENT), dtype=jnp.float32) * s
    b3 = jnp.zeros((LATENT,), dtype=jnp.float32)
    W4 = jax.random.normal(ks[10], (LATENT, IN_CH), dtype=jnp.float32) * s
    b4 = jnp.zeros((IN_CH,), dtype=jnp.float32)
    codebooks = jax.random.normal(ks[11], (LEVELS, K, LATENT), dtype=jnp.float32) * s
    return {
        'x': x, 'edge_index': edge_index, 'y': y,
        'sv_tri_a': sv_tri_a, 'sv_local_a': sv_local_a,
        'sv_tri_b': sv_tri_b, 'sv_local_b': sv_local_b,
        'W1': W1, 'b1': b1, 'W2': W2, 'b2': b2,
        'W3': W3, 'b3': b3, 'W4': W4, 'b4': b4,
        'codebooks': codebooks,
    }


def _gcn(x, src, dst, W, b):
    msg = jnp.take(x, src, axis=0)
    agg = jax.ops.segment_sum(msg, dst, num_segments=N)
    deg = jax.ops.segment_sum(jnp.ones((src.shape[0],), dtype=x.dtype), dst, num_segments=N)
    agg = agg / jnp.clip(deg, 1.0, None)[:, None]
    return (x + agg) @ W + b


def _rvq(z, codebooks):
    residual = z
    quantized = jnp.zeros_like(z)
    idx_list = []
    cb_loss = 0.0
    commit_loss = 0.0
    for l in range(LEVELS):
        cb = codebooks[l]
        d = (jnp.sum(residual * residual, axis=1, keepdims=True)
             - 2.0 * residual @ cb.T
             + jnp.sum(cb * cb, axis=1)[None, :])
        idx = jnp.argmin(d, axis=1)
        q = jnp.take(cb, idx, axis=0)
        cb_loss = cb_loss + jnp.mean((jax.lax.stop_gradient(residual) - q) ** 2)
        commit_loss = commit_loss + jnp.mean((residual - jax.lax.stop_gradient(q)) ** 2)
        quantized = quantized + q
        residual = residual - jax.lax.stop_gradient(q)
        idx_list.append(idx)
    z_q = z + jax.lax.stop_gradient(quantized - z)
    vq_loss = cb_loss + COMMIT * commit_loss
    return z_q, vq_loss, jnp.stack(idx_list, axis=1)


def reference(x, edge_index, y, sv_tri_a, sv_local_a, sv_tri_b, sv_local_b,
              W1, b1, W2, b2, W3, b3, W4, b4, codebooks):
    src = edge_index[0]
    dst = edge_index[1]
    # encoder
    h = jax.nn.relu(_gcn(x, src, dst, W1, b1))
    z_e = _gcn(h, src, dst, W2, b2)
    # residual VQ (warmup_epochs=0 so no bypass)
    z_q, vq_loss, indices = _rvq(z_e, codebooks)
    # decoder
    h2 = jax.nn.relu(_gcn(z_q, src, dst, W3, b3))
    recon = _gcn(h2, src, dst, W4, b4)
    # cyclic permutation L1 loss
    r = recon.reshape(-1, 3, 3)
    t = y.reshape(-1, 3, 3)
    perm0 = jnp.mean(jnp.abs(r - t), axis=(1, 2))
    perm1 = jnp.mean(jnp.abs(r - t[:, jnp.array([1, 2, 0]), :]), axis=(1, 2))
    perm2 = jnp.mean(jnp.abs(r - t[:, jnp.array([2, 0, 1]), :]), axis=(1, 2))
    recon_loss = jnp.mean(jnp.min(jnp.stack([perm0, perm1, perm2], axis=1), axis=1))
    # vertex consistency loss
    coords_a = r[sv_tri_a, sv_local_a]
    coords_b = r[sv_tri_b, sv_local_b]
    cons_loss = jnp.mean((coords_a - coords_b) ** 2)
    total_loss = recon_loss + vq_loss + 0.3 * cons_loss
    return (recon, recon_loss, vq_loss, cons_loss, total_loss, indices, z_e, z_q)

if __name__ == "__main__":
    import jax
    _d = setup_inputs()
    print(jax.jit(kernel)(*tuple(_d.values())))

</pallas_src>

<mosaic_0001>
#map = affine_map<(d0, d1) -> (0, 0)>
#map1 = affine_map<(d0, d1) -> (0, 0, 0)>
module attributes {stable_mosaic.version = 14 : i64} {
  func.func @body(%arg0: i32, %arg1: i32, %arg2: memref<10000x128xf32, #tpu.memory_space<hbm>>, %arg3: memref<32x125x80xi32, #tpu.memory_space<hbm>>, %arg4: memref<32x125x80xi32, #tpu.memory_space<hbm>>, %arg5: memref<20480x128xf32, #tpu.memory_space<hbm>>, %arg6: memref<125x80xi32, #tpu.memory_space<vmem>>, %arg7: memref<125x80xi32, #tpu.memory_space<vmem>>, %arg8: memref<80x128xf32, #tpu.memory_space<vmem>>, %arg9: memref<80x128xf32, #tpu.memory_space<vmem>>, %arg10: memref<10240x128xf32, #tpu.memory_space<vmem_shared>>, %arg11: memref<!tpu.dma_semaphore, #tpu.memory_space<semaphore_mem>>, %arg12: memref<!tpu.dma_semaphore, #tpu.memory_space<semaphore_mem>>) attributes {dimension_semantics = [#tpu.dimension_semantics<core_parallel>, #tpu.dimension_semantics<subcore_parallel>], iteration_bounds = array<i64: 2, 16>, scalar_prefetch = 0 : i64, scratch_operands = 7 : i64, tpu.core_type = #tpu.core_type<sc_vector_subcore>, window_params = [{transform_indices = #map}, {transform_indices = #map1}, {transform_indices = #map1}, {transform_indices = #map}]} {
    %mul3A = arith.constant 2 : i32
    %mul3A_0 = arith.muli %arg1, %mul3A : i32
    %add3A = arith.addi %mul3A_0, %arg0 : i32
    "tpu.region"() ({
      %run_scoped3A_114 = tpu.sem_alloc : memref<!tpu.dma_semaphore, #tpu.memory_space<semaphore_mem>>
      %dma_start3A_115 = arith.constant 0 : i32
      %dma_start3A_116 = arith.constant 0 : i32
      %dma_start3A_117 = tpu.memref_slice %arg3[%add3A, %dma_start3A_115, %dma_start3A_116] : memref<32x125x80xi32, #tpu.memory_space<hbm>> -> memref<1x125x80xi32, #tpu.memory_space<hbm>>
      %dma_start3A_118 = tpu.memref_squeeze %dma_start3A_117 : memref<1x125x80xi32, #tpu.memory_space<hbm>> -> memref<125x80xi32, #tpu.memory_space<hbm>>
      %dma_start3A_119 = arith.constant 0 : i32
      %dma_start3A_120 = arith.constant 0 : i32
      %dma_start3A_121 = tpu.memref_slice %arg3[%add3A, %dma_start3A_119, %dma_start3A_120] : memref<32x125x80xi32, #tpu.memory_space<hbm>> -> memref<1x125x80xi32, #tpu.memory_space<hbm>>
      %dma_start3A_122 = tpu.memref_squeeze %dma_start3A_121 : memref<1x125x80xi32, #tpu.memory_space<hbm>> -> memref<125x80xi32, #tpu.memory_space<hbm>>
      tpu.enqueue_dma source(%dma_start3A_122 : memref<125x80xi32, #tpu.memory_space<hbm>>) target(%arg6 : memref<125x80xi32, #tpu.memory_space<vmem>>) target_semaphore(%run_scoped3A_114 : memref<!tpu.dma_semaphore, #tpu.memory_space<semaphore_mem>>)
      %dma_wait3A_123 = arith.constant 0 : i32
      %dma_wait3A_124 = arith.constant 0 : i32
      %dma_wait3A_125 = tpu.memref_slice %arg3[%add3A, %dma_wait3A_123, %dma_wait3A_124] : memref<32x125x80xi32, #tpu.memory_space<hbm>> -> memref<1x125x80xi32, #tpu.memory_space<hbm>>
      %dma_wait3A_126 = tpu.memref_squeeze %dma_wait3A_125 : memref<1x125x80xi32, #tpu.memory_space<hbm>> -> memref<125x80xi32, #tpu.memory_space<hbm>>
      %dma_wait3A_127 = arith.constant 0 : i32
      %dma_wait3A_128 = arith.constant 0 : i32
      %dma_wait3A_129 = tpu.memref_slice %arg3[%add3A, %dma_wait3A_127, %dma_wait3A_128] : memref<32x125x80xi32, #tpu.memory_space<hbm>> -> memref<1x125x80xi32, #tpu.memory_space<hbm>>
      %dma_wait3A_130 = tpu.memref_squeeze %dma_wait3A_129 : memref<1x125x80xi32, #tpu.memory_space<hbm>> -> memref<125x80xi32, #tpu.memory_space<hbm>>
      tpu.wait_dma2 semaphore(%run_scoped3A_114 : memref<!tpu.dma_semaphore, #tpu.memory_space<semaphore_mem>>) src(%dma_wait3A_130 : memref<125x80xi32, #tpu.memory_space<hbm>>) dst(%arg6 : memref<125x80xi32, #tpu.memory_space<vmem>>)
      tpu.yield
    }) : () -> ()
    "tpu.region"() ({
      %run_scoped3A_114 = tpu.sem_alloc : memref<!tpu.dma_semaphore, #tpu.memory_space<semaphore_mem>>
      %dma_start3A_115 = arith.constant 0 : i32
      %dma_start3A_116 = arith.constant 0 : i32
      %dma_start3A_117 = tpu.memref_slice %arg4[%add3A, %dma_start3A_115, %dma_start3A_116] : memref<32x125x80xi32, #tpu.memory_space<hbm>> -> memref<1x125x80xi32, #tpu.memory_space<hbm>>
      %dma_start3A_118 = tpu.memref_squeeze %dma_start3A_117 : memref<1x125x80xi32, #tpu.memory_space<hbm>> -> memref<125x80xi32, #tpu.memory_space<hbm>>
      %dma_start3A_119 = arith.constant 0 : i32
      %dma_start3A_120 = arith.constant 0 : i32
      %dma_start3A_121 = tpu.memref_slice %arg4[%add3A, %dma_start3A_119, %dma_start3A_120] : memref<32x125x80xi32, #tpu.memory_space<hbm>> -> memref<1x125x80xi32, #tpu.memory_space<hbm>>
      %dma_start3A_122 = tpu.memref_squeeze %dma_start3A_121 : memref<1x125x80xi32, #tpu.memory_space<hbm>> -> memref<125x80xi32, #tpu.memory_space<hbm>>
      tpu.enqueue_dma source(%dma_start3A_122 : memref<125x80xi32, #tpu.memory_space<hbm>>) target(%arg7 : memref<125x80xi32, #tpu.memory_space<vmem>>) target_semaphore(%run_scoped3A_114 : memref<!tpu.dma_semaphore, #tpu.memory_space<semaphore_mem>>)
      %dma_wait3A_123 = arith.constant 0 : i32
      %dma_wait3A_124 = arith.constant 0 : i32
      %dma_wait3A_125 = tpu.memref_slice %arg4[%add3A, %dma_wait3A_123, %dma_wait3A_124] : memref<32x125x80xi32, #tpu.memory_space<hbm>> -> memref<1x125x80xi32, #tpu.memory_space<hbm>>
      %dma_wait3A_126 = tpu.memref_squeeze %dma_wait3A_125 : memref<1x125x80xi32, #tpu.memory_space<hbm>> -> memref<125x80xi32, #tpu.memory_space<hbm>>
      %dma_wait3A_127 = arith.constant 0 : i32
      %dma_wait3A_128 = arith.constant 0 : i32
      %dma_wait3A_129 = tpu.memref_slice %arg4[%add3A, %dma_wait3A_127, %dma_wait3A_128] : memref<32x125x80xi32, #tpu.memory_space<hbm>> -> memref<1x125x80xi32, #tpu.memory_space<hbm>>
      %dma_wait3A_130 = tpu.memref_squeeze %dma_wait3A_129 : memref<1x125x80xi32, #tpu.memory_space<hbm>> -> memref<125x80xi32, #tpu.memory_space<hbm>>
      tpu.wait_dma2 semaphore(%run_scoped3A_114 : memref<!tpu.dma_semaphore, #tpu.memory_space<semaphore_mem>>) src(%dma_wait3A_130 : memref<125x80xi32, #tpu.memory_space<hbm>>) dst(%arg7 : memref<125x80xi32, #tpu.memory_space<vmem>>)
      tpu.yield
    }) : () -> ()
    %dma_start3A = arith.constant 0 : i32
    %dma_start3A_1 = arith.constant 0 : i32
    %dma_start3A_2 = tpu.memref_slice %arg6[%dma_start3A, %dma_start3A_1] : memref<125x80xi32, #tpu.memory_space<vmem>> -> memref<1x80xi32, #tpu.memory_space<vmem>>
    %dma_start3A_3 = tpu.memref_squeeze %dma_start3A_2 : memref<1x80xi32, #tpu.memory_space<vmem>> -> memref<80xi32, #tpu.memory_space<vmem>>
    %dma_start3A_4 = arith.constant 0 : i32
    %dma_start3A_5 = arith.constant 0 : i32
    %dma_start3A_6 = tpu.memref_slice %arg2[%dma_start3A_4, %dma_start3A_5] : memref<10000x128xf32, #tpu.memory_space<hbm>> -> memref<10000x128xf32, #tpu.memory_space<hbm>>
    tpu.enqueue_indirect_dma source(%dma_start3A_6 : memref<10000x128xf32, #tpu.memory_space<hbm>>) target(%arg8 : memref<80x128xf32, #tpu.memory_space<vmem>>) offsets(%dma_start3A_3 : memref<80xi32, #tpu.memory_space<vmem>>) semaphore(%arg11 : memref<!tpu.dma_semaphore, #tpu.memory_space<semaphore_mem>>)
    %broadcast_in_dim3A = arith.constant 0.000000e+00 : f32
    %broadcast_in_dim3A_7 = vector.broadcast %broadcast_in_dim3A : f32 to vector<16xf32>
    %scan3A = arith.constant 0 : i32
    %scan3A_8 = arith.constant 0 : i32
    %scan3A_9 = arith.constant 80 : i32
    %scan3A_10 = arith.addi %scan3A_8, %scan3A_9 : i32
    %scan3A_11 = arith.constant 1 : i32
    scf.for %scan3A_114 = %scan3A_8 to %scan3A_10 step %scan3A_11  : i32 {
      %swap3A = arith.index_cast %scan3A_114 : i32 to index
      %swap3A_115 = arith.constant 0 : index
      %swap3A_116 = tpu.vector_load %arg9[%swap3A, %swap3A_115] {strides = array<i32>} : memref<80x128xf32, #tpu.memory_space<vmem>>, vector<1x16xf32>,
      %swap3A_117 = vector.shape_cast %swap3A_116 : vector<1x16xf32> to vector<16xf32>
      %swap3A_118 = vector.shape_cast %broadcast_in_dim3A_7 : vector<16xf32> to vector<1x16xf32>
      tpu.vector_store %arg9[%swap3A, %swap3A_115], %swap3A_118 {strides = array<i32>} : memref<80x128xf32, #tpu.memory_space<vmem>>, vector<1x16xf32>,
      %swap3A_119 = arith.index_cast %scan3A_114 : i32 to index
      %swap3A_120 = arith.constant 16 : index
      %swap3A_121 = tpu.vector_load %arg9[%swap3A_119, %swap3A_120] {strides = array<i32>} : memref<80x128xf32, #tpu.memory_space<vmem>>, vector<1x16xf32>,
      %swap3A_122 = vector.shape_cast %swap3A_121 : vector<1x16xf32> to vector<16xf32>
      %swap3A_123 = vector.shape_cast %broadcast_in_dim3A_7 : vector<16xf32> to vector<1x16xf32>
      tpu.vector_store %arg9[%swap3A_119, %swap3A_120], %swap3A_123 {strides = array<i32>} : memref<80x128xf32, #tpu.memory_space<vmem>>, vector<1x16xf32>,
      %swap3A_124 = arith.index_cast %scan3A_114 : i32 to index
      %swap3A_125 = arith.constant 32 : index
      %swap3A_126 = tpu.vector_load %arg9[%swap3A_124, %swap3A_125] {strides = array<i32>} : memref<80x128xf32, #tpu.memory_space<vmem>>, vector<1x16xf32>,
      %swap3A_127 = vector.shape_cast %swap3A_126 : vector<1x16xf32> to vector<16xf32>
      %swap3A_128 = vector.shape_cast %broadcast_in_dim3A_7 : vector<16xf32> to vector<1x16xf32>
      tpu.vector_store %arg9[%swap3A_124, %swap3A_125], %swap3A_128 {strides = array<i32>} : memref<80x128xf32, #tpu.memory_space<vmem>>, vector<1x16xf32>,
      %swap3A_129 = arith.index_cast %scan3A_114 : i32 to index
      %swap3A_130 = arith.constant 48 : index
      %swap3A_131 = tpu.vector_load %arg9[%swap3A_129, %swap3A_130] {strides = array<i32>} : memref<80x128xf32, #tpu.memory_space<vmem>>, vector<1x16xf32>,
      %swap3A_132 = vector.shape_cast %swap3A_131 : vector<1x16xf32> to vector<16xf32>
      %swap3A_133 = vector.shape_cast %broadcast_in_dim3A_7 : vector<16xf32> to vector<1x16xf32>
      tpu.vector_store %arg9[%swap3A_129, %swap3A_130], %swap3A_133 {strides = array<i32>} : memref<80x128xf32, #tpu.memory_space<vmem>>, vector<1x16xf32>,
      %swap3A_134 = arith.index_cast %scan3A_114 : i32 to index
      %swap3A_135 = arith.constant 64 : index
      %swap3A_136 = tpu.vector_load %arg9[%swap3A_134, %swap3A_135] {strides = array<i32>} : memref<80x128xf32, #tpu.memory_space<vmem>>, vector<1x16xf32>,
      %swap3A_137 = vector.shape_cast %swap3A_136 : vector<1x16xf32> to vector<16xf32>
      %swap3A_138 = vector.shape_cast %broadcast_in_dim3A_7 : vector<16xf32> to vector<1x16xf32>
      tpu.vector_store %arg9[%swap3A_134, %swap3A_135], %swap3A_138 {strides = array<i32>} : memref<80x128xf32, #tpu.memory_space<vmem>>, vector<1x16xf32>,
      %swap3A_139 = arith.index_cast %scan3A_114 : i32 to index
      %swap3A_140 = arith.constant 80 : index
      %swap3A_141 = tpu.vector_load %arg9[%swap3A_139, %swap3A_140] {strides = array<i32>} : memref<80x128xf32, #tpu.memory_space<vmem>>, vector<1x16xf32>,
      %swap3A_142 = vector.shape_cast %swap3A_141 : vector<1x16xf32> to vector<16xf32>
      %swap3A_143 = vector.shape_cast %broadcast_in_dim3A_7 : vector<16xf32> to vector<1x16xf32>
      tpu.vector_store %arg9[%swap3A_139, %swap3A_140], %swap3A_143 {strides = array<i32>} : memref<80x128xf32, #tpu.memory_space<vmem>>, vector<1x16xf32>,
      %swap3A_144 = arith.index_cast %scan3A_114 : i32 to index
      %swap3A_145 = arith.constant 96 : index
      %swap3A_146 = tpu.vector_load %arg9[%swap3A_144, %swap3A_145] {strides = array<i32>} : memref<80x128xf32, #tpu.memory_space<vmem>>, vector<1x16xf32>,
      %swap3A_147 = vector.shape_cast %swap3A_146 : vector<1x16xf32> to vector<16xf32>
      %swap3A_148 = vector.shape_cast %broadcast_in_dim3A_7 : vector<16xf32> to vector<1x16xf32>
      tpu.vector_store %arg9[%swap3A_144, %swap3A_145], %swap3A_148 {strides = array<i32>} : memref<80x128xf32, #tpu.memory_space<vmem>>, vector<1x16xf32>,
      %swap3A_149 = arith.index_cast %scan3A_114 : i32 to index
      %swap3A_150 = arith.constant 112 : index
      %swap3A_151 = tpu.vector_load %arg9[%swap3A_149, %swap3A_150] {strides = array<i32>} : memref<80x128xf32, #tpu.memory_space<vmem>>, vector<1x16xf32>,
      %swap3A_152 = vector.shape_cast %swap3A_151 : vector<1x16xf32> to vector<16xf32>
      %swap3A_153 = vector.shape_cast %broadcast_in_dim3A_7 : vector<16xf32> to vector<1x16xf32>
      tpu.vector_store %arg9[%swap3A_149, %swap3A_150], %swap3A_153 {strides = array<i32>} : memref<80x128xf32, #tpu.memory_space<vmem>>, vector<1x16xf32>,
    }
    %scan3A_12 = arith.constant 80 : i32
    %mul3A_13 = arith.constant 640 : i32
    %mul3A_14 = arith.muli %arg1, %mul3A_13 : i32
    %add3A_15 = arith.constant 0 : i32
    %add3A_16 = arith.addi %mul3A_14, %add3A_15 : i32
    "tpu.region"() ({
      %run_scoped3A_114 = tpu.sem_alloc : memref<!tpu.dma_semaphore, #tpu.memory_space<semaphore_mem>>
      %dma_start3A_115 = arith.constant 0 : i32
      %dma_start3A_116 = tpu.memref_slice %arg10[%add3A_16, %dma_start3A_115] : memref<10240x128xf32, #tpu.memory_space<vmem_shared>> -> memref<80x128xf32, #tpu.memory_space<vmem_shared>>
      %dma_start3A_117 = arith.constant 0 : i32
      %dma_start3A_118 = tpu.memref_slice %arg10[%add3A_16, %dma_start3A_117] : memref<10240x128xf32, #tpu.memory_space<vmem_shared>> -> memref<80x128xf32, #tpu.memory_space<vmem_shared>>
      tpu.enqueue_dma source(%arg9 : memref<80x128xf32, #tpu.memory_space<vmem>>) target(%dma_start3A_118 : memref<80x128xf32, #tpu.memory_space<vmem_shared>>) target_semaphore(%run_scoped3A_114 : memref<!tpu.dma_semaphore, #tpu.memory_space<semaphore_mem>>)
      %dma_wait3A_119 = arith.constant 0 : i32
      %dma_wait3A_120 = tpu.memref_slice %arg10[%add3A_16, %dma_wait3A_119] : memref<10240x128xf32, #tpu.memory_space<vmem_shared>> -> memref<80x128xf32, #tpu.memory_space<vmem_shared>>
      %dma_wait3A_121 = arith.constant 0 : i32
      %dma_wait3A_122 = tpu.memref_slice %arg10[%add3A_16, %dma_wait3A_121] : memref<10240x128xf32, #tpu.memory_space<vmem_shared>> -> memref<80x128xf32, #tpu.memory_space<vmem_shared>>
      tpu.wait_dma2 semaphore(%run_scoped3A_114 : memref<!tpu.dma_semaphore, #tpu.memory_space<semaphore_mem>>) src(%arg9 : memref<80x128xf32, #tpu.memory_space<vmem>>) dst(%dma_wait3A_122 : memref<80x128xf32, #tpu.memory_space<vmem_shared>>)
      tpu.yield
    }) : () -> ()
    %mul3A_17 = arith.constant 640 : i32
    %mul3A_18 = arith.muli %arg1, %mul3A_17 : i32
    %add3A_19 = arith.constant 80 : i32
    %add3A_20 = arith.addi %mul3A_18, %add3A_19 : i32
    "tpu.region"() ({
      %run_scoped3A_114 = tpu.sem_alloc : memref<!tpu.dma_semaphore, #tpu.memory_space<semaphore_mem>>
      %dma_start3A_115 = arith.constant 0 : i32
      %dma_start3A_116 = tpu.memref_slice %arg10[%add3A_20, %dma_start3A_115] : memref<10240x128xf32, #tpu.memory_space<vmem_shared>> -> memref<80x128xf32, #tpu.memory_space<vmem_shared>>
      %dma_start3A_117 = arith.constant 0 : i32
      %dma_start3A_118 = tpu.memref_slice %arg10[%add3A_20, %dma_start3A_117] : memref<10240x128xf32, #tpu.memory_space<vmem_shared>> -> memref<80x128xf32, #tpu.memory_space<vmem_shared>>
      tpu.enqueue_dma source(%arg9 : memref<80x128xf32, #tpu.memory_space<vmem>>) target(%dma_start3A_118 : memref<80x128xf32, #tpu.memory_space<vmem_shared>>) target_semaphore(%run_scoped3A_114 : memref<!tpu.dma_semaphore, #tpu.memory_space<semaphore_mem>>)
      %dma_wait3A_119 = arith.constant 0 : i32
      %dma_wait3A_120 = tpu.memref_slice %arg10[%add3A_20, %dma_wait3A_119] : memref<10240x128xf32, #tpu.memory_space<vmem_shared>> -> memref<80x128xf32, #tpu.memory_space<vmem_shared>>
      %dma_wait3A_121 = arith.constant 0 : i32
      %dma_wait3A_122 = tpu.memref_slice %arg10[%add3A_20, %dma_wait3A_121] : memref<10240x128xf32, #tpu.memory_space<vmem_shared>> -> memref<80x128xf32, #tpu.memory_space<vmem_shared>>
      tpu.wait_dma2 semaphore(%run_scoped3A_114 : memref<!tpu.dma_semaphore, #tpu.memory_space<semaphore_mem>>) src(%arg9 : memref<80x128xf32, #tpu.memory_space<vmem>>) dst(%dma_wait3A_122 : memref<80x128xf32, #tpu.memory_space<vmem_shared>>)
      tpu.yield
    }) : () -> ()
    %mul3A_21 = arith.constant 640 : i32
    %mul3A_22 = arith.muli %arg1, %mul3A_21 : i32
    %add3A_23 = arith.constant 160 : i32
    %add3A_24 = arith.addi %mul3A_22, %add3A_23 : i32
    "tpu.region"() ({
      %run_scoped3A_114 = tpu.sem_alloc : memref<!tpu.dma_semaphore, #tpu.memory_space<semaphore_mem>>
      %dma_start3A_115 = arith.constant 0 : i32
      %dma_start3A_116 = tpu.memref_slice %arg10[%add3A_24, %dma_start3A_115] : memref<10240x128xf32, #tpu.memory_space<vmem_shared>> -> memref<80x128xf32, #tpu.memory_space<vmem_shared>>
      %dma_start3A_117 = arith.constant 0 : i32
      %dma_start3A_118 = tpu.memref_slice %arg10[%add3A_24, %dma_start3A_117] : memref<10240x128xf32, #tpu.memory_space<vmem_shared>> -> memref<80x128xf32, #tpu.memory_space<vmem_shared>>
      tpu.enqueue_dma source(%arg9 : memref<80x128xf32, #tpu.memory_space<vmem>>) target(%dma_start3A_118 : memref<80x128xf32, #tpu.memory_space<vmem_shared>>) target_semaphore(%run_scoped3A_114 : memref<!tpu.dma_semaphore, #tpu.memory_space<semaphore_mem>>)
      %dma_wait3A_119 = arith.constant 0 : i32
      %dma_wait3A_120 = tpu.memref_slice %arg10[%add3A_24, %dma_wait3A_119] : memref<10240x128xf32, #tpu.memory_space<vmem_shared>> -> memref<80x128xf32, #tpu.memory_space<vmem_shared>>
      %dma_wait3A_121 = arith.constant 0 : i32
      %dma_wait3A_122 = tpu.memref_slice %arg10[%add3A_24, %dma_wait3A_121] : memref<10240x128xf32, #tpu.memory_space<vmem_shared>> -> memref<80x128xf32, #tpu.memory_space<vmem_shared>>
      tpu.wait_dma2 semaphore(%run_scoped3A_114 : memref<!tpu.dma_semaphore, #tpu.memory_space<semaphore_mem>>) src(%arg9 : memref<80x128xf32, #tpu.memory_space<vmem>>) dst(%dma_wait3A_122 : memref<80x128xf32, #tpu.memory_space<vmem_shared>>)
      tpu.yield
    }) : () -> ()
    %mul3A_25 = arith.constant 640 : i32
    %mul3A_26 = arith.muli %arg1, %mul3A_25 : i32
    %add3A_27 = arith.constant 240 : i32
    %add3A_28 = arith.addi %mul3A_26, %add3A_27 : i32
    "tpu.region"() ({
      %run_scoped3A_114 = tpu.sem_alloc : memref<!tpu.dma_semaphore, #tpu.memory_space<semaphore_mem>>
      %dma_start3A_115 = arith.constant 0 : i32
      %dma_start3A_116 = tpu.memref_slice %arg10[%add3A_28, %dma_start3A_115] : memref<10240x128xf32, #tpu.memory_space<vmem_shared>> -> memref<80x128xf32, #tpu.memory_space<vmem_shared>>
      %dma_start3A_117 = arith.constant 0 : i32
      %dma_start3A_118 = tpu.memref_slice %arg10[%add3A_28, %dma_start3A_117] : memref<10240x128xf32, #tpu.memory_space<vmem_shared>> -> memref<80x128xf32, #tpu.memory_space<vmem_shared>>
      tpu.enqueue_dma source(%arg9 : memref<80x128xf32, #tpu.memory_space<vmem>>) target(%dma_start3A_118 : memref<80x128xf32, #tpu.memory_space<vmem_shared>>) target_semaphore(%run_scoped3A_114 : memref<!tpu.dma_semaphore, #tpu.memory_space<semaphore_mem>>)
      %dma_wait3A_119 = arith.constant 0 : i32
      %dma_wait3A_120 = tpu.memref_slice %arg10[%add3A_28, %dma_wait3A_119] : memref<10240x128xf32, #tpu.memory_space<vmem_shared>> -> memref<80x128xf32, #tpu.memory_space<vmem_shared>>
      %dma_wait3A_121 = arith.constant 0 : i32
      %dma_wait3A_122 = tpu.memref_slice %arg10[%add3A_28, %dma_wait3A_121] : memref<10240x128xf32, #tpu.memory_space<vmem_shared>> -> memref<80x128xf32, #tpu.memory_space<vmem_shared>>
      tpu.wait_dma2 semaphore(%run_scoped3A_114 : memref<!tpu.dma_semaphore, #tpu.memory_space<semaphore_mem>>) src(%arg9 : memref<80x128xf32, #tpu.memory_space<vmem>>) dst(%dma_wait3A_122 : memref<80x128xf32, #tpu.memory_space<vmem_shared>>)
      tpu.yield
    }) : () -> ()
    %mul3A_29 = arith.constant 640 : i32
    %mul3A_30 = arith.muli %arg1, %mul3A_29 : i32
    %add3A_31 = arith.constant 320 : i32
    %add3A_32 = arith.addi %mul3A_30, %add3A_31 : i32
    "tpu.region"() ({
      %run_scoped3A_114 = tpu.sem_alloc : memref<!tpu.dma_semaphore, #tpu.memory_space<semaphore_mem>>
      %dma_start3A_115 = arith.constant 0 : i32
      %dma_start3A_116 = tpu.memref_slice %arg10[%add3A_32, %dma_start3A_115] : memref<10240x128xf32, #tpu.memory_space<vmem_shared>> -> memref<80x128xf32, #tpu.memory_space<vmem_shared>>
      %dma_start3A_117 = arith.constant 0 : i32
      %dma_start3A_118 = tpu.memref_slice %arg10[%add3A_32, %dma_start3A_117] : memref<10240x128xf32, #tpu.memory_space<vmem_shared>> -> memref<80x128xf32, #tpu.memory_space<vmem_shared>>
      tpu.enqueue_dma source(%arg9 : memref<80x128xf32, #tpu.memory_space<vmem>>) target(%dma_start3A_118 : memref<80x128xf32, #tpu.memory_space<vmem_shared>>) target_semaphore(%run_scoped3A_114 : memref<!tpu.dma_semaphore, #tpu.memory_space<semaphore_mem>>)
      %dma_wait3A_119 = arith.constant 0 : i32
      %dma_wait3A_120 = tpu.memref_slice %arg10[%add3A_32, %dma_wait3A_119] : memref<10240x128xf32, #tpu.memory_space<vmem_shared>> -> memref<80x128xf32, #tpu.memory_space<vmem_shared>>
      %dma_wait3A_121 = arith.constant 0 : i32
      %dma_wait3A_122 = tpu.memref_slice %arg10[%add3A_32, %dma_wait3A_121] : memref<10240x128xf32, #tpu.memory_space<vmem_shared>> -> memref<80x128xf32, #tpu.memory_space<vmem_shared>>
      tpu.wait_dma2 semaphore(%run_scoped3A_114 : memref<!tpu.dma_semaphore, #tpu.memory_space<semaphore_mem>>) src(%arg9 : memref<80x128xf32, #tpu.memory_space<vmem>>) dst(%dma_wait3A_122 : memref<80x128xf32, #tpu.memory_space<vmem_shared>>)
      tpu.yield
    }) : () -> ()
    %mul3A_33 = arith.constant 640 : i32
    %mul3A_34 = arith.muli %arg1, %mul3A_33 : i32
    %add3A_35 = arith.constant 400 : i32
    %add3A_36 = arith.addi %mul3A_34, %add3A_35 : i32
    "tpu.region"() ({
      %run_scoped3A_114 = tpu.sem_alloc : memref<!tpu.dma_semaphore, #tpu.memory_space<semaphore_mem>>
      %dma_start3A_115 = arith.constant 0 : i32
      %dma_start3A_116 = tpu.memref_slice %arg10[%add3A_36, %dma_start3A_115] : memref<10240x128xf32, #tpu.memory_space<vmem_shared>> -> memref<80x128xf32, #tpu.memory_space<vmem_shared>>
      %dma_start3A_117 = arith.constant 0 : i32
      %dma_start3A_118 = tpu.memref_slice %arg10[%add3A_36, %dma_start3A_117] : memref<10240x128xf32, #tpu.memory_space<vmem_shared>> -> memref<80x128xf32, #tpu.memory_space<vmem_shared>>
      tpu.enqueue_dma source(%arg9 : memref<80x128xf32, #tpu.memory_space<vmem>>) target(%dma_start3A_118 : memref<80x128xf32, #tpu.memory_space<vmem_shared>>) target_semaphore(%run_scoped3A_114 : memref<!tpu.dma_semaphore, #tpu.memory_space<semaphore_mem>>)
      %dma_wait3A_119 = arith.constant 0 : i32
      %dma_wait3A_120 = tpu.memref_slice %arg10[%add3A_36, %dma_wait3A_119] : memref<10240x128xf32, #tpu.memory_space<vmem_shared>> -> memref<80x128xf32, #tpu.memory_space<vmem_shared>>
      %dma_wait3A_121 = arith.constant 0 : i32
      %dma_wait3A_122 = tpu.memref_slice %arg10[%add3A_36, %dma_wait3A_121] : memref<10240x128xf32, #tpu.memory_space<vmem_shared>> -> memref<80x128xf32, #tpu.memory_space<vmem_shared>>
      tpu.wait_dma2 semaphore(%run_scoped3A_114 : memref<!tpu.dma_semaphore, #tpu.memory_space<semaphore_mem>>) src(%arg9 : memref<80x128xf32, #tpu.memory_space<vmem>>) dst(%dma_wait3A_122 : memref<80x128xf32, #tpu.memory_space<vmem_shared>>)
      tpu.yield
    }) : () -> ()
    %mul3A_37 = arith.constant 640 : i32
    %mul3A_38 = arith.muli %arg1, %mul3A_37 : i32
    %add3A_39 = arith.constant 480 : i32
    %add3A_40 = arith.addi %mul3A_38, %add3A_39 : i32
    "tpu.region"() ({
      %run_scoped3A_114 = tpu.sem_alloc : memref<!tpu.dma_semaphore, #tpu.memory_space<semaphore_mem>>
      %dma_start3A_115 = arith.constant 0 : i32
      %dma_start3A_116 = tpu.memref_slice %arg10[%add3A_40, %dma_start3A_115] : memref<10240x128xf32, #tpu.memory_space<vmem_shared>> -> memref<80x128xf32, #tpu.memory_space<vmem_shared>>
      %dma_start3A_117 = arith.constant 0 : i32
      %dma_start3A_118 = tpu.memref_slice %arg10[%add3A_40, %dma_start3A_117] : memref<10240x128xf32, #tpu.memory_space<vmem_shared>> -> memref<80x128xf32, #tpu.memory_space<vmem_shared>>
      tpu.enqueue_dma source(%arg9 : memref<80x128xf32, #tpu.memory_space<vmem>>) target(%dma_start3A_118 : memref<80x128xf32, #tpu.memory_space<vmem_shared>>) target_semaphore(%run_scoped3A_114 : memref<!tpu.dma_semaphore, #tpu.memory_space<semaphore_mem>>)
      %dma_wait3A_119 = arith.constant 0 : i32
      %dma_wait3A_120 = tpu.memref_slice %arg10[%add3A_40, %dma_wait3A_119] : memref<10240x128xf32, #tpu.memory_space<vmem_shared>> -> memref<80x128xf32, #tpu.memory_space<vmem_shared>>
      %dma_wait3A_121 = arith.constant 0 : i32
      %dma_wait3A_122 = tpu.memref_slice %arg10[%add3A_40, %dma_wait3A_121] : memref<10240x128xf32, #tpu.memory_space<vmem_shared>> -> memref<80x128xf32, #tpu.memory_space<vmem_shared>>
      tpu.wait_dma2 semaphore(%run_scoped3A_114 : memref<!tpu.dma_semaphore, #tpu.memory_space<semaphore_mem>>) src(%arg9 : memref<80x128xf32, #tpu.memory_space<vmem>>) dst(%dma_wait3A_122 : memref<80x128xf32, #tpu.memory_space<vmem_shared>>)
      tpu.yield
    }) : () -> ()
    %mul3A_41 = arith.constant 640 : i32
    %mul3A_42 = arith.muli %arg1, %mul3A_41 : i32
    %add3A_43 = arith.constant 560 : i32
    %add3A_44 = arith.addi %mul3A_42, %add3A_43 : i32
    "tpu.region"() ({
      %run_scoped3A_114 = tpu.sem_alloc : memref<!tpu.dma_semaphore, #tpu.memory_space<semaphore_mem>>
      %dma_start3A_115 = arith.constant 0 : i32
      %dma_start3A_116 = tpu.memref_slice %arg10[%add3A_44, %dma_start3A_115] : memref<10240x128xf32, #tpu.memory_space<vmem_shared>> -> memref<80x128xf32, #tpu.memory_space<vmem_shared>>
      %dma_start3A_117 = arith.constant 0 : i32
      %dma_start3A_118 = tpu.memref_slice %arg10[%add3A_44, %dma_start3A_117] : memref<10240x128xf32, #tpu.memory_space<vmem_shared>> -> memref<80x128xf32, #tpu.memory_space<vmem_shared>>
      tpu.enqueue_dma source(%arg9 : memref<80x128xf32, #tpu.memory_space<vmem>>) target(%dma_start3A_118 : memref<80x128xf32, #tpu.memory_space<vmem_shared>>) target_semaphore(%run_scoped3A_114 : memref<!tpu.dma_semaphore, #tpu.memory_space<semaphore_mem>>)
      %dma_wait3A_119 = arith.constant 0 : i32
      %dma_wait3A_120 = tpu.memref_slice %arg10[%add3A_44, %dma_wait3A_119] : memref<10240x128xf32, #tpu.memory_space<vmem_shared>> -> memref<80x128xf32, #tpu.memory_space<vmem_shared>>
      %dma_wait3A_121 = arith.constant 0 : i32
      %dma_wait3A_122 = tpu.memref_slice %arg10[%add3A_44, %dma_wait3A_121] : memref<10240x128xf32, #tpu.memory_space<vmem_shared>> -> memref<80x128xf32, #tpu.memory_space<vmem_shared>>
      tpu.wait_dma2 semaphore(%run_scoped3A_114 : memref<!tpu.dma_semaphore, #tpu.memory_space<semaphore_mem>>) src(%arg9 : memref<80x128xf32, #tpu.memory_space<vmem>>) dst(%dma_wait3A_122 : memref<80x128xf32, #tpu.memory_space<vmem_shared>>)
      tpu.yield
    }) : () -> ()
    %barrier3A = arith.constant 0 : index
    tpu.barrier barrier_id(%barrier3A)
    %scan3A_45 = arith.constant 0 : i32
    %scan3A_46 = arith.constant 0 : i32
    %scan3A_47 = arith.constant 62 : i32
    %scan3A_48 = arith.addi %scan3A_46, %scan3A_47 : i32
    %scan3A_49 = arith.constant 1 : i32
    scf.for %scan3A_114 = %scan3A_46 to %scan3A_48 step %scan3A_49  : i32 {
      %mul3A_115 = arith.constant 2 : i32
      %mul3A_116 = arith.muli %mul3A_115, %scan3A_114 : i32
      %dma_wait3A_117 = arith.constant 0 : i32
      %dma_wait3A_118 = tpu.memref_slice %arg6[%mul3A_116, %dma_wait3A_117] : memref<125x80xi32, #tpu.memory_space<vmem>> -> memref<1x80xi32, #tpu.memory_space<vmem>>
      %dma_wait3A_119 = tpu.memref_squeeze %dma_wait3A_118 : memref<1x80xi32, #tpu.memory_space<vmem>> -> memref<80xi32, #tpu.memory_space<vmem>>
      %dma_wait3A_120 = arith.constant 0 : i32
      %dma_wait3A_121 = arith.constant 0 : i32
      %dma_wait3A_122 = tpu.memref_slice %arg2[%dma_wait3A_120, %dma_wait3A_121] : memref<10000x128xf32, #tpu.memory_space<hbm>> -> memref<10000x128xf32, #tpu.memory_space<hbm>>
      tpu.wait_indirect_dma semaphore(%arg11 : memref<!tpu.dma_semaphore, #tpu.memory_space<semaphore_mem>>) src(%dma_wait3A_122 : memref<10000x128xf32, #tpu.memory_space<hbm>>) dst(%arg8 : memref<80x128xf32, #tpu.memory_space<vmem>>)
      %add3A_123 = arith.constant 1 : i32
      %add3A_124 = arith.addi %mul3A_116, %add3A_123 : i32
      %dma_start3A_125 = arith.constant 0 : i32
      %dma_start3A_126 = tpu.memref_slice %arg6[%add3A_124, %dma_start3A_125] : memref<125x80xi32, #tpu.memory_space<vmem>> -> memref<1x80xi32, #tpu.memory_space<vmem>>
      %dma_start3A_127 = tpu.memref_squeeze %dma_start3A_126 : memref<1x80xi32, #tpu.memory_space<vmem>> -> memref<80xi32, #tpu.memory_space<vmem>>
      %dma_start3A_128 = arith.constant 0 : i32
      %dma_start3A_129 = arith.constant 0 : i32
      %dma_start3A_130 = tpu.memref_slice %arg2[%dma_start3A_128, %dma_start3A_129] : memref<10000x128xf32, #tpu.memory_space<hbm>> -> memref<10000x128xf32, #tpu.memory_space<hbm>>
      tpu.enqueue_indirect_dma source(%dma_start3A_130 : memref<10000x128xf32, #tpu.memory_space<hbm>>) target(%arg9 : memref<80x128xf32, #tpu.memory_space<vmem>>) offsets(%dma_start3A_127 : memref<80xi32, #tpu.memory_space<vmem>>) semaphore(%arg12 : memref<!tpu.dma_semaphore, #tpu.memory_space<semaphore_mem>>)
      "tpu.region"() ({
        %run_scoped3A_149 = tpu.sem_alloc : memref<!tpu.dma_semaphore, #tpu.memory_space<semaphore_mem>>
        %dma_start3A_150 = arith.constant 0 : i32
        %dma_start3A_151 = tpu.memref_slice %arg7[%mul3A_116, %dma_start3A_150] : memref<125x80xi32, #tpu.memory_space<vmem>> -> memref<1x80xi32, #tpu.memory_space<vmem>>
        %dma_start3A_152 = tpu.memref_squeeze %dma_start3A_151 : memref<1x80xi32, #tpu.memory_space<vmem>> -> memref<80xi32, #tpu.memory_space<vmem>>
        %dma_start3A_153 = arith.constant 0 : i32
        %dma_start3A_154 = arith.constant 0 : i32
        %dma_start3A_155 = tpu.memref_slice %arg10[%dma_start3A_153, %dma_start3A_154] : memref<10240x128xf32, #tpu.memory_space<vmem_shared>> -> memref<10240x128xf32, #tpu.memory_space<vmem_shared>>
        tpu.enqueue_indirect_dma source(%arg8 : memref<80x128xf32, #tpu.memory_space<vmem>>) target(%dma_start3A_155 : memref<10240x128xf32, #tpu.memory_space<vmem_shared>>) offsets(%dma_start3A_152 : memref<80xi32, #tpu.memory_space<vmem>>) semaphore(%run_scoped3A_149 : memref<!tpu.dma_semaphore, #tpu.memory_space<semaphore_mem>>) {add = true}
        %dma_wait3A_156 = arith.constant 0 : i32
        %dma_wait3A_157 = tpu.memref_slice %arg7[%mul3A_116, %dma_wait3A_156] : memref<125x80xi32, #tpu.memory_space<vmem>> -> memref<1x80xi32, #tpu.memory_space<vmem>>
        %dma_wait3A_158 = tpu.memref_squeeze %dma_wait3A_157 : memref<1x80xi32, #tpu.memory_space<vmem>> -> memref<80xi32, #tpu.memory_space<vmem>>
        %dma_wait3A_159 = arith.constant 0 : i32
        %dma_wait3A_160 = arith.constant 0 : i32
        %dma_wait3A_161 = tpu.memref_slice %arg10[%dma_wait3A_159, %dma_wait3A_160] : memref<10240x128xf32, #tpu.memory_space<vmem_shared>> -> memref<10240x128xf32, #tpu.memory_space<vmem_shared>>
        tpu.wait_indirect_dma semaphore(%run_scoped3A_149 : memref<!tpu.dma_semaphore, #tpu.memory_space<semaphore_mem>>) src(%arg8 : memref<80x128xf32, #tpu.memory_space<vmem>>) dst(%dma_wait3A_161 : memref<10240x128xf32, #tpu.memory_space<vmem_shared>>)
        tpu.yield
      }) : () -> ()
      %add3A_131 = arith.constant 2 : i32
      %add3A_132 = arith.addi %mul3A_116, %add3A_131 : i32
      %dma_start3A_133 = arith.constant 0 : i32
      %dma_start3A_134 = tpu.memref_slice %arg6[%add3A_132, %dma_start3A_133] : memref<125x80xi32, #tpu.memory_space<vmem>> -> memref<1x80xi32, #tpu.memory_space<vmem>>
      %dma_start3A_135 = tpu.memref_squeeze %dma_start3A_134 : memref<1x80xi32, #tpu.memory_space<vmem>> -> memref<80xi32, #tpu.memory_space<vmem>>
      %dma_start3A_136 = arith.constant 0 : i32
      %dma_start3A_137 = arith.constant 0 : i32
      %dma_start3A_138 = tpu.memref_slice %arg2[%dma_start3A_136, %dma_start3A_137] : memref<10000x128xf32, #tpu.memory_space<hbm>> -> memref<10000x128xf32, #tpu.memory_space<hbm>>
      tpu.enqueue_indirect_dma source(%dma_start3A_138 : memref<10000x128xf32, #tpu.memory_space<hbm>>) target(%arg8 : memref<80x128xf32, #tpu.memory_space<vmem>>) offsets(%dma_start3A_135 : memref<80xi32, #tpu.memory_space<vmem>>) semaphore(%arg11 : memref<!tpu.dma_semaphore, #tpu.memory_space<semaphore_mem>>)
      %add3A_139 = arith.constant 1 : i32
      %add3A_140 = arith.addi %mul3A_116, %add3A_139 : i32
      %dma_wait3A_141 = arith.constant 0 : i32
      %dma_wait3A_142 = tpu.memref_slice %arg6[%add3A_140, %dma_wait3A_141] : memref<125x80xi32, #tpu.memory_space<vmem>> -> memref<1x80xi32, #tpu.memory_space<vmem>>
      %dma_wait3A_143 = tpu.memref_squeeze %dma_wait3A_142 : memref<1x80xi32, #tpu.memory_space<vmem>> -> memref<80xi32, #tpu.memory_space<vmem>>
      %dma_wait3A_144 = arith.constant 0 : i32
      %dma_wait3A_145 = arith.constant 0 : i32
      %dma_wait3A_146 = tpu.memref_slice %arg2[%dma_wait3A_144, %dma_wait3A_145] : memref<10000x128xf32, #tpu.memory_space<hbm>> -> memref<10000x128xf32, #tpu.memory_space<hbm>>
      tpu.wait_indirect_dma semaphore(%arg12 : memref<!tpu.dma_semaphore, #tpu.memory_space<semaphore_mem>>) src(%dma_wait3A_146 : memref<10000x128xf32, #tpu.memory_space<hbm>>) dst(%arg9 : memref<80x128xf32, #tpu.memory_space<vmem>>)
      %add3A_147 = arith.constant 1 : i32
      %add3A_148 = arith.addi %mul3A_116, %add3A_147 : i32
      "tpu.region"() ({
        %run_scoped3A_149 = tpu.sem_alloc : memref<!tpu.dma_semaphore, #tpu.memory_space<semaphore_mem>>
        %dma_start3A_150 = arith.constant 0 : i32
        %dma_start3A_151 = tpu.memref_slice %arg7[%add3A_148, %dma_start3A_150] : memref<125x80xi32, #tpu.memory_space<vmem>> -> memref<1x80xi32, #tpu.memory_space<vmem>>
        %dma_start3A_152 = tpu.memref_squeeze %dma_start3A_151 : memref<1x80xi32, #tpu.memory_space<vmem>> -> memref<80xi32, #tpu.memory_space<vmem>>
        %dma_start3A_153 = arith.constant 0 : i32
        %dma_start3A_154 = arith.constant 0 : i32
        %dma_start3A_155 = tpu.memref_slice %arg10[%dma_start3A_153, %dma_start3A_154] : memref<10240x128xf32, #tpu.memory_space<vmem_shared>> -> memref<10240x128xf32, #tpu.memory_space<vmem_shared>>
        tpu.enqueue_indirect_dma source(%arg9 : memref<80x128xf32, #tpu.memory_space<vmem>>) target(%dma_start3A_155 : memref<10240x128xf32, #tpu.memory_space<vmem_shared>>) offsets(%dma_start3A_152 : memref<80xi32, #tpu.memory_space<vmem>>) semaphore(%run_scoped3A_149 : memref<!tpu.dma_semaphore, #tpu.memory_space<semaphore_mem>>) {add = true}
        %dma_wait3A_156 = arith.constant 0 : i32
        %dma_wait3A_157 = tpu.memref_slice %arg7[%add3A_148, %dma_wait3A_156] : memref<125x80xi32, #tpu.memory_space<vmem>> -> memref<1x80xi32, #tpu.memory_space<vmem>>
        %dma_wait3A_158 = tpu.memref_squeeze %dma_wait3A_157 : memref<1x80xi32, #tpu.memory_space<vmem>> -> memref<80xi32, #tpu.memory_space<vmem>>
        %dma_wait3A_159 = arith.constant 0 : i32
        %dma_wait3A_160 = arith.constant 0 : i32
        %dma_wait3A_161 = tpu.memref_slice %arg10[%dma_wait3A_159, %dma_wait3A_160] : memref<10240x128xf32, #tpu.memory_space<vmem_shared>> -> memref<10240x128xf32, #tpu.memory_space<vmem_shared>>
        tpu.wait_indirect_dma semaphore(%run_scoped3A_149 : memref<!tpu.dma_semaphore, #tpu.memory_space<semaphore_mem>>) src(%arg9 : memref<80x128xf32, #tpu.memory_space<vmem>>) dst(%dma_wait3A_161 : memref<10240x128xf32, #tpu.memory_space<vmem_shared>>)
        tpu.yield
      }) : () -> ()
    }
    %scan3A_50 = arith.constant 62 : i32
    %dma_wait3A = arith.constant 124 : i32
    %dma_wait3A_51 = arith.constant 0 : i32
    %dma_wait3A_52 = tpu.memref_slice %arg6[%dma_wait3A, %dma_wait3A_51] : memref<125x80xi32, #tpu.memory_space<vmem>> -> memref<1x80xi32, #tpu.memory_space<vmem>>
    %dma_wait3A_53 = tpu.memref_squeeze %dma_wait3A_52 : memref<1x80xi32, #tpu.memory_space<vmem>> -> memref<80xi32, #tpu.memory_space<vmem>>
    %dma_wait3A_54 = arith.constant 0 : i32
    %dma_wait3A_55 = arith.constant 0 : i32
    %dma_wait3A_56 = tpu.memref_slice %arg2[%dma_wait3A_54, %dma_wait3A_55] : memref<10000x128xf32, #tpu.memory_space<hbm>> -> memref<10000x128xf32, #tpu.memory_space<hbm>>
    tpu.wait_indirect_dma semaphore(%arg11 : memref<!tpu.dma_semaphore, #tpu.memory_space<semaphore_mem>>) src(%dma_wait3A_56 : memref<10000x128xf32, #tpu.memory_space<hbm>>) dst(%arg8 : memref<80x128xf32, #tpu.memory_space<vmem>>)
    %run_scoped3A = arith.constant 124 : i32
    "tpu.region"() ({
      %run_scoped3A_114 = tpu.sem_alloc : memref<!tpu.dma_semaphore, #tpu.memory_space<semaphore_mem>>
      %dma_start3A_115 = arith.constant 0 : i32
      %dma_start3A_116 = tpu.memref_slice %arg7[%run_scoped3A, %dma_start3A_115] : memref<125x80xi32, #tpu.memory_space<vmem>> -> memref<1x80xi32, #tpu.memory_space<vmem>>
      %dma_start3A_117 = tpu.memref_squeeze %dma_start3A_116 : memref<1x80xi32, #tpu.memory_space<vmem>> -> memref<80xi32, #tpu.memory_space<vmem>>
      %dma_start3A_118 = arith.constant 0 : i32
      %dma_start3A_119 = arith.constant 0 : i32
      %dma_start3A_120 = tpu.memref_slice %arg10[%dma_start3A_118, %dma_start3A_119] : memref<10240x128xf32, #tpu.memory_space<vmem_shared>> -> memref<10240x128xf32, #tpu.memory_space<vmem_shared>>
      tpu.enqueue_indirect_dma source(%arg8 : memref<80x128xf32, #tpu.memory_space<vmem>>) target(%dma_start3A_120 : memref<10240x128xf32, #tpu.memory_space<vmem_shared>>) offsets(%dma_start3A_117 : memref<80xi32, #tpu.memory_space<vmem>>) semaphore(%run_scoped3A_114 : memref<!tpu.dma_semaphore, #tpu.memory_space<semaphore_mem>>) {add = true}
      %dma_wait3A_121 = arith.constant 0 : i32
      %dma_wait3A_122 = tpu.memref_slice %arg7[%run_scoped3A, %dma_wait3A_121] : memref<125x80xi32, #tpu.memory_space<vmem>> -> memref<1x80xi32, #tpu.memory_space<vmem>>
      %dma_wait3A_123 = tpu.memref_squeeze %dma_wait3A_122 : memref<1x80xi32, #tpu.memory_space<vmem>> -> memref<80xi32, #tpu.memory_space<vmem>>
      %dma_wait3A_124 = arith.constant 0 : i32
      %dma_wait3A_125 = arith.constant 0 : i32
      %dma_wait3A_126 = tpu.memref_slice %arg10[%dma_wait3A_124, %dma_wait3A_125] : memref<10240x128xf32, #tpu.memory_space<vmem_shared>> -> memref<10240x128xf32, #tpu.memory_space<vmem_shared>>
      tpu.wait_indirect_dma semaphore(%run_scoped3A_114 : memref<!tpu.dma_semaphore, #tpu.memory_space<semaphore_mem>>) src(%arg8 : memref<80x128xf32, #tpu.memory_space<vmem>>) dst(%dma_wait3A_126 : memref<10240x128xf32, #tpu.memory_space<vmem_shared>>)
      tpu.yield
    }) : () -> ()
    %barrier3A_57 = arith.constant 0 : index
    tpu.barrier barrier_id(%barrier3A_57)
    %mul3A_58 = arith.constant 640 : i32
    %mul3A_59 = arith.muli %arg1, %mul3A_58 : i32
    %add3A_60 = arith.constant 0 : i32
    %add3A_61 = arith.addi %mul3A_59, %add3A_60 : i32
    "tpu.region"() ({
      %run_scoped3A_114 = tpu.sem_alloc : memref<!tpu.dma_semaphore, #tpu.memory_space<semaphore_mem>>
      %dma_start3A_115 = arith.constant 0 : i32
      %dma_start3A_116 = tpu.memref_slice %arg10[%add3A_61, %dma_start3A_115] : memref<10240x128xf32, #tpu.memory_space<vmem_shared>> -> memref<80x128xf32, #tpu.memory_space<vmem_shared>>
      %dma_start3A_117 = arith.constant 0 : i32
      %dma_start3A_118 = tpu.memref_slice %arg10[%add3A_61, %dma_start3A_117] : memref<10240x128xf32, #tpu.memory_space<vmem_shared>> -> memref<80x128xf32, #tpu.memory_space<vmem_shared>>
      tpu.enqueue_dma source(%dma_start3A_118 : memref<80x128xf32, #tpu.memory_space<vmem_shared>>) target(%arg8 : memref<80x128xf32, #tpu.memory_space<vmem>>) target_semaphore(%run_scoped3A_114 : memref<!tpu.dma_semaphore, #tpu.memory_space<semaphore_mem>>)
      %dma_wait3A_119 = arith.constant 0 : i32
      %dma_wait3A_120 = tpu.memref_slice %arg10[%add3A_61, %dma_wait3A_119] : memref<10240x128xf32, #tpu.memory_space<vmem_shared>> -> memref<80x128xf32, #tpu.memory_space<vmem_shared>>
      %dma_wait3A_121 = arith.constant 0 : i32
      %dma_wait3A_122 = tpu.memref_slice %arg10[%add3A_61, %dma_wait3A_121] : memref<10240x128xf32, #tpu.memory_space<vmem_shared>> -> memref<80x128xf32, #tpu.memory_space<vmem_shared>>
      tpu.wait_dma2 semaphore(%run_scoped3A_114 : memref<!tpu.dma_semaphore, #tpu.memory_space<semaphore_mem>>) src(%dma_wait3A_122 : memref<80x128xf32, #tpu.memory_space<vmem_shared>>) dst(%arg8 : memref<80x128xf32, #tpu.memory_space<vmem>>)
      tpu.yield
    }) : () -> ()
    %mul3A_62 = arith.constant 10240 : i32
    %mul3A_63 = arith.muli %arg0, %mul3A_62 : i32
    %add3A_64 = arith.addi %mul3A_63, %add3A_61 : i32
    "tpu.region"() ({
      %run_scoped3A_114 = tpu.sem_alloc : memref<!tpu.dma_semaphore, #tpu.memory_space<semaphore_mem>>
      %dma_start3A_115 = arith.constant 0 : i32
      %dma_start3A_116 = tpu.memref_slice %arg5[%add3A_64, %dma_start3A_115] : memref<20480x128xf32, #tpu.memory_space<hbm>> -> memref<80x128xf32, #tpu.memory_space<hbm>>
      %dma_start3A_117 = arith.constant 0 : i32
      %dma_start3A_118 = tpu.memref_slice %arg5[%add3A_64, %dma_start3A_117] : memref<20480x128xf32, #tpu.memory_space<hbm>> -> memref<80x128xf32, #tpu.memory_space<hbm>>
      tpu.enqueue_dma source(%arg8 : memref<80x128xf32, #tpu.memory_space<vmem>>) target(%dma_start3A_118 : memref<80x128xf32, #tpu.memory_space<hbm>>) target_semaphore(%run_scoped3A_114 : memref<!tpu.dma_semaphore, #tpu.memory_space<semaphore_mem>>)
      %dma_wait3A_119 = arith.constant 0 : i32
      %dma_wait3A_120 = tpu.memref_slice %arg5[%add3A_64, %dma_wait3A_119] : memref<20480x128xf32, #tpu.memory_space<hbm>> -> memref<80x128xf32, #tpu.memory_space<hbm>>
      %dma_wait3A_121 = arith.constant 0 : i32
      %dma_wait3A_122 = tpu.memref_slice %arg5[%add3A_64, %dma_wait3A_121] : memref<20480x128xf32, #tpu.memory_space<hbm>> -> memref<80x128xf32, #tpu.memory_space<hbm>>
      tpu.wait_dma2 semaphore(%run_scoped3A_114 : memref<!tpu.dma_semaphore, #tpu.memory_space<semaphore_mem>>) src(%arg8 : memref<80x128xf32, #tpu.memory_space<vmem>>) dst(%dma_wait3A_122 : memref<80x128xf32, #tpu.memory_space<hbm>>)
      tpu.yield
    }) : () -> ()
    %mul3A_65 = arith.constant 640 : i32
    %mul3A_66 = arith.muli %arg1, %mul3A_65 : i32
    %add3A_67 = arith.constant 80 : i32
    %add3A_68 = arith.addi %mul3A_66, %add3A_67 : i32
    "tpu.region"() ({
      %run_scoped3A_114 = tpu.sem_alloc : memref<!tpu.dma_semaphore, #tpu.memory_space<semaphore_mem>>
      %dma_start3A_115 = arith.constant 0 : i32
      %dma_start3A_116 = tpu.memref_slice %arg10[%add3A_68, %dma_start3A_115] : memref<10240x128xf32, #tpu.memory_space<vmem_shared>> -> memref<80x128xf32, #tpu.memory_space<vmem_shared>>
      %dma_start3A_117 = arith.constant 0 : i32
      %dma_start3A_118 = tpu.memref_slice %arg10[%add3A_68, %dma_start3A_117] : memref<10240x128xf32, #tpu.memory_space<vmem_shared>> -> memref<80x128xf32, #tpu.memory_space<vmem_shared>>
      tpu.enqueue_dma source(%dma_start3A_118 : memref<80x128xf32, #tpu.memory_space<vmem_shared>>) target(%arg8 : memref<80x128xf32, #tpu.memory_space<vmem>>) target_semaphore(%run_scoped3A_114 : memref<!tpu.dma_semaphore, #tpu.memory_space<semaphore_mem>>)
      %dma_wait3A_119 = arith.constant 0 : i32
      %dma_wait3A_120 = tpu.memref_slice %arg10[%add3A_68, %dma_wait3A_119] : memref<10240x128xf32, #tpu.memory_space<vmem_shared>> -> memref<80x128xf32, #tpu.memory_space<vmem_shared>>
      %dma_wait3A_121 = arith.constant 0 : i32
      %dma_wait3A_122 = tpu.memref_slice %arg10[%add3A_68, %dma_wait3A_121] : memref<10240x128xf32, #tpu.memory_space<vmem_shared>> -> memref<80x128xf32, #tpu.memory_space<vmem_shared>>
      tpu.wait_dma2 semaphore(%run_scoped3A_114 : memref<!tpu.dma_semaphore, #tpu.memory_space<semaphore_mem>>) src(%dma_wait3A_122 : memref<80x128xf32, #tpu.memory_space<vmem_shared>>) dst(%arg8 : memref<80x128xf32, #tpu.memory_space<vmem>>)
      tpu.yield
    }) : () -> ()
    %mul3A_69 = arith.constant 10240 : i32
    %mul3A_70 = arith.muli %arg0, %mul3A_69 : i32
    %add3A_71 = arith.addi %mul3A_70, %add3A_68 : i32
    "tpu.region"() ({
      %run_scoped3A_114 = tpu.sem_alloc : memref<!tpu.dma_semaphore, #tpu.memory_space<semaphore_mem>>
      %dma_start3A_115 = arith.constant 0 : i32
      %dma_start3A_116 = tpu.memref_slice %arg5[%add3A_71, %dma_start3A_115] : memref<20480x128xf32, #tpu.memory_space<hbm>> -> memref<80x128xf32, #tpu.memory_space<hbm>>
      %dma_start3A_117 = arith.constant 0 : i32
      %dma_start3A_118 = tpu.memref_slice %arg5[%add3A_71, %dma_start3A_117] : memref<20480x128xf32, #tpu.memory_space<hbm>> -> memref<80x128xf32, #tpu.memory_space<hbm>>
      tpu.enqueue_dma source(%arg8 : memref<80x128xf32, #tpu.memory_space<vmem>>) target(%dma_start3A_118 : memref<80x128xf32, #tpu.memory_space<hbm>>) target_semaphore(%run_scoped3A_114 : memref<!tpu.dma_semaphore, #tpu.memory_space<semaphore_mem>>)
      %dma_wait3A_119 = arith.constant 0 : i32
      %dma_wait3A_120 = tpu.memref_slice %arg5[%add3A_71, %dma_wait3A_119] : memref<20480x128xf32, #tpu.memory_space<hbm>> -> memref<80x128xf32, #tpu.memory_space<hbm>>
      %dma_wait3A_121 = arith.constant 0 : i32
      %dma_wait3A_122 = tpu.memref_slice %arg5[%add3A_71, %dma_wait3A_121] : memref<20480x128xf32, #tpu.memory_space<hbm>> -> memref<80x128xf32, #tpu.memory_space<hbm>>
      tpu.wait_dma2 semaphore(%run_scoped3A_114 : memref<!tpu.dma_semaphore, #tpu.memory_space<semaphore_mem>>) src(%arg8 : memref<80x128xf32, #tpu.memory_space<vmem>>) dst(%dma_wait3A_122 : memref<80x128xf32, #tpu.memory_space<hbm>>)
      tpu.yield
    }) : () -> ()
    %mul3A_72 = arith.constant 640 : i32
    %mul3A_73 = arith.muli %arg1, %mul3A_72 : i32
    %add3A_74 = arith.constant 160 : i32
    %add3A_75 = arith.addi %mul3A_73, %add3A_74 : i32
    "tpu.region"() ({
      %run_scoped3A_114 = tpu.sem_alloc : memref<!tpu.dma_semaphore, #tpu.memory_space<semaphore_mem>>
      %dma_start3A_115 = arith.constant 0 : i32
      %dma_start3A_116 = tpu.memref_slice %arg10[%add3A_75, %dma_start3A_115] : memref<10240x128xf32, #tpu.memory_space<vmem_shared>> -> memref<80x128xf32, #tpu.memory_space<vmem_shared>>
      %dma_start3A_117 = arith.constant 0 : i32
      %dma_start3A_118 = tpu.memref_slice %arg10[%add3A_75, %dma_start3A_117] : memref<10240x128xf32, #tpu.memory_space<vmem_shared>> -> memref<80x128xf32, #tpu.memory_space<vmem_shared>>
      tpu.enqueue_dma source(%dma_start3A_118 : memref<80x128xf32, #tpu.memory_space<vmem_shared>>) target(%arg8 : memref<80x128xf32, #tpu.memory_space<vmem>>) target_semaphore(%run_scoped3A_114 : memref<!tpu.dma_semaphore, #tpu.memory_space<semaphore_mem>>)
      %dma_wait3A_119 = arith.constant 0 : i32
      %dma_wait3A_120 = tpu.memref_slice %arg10[%add3A_75, %dma_wait3A_119] : memref<10240x128xf32, #tpu.memory_space<vmem_shared>> -> memref<80x128xf32, #tpu.memory_space<vmem_shared>>
      %dma_wait3A_121 = arith.constant 0 : i32
      %dma_wait3A_122 = tpu.memref_slice %arg10[%add3A_75, %dma_wait3A_121] : memref<10240x128xf32, #tpu.memory_space<vmem_shared>> -> memref<80x128xf32, #tpu.memory_space<vmem_shared>>
      tpu.wait_dma2 semaphore(%run_scoped3A_114 : memref<!tpu.dma_semaphore, #tpu.memory_space<semaphore_mem>>) src(%dma_wait3A_122 : memref<80x128xf32, #tpu.memory_space<vmem_shared>>) dst(%arg8 : memref<80x128xf32, #tpu.memory_space<vmem>>)
      tpu.yield
    }) : () -> ()
    %mul3A_76 = arith.constant 10240 : i32
    %mul3A_77 = arith.muli %arg0, %mul3A_76 : i32
    %add3A_78 = arith.addi %mul3A_77, %add3A_75 : i32
    "tpu.region"() ({
      %run_scoped3A_114 = tpu.sem_alloc : memref<!tpu.dma_semaphore, #tpu.memory_space<semaphore_mem>>
      %dma_start3A_115 = arith.constant 0 : i32
      %dma_start3A_116 = tpu.memref_slice %arg5[%add3A_78, %dma_start3A_115] : memref<20480x128xf32, #tpu.memory_space<hbm>> -> memref<80x128xf32, #tpu.memory_space<hbm>>
      %dma_start3A_117 = arith.constant 0 : i32
      %dma_start3A_118 = tpu.memref_slice %arg5[%add3A_78, %dma_start3A_117] : memref<20480x128xf32, #tpu.memory_space<hbm>> -> memref<80x128xf32, #tpu.memory_space<hbm>>
      tpu.enqueue_dma source(%arg8 : memref<80x128xf32, #tpu.memory_space<vmem>>) target(%dma_start3A_118 : memref<80x128xf32, #tpu.memory_space<hbm>>) target_semaphore(%run_scoped3A_114 : memref<!tpu.dma_semaphore, #tpu.memory_space<semaphore_mem>>)
      %dma_wait3A_119 = arith.constant 0 : i32
      %dma_wait3A_120 = tpu.memref_slice %arg5[%add3A_78, %dma_wait3A_119] : memref<20480x128xf32, #tpu.memory_space<hbm>> -> memref<80x128xf32, #tpu.memory_space<hbm>>
      %dma_wait3A_121 = arith.constant 0 : i32
      %dma_wait3A_122 = tpu.memref_slice %arg5[%add3A_78, %dma_wait3A_121] : memref<20480x128xf32, #tpu.memory_space<hbm>> -> memref<80x128xf32, #tpu.memory_space<hbm>>
      tpu.wait_dma2 semaphore(%run_scoped3A_114 : memref<!tpu.dma_semaphore, #tpu.memory_space<semaphore_mem>>) src(%arg8 : memref<80x128xf32, #tpu.memory_space<vmem>>) dst(%dma_wait3A_122 : memref<80x128xf32, #tpu.memory_space<hbm>>)
      tpu.yield
    }) : () -> ()
    %mul3A_79 = arith.constant 640 : i32
    %mul3A_80 = arith.muli %arg1, %mul3A_79 : i32
    %add3A_81 = arith.constant 240 : i32
    %add3A_82 = arith.addi %mul3A_80, %add3A_81 : i32
    "tpu.region"() ({
      %run_scoped3A_114 = tpu.sem_alloc : memref<!tpu.dma_semaphore, #tpu.memory_space<semaphore_mem>>
      %dma_start3A_115 = arith.constant 0 : i32
      %dma_start3A_116 = tpu.memref_slice %arg10[%add3A_82, %dma_start3A_115] : memref<10240x128xf32, #tpu.memory_space<vmem_shared>> -> memref<80x128xf32, #tpu.memory_space<vmem_shared>>
      %dma_start3A_117 = arith.constant 0 : i32
      %dma_start3A_118 = tpu.memref_slice %arg10[%add3A_82, %dma_start3A_117] : memref<10240x128xf32, #tpu.memory_space<vmem_shared>> -> memref<80x128xf32, #tpu.memory_space<vmem_shared>>
      tpu.enqueue_dma source(%dma_start3A_118 : memref<80x128xf32, #tpu.memory_space<vmem_shared>>) target(%arg8 : memref<80x128xf32, #tpu.memory_space<vmem>>) target_semaphore(%run_scoped3A_114 : memref<!tpu.dma_semaphore, #tpu.memory_space<semaphore_mem>>)
      %dma_wait3A_119 = arith.constant 0 : i32
      %dma_wait3A_120 = tpu.memref_slice %arg10[%add3A_82, %dma_wait3A_119] : memref<10240x128xf32, #tpu.memory_space<vmem_shared>> -> memref<80x128xf32, #tpu.memory_space<vmem_shared>>
      %dma_wait3A_121 = arith.constant 0 : i32
      %dma_wait3A_122 = tpu.memref_slice %arg10[%add3A_82, %dma_wait3A_121] : memref<10240x128xf32, #tpu.memory_space<vmem_shared>> -> memref<80x128xf32, #tpu.memory_space<vmem_shared>>
      tpu.wait_dma2 semaphore(%run_scoped3A_114 : memref<!tpu.dma_semaphore, #tpu.memory_space<semaphore_mem>>) src(%dma_wait3A_122 : memref<80x128xf32, #tpu.memory_space<vmem_shared>>) dst(%arg8 : memref<80x128xf32, #tpu.memory_space<vmem>>)
      tpu.yield
    }) : () -> ()
    %mul3A_83 = arith.constant 10240 : i32
    %mul3A_84 = arith.muli %arg0, %mul3A_83 : i32
    %add3A_85 = arith.addi %mul3A_84, %add3A_82 : i32
    "tpu.region"() ({
      %run_scoped3A_114 = tpu.sem_alloc : memref<!tpu.dma_semaphore, #tpu.memory_space<semaphore_mem>>
      %dma_start3A_115 = arith.constant 0 : i32
      %dma_start3A_116 = tpu.memref_slice %arg5[%add3A_85, %dma_start3A_115] : memref<20480x128xf32, #tpu.memory_space<hbm>> -> memref<80x128xf32, #tpu.memory_space<hbm>>
      %dma_start3A_117 = arith.constant 0 : i32
      %dma_start3A_118 = tpu.memref_slice %arg5[%add3A_85, %dma_start3A_117] : memref<20480x128xf32, #tpu.memory_space<hbm>> -> memref<80x128xf32, #tpu.memory_space<hbm>>
      tpu.enqueue_dma source(%arg8 : memref<80x128xf32, #tpu.memory_space<vmem>>) target(%dma_start3A_118 : memref<80x128xf32, #tpu.memory_space<hbm>>) target_semaphore(%run_scoped3A_114 : memref<!tpu.dma_semaphore, #tpu.memory_space<semaphore_mem>>)
      %dma_wait3A_119 = arith.constant 0 : i32
      %dma_wait3A_120 = tpu.memref_slice %arg5[%add3A_85, %dma_wait3A_119] : memref<20480x128xf32, #tpu.memory_space<hbm>> -> memref<80x128xf32, #tpu.memory_space<hbm>>
      %dma_wait3A_121 = arith.constant 0 : i32
      %dma_wait3A_122 = tpu.memref_slice %arg5[%add3A_85, %dma_wait3A_121] : memref<20480x128xf32, #tpu.memory_space<hbm>> -> memref<80x128xf32, #tpu.memory_space<hbm>>
      tpu.wait_dma2 semaphore(%run_scoped3A_114 : memref<!tpu.dma_semaphore, #tpu.memory_space<semaphore_mem>>) src(%arg8 : memref<80x128xf32, #tpu.memory_space<vmem>>) dst(%dma_wait3A_122 : memref<80x128xf32, #tpu.memory_space<hbm>>)
      tpu.yield
    }) : () -> ()
    %mul3A_86 = arith.constant 640 : i32
    %mul3A_87 = arith.muli %arg1, %mul3A_86 : i32
    %add3A_88 = arith.constant 320 : i32
    %add3A_89 = arith.addi %mul3A_87, %add3A_88 : i32
    "tpu.region"() ({
      %run_scoped3A_114 = tpu.sem_alloc : memref<!tpu.dma_semaphore, #tpu.memory_space<semaphore_mem>>
      %dma_start3A_115 = arith.constant 0 : i32
      %dma_start3A_116 = tpu.memref_slice %arg10[%add3A_89, %dma_start3A_115] : memref<10240x128xf32, #tpu.memory_space<vmem_shared>> -> memref<80x128xf32, #tpu.memory_space<vmem_shared>>
      %dma_start3A_117 = arith.constant 0 : i32
      %dma_start3A_118 = tpu.memref_slice %arg10[%add3A_89, %dma_start3A_117] : memref<10240x128xf32, #tpu.memory_space<vmem_shared>> -> memref<80x128xf32, #tpu.memory_space<vmem_shared>>
      tpu.enqueue_dma source(%dma_start3A_118 : memref<80x128xf32, #tpu.memory_space<vmem_shared>>) target(%arg8 : memref<80x128xf32, #tpu.memory_space<vmem>>) target_semaphore(%run_scoped3A_114 : memref<!tpu.dma_semaphore, #tpu.memory_space<semaphore_mem>>)
      %dma_wait3A_119 = arith.constant 0 : i32
      %dma_wait3A_120 = tpu.memref_slice %arg10[%add3A_89, %dma_wait3A_119] : memref<10240x128xf32, #tpu.memory_space<vmem_shared>> -> memref<80x128xf32, #tpu.memory_space<vmem_shared>>
      %dma_wait3A_121 = arith.constant 0 : i32
      %dma_wait3A_122 = tpu.memref_slice %arg10[%add3A_89, %dma_wait3A_121] : memref<10240x128xf32, #tpu.memory_space<vmem_shared>> -> memref<80x128xf32, #tpu.memory_space<vmem_shared>>
      tpu.wait_dma2 semaphore(%run_scoped3A_114 : memref<!tpu.dma_semaphore, #tpu.memory_space<semaphore_mem>>) src(%dma_wait3A_122 : memref<80x128xf32, #tpu.memory_space<vmem_shared>>) dst(%arg8 : memref<80x128xf32, #tpu.memory_space<vmem>>)
      tpu.yield
    }) : () -> ()
    %mul3A_90 = arith.constant 10240 : i32
    %mul3A_91 = arith.muli %arg0, %mul3A_90 : i32
    %add3A_92 = arith.addi %mul3A_91, %add3A_89 : i32
    "tpu.region"() ({
      %run_scoped3A_114 = tpu.sem_alloc : memref<!tpu.dma_semaphore, #tpu.memory_space<semaphore_mem>>
      %dma_start3A_115 = arith.constant 0 : i32
      %dma_start3A_116 = tpu.memref_slice %arg5[%add3A_92, %dma_start3A_115] : memref<20480x128xf32, #tpu.memory_space<hbm>> -> memref<80x128xf32, #tpu.memory_space<hbm>>
      %dma_start3A_117 = arith.constant 0 : i32
      %dma_start3A_118 = tpu.memref_slice %arg5[%add3A_92, %dma_start3A_117] : memref<20480x128xf32, #tpu.memory_space<hbm>> -> memref<80x128xf32, #tpu.memory_space<hbm>>
      tpu.enqueue_dma source(%arg8 : memref<80x128xf32, #tpu.memory_space<vmem>>) target(%dma_start3A_118 : memref<80x128xf32, #tpu.memory_space<hbm>>) target_semaphore(%run_scoped3A_114 : memref<!tpu.dma_semaphore, #tpu.memory_space<semaphore_mem>>)
      %dma_wait3A_119 = arith.constant 0 : i32
      %dma_wait3A_120 = tpu.memref_slice %arg5[%add3A_92, %dma_wait3A_119] : memref<20480x128xf32, #tpu.memory_space<hbm>> -> memref<80x128xf32, #tpu.memory_space<hbm>>
      %dma_wait3A_121 = arith.constant 0 : i32
      %dma_wait3A_122 = tpu.memref_slice %arg5[%add3A_92, %dma_wait3A_121] : memref<20480x128xf32, #tpu.memory_space<hbm>> -> memref<80x128xf32, #tpu.memory_space<hbm>>
      tpu.wait_dma2 semaphore(%run_scoped3A_114 : memref<!tpu.dma_semaphore, #tpu.memory_space<semaphore_mem>>) src(%arg8 : memref<80x128xf32, #tpu.memory_space<vmem>>) dst(%dma_wait3A_122 : memref<80x128xf32, #tpu.memory_space<hbm>>)
      tpu.yield
    }) : () -> ()
    %mul3A_93 = arith.constant 640 : i32
    %mul3A_94 = arith.muli %arg1, %mul3A_93 : i32
    %add3A_95 = arith.constant 400 : i32
    %add3A_96 = arith.addi %mul3A_94, %add3A_95 : i32
    "tpu.region"() ({
      %run_scoped3A_114 = tpu.sem_alloc : memref<!tpu.dma_semaphore, #tpu.memory_space<semaphore_mem>>
      %dma_start3A_115 = arith.constant 0 : i32
      %dma_start3A_116 = tpu.memref_slice %arg10[%add3A_96, %dma_start3A_115] : memref<10240x128xf32, #tpu.memory_space<vmem_shared>> -> memref<80x128xf32, #tpu.memory_space<vmem_shared>>
      %dma_start3A_117 = arith.constant 0 : i32
      %dma_start3A_118 = tpu.memref_slice %arg10[%add3A_96, %dma_start3A_117] : memref<10240x128xf32, #tpu.memory_space<vmem_shared>> -> memref<80x128xf32, #tpu.memory_space<vmem_shared>>
      tpu.enqueue_dma source(%dma_start3A_118 : memref<80x128xf32, #tpu.memory_space<vmem_shared>>) target(%arg8 : memref<80x128xf32, #tpu.memory_space<vmem>>) target_semaphore(%run_scoped3A_114 : memref<!tpu.dma_semaphore, #tpu.memory_space<semaphore_mem>>)
      %dma_wait3A_119 = arith.constant 0 : i32
      %dma_wait3A_120 = tpu.memref_slice %arg10[%add3A_96, %dma_wait3A_119] : memref<10240x128xf32, #tpu.memory_space<vmem_shared>> -> memref<80x128xf32, #tpu.memory_space<vmem_shared>>
      %dma_wait3A_121 = arith.constant 0 : i32
      %dma_wait3A_122 = tpu.memref_slice %arg10[%add3A_96, %dma_wait3A_121] : memref<10240x128xf32, #tpu.memory_space<vmem_shared>> -> memref<80x128xf32, #tpu.memory_space<vmem_shared>>
      tpu.wait_dma2 semaphore(%run_scoped3A_114 : memref<!tpu.dma_semaphore, #tpu.memory_space<semaphore_mem>>) src(%dma_wait3A_122 : memref<80x128xf32, #tpu.memory_space<vmem_shared>>) dst(%arg8 : memref<80x128xf32, #tpu.memory_space<vmem>>)
      tpu.yield
    }) : () -> ()
    %mul3A_97 = arith.constant 10240 : i32
    %mul3A_98 = arith.muli %arg0, %mul3A_97 : i32
    %add3A_99 = arith.addi %mul3A_98, %add3A_96 : i32
    "tpu.region"() ({
      %run_scoped3A_114 = tpu.sem_alloc : memref<!tpu.dma_semaphore, #tpu.memory_space<semaphore_mem>>
      %dma_start3A_115 = arith.constant 0 : i32
      %dma_start3A_116 = tpu.memref_slice %arg5[%add3A_99, %dma_start3A_115] : memref<20480x128xf32, #tpu.memory_space<hbm>> -> memref<80x128xf32, #tpu.memory_space<hbm>>
      %dma_start3A_117 = arith.constant 0 : i32
      %dma_start3A_118 = tpu.memref_slice %arg5[%add3A_99, %dma_start3A_117] : memref<20480x128xf32, #tpu.memory_space<hbm>> -> memref<80x128xf32, #tpu.memory_space<hbm>>
      tpu.enqueue_dma source(%arg8 : memref<80x128xf32, #tpu.memory_space<vmem>>) target(%dma_start3A_118 : memref<80x128xf32, #tpu.memory_space<hbm>>) target_semaphore(%run_scoped3A_114 : memref<!tpu.dma_semaphore, #tpu.memory_space<semaphore_mem>>)
      %dma_wait3A_119 = arith.constant 0 : i32
      %dma_wait3A_120 = tpu.memref_slice %arg5[%add3A_99, %dma_wait3A_119] : memref<20480x128xf32, #tpu.memory_space<hbm>> -> memref<80x128xf32, #tpu.memory_space<hbm>>
      %dma_wait3A_121 = arith.constant 0 : i32
      %dma_wait3A_122 = tpu.memref_slice %arg5[%add3A_99, %dma_wait3A_121] : memref<20480x128xf32, #tpu.memory_space<hbm>> -> memref<80x128xf32, #tpu.memory_space<hbm>>
      tpu.wait_dma2 semaphore(%run_scoped3A_114 : memref<!tpu.dma_semaphore, #tpu.memory_space<semaphore_mem>>) src(%arg8 : memref<80x128xf32, #tpu.memory_space<vmem>>) dst(%dma_wait3A_122 : memref<80x128xf32, #tpu.memory_space<hbm>>)
      tpu.yield
    }) : () -> ()
    %mul3A_100 = arith.constant 640 : i32
    %mul3A_101 = arith.muli %arg1, %mul3A_100 : i32
    %add3A_102 = arith.constant 480 : i32
    %add3A_103 = arith.addi %mul3A_101, %add3A_102 : i32
    "tpu.region"() ({
      %run_scoped3A_114 = tpu.sem_alloc : memref<!tpu.dma_semaphore, #tpu.memory_space<semaphore_mem>>
      %dma_start3A_115 = arith.constant 0 : i32
      %dma_start3A_116 = tpu.memref_slice %arg10[%add3A_103, %dma_start3A_115] : memref<10240x128xf32, #tpu.memory_space<vmem_shared>> -> memref<80x128xf32, #tpu.memory_space<vmem_shared>>
      %dma_start3A_117 = arith.constant 0 : i32
      %dma_start3A_118 = tpu.memref_slice %arg10[%add3A_103, %dma_start3A_117] : memref<10240x128xf32, #tpu.memory_space<vmem_shared>> -> memref<80x128xf32, #tpu.memory_space<vmem_shared>>
      tpu.enqueue_dma source(%dma_start3A_118 : memref<80x128xf32, #tpu.memory_space<vmem_shared>>) target(%arg8 : memref<80x128xf32, #tpu.memory_space<vmem>>) target_semaphore(%run_scoped3A_114 : memref<!tpu.dma_semaphore, #tpu.memory_space<semaphore_mem>>)
      %dma_wait3A_119 = arith.constant 0 : i32
      %dma_wait3A_120 = tpu.memref_slice %arg10[%add3A_103, %dma_wait3A_119] : memref<10240x128xf32, #tpu.memory_space<vmem_shared>> -> memref<80x128xf32, #tpu.memory_space<vmem_shared>>
      %dma_wait3A_121 = arith.constant 0 : i32
      %dma_wait3A_122 = tpu.memref_slice %arg10[%add3A_103, %dma_wait3A_121] : memref<10240x128xf32, #tpu.memory_space<vmem_shared>> -> memref<80x128xf32, #tpu.memory_space<vmem_shared>>
      tpu.wait_dma2 semaphore(%run_scoped3A_114 : memref<!tpu.dma_semaphore, #tpu.memory_space<semaphore_mem>>) src(%dma_wait3A_122 : memref<80x128xf32, #tpu.memory_space<vmem_shared>>) dst(%arg8 : memref<80x128xf32, #tpu.memory_space<vmem>>)
      tpu.yield
    }) : () -> ()
    %mul3A_104 = arith.constant 10240 : i32
    %mul3A_105 = arith.muli %arg0, %mul3A_104 : i32
    %add3A_106 = arith.addi %mul3A_105, %add3A_103 : i32
    "tpu.region"() ({
      %run_scoped3A_114 = tpu.sem_alloc : memref<!tpu.dma_semaphore, #tpu.memory_space<semaphore_mem>>
      %dma_start3A_115 = arith.constant 0 : i32
      %dma_start3A_116 = tpu.memref_slice %arg5[%add3A_106, %dma_start3A_115] : memref<20480x128xf32, #tpu.memory_space<hbm>> -> memref<80x128xf32, #tpu.memory_space<hbm>>
      %dma_start3A_117 = arith.constant 0 : i32
      %dma_start3A_118 = tpu.memref_slice %arg5[%add3A_106, %dma_start3A_117] : memref<20480x128xf32, #tpu.memory_space<hbm>> -> memref<80x128xf32, #tpu.memory_space<hbm>>
      tpu.enqueue_dma source(%arg8 : memref<80x128xf32, #tpu.memory_space<vmem>>) target(%dma_start3A_118 : memref<80x128xf32, #tpu.memory_space<hbm>>) target_semaphore(%run_scoped3A_114 : memref<!tpu.dma_semaphore, #tpu.memory_space<semaphore_mem>>)
      %dma_wait3A_119 = arith.constant 0 : i32
      %dma_wait3A_120 = tpu.memref_slice %arg5[%add3A_106, %dma_wait3A_119] : memref<20480x128xf32, #tpu.memory_space<hbm>> -> memref<80x128xf32, #tpu.memory_space<hbm>>
      %dma_wait3A_121 = arith.constant 0 : i32
      %dma_wait3A_122 = tpu.memref_slice %arg5[%add3A_106, %dma_wait3A_121] : memref<20480x128xf32, #tpu.memory_space<hbm>> -> memref<80x128xf32, #tpu.memory_space<hbm>>
      tpu.wait_dma2 semaphore(%run_scoped3A_114 : memref<!tpu.dma_semaphore, #tpu.memory_space<semaphore_mem>>) src(%arg8 : memref<80x128xf32, #tpu.memory_space<vmem>>) dst(%dma_wait3A_122 : memref<80x128xf32, #tpu.memory_space<hbm>>)
      tpu.yield
    }) : () -> ()
    %mul3A_107 = arith.constant 640 : i32
    %mul3A_108 = arith.muli %arg1, %mul3A_107 : i32
    %add3A_109 = arith.constant 560 : i32
    %add3A_110 = arith.addi %mul3A_108, %add3A_109 : i32
    "tpu.region"() ({
      %run_scoped3A_114 = tpu.sem_alloc : memref<!tpu.dma_semaphore, #tpu.memory_space<semaphore_mem>>
      %dma_start3A_115 = arith.constant 0 : i32
      %dma_start3A_116 = tpu.memref_slice %arg10[%add3A_110, %dma_start3A_115] : memref<10240x128xf32, #tpu.memory_space<vmem_shared>> -> memref<80x128xf32, #tpu.memory_space<vmem_shared>>
      %dma_start3A_117 = arith.constant 0 : i32
      %dma_start3A_118 = tpu.memref_slice %arg10[%add3A_110, %dma_start3A_117] : memref<10240x128xf32, #tpu.memory_space<vmem_shared>> -> memref<80x128xf32, #tpu.memory_space<vmem_shared>>
      tpu.enqueue_dma source(%dma_start3A_118 : memref<80x128xf32, #tpu.memory_space<vmem_shared>>) target(%arg8 : memref<80x128xf32, #tpu.memory_space<vmem>>) target_semaphore(%run_scoped3A_114 : memref<!tpu.dma_semaphore, #tpu.memory_space<semaphore_mem>>)
      %dma_wait3A_119 = arith.constant 0 : i32
      %dma_wait3A_120 = tpu.memref_slice %arg10[%add3A_110, %dma_wait3A_119] : memref<10240x128xf32, #tpu.memory_space<vmem_shared>> -> memref<80x128xf32, #tpu.memory_space<vmem_shared>>
      %dma_wait3A_121 = arith.constant 0 : i32
      %dma_wait3A_122 = tpu.memref_slice %arg10[%add3A_110, %dma_wait3A_121] : memref<10240x128xf32, #tpu.memory_space<vmem_shared>> -> memref<80x128xf32, #tpu.memory_space<vmem_shared>>
      tpu.wait_dma2 semaphore(%run_scoped3A_114 : memref<!tpu.dma_semaphore, #tpu.memory_space<semaphore_mem>>) src(%dma_wait3A_122 : memref<80x128xf32, #tpu.memory_space<vmem_shared>>) dst(%arg8 : memref<80x128xf32, #tpu.memory_space<vmem>>)
      tpu.yield
    }) : () -> ()
    %mul3A_111 = arith.constant 10240 : i32
    %mul3A_112 = arith.muli %arg0, %mul3A_111 : i32
    %add3A_113 = arith.addi %mul3A_112, %add3A_110 : i32
    "tpu.region"() ({
      %run_scoped3A_114 = tpu.sem_alloc : memref<!tpu.dma_semaphore, #tpu.memory_space<semaphore_mem>>
      %dma_start3A_115 = arith.constant 0 : i32
      %dma_start3A_116 = tpu.memref_slice %arg5[%add3A_113, %dma_start3A_115] : memref<20480x128xf32, #tpu.memory_space<hbm>> -> memref<80x128xf32, #tpu.memory_space<hbm>>
      %dma_start3A_117 = arith.constant 0 : i32
      %dma_start3A_118 = tpu.memref_slice %arg5[%add3A_113, %dma_start3A_117] : memref<20480x128xf32, #tpu.memory_space<hbm>> -> memref<80x128xf32, #tpu.memory_space<hbm>>
      tpu.enqueue_dma source(%arg8 : memref<80x128xf32, #tpu.memory_space<vmem>>) target(%dma_start3A_118 : memref<80x128xf32, #tpu.memory_space<hbm>>) target_semaphore(%run_scoped3A_114 : memref<!tpu.dma_semaphore, #tpu.memory_space<semaphore_mem>>)
      %dma_wait3A_119 = arith.constant 0 : i32
      %dma_wait3A_120 = tpu.memref_slice %arg5[%add3A_113, %dma_wait3A_119] : memref<20480x128xf32, #tpu.memory_space<hbm>> -> memref<80x128xf32, #tpu.memory_space<hbm>>
      %dma_wait3A_121 = arith.constant 0 : i32
      %dma_wait3A_122 = tpu.memref_slice %arg5[%add3A_113, %dma_wait3A_121] : memref<20480x128xf32, #tpu.memory_space<hbm>> -> memref<80x128xf32, #tpu.memory_space<hbm>>
      tpu.wait_dma2 semaphore(%run_scoped3A_114 : memref<!tpu.dma_semaphore, #tpu.memory_space<semaphore_mem>>) src(%arg8 : memref<80x128xf32, #tpu.memory_space<vmem>>) dst(%dma_wait3A_122 : memref<80x128xf32, #tpu.memory_space<hbm>>)
      tpu.yield
    }) : () -> ()
    return
  }
}

#map = affine_map<(d0, d1) -> (0, 0)>
#map1 = affine_map<(d0, d1) -> (0, 0, 0)>
module attributes {stable_mosaic.version = 14 : i64} {
  func.func @body(%arg0: i32, %arg1: i32, %arg2: memref<10000x16xf32, #tpu.memory_space<hbm>>, %arg3: memref<32x125x80xi32, #tpu.memory_space<hbm>>, %arg4: memref<32x125x80xi32, #tpu.memory_space<hbm>>, %arg5: memref<20480x16xf32, #tpu.memory_space<hbm>>, %arg6: memref<125x80xi32, #tpu.memory_space<vmem>>, %arg7: memref<125x80xi32, #tpu.memory_space<vmem>>, %arg8: memref<80x16xf32, #tpu.memory_space<vmem>>, %arg9: memref<80x16xf32, #tpu.memory_space<vmem>>, %arg10: memref<10240x16xf32, #tpu.memory_space<vmem_shared>>, %arg11: memref<!tpu.dma_semaphore, #tpu.memory_space<semaphore_mem>>, %arg12: memref<!tpu.dma_semaphore, #tpu.memory_space<semaphore_mem>>) attributes {dimension_semantics = [#tpu.dimension_semantics<core_parallel>, #tpu.dimension_semantics<subcore_parallel>], iteration_bounds = array<i64: 2, 16>, scalar_prefetch = 0 : i64, scratch_operands = 7 : i64, tpu.core_type = #tpu.core_type<sc_vector_subcore>, window_params = [{transform_indices = #map}, {transform_indices = #map1}, {transform_indices = #map1}, {transform_indices = #map}]} {
    %mul3A = arith.constant 2 : i32
    %mul3A_0 = arith.muli %arg1, %mul3A : i32
    %add3A = arith.addi %mul3A_0, %arg0 : i32
    "tpu.region"() ({
      %run_scoped3A_114 = tpu.sem_alloc : memref<!tpu.dma_semaphore, #tpu.memory_space<semaphore_mem>>
      %dma_start3A_115 = arith.constant 0 : i32
      %dma_start3A_116 = arith.constant 0 : i32
      %dma_start3A_117 = tpu.memref_slice %arg3[%add3A, %dma_start3A_115, %dma_start3A_116] : memref<32x125x80xi32, #tpu.memory_space<hbm>> -> memref<1x125x80xi32, #tpu.memory_space<hbm>>
      %dma_start3A_118 = tpu.memref_squeeze %dma_start3A_117 : memref<1x125x80xi32, #tpu.memory_space<hbm>> -> memref<125x80xi32, #tpu.memory_space<hbm>>
      %dma_start3A_119 = arith.constant 0 : i32
      %dma_start3A_120 = arith.constant 0 : i32
      %dma_start3A_121 = tpu.memref_slice %arg3[%add3A, %dma_start3A_119, %dma_start3A_120] : memref<32x125x80xi32, #tpu.memory_space<hbm>> -> memref<1x125x80xi32, #tpu.memory_space<hbm>>
      %dma_start3A_122 = tpu.memref_squeeze %dma_start3A_121 : memref<1x125x80xi32, #tpu.memory_space<hbm>> -> memref<125x80xi32, #tpu.memory_space<hbm>>
      tpu.enqueue_dma source(%dma_start3A_122 : memref<125x80xi32, #tpu.memory_space<hbm>>) target(%arg6 : memref<125x80xi32, #tpu.memory_space<vmem>>) target_semaphore(%run_scoped3A_114 : memref<!tpu.dma_semaphore, #tpu.memory_space<semaphore_mem>>)
      %dma_wait3A_123 = arith.constant 0 : i32
      %dma_wait3A_124 = arith.constant 0 : i32
      %dma_wait3A_125 = tpu.memref_slice %arg3[%add3A, %dma_wait3A_123, %dma_wait3A_124] : memref<32x125x80xi32, #tpu.memory_space<hbm>> -> memref<1x125x80xi32, #tpu.memory_space<hbm>>
      %dma_wait3A_126 = tpu.memref_squeeze %dma_wait3A_125 : memref<1x125x80xi32, #tpu.memory_space<hbm>> -> memref<125x80xi32, #tpu.memory_space<hbm>>
      %dma_wait3A_127 = arith.constant 0 : i32
      %dma_wait3A_128 = arith.constant 0 : i32
      %dma_wait3A_129 = tpu.memref_slice %arg3[%add3A, %dma_wait3A_127, %dma_wait3A_128] : memref<32x125x80xi32, #tpu.memory_space<hbm>> -> memref<1x125x80xi32, #tpu.memory_space<hbm>>
      %dma_wait3A_130 = tpu.memref_squeeze %dma_wait3A_129 : memref<1x125x80xi32, #tpu.memory_space<hbm>> -> memref<125x80xi32, #tpu.memory_space<hbm>>
      tpu.wait_dma2 semaphore(%run_scoped3A_114 : memref<!tpu.dma_semaphore, #tpu.memory_space<semaphore_mem>>) src(%dma_wait3A_130 : memref<125x80xi32, #tpu.memory_space<hbm>>) dst(%arg6 : memref<125x80xi32, #tpu.memory_space<vmem>>)
      tpu.yield
    }) : () -> ()
    "tpu.region"() ({
      %run_scoped3A_114 = tpu.sem_alloc : memref<!tpu.dma_semaphore, #tpu.memory_space<semaphore_mem>>
      %dma_start3A_115 = arith.constant 0 : i32
      %dma_start3A_116 = arith.constant 0 : i32
      %dma_start3A_117 = tpu.memref_slice %arg4[%add3A, %dma_start3A_115, %dma_start3A_116] : memref<32x125x80xi32, #tpu.memory_space<hbm>> -> memref<1x125x80xi32, #tpu.memory_space<hbm>>
      %dma_start3A_118 = tpu.memref_squeeze %dma_start3A_117 : memref<1x125x80xi32, #tpu.memory_space<hbm>> -> memref<125x80xi32, #tpu.memory_space<hbm>>
      %dma_start3A_119 = arith.constant 0 : i32
      %dma_start3A_120 = arith.constant 0 : i32
      %dma_start3A_121 = tpu.memref_slice %arg4[%add3A, %dma_start3A_119, %dma_start3A_120] : memref<32x125x80xi32, #tpu.memory_space<hbm>> -> memref<1x125x80xi32, #tpu.memory_space<hbm>>
      %dma_start3A_122 = tpu.memref_squeeze %dma_start3A_121 : memref<1x125x80xi32, #tpu.memory_space<hbm>> -> memref<125x80xi32, #tpu.memory_space<hbm>>
      tpu.enqueue_dma source(%dma_start3A_122 : memref<125x80xi32, #tpu.memory_space<hbm>>) target(%arg7 : memref<125x80xi32, #tpu.memory_space<vmem>>) target_semaphore(%run_scoped3A_114 : memref<!tpu.dma_semaphore, #tpu.memory_space<semaphore_mem>>)
      %dma_wait3A_123 = arith.constant 0 : i32
      %dma_wait3A_124 = arith.constant 0 : i32
      %dma_wait3A_125 = tpu.memref_slice %arg4[%add3A, %dma_wait3A_123, %dma_wait3A_124] : memref<32x125x80xi32, #tpu.memory_space<hbm>> -> memref<1x125x80xi32, #tpu.memory_space<hbm>>
      %dma_wait3A_126 = tpu.memref_squeeze %dma_wait3A_125 : memref<1x125x80xi32, #tpu.memory_space<hbm>> -> memref<125x80xi32, #tpu.memory_space<hbm>>
      %dma_wait3A_127 = arith.constant 0 : i32
      %dma_wait3A_128 = arith.constant 0 : i32
      %dma_wait3A_129 = tpu.memref_slice %arg4[%add3A, %dma_wait3A_127, %dma_wait3A_128] : memref<32x125x80xi32, #tpu.memory_space<hbm>> -> memref<1x125x80xi32, #tpu.memory_space<hbm>>
      %dma_wait3A_130 = tpu.memref_squeeze %dma_wait3A_129 : memref<1x125x80xi32, #tpu.memory_space<hbm>> -> memref<125x80xi32, #tpu.memory_space<hbm>>
      tpu.wait_dma2 semaphore(%run_scoped3A_114 : memref<!tpu.dma_semaphore, #tpu.memory_space<semaphore_mem>>) src(%dma_wait3A_130 : memref<125x80xi32, #tpu.memory_space<hbm>>) dst(%arg7 : memref<125x80xi32, #tpu.memory_space<vmem>>)
      tpu.yield
    }) : () -> ()
    %dma_start3A = arith.constant 0 : i32
    %dma_start3A_1 = arith.constant 0 : i32
    %dma_start3A_2 = tpu.memref_slice %arg6[%dma_start3A, %dma_start3A_1] : memref<125x80xi32, #tpu.memory_space<vmem>> -> memref<1x80xi32, #tpu.memory_space<vmem>>
    %dma_start3A_3 = tpu.memref_squeeze %dma_start3A_2 : memref<1x80xi32, #tpu.memory_space<vmem>> -> memref<80xi32, #tpu.memory_space<vmem>>
    %dma_start3A_4 = arith.constant 0 : i32
    %dma_start3A_5 = arith.constant 0 : i32
    %dma_start3A_6 = tpu.memref_slice %arg2[%dma_start3A_4, %dma_start3A_5] : memref<10000x16xf32, #tpu.memory_space<hbm>> -> memref<10000x16xf32, #tpu.memory_space<hbm>>
    tpu.enqueue_indirect_dma source(%dma_start3A_6 : memref<10000x16xf32, #tpu.memory_space<hbm>>) target(%arg8 : memref<80x16xf32, #tpu.memory_space<vmem>>) offsets(%dma_start3A_3 : memref<80xi32, #tpu.memory_space<vmem>>) semaphore(%arg11 : memref<!tpu.dma_semaphore, #tpu.memory_space<semaphore_mem>>)
    %broadcast_in_dim3A = arith.constant 0.000000e+00 : f32
    %broadcast_in_dim3A_7 = vector.broadcast %broadcast_in_dim3A : f32 to vector<16xf32>
    %scan3A = arith.constant 0 : i32
    %scan3A_8 = arith.constant 0 : i32
    %scan3A_9 = arith.constant 80 : i32
    %scan3A_10 = arith.addi %scan3A_8, %scan3A_9 : i32
    %scan3A_11 = arith.constant 1 : i32
    scf.for %scan3A_114 = %scan3A_8 to %scan3A_10 step %scan3A_11  : i32 {
      %swap3A = arith.index_cast %scan3A_114 : i32 to index
      %swap3A_115 = arith.constant 0 : index
      %swap3A_116 = tpu.vector_load %arg9[%swap3A, %swap3A_115] {strides = array<i32>} : memref<80x16xf32, #tpu.memory_space<vmem>>, vector<1x16xf32>,
      %swap3A_117 = vector.shape_cast %swap3A_116 : vector<1x16xf32> to vector<16xf32>
      %swap3A_118 = vector.shape_cast %broadcast_in_dim3A_7 : vector<16xf32> to vector<1x16xf32>
      tpu.vector_store %arg9[%swap3A, %swap3A_115], %swap3A_118 {strides = array<i32>} : memref<80x16xf32, #tpu.memory_space<vmem>>, vector<1x16xf32>,
    }
    %scan3A_12 = arith.constant 80 : i32
    %mul3A_13 = arith.constant 640 : i32
    %mul3A_14 = arith.muli %arg1, %mul3A_13 : i32
    %add3A_15 = arith.constant 0 : i32
    %add3A_16 = arith.addi %mul3A_14, %add3A_15 : i32
    "tpu.region"() ({
      %run_scoped3A_114 = tpu.sem_alloc : memref<!tpu.dma_semaphore, #tpu.memory_space<semaphore_mem>>
      %dma_start3A_115 = arith.constant 0 : i32
      %dma_start3A_116 = tpu.memref_slice %arg10[%add3A_16, %dma_start3A_115] : memref<10240x16xf32, #tpu.memory_space<vmem_shared>> -> memref<80x16xf32, #tpu.memory_space<vmem_shared>>
      %dma_start3A_117 = arith.constant 0 : i32
      %dma_start3A_118 = tpu.memref_slice %arg10[%add3A_16, %dma_start3A_117] : memref<10240x16xf32, #tpu.memory_space<vmem_shared>> -> memref<80x16xf32, #tpu.memory_space<vmem_shared>>
      tpu.enqueue_dma source(%arg9 : memref<80x16xf32, #tpu.memory_space<vmem>>) target(%dma_start3A_118 : memref<80x16xf32, #tpu.memory_space<vmem_shared>>) target_semaphore(%run_scoped3A_114 : memref<!tpu.dma_semaphore, #tpu.memory_space<semaphore_mem>>)
      %dma_wait3A_119 = arith.constant 0 : i32
      %dma_wait3A_120 = tpu.memref_slice %arg10[%add3A_16, %dma_wait3A_119] : memref<10240x16xf32, #tpu.memory_space<vmem_shared>> -> memref<80x16xf32, #tpu.memory_space<vmem_shared>>
      %dma_wait3A_121 = arith.constant 0 : i32
      %dma_wait3A_122 = tpu.memref_slice %arg10[%add3A_16, %dma_wait3A_121] : memref<10240x16xf32, #tpu.memory_space<vmem_shared>> -> memref<80x16xf32, #tpu.memory_space<vmem_shared>>
      tpu.wait_dma2 semaphore(%run_scoped3A_114 : memref<!tpu.dma_semaphore, #tpu.memory_space<semaphore_mem>>) src(%arg9 : memref<80x16xf32, #tpu.memory_space<vmem>>) dst(%dma_wait3A_122 : memref<80x16xf32, #tpu.memory_space<vmem_shared>>)
      tpu.yield
    }) : () -> ()
    %mul3A_17 = arith.constant 640 : i32
    %mul3A_18 = arith.muli %arg1, %mul3A_17 : i32
    %add3A_19 = arith.constant 80 : i32
    %add3A_20 = arith.addi %mul3A_18, %add3A_19 : i32
    "tpu.region"() ({
      %run_scoped3A_114 = tpu.sem_alloc : memref<!tpu.dma_semaphore, #tpu.memory_space<semaphore_mem>>
      %dma_start3A_115 = arith.constant 0 : i32
      %dma_start3A_116 = tpu.memref_slice %arg10[%add3A_20, %dma_start3A_115] : memref<10240x16xf32, #tpu.memory_space<vmem_shared>> -> memref<80x16xf32, #tpu.memory_space<vmem_shared>>
      %dma_start3A_117 = arith.constant 0 : i32
      %dma_start3A_118 = tpu.memref_slice %arg10[%add3A_20, %dma_start3A_117] : memref<10240x16xf32, #tpu.memory_space<vmem_shared>> -> memref<80x16xf32, #tpu.memory_space<vmem_shared>>
      tpu.enqueue_dma source(%arg9 : memref<80x16xf32, #tpu.memory_space<vmem>>) target(%dma_start3A_118 : memref<80x16xf32, #tpu.memory_space<vmem_shared>>) target_semaphore(%run_scoped3A_114 : memref<!tpu.dma_semaphore, #tpu.memory_space<semaphore_mem>>)
      %dma_wait3A_119 = arith.constant 0 : i32
      %dma_wait3A_120 = tpu.memref_slice %arg10[%add3A_20, %dma_wait3A_119] : memref<10240x16xf32, #tpu.memory_space<vmem_shared>> -> memref<80x16xf32, #tpu.memory_space<vmem_shared>>
      %dma_wait3A_121 = arith.constant 0 : i32
      %dma_wait3A_122 = tpu.memref_slice %arg10[%add3A_20, %dma_wait3A_121] : memref<10240x16xf32, #tpu.memory_space<vmem_shared>> -> memref<80x16xf32, #tpu.memory_space<vmem_shared>>
      tpu.wait_dma2 semaphore(%run_scoped3A_114 : memref<!tpu.dma_semaphore, #tpu.memory_space<semaphore_mem>>) src(%arg9 : memref<80x16xf32, #tpu.memory_space<vmem>>) dst(%dma_wait3A_122 : memref<80x16xf32, #tpu.memory_space<vmem_shared>>)
      tpu.yield
    }) : () -> ()
    %mul3A_21 = arith.constant 640 : i32
    %mul3A_22 = arith.muli %arg1, %mul3A_21 : i32
    %add3A_23 = arith.constant 160 : i32
    %add3A_24 = arith.addi %mul3A_22, %add3A_23 : i32
    "tpu.region"() ({
      %run_scoped3A_114 = tpu.sem_alloc : memref<!tpu.dma_semaphore, #tpu.memory_space<semaphore_mem>>
      %dma_start3A_115 = arith.constant 0 : i32
      %dma_start3A_116 = tpu.memref_slice %arg10[%add3A_24, %dma_start3A_115] : memref<10240x16xf32, #tpu.memory_space<vmem_shared>> -> memref<80x16xf32, #tpu.memory_space<vmem_shared>>
      %dma_start3A_117 = arith.constant 0 : i32
      %dma_start3A_118 = tpu.memref_slice %arg10[%add3A_24, %dma_start3A_117] : memref<10240x16xf32, #tpu.memory_space<vmem_shared>> -> memref<80x16xf32, #tpu.memory_space<vmem_shared>>
      tpu.enqueue_dma source(%arg9 : memref<80x16xf32, #tpu.memory_space<vmem>>) target(%dma_start3A_118 : memref<80x16xf32, #tpu.memory_space<vmem_shared>>) target_semaphore(%run_scoped3A_114 : memref<!tpu.dma_semaphore, #tpu.memory_space<semaphore_mem>>)
      %dma_wait3A_119 = arith.constant 0 : i32
      %dma_wait3A_120 = tpu.memref_slice %arg10[%add3A_24, %dma_wait3A_119] : memref<10240x16xf32, #tpu.memory_space<vmem_shared>> -> memref<80x16xf32, #tpu.memory_space<vmem_shared>>
      %dma_wait3A_121 = arith.constant 0 : i32
      %dma_wait3A_122 = tpu.memref_slice %arg10[%add3A_24, %dma_wait3A_121] : memref<10240x16xf32, #tpu.memory_space<vmem_shared>> -> memref<80x16xf32, #tpu.memory_space<vmem_shared>>
      tpu.wait_dma2 semaphore(%run_scoped3A_114 : memref<!tpu.dma_semaphore, #tpu.memory_space<semaphore_mem>>) src(%arg9 : memref<80x16xf32, #tpu.memory_space<vmem>>) dst(%dma_wait3A_122 : memref<80x16xf32, #tpu.memory_space<vmem_shared>>)
      tpu.yield
    }) : () -> ()
    %mul3A_25 = arith.constant 640 : i32
    %mul3A_26 = arith.muli %arg1, %mul3A_25 : i32
    %add3A_27 = arith.constant 240 : i32
    %add3A_28 = arith.addi %mul3A_26, %add3A_27 : i32
    "tpu.region"() ({
      %run_scoped3A_114 = tpu.sem_alloc : memref<!tpu.dma_semaphore, #tpu.memory_space<semaphore_mem>>
      %dma_start3A_115 = arith.constant 0 : i32
      %dma_start3A_116 = tpu.memref_slice %arg10[%add3A_28, %dma_start3A_115] : memref<10240x16xf32, #tpu.memory_space<vmem_shared>> -> memref<80x16xf32, #tpu.memory_space<vmem_shared>>
      %dma_start3A_117 = arith.constant 0 : i32
      %dma_start3A_118 = tpu.memref_slice %arg10[%add3A_28, %dma_start3A_117] : memref<10240x16xf32, #tpu.memory_space<vmem_shared>> -> memref<80x16xf32, #tpu.memory_space<vmem_shared>>
      tpu.enqueue_dma source(%arg9 : memref<80x16xf32, #tpu.memory_space<vmem>>) target(%dma_start3A_118 : memref<80x16xf32, #tpu.memory_space<vmem_shared>>) target_semaphore(%run_scoped3A_114 : memref<!tpu.dma_semaphore, #tpu.memory_space<semaphore_mem>>)
      %dma_wait3A_119 = arith.constant 0 : i32
      %dma_wait3A_120 = tpu.memref_slice %arg10[%add3A_28, %dma_wait3A_119] : memref<10240x16xf32, #tpu.memory_space<vmem_shared>> -> memref<80x16xf32, #tpu.memory_space<vmem_shared>>
      %dma_wait3A_121 = arith.constant 0 : i32
      %dma_wait3A_122 = tpu.memref_slice %arg10[%add3A_28, %dma_wait3A_121] : memref<10240x16xf32, #tpu.memory_space<vmem_shared>> -> memref<80x16xf32, #tpu.memory_space<vmem_shared>>
      tpu.wait_dma2 semaphore(%run_scoped3A_114 : memref<!tpu.dma_semaphore, #tpu.memory_space<semaphore_mem>>) src(%arg9 : memref<80x16xf32, #tpu.memory_space<vmem>>) dst(%dma_wait3A_122 : memref<80x16xf32, #tpu.memory_space<vmem_shared>>)
      tpu.yield
    }) : () -> ()
    %mul3A_29 = arith.constant 640 : i32
    %mul3A_30 = arith.muli %arg1, %mul3A_29 : i32
    %add3A_31 = arith.constant 320 : i32
    %add3A_32 = arith.addi %mul3A_30, %add3A_31 : i32
    "tpu.region"() ({
      %run_scoped3A_114 = tpu.sem_alloc : memref<!tpu.dma_semaphore, #tpu.memory_space<semaphore_mem>>
      %dma_start3A_115 = arith.constant 0 : i32
      %dma_start3A_116 = tpu.memref_slice %arg10[%add3A_32, %dma_start3A_115] : memref<10240x16xf32, #tpu.memory_space<vmem_shared>> -> memref<80x16xf32, #tpu.memory_space<vmem_shared>>
      %dma_start3A_117 = arith.constant 0 : i32
      %dma_start3A_118 = tpu.memref_slice %arg10[%add3A_32, %dma_start3A_117] : memref<10240x16xf32, #tpu.memory_space<vmem_shared>> -> memref<80x16xf32, #tpu.memory_space<vmem_shared>>
      tpu.enqueue_dma source(%arg9 : memref<80x16xf32, #tpu.memory_space<vmem>>) target(%dma_start3A_118 : memref<80x16xf32, #tpu.memory_space<vmem_shared>>) target_semaphore(%run_scoped3A_114 : memref<!tpu.dma_semaphore, #tpu.memory_space<semaphore_mem>>)
      %dma_wait3A_119 = arith.constant 0 : i32
      %dma_wait3A_120 = tpu.memref_slice %arg10[%add3A_32, %dma_wait3A_119] : memref<10240x16xf32, #tpu.memory_space<vmem_shared>> -> memref<80x16xf32, #tpu.memory_space<vmem_shared>>
      %dma_wait3A_121 = arith.constant 0 : i32
      %dma_wait3A_122 = tpu.memref_slice %arg10[%add3A_32, %dma_wait3A_121] : memref<10240x16xf32, #tpu.memory_space<vmem_shared>> -> memref<80x16xf32, #tpu.memory_space<vmem_shared>>
      tpu.wait_dma2 semaphore(%run_scoped3A_114 : memref<!tpu.dma_semaphore, #tpu.memory_space<semaphore_mem>>) src(%arg9 : memref<80x16xf32, #tpu.memory_space<vmem>>) dst(%dma_wait3A_122 : memref<80x16xf32, #tpu.memory_space<vmem_shared>>)
      tpu.yield
    }) : () -> ()
    %mul3A_33 = arith.constant 640 : i32
    %mul3A_34 = arith.muli %arg1, %mul3A_33 : i32
    %add3A_35 = arith.constant 400 : i32
    %add3A_36 = arith.addi %mul3A_34, %add3A_35 : i32
    "tpu.region"() ({
      %run_scoped3A_114 = tpu.sem_alloc : memref<!tpu.dma_semaphore, #tpu.memory_space<semaphore_mem>>
      %dma_start3A_115 = arith.constant 0 : i32
      %dma_start3A_116 = tpu.memref_slice %arg10[%add3A_36, %dma_start3A_115] : memref<10240x16xf32, #tpu.memory_space<vmem_shared>> -> memref<80x16xf32, #tpu.memory_space<vmem_shared>>
      %dma_start3A_117 = arith.constant 0 : i32
      %dma_start3A_118 = tpu.memref_slice %arg10[%add3A_36, %dma_start3A_117] : memref<10240x16xf32, #tpu.memory_space<vmem_shared>> -> memref<80x16xf32, #tpu.memory_space<vmem_shared>>
      tpu.enqueue_dma source(%arg9 : memref<80x16xf32, #tpu.memory_space<vmem>>) target(%dma_start3A_118 : memref<80x16xf32, #tpu.memory_space<vmem_shared>>) target_semaphore(%run_scoped3A_114 : memref<!tpu.dma_semaphore, #tpu.memory_space<semaphore_mem>>)
      %dma_wait3A_119 = arith.constant 0 : i32
      %dma_wait3A_120 = tpu.memref_slice %arg10[%add3A_36, %dma_wait3A_119] : memref<10240x16xf32, #tpu.memory_space<vmem_shared>> -> memref<80x16xf32, #tpu.memory_space<vmem_shared>>
      %dma_wait3A_121 = arith.constant 0 : i32
      %dma_wait3A_122 = tpu.memref_slice %arg10[%add3A_36, %dma_wait3A_121] : memref<10240x16xf32, #tpu.memory_space<vmem_shared>> -> memref<80x16xf32, #tpu.memory_space<vmem_shared>>
      tpu.wait_dma2 semaphore(%run_scoped3A_114 : memref<!tpu.dma_semaphore, #tpu.memory_space<semaphore_mem>>) src(%arg9 : memref<80x16xf32, #tpu.memory_space<vmem>>) dst(%dma_wait3A_122 : memref<80x16xf32, #tpu.memory_space<vmem_shared>>)
      tpu.yield
    }) : () -> ()
    %mul3A_37 = arith.constant 640 : i32
    %mul3A_38 = arith.muli %arg1, %mul3A_37 : i32
    %add3A_39 = arith.constant 480 : i32
    %add3A_40 = arith.addi %mul3A_38, %add3A_39 : i32
    "tpu.region"() ({
      %run_scoped3A_114 = tpu.sem_alloc : memref<!tpu.dma_semaphore, #tpu.memory_space<semaphore_mem>>
      %dma_start3A_115 = arith.constant 0 : i32
      %dma_start3A_116 = tpu.memref_slice %arg10[%add3A_40, %dma_start3A_115] : memref<10240x16xf32, #tpu.memory_space<vmem_shared>> -> memref<80x16xf32, #tpu.memory_space<vmem_shared>>
      %dma_start3A_117 = arith.constant 0 : i32
      %dma_start3A_118 = tpu.memref_slice %arg10[%add3A_40, %dma_start3A_117] : memref<10240x16xf32, #tpu.memory_space<vmem_shared>> -> memref<80x16xf32, #tpu.memory_space<vmem_shared>>
      tpu.enqueue_dma source(%arg9 : memref<80x16xf32, #tpu.memory_space<vmem>>) target(%dma_start3A_118 : memref<80x16xf32, #tpu.memory_space<vmem_shared>>) target_semaphore(%run_scoped3A_114 : memref<!tpu.dma_semaphore, #tpu.memory_space<semaphore_mem>>)
      %dma_wait3A_119 = arith.constant 0 : i32
      %dma_wait3A_120 = tpu.memref_slice %arg10[%add3A_40, %dma_wait3A_119] : memref<10240x16xf32, #tpu.memory_space<vmem_shared>> -> memref<80x16xf32, #tpu.memory_space<vmem_shared>>
      %dma_wait3A_121 = arith.constant 0 : i32
      %dma_wait3A_122 = tpu.memref_slice %arg10[%add3A_40, %dma_wait3A_121] : memref<10240x16xf32, #tpu.memory_space<vmem_shared>> -> memref<80x16xf32, #tpu.memory_space<vmem_shared>>
      tpu.wait_dma2 semaphore(%run_scoped3A_114 : memref<!tpu.dma_semaphore, #tpu.memory_space<semaphore_mem>>) src(%arg9 : memref<80x16xf32, #tpu.memory_space<vmem>>) dst(%dma_wait3A_122 : memref<80x16xf32, #tpu.memory_space<vmem_shared>>)
      tpu.yield
    }) : () -> ()
    %mul3A_41 = arith.constant 640 : i32
    %mul3A_42 = arith.muli %arg1, %mul3A_41 : i32
    %add3A_43 = arith.constant 560 : i32
    %add3A_44 = arith.addi %mul3A_42, %add3A_43 : i32
    "tpu.region"() ({
      %run_scoped3A_114 = tpu.sem_alloc : memref<!tpu.dma_semaphore, #tpu.memory_space<semaphore_mem>>
      %dma_start3A_115 = arith.constant 0 : i32
      %dma_start3A_116 = tpu.memref_slice %arg10[%add3A_44, %dma_start3A_115] : memref<10240x16xf32, #tpu.memory_space<vmem_shared>> -> memref<80x16xf32, #tpu.memory_space<vmem_shared>>
      %dma_start3A_117 = arith.constant 0 : i32
      %dma_start3A_118 = tpu.memref_slice %arg10[%add3A_44, %dma_start3A_117] : memref<10240x16xf32, #tpu.memory_space<vmem_shared>> -> memref<80x16xf32, #tpu.memory_space<vmem_shared>>
      tpu.enqueue_dma source(%arg9 : memref<80x16xf32, #tpu.memory_space<vmem>>) target(%dma_start3A_118 : memref<80x16xf32, #tpu.memory_space<vmem_shared>>) target_semaphore(%run_scoped3A_114 : memref<!tpu.dma_semaphore, #tpu.memory_space<semaphore_mem>>)
      %dma_wait3A_119 = arith.constant 0 : i32
      %dma_wait3A_120 = tpu.memref_slice %arg10[%add3A_44, %dma_wait3A_119] : memref<10240x16xf32, #tpu.memory_space<vmem_shared>> -> memref<80x16xf32, #tpu.memory_space<vmem_shared>>
      %dma_wait3A_121 = arith.constant 0 : i32
      %dma_wait3A_122 = tpu.memref_slice %arg10[%add3A_44, %dma_wait3A_121] : memref<10240x16xf32, #tpu.memory_space<vmem_shared>> -> memref<80x16xf32, #tpu.memory_space<vmem_shared>>
      tpu.wait_dma2 semaphore(%run_scoped3A_114 : memref<!tpu.dma_semaphore, #tpu.memory_space<semaphore_mem>>) src(%arg9 : memref<80x16xf32, #tpu.memory_space<vmem>>) dst(%dma_wait3A_122 : memref<80x16xf32, #tpu.memory_space<vmem_shared>>)
      tpu.yield
    }) : () -> ()
    %barrier3A = arith.constant 0 : index
    tpu.barrier barrier_id(%barrier3A)
    %scan3A_45 = arith.constant 0 : i32
    %scan3A_46 = arith.constant 0 : i32
    %scan3A_47 = arith.constant 62 : i32
    %scan3A_48 = arith.addi %scan3A_46, %scan3A_47 : i32
    %scan3A_49 = arith.constant 1 : i32
    scf.for %scan3A_114 = %scan3A_46 to %scan3A_48 step %scan3A_49  : i32 {
      %mul3A_115 = arith.constant 2 : i32
      %mul3A_116 = arith.muli %mul3A_115, %scan3A_114 : i32
      %dma_wait3A_117 = arith.constant 0 : i32
      %dma_wait3A_118 = tpu.memref_slice %arg6[%mul3A_116, %dma_wait3A_117] : memref<125x80xi32, #tpu.memory_space<vmem>> -> memref<1x80xi32, #tpu.memory_space<vmem>>
      %dma_wait3A_119 = tpu.memref_squeeze %dma_wait3A_118 : memref<1x80xi32, #tpu.memory_space<vmem>> -> memref<80xi32, #tpu.memory_space<vmem>>
      %dma_wait3A_120 = arith.constant 0 : i32
      %dma_wait3A_121 = arith.constant 0 : i32
      %dma_wait3A_122 = tpu.memref_slice %arg2[%dma_wait3A_120, %dma_wait3A_121] : memref<10000x16xf32, #tpu.memory_space<hbm>> -> memref<10000x16xf32, #tpu.memory_space<hbm>>
      tpu.wait_indirect_dma semaphore(%arg11 : memref<!tpu.dma_semaphore, #tpu.memory_space<semaphore_mem>>) src(%dma_wait3A_122 : memref<10000x16xf32, #tpu.memory_space<hbm>>) dst(%arg8 : memref<80x16xf32, #tpu.memory_space<vmem>>)
      %add3A_123 = arith.constant 1 : i32
      %add3A_124 = arith.addi %mul3A_116, %add3A_123 : i32
      %dma_start3A_125 = arith.constant 0 : i32
      %dma_start3A_126 = tpu.memref_slice %arg6[%add3A_124, %dma_start3A_125] : memref<125x80xi32, #tpu.memory_space<vmem>> -> memref<1x80xi32, #tpu.memory_space<vmem>>
      %dma_start3A_127 = tpu.memref_squeeze %dma_start3A_126 : memref<1x80xi32, #tpu.memory_space<vmem>> -> memref<80xi32, #tpu.memory_space<vmem>>
      %dma_start3A_128 = arith.constant 0 : i32
      %dma_start3A_129 = arith.constant 0 : i32
      %dma_start3A_130 = tpu.memref_slice %arg2[%dma_start3A_128, %dma_start3A_129] : memref<10000x16xf32, #tpu.memory_space<hbm>> -> memref<10000x16xf32, #tpu.memory_space<hbm>>
      tpu.enqueue_indirect_dma source(%dma_start3A_130 : memref<10000x16xf32, #tpu.memory_space<hbm>>) target(%arg9 : memref<80x16xf32, #tpu.memory_space<vmem>>) offsets(%dma_start3A_127 : memref<80xi32, #tpu.memory_space<vmem>>) semaphore(%arg12 : memref<!tpu.dma_semaphore, #tpu.memory_space<semaphore_mem>>)
      "tpu.region"() ({
        %run_scoped3A_149 = tpu.sem_alloc : memref<!tpu.dma_semaphore, #tpu.memory_space<semaphore_mem>>
        %dma_start3A_150 = arith.constant 0 : i32
        %dma_start3A_151 = tpu.memref_slice %arg7[%mul3A_116, %dma_start3A_150] : memref<125x80xi32, #tpu.memory_space<vmem>> -> memref<1x80xi32, #tpu.memory_space<vmem>>
        %dma_start3A_152 = tpu.memref_squeeze %dma_start3A_151 : memref<1x80xi32, #tpu.memory_space<vmem>> -> memref<80xi32, #tpu.memory_space<vmem>>
        %dma_start3A_153 = arith.constant 0 : i32
        %dma_start3A_154 = arith.constant 0 : i32
        %dma_start3A_155 = tpu.memref_slice %arg10[%dma_start3A_153, %dma_start3A_154] : memref<10240x16xf32, #tpu.memory_space<vmem_shared>> -> memref<10240x16xf32, #tpu.memory_space<vmem_shared>>
        tpu.enqueue_indirect_dma source(%arg8 : memref<80x16xf32, #tpu.memory_space<vmem>>) target(%dma_start3A_155 : memref<10240x16xf32, #tpu.memory_space<vmem_shared>>) offsets(%dma_start3A_152 : memref<80xi32, #tpu.memory_space<vmem>>) semaphore(%run_scoped3A_149 : memref<!tpu.dma_semaphore, #tpu.memory_space<semaphore_mem>>) {add = true}
        %dma_wait3A_156 = arith.constant 0 : i32
        %dma_wait3A_157 = tpu.memref_slice %arg7[%mul3A_116, %dma_wait3A_156] : memref<125x80xi32, #tpu.memory_space<vmem>> -> memref<1x80xi32, #tpu.memory_space<vmem>>
        %dma_wait3A_158 = tpu.memref_squeeze %dma_wait3A_157 : memref<1x80xi32, #tpu.memory_space<vmem>> -> memref<80xi32, #tpu.memory_space<vmem>>
        %dma_wait3A_159 = arith.constant 0 : i32
        %dma_wait3A_160 = arith.constant 0 : i32
        %dma_wait3A_161 = tpu.memref_slice %arg10[%dma_wait3A_159, %dma_wait3A_160] : memref<10240x16xf32, #tpu.memory_space<vmem_shared>> -> memref<10240x16xf32, #tpu.memory_space<vmem_shared>>
        tpu.wait_indirect_dma semaphore(%run_scoped3A_149 : memref<!tpu.dma_semaphore, #tpu.memory_space<semaphore_mem>>) src(%arg8 : memref<80x16xf32, #tpu.memory_space<vmem>>) dst(%dma_wait3A_161 : memref<10240x16xf32, #tpu.memory_space<vmem_shared>>)
        tpu.yield
      }) : () -> ()
      %add3A_131 = arith.constant 2 : i32
      %add3A_132 = arith.addi %mul3A_116, %add3A_131 : i32
      %dma_start3A_133 = arith.constant 0 : i32
      %dma_start3A_134 = tpu.memref_slice %arg6[%add3A_132, %dma_start3A_133] : memref<125x80xi32, #tpu.memory_space<vmem>> -> memref<1x80xi32, #tpu.memory_space<vmem>>
      %dma_start3A_135 = tpu.memref_squeeze %dma_start3A_134 : memref<1x80xi32, #tpu.memory_space<vmem>> -> memref<80xi32, #tpu.memory_space<vmem>>
      %dma_start3A_136 = arith.constant 0 : i32
      %dma_start3A_137 = arith.constant 0 : i32
      %dma_start3A_138 = tpu.memref_slice %arg2[%dma_start3A_136, %dma_start3A_137] : memref<10000x16xf32, #tpu.memory_space<hbm>> -> memref<10000x16xf32, #tpu.memory_space<hbm>>
      tpu.enqueue_indirect_dma source(%dma_start3A_138 : memref<10000x16xf32, #tpu.memory_space<hbm>>) target(%arg8 : memref<80x16xf32, #tpu.memory_space<vmem>>) offsets(%dma_start3A_135 : memref<80xi32, #tpu.memory_space<vmem>>) semaphore(%arg11 : memref<!tpu.dma_semaphore, #tpu.memory_space<semaphore_mem>>)
      %add3A_139 = arith.constant 1 : i32
      %add3A_140 = arith.addi %mul3A_116, %add3A_139 : i32
      %dma_wait3A_141 = arith.constant 0 : i32
      %dma_wait3A_142 = tpu.memref_slice %arg6[%add3A_140, %dma_wait3A_141] : memref<125x80xi32, #tpu.memory_space<vmem>> -> memref<1x80xi32, #tpu.memory_space<vmem>>
      %dma_wait3A_143 = tpu.memref_squeeze %dma_wait3A_142 : memref<1x80xi32, #tpu.memory_space<vmem>> -> memref<80xi32, #tpu.memory_space<vmem>>
      %dma_wait3A_144 = arith.constant 0 : i32
      %dma_wait3A_145 = arith.constant 0 : i32
      %dma_wait3A_146 = tpu.memref_slice %arg2[%dma_wait3A_144, %dma_wait3A_145] : memref<10000x16xf32, #tpu.memory_space<hbm>> -> memref<10000x16xf32, #tpu.memory_space<hbm>>
      tpu.wait_indirect_dma semaphore(%arg12 : memref<!tpu.dma_semaphore, #tpu.memory_space<semaphore_mem>>) src(%dma_wait3A_146 : memref<10000x16xf32, #tpu.memory_space<hbm>>) dst(%arg9 : memref<80x16xf32, #tpu.memory_space<vmem>>)
      %add3A_147 = arith.constant 1 : i32
      %add3A_148 = arith.addi %mul3A_116, %add3A_147 : i32
      "tpu.region"() ({
        %run_scoped3A_149 = tpu.sem_alloc : memref<!tpu.dma_semaphore, #tpu.memory_space<semaphore_mem>>
        %dma_start3A_150 = arith.constant 0 : i32
        %dma_start3A_151 = tpu.memref_slice %arg7[%add3A_148, %dma_start3A_150] : memref<125x80xi32, #tpu.memory_space<vmem>> -> memref<1x80xi32, #tpu.memory_space<vmem>>
        %dma_start3A_152 = tpu.memref_squeeze %dma_start3A_151 : memref<1x80xi32, #tpu.memory_space<vmem>> -> memref<80xi32, #tpu.memory_space<vmem>>
        %dma_start3A_153 = arith.constant 0 : i32
        %dma_start3A_154 = arith.constant 0 : i32
        %dma_start3A_155 = tpu.memref_slice %arg10[%dma_start3A_153, %dma_start3A_154] : memref<10240x16xf32, #tpu.memory_space<vmem_shared>> -> memref<10240x16xf32, #tpu.memory_space<vmem_shared>>
        tpu.enqueue_indirect_dma source(%arg9 : memref<80x16xf32, #tpu.memory_space<vmem>>) target(%dma_start3A_155 : memref<10240x16xf32, #tpu.memory_space<vmem_shared>>) offsets(%dma_start3A_152 : memref<80xi32, #tpu.memory_space<vmem>>) semaphore(%run_scoped3A_149 : memref<!tpu.dma_semaphore, #tpu.memory_space<semaphore_mem>>) {add = true}
        %dma_wait3A_156 = arith.constant 0 : i32
        %dma_wait3A_157 = tpu.memref_slice %arg7[%add3A_148, %dma_wait3A_156] : memref<125x80xi32, #tpu.memory_space<vmem>> -> memref<1x80xi32, #tpu.memory_space<vmem>>
        %dma_wait3A_158 = tpu.memref_squeeze %dma_wait3A_157 : memref<1x80xi32, #tpu.memory_space<vmem>> -> memref<80xi32, #tpu.memory_space<vmem>>
        %dma_wait3A_159 = arith.constant 0 : i32
        %dma_wait3A_160 = arith.constant 0 : i32
        %dma_wait3A_161 = tpu.memref_slice %arg10[%dma_wait3A_159, %dma_wait3A_160] : memref<10240x16xf32, #tpu.memory_space<vmem_shared>> -> memref<10240x16xf32, #tpu.memory_space<vmem_shared>>
        tpu.wait_indirect_dma semaphore(%run_scoped3A_149 : memref<!tpu.dma_semaphore, #tpu.memory_space<semaphore_mem>>) src(%arg9 : memref<80x16xf32, #tpu.memory_space<vmem>>) dst(%dma_wait3A_161 : memref<10240x16xf32, #tpu.memory_space<vmem_shared>>)
        tpu.yield
      }) : () -> ()
    }
    %scan3A_50 = arith.constant 62 : i32
    %dma_wait3A = arith.constant 124 : i32
    %dma_wait3A_51 = arith.constant 0 : i32
    %dma_wait3A_52 = tpu.memref_slice %arg6[%dma_wait3A, %dma_wait3A_51] : memref<125x80xi32, #tpu.memory_space<vmem>> -> memref<1x80xi32, #tpu.memory_space<vmem>>
    %dma_wait3A_53 = tpu.memref_squeeze %dma_wait3A_52 : memref<1x80xi32, #tpu.memory_space<vmem>> -> memref<80xi32, #tpu.memory_space<vmem>>
    %dma_wait3A_54 = arith.constant 0 : i32
    %dma_wait3A_55 = arith.constant 0 : i32
    %dma_wait3A_56 = tpu.memref_slice %arg2[%dma_wait3A_54, %dma_wait3A_55] : memref<10000x16xf32, #tpu.memory_space<hbm>> -> memref<10000x16xf32, #tpu.memory_space<hbm>>
    tpu.wait_indirect_dma semaphore(%arg11 : memref<!tpu.dma_semaphore, #tpu.memory_space<semaphore_mem>>) src(%dma_wait3A_56 : memref<10000x16xf32, #tpu.memory_space<hbm>>) dst(%arg8 : memref<80x16xf32, #tpu.memory_space<vmem>>)
    %run_scoped3A = arith.constant 124 : i32
    "tpu.region"() ({
      %run_scoped3A_114 = tpu.sem_alloc : memref<!tpu.dma_semaphore, #tpu.memory_space<semaphore_mem>>
      %dma_start3A_115 = arith.constant 0 : i32
      %dma_start3A_116 = tpu.memref_slice %arg7[%run_scoped3A, %dma_start3A_115] : memref<125x80xi32, #tpu.memory_space<vmem>> -> memref<1x80xi32, #tpu.memory_space<vmem>>
      %dma_start3A_117 = tpu.memref_squeeze %dma_start3A_116 : memref<1x80xi32, #tpu.memory_space<vmem>> -> memref<80xi32, #tpu.memory_space<vmem>>
      %dma_start3A_118 = arith.constant 0 : i32
      %dma_start3A_119 = arith.constant 0 : i32
      %dma_start3A_120 = tpu.memref_slice %arg10[%dma_start3A_118, %dma_start3A_119] : memref<10240x16xf32, #tpu.memory_space<vmem_shared>> -> memref<10240x16xf32, #tpu.memory_space<vmem_shared>>
      tpu.enqueue_indirect_dma source(%arg8 : memref<80x16xf32, #tpu.memory_space<vmem>>) target(%dma_start3A_120 : memref<10240x16xf32, #tpu.memory_space<vmem_shared>>) offsets(%dma_start3A_117 : memref<80xi32, #tpu.memory_space<vmem>>) semaphore(%run_scoped3A_114 : memref<!tpu.dma_semaphore, #tpu.memory_space<semaphore_mem>>) {add = true}
      %dma_wait3A_121 = arith.constant 0 : i32
      %dma_wait3A_122 = tpu.memref_slice %arg7[%run_scoped3A, %dma_wait3A_121] : memref<125x80xi32, #tpu.memory_space<vmem>> -> memref<1x80xi32, #tpu.memory_space<vmem>>
      %dma_wait3A_123 = tpu.memref_squeeze %dma_wait3A_122 : memref<1x80xi32, #tpu.memory_space<vmem>> -> memref<80xi32, #tpu.memory_space<vmem>>
      %dma_wait3A_124 = arith.constant 0 : i32
      %dma_wait3A_125 = arith.constant 0 : i32
      %dma_wait3A_126 = tpu.memref_slice %arg10[%dma_wait3A_124, %dma_wait3A_125] : memref<10240x16xf32, #tpu.memory_space<vmem_shared>> -> memref<10240x16xf32, #tpu.memory_space<vmem_shared>>
      tpu.wait_indirect_dma semaphore(%run_scoped3A_114 : memref<!tpu.dma_semaphore, #tpu.memory_space<semaphore_mem>>) src(%arg8 : memref<80x16xf32, #tpu.memory_space<vmem>>) dst(%dma_wait3A_126 : memref<10240x16xf32, #tpu.memory_space<vmem_shared>>)
      tpu.yield
    }) : () -> ()
    %barrier3A_57 = arith.constant 0 : index
    tpu.barrier barrier_id(%barrier3A_57)
    %mul3A_58 = arith.constant 640 : i32
    %mul3A_59 = arith.muli %arg1, %mul3A_58 : i32
    %add3A_60 = arith.constant 0 : i32
    %add3A_61 = arith.addi %mul3A_59, %add3A_60 : i32
    "tpu.region"() ({
      %run_scoped3A_114 = tpu.sem_alloc : memref<!tpu.dma_semaphore, #tpu.memory_space<semaphore_mem>>
      %dma_start3A_115 = arith.constant 0 : i32
      %dma_start3A_116 = tpu.memref_slice %arg10[%add3A_61, %dma_start3A_115] : memref<10240x16xf32, #tpu.memory_space<vmem_shared>> -> memref<80x16xf32, #tpu.memory_space<vmem_shared>>
      %dma_start3A_117 = arith.constant 0 : i32
      %dma_start3A_118 = tpu.memref_slice %arg10[%add3A_61, %dma_start3A_117] : memref<10240x16xf32, #tpu.memory_space<vmem_shared>> -> memref<80x16xf32, #tpu.memory_space<vmem_shared>>
      tpu.enqueue_dma source(%dma_start3A_118 : memref<80x16xf32, #tpu.memory_space<vmem_shared>>) target(%arg8 : memref<80x16xf32, #tpu.memory_space<vmem>>) target_semaphore(%run_scoped3A_114 : memref<!tpu.dma_semaphore, #tpu.memory_space<semaphore_mem>>)
      %dma_wait3A_119 = arith.constant 0 : i32
      %dma_wait3A_120 = tpu.memref_slice %arg10[%add3A_61, %dma_wait3A_119] : memref<10240x16xf32, #tpu.memory_space<vmem_shared>> -> memref<80x16xf32, #tpu.memory_space<vmem_shared>>
      %dma_wait3A_121 = arith.constant 0 : i32
      %dma_wait3A_122 = tpu.memref_slice %arg10[%add3A_61, %dma_wait3A_121] : memref<10240x16xf32, #tpu.memory_space<vmem_shared>> -> memref<80x16xf32, #tpu.memory_space<vmem_shared>>
      tpu.wait_dma2 semaphore(%run_scoped3A_114 : memref<!tpu.dma_semaphore, #tpu.memory_space<semaphore_mem>>) src(%dma_wait3A_122 : memref<80x16xf32, #tpu.memory_space<vmem_shared>>) dst(%arg8 : memref<80x16xf32, #tpu.memory_space<vmem>>)
      tpu.yield
    }) : () -> ()
    %mul3A_62 = arith.constant 10240 : i32
    %mul3A_63 = arith.muli %arg0, %mul3A_62 : i32
    %add3A_64 = arith.addi %mul3A_63, %add3A_61 : i32
    "tpu.region"() ({
      %run_scoped3A_114 = tpu.sem_alloc : memref<!tpu.dma_semaphore, #tpu.memory_space<semaphore_mem>>
      %dma_start3A_115 = arith.constant 0 : i32
      %dma_start3A_116 = tpu.memref_slice %arg5[%add3A_64, %dma_start3A_115] : memref<20480x16xf32, #tpu.memory_space<hbm>> -> memref<80x16xf32, #tpu.memory_space<hbm>>
      %dma_start3A_117 = arith.constant 0 : i32
      %dma_start3A_118 = tpu.memref_slice %arg5[%add3A_64, %dma_start3A_117] : memref<20480x16xf32, #tpu.memory_space<hbm>> -> memref<80x16xf32, #tpu.memory_space<hbm>>
      tpu.enqueue_dma source(%arg8 : memref<80x16xf32, #tpu.memory_space<vmem>>) target(%dma_start3A_118 : memref<80x16xf32, #tpu.memory_space<hbm>>) target_semaphore(%run_scoped3A_114 : memref<!tpu.dma_semaphore, #tpu.memory_space<semaphore_mem>>)
      %dma_wait3A_119 = arith.constant 0 : i32
      %dma_wait3A_120 = tpu.memref_slice %arg5[%add3A_64, %dma_wait3A_119] : memref<20480x16xf32, #tpu.memory_space<hbm>> -> memref<80x16xf32, #tpu.memory_space<hbm>>
      %dma_wait3A_121 = arith.constant 0 : i32
      %dma_wait3A_122 = tpu.memref_slice %arg5[%add3A_64, %dma_wait3A_121] : memref<20480x16xf32, #tpu.memory_space<hbm>> -> memref<80x16xf32, #tpu.memory_space<hbm>>
      tpu.wait_dma2 semaphore(%run_scoped3A_114 : memref<!tpu.dma_semaphore, #tpu.memory_space<semaphore_mem>>) src(%arg8 : memref<80x16xf32, #tpu.memory_space<vmem>>) dst(%dma_wait3A_122 : memref<80x16xf32, #tpu.memory_space<hbm>>)
      tpu.yield
    }) : () -> ()
    %mul3A_65 = arith.constant 640 : i32
    %mul3A_66 = arith.muli %arg1, %mul3A_65 : i32
    %add3A_67 = arith.constant 80 : i32
    %add3A_68 = arith.addi %mul3A_66, %add3A_67 : i32
    "tpu.region"() ({
      %run_scoped3A_114 = tpu.sem_alloc : memref<!tpu.dma_semaphore, #tpu.memory_space<semaphore_mem>>
      %dma_start3A_115 = arith.constant 0 : i32
      %dma_start3A_116 = tpu.memref_slice %arg10[%add3A_68, %dma_start3A_115] : memref<10240x16xf32, #tpu.memory_space<vmem_shared>> -> memref<80x16xf32, #tpu.memory_space<vmem_shared>>
      %dma_start3A_117 = arith.constant 0 : i32
      %dma_start3A_118 = tpu.memref_slice %arg10[%add3A_68, %dma_start3A_117] : memref<10240x16xf32, #tpu.memory_space<vmem_shared>> -> memref<80x16xf32, #tpu.memory_space<vmem_shared>>
      tpu.enqueue_dma source(%dma_start3A_118 : memref<80x16xf32, #tpu.memory_space<vmem_shared>>) target(%arg8 : memref<80x16xf32, #tpu.memory_space<vmem>>) target_semaphore(%run_scoped3A_114 : memref<!tpu.dma_semaphore, #tpu.memory_space<semaphore_mem>>)
      %dma_wait3A_119 = arith.constant 0 : i32
      %dma_wait3A_120 = tpu.memref_slice %arg10[%add3A_68, %dma_wait3A_119] : memref<10240x16xf32, #tpu.memory_space<vmem_shared>> -> memref<80x16xf32, #tpu.memory_space<vmem_shared>>
      %dma_wait3A_121 = arith.constant 0 : i32
      %dma_wait3A_122 = tpu.memref_slice %arg10[%add3A_68, %dma_wait3A_121] : memref<10240x16xf32, #tpu.memory_space<vmem_shared>> -> memref<80x16xf32, #tpu.memory_space<vmem_shared>>
      tpu.wait_dma2 semaphore(%run_scoped3A_114 : memref<!tpu.dma_semaphore, #tpu.memory_space<semaphore_mem>>) src(%dma_wait3A_122 : memref<80x16xf32, #tpu.memory_space<vmem_shared>>) dst(%arg8 : memref<80x16xf32, #tpu.memory_space<vmem>>)
      tpu.yield
    }) : () -> ()
    %mul3A_69 = arith.constant 10240 : i32
    %mul3A_70 = arith.muli %arg0, %mul3A_69 : i32
    %add3A_71 = arith.addi %mul3A_70, %add3A_68 : i32
    "tpu.region"() ({
      %run_scoped3A_114 = tpu.sem_alloc : memref<!tpu.dma_semaphore, #tpu.memory_space<semaphore_mem>>
      %dma_start3A_115 = arith.constant 0 : i32
      %dma_start3A_116 = tpu.memref_slice %arg5[%add3A_71, %dma_start3A_115] : memref<20480x16xf32, #tpu.memory_space<hbm>> -> memref<80x16xf32, #tpu.memory_space<hbm>>
      %dma_start3A_117 = arith.constant 0 : i32
      %dma_start3A_118 = tpu.memref_slice %arg5[%add3A_71, %dma_start3A_117] : memref<20480x16xf32, #tpu.memory_space<hbm>> -> memref<80x16xf32, #tpu.memory_space<hbm>>
      tpu.enqueue_dma source(%arg8 : memref<80x16xf32, #tpu.memory_space<vmem>>) target(%dma_start3A_118 : memref<80x16xf32, #tpu.memory_space<hbm>>) target_semaphore(%run_scoped3A_114 : memref<!tpu.dma_semaphore, #tpu.memory_space<semaphore_mem>>)
      %dma_wait3A_119 = arith.constant 0 : i32
      %dma_wait3A_120 = tpu.memref_slice %arg5[%add3A_71, %dma_wait3A_119] : memref<20480x16xf32, #tpu.memory_space<hbm>> -> memref<80x16xf32, #tpu.memory_space<hbm>>
      %dma_wait3A_121 = arith.constant 0 : i32
      %dma_wait3A_122 = tpu.memref_slice %arg5[%add3A_71, %dma_wait3A_121] : memref<20480x16xf32, #tpu.memory_space<hbm>> -> memref<80x16xf32, #tpu.memory_space<hbm>>
      tpu.wait_dma2 semaphore(%run_scoped3A_114 : memref<!tpu.dma_semaphore, #tpu.memory_space<semaphore_mem>>) src(%arg8 : memref<80x16xf32, #tpu.memory_space<vmem>>) dst(%dma_wait3A_122 : memref<80x16xf32, #tpu.memory_space<hbm>>)
      tpu.yield
    }) : () -> ()
    %mul3A_72 = arith.constant 640 : i32
    %mul3A_73 = arith.muli %arg1, %mul3A_72 : i32
    %add3A_74 = arith.constant 160 : i32
    %add3A_75 = arith.addi %mul3A_73, %add3A_74 : i32
    "tpu.region"() ({
      %run_scoped3A_114 = tpu.sem_alloc : memref<!tpu.dma_semaphore, #tpu.memory_space<semaphore_mem>>
      %dma_start3A_115 = arith.constant 0 : i32
      %dma_start3A_116 = tpu.memref_slice %arg10[%add3A_75, %dma_start3A_115] : memref<10240x16xf32, #tpu.memory_space<vmem_shared>> -> memref<80x16xf32, #tpu.memory_space<vmem_shared>>
      %dma_start3A_117 = arith.constant 0 : i32
      %dma_start3A_118 = tpu.memref_slice %arg10[%add3A_75, %dma_start3A_117] : memref<10240x16xf32, #tpu.memory_space<vmem_shared>> -> memref<80x16xf32, #tpu.memory_space<vmem_shared>>
      tpu.enqueue_dma source(%dma_start3A_118 : memref<80x16xf32, #tpu.memory_space<vmem_shared>>) target(%arg8 : memref<80x16xf32, #tpu.memory_space<vmem>>) target_semaphore(%run_scoped3A_114 : memref<!tpu.dma_semaphore, #tpu.memory_space<semaphore_mem>>)
      %dma_wait3A_119 = arith.constant 0 : i32
      %dma_wait3A_120 = tpu.memref_slice %arg10[%add3A_75, %dma_wait3A_119] : memref<10240x16xf32, #tpu.memory_space<vmem_shared>> -> memref<80x16xf32, #tpu.memory_space<vmem_shared>>
      %dma_wait3A_121 = arith.constant 0 : i32
      %dma_wait3A_122 = tpu.memref_slice %arg10[%add3A_75, %dma_wait3A_121] : memref<10240x16xf32, #tpu.memory_space<vmem_shared>> -> memref<80x16xf32, #tpu.memory_space<vmem_shared>>
      tpu.wait_dma2 semaphore(%run_scoped3A_114 : memref<!tpu.dma_semaphore, #tpu.memory_space<semaphore_mem>>) src(%dma_wait3A_122 : memref<80x16xf32, #tpu.memory_space<vmem_shared>>) dst(%arg8 : memref<80x16xf32, #tpu.memory_space<vmem>>)
      tpu.yield
    }) : () -> ()
    %mul3A_76 = arith.constant 10240 : i32
    %mul3A_77 = arith.muli %arg0, %mul3A_76 : i32
    %add3A_78 = arith.addi %mul3A_77, %add3A_75 : i32
    "tpu.region"() ({
      %run_scoped3A_114 = tpu.sem_alloc : memref<!tpu.dma_semaphore, #tpu.memory_space<semaphore_mem>>
      %dma_start3A_115 = arith.constant 0 : i32
      %dma_start3A_116 = tpu.memref_slice %arg5[%add3A_78, %dma_start3A_115] : memref<20480x16xf32, #tpu.memory_space<hbm>> -> memref<80x16xf32, #tpu.memory_space<hbm>>
      %dma_start3A_117 = arith.constant 0 : i32
      %dma_start3A_118 = tpu.memref_slice %arg5[%add3A_78, %dma_start3A_117] : memref<20480x16xf32, #tpu.memory_space<hbm>> -> memref<80x16xf32, #tpu.memory_space<hbm>>
      tpu.enqueue_dma source(%arg8 : memref<80x16xf32, #tpu.memory_space<vmem>>) target(%dma_start3A_118 : memref<80x16xf32, #tpu.memory_space<hbm>>) target_semaphore(%run_scoped3A_114 : memref<!tpu.dma_semaphore, #tpu.memory_space<semaphore_mem>>)
      %dma_wait3A_119 = arith.constant 0 : i32
      %dma_wait3A_120 = tpu.memref_slice %arg5[%add3A_78, %dma_wait3A_119] : memref<20480x16xf32, #tpu.memory_space<hbm>> -> memref<80x16xf32, #tpu.memory_space<hbm>>
      %dma_wait3A_121 = arith.constant 0 : i32
      %dma_wait3A_122 = tpu.memref_slice %arg5[%add3A_78, %dma_wait3A_121] : memref<20480x16xf32, #tpu.memory_space<hbm>> -> memref<80x16xf32, #tpu.memory_space<hbm>>
      tpu.wait_dma2 semaphore(%run_scoped3A_114 : memref<!tpu.dma_semaphore, #tpu.memory_space<semaphore_mem>>) src(%arg8 : memref<80x16xf32, #tpu.memory_space<vmem>>) dst(%dma_wait3A_122 : memref<80x16xf32, #tpu.memory_space<hbm>>)
      tpu.yield
    }) : () -> ()
    %mul3A_79 = arith.constant 640 : i32
    %mul3A_80 = arith.muli %arg1, %mul3A_79 : i32
    %add3A_81 = arith.constant 240 : i32
    %add3A_82 = arith.addi %mul3A_80, %add3A_81 : i32
    "tpu.region"() ({
      %run_scoped3A_114 = tpu.sem_alloc : memref<!tpu.dma_semaphore, #tpu.memory_space<semaphore_mem>>
      %dma_start3A_115 = arith.constant 0 : i32
      %dma_start3A_116 = tpu.memref_slice %arg10[%add3A_82, %dma_start3A_115] : memref<10240x16xf32, #tpu.memory_space<vmem_shared>> -> memref<80x16xf32, #tpu.memory_space<vmem_shared>>
      %dma_start3A_117 = arith.constant 0 : i32
      %dma_start3A_118 = tpu.memref_slice %arg10[%add3A_82, %dma_start3A_117] : memref<10240x16xf32, #tpu.memory_space<vmem_shared>> -> memref<80x16xf32, #tpu.memory_space<vmem_shared>>
      tpu.enqueue_dma source(%dma_start3A_118 : memref<80x16xf32, #tpu.memory_space<vmem_shared>>) target(%arg8 : memref<80x16xf32, #tpu.memory_space<vmem>>) target_semaphore(%run_scoped3A_114 : memref<!tpu.dma_semaphore, #tpu.memory_space<semaphore_mem>>)
      %dma_wait3A_119 = arith.constant 0 : i32
      %dma_wait3A_120 = tpu.memref_slice %arg10[%add3A_82, %dma_wait3A_119] : memref<10240x16xf32, #tpu.memory_space<vmem_shared>> -> memref<80x16xf32, #tpu.memory_space<vmem_shared>>
      %dma_wait3A_121 = arith.constant 0 : i32
      %dma_wait3A_122 = tpu.memref_slice %arg10[%add3A_82, %dma_wait3A_121] : memref<10240x16xf32, #tpu.memory_space<vmem_shared>> -> memref<80x16xf32, #tpu.memory_space<vmem_shared>>
      tpu.wait_dma2 semaphore(%run_scoped3A_114 : memref<!tpu.dma_semaphore, #tpu.memory_space<semaphore_mem>>) src(%dma_wait3A_122 : memref<80x16xf32, #tpu.memory_space<vmem_shared>>) dst(%arg8 : memref<80x16xf32, #tpu.memory_space<vmem>>)
      tpu.yield
    }) : () -> ()
    %mul3A_83 = arith.constant 10240 : i32
    %mul3A_84 = arith.muli %arg0, %mul3A_83 : i32
    %add3A_85 = arith.addi %mul3A_84, %add3A_82 : i32
    "tpu.region"() ({
      %run_scoped3A_114 = tpu.sem_alloc : memref<!tpu.dma_semaphore, #tpu.memory_space<semaphore_mem>>
      %dma_start3A_115 = arith.constant 0 : i32
      %dma_start3A_116 = tpu.memref_slice %arg5[%add3A_85, %dma_start3A_115] : memref<20480x16xf32, #tpu.memory_space<hbm>> -> memref<80x16xf32, #tpu.memory_space<hbm>>
      %dma_start3A_117 = arith.constant 0 : i32
      %dma_start3A_118 = tpu.memref_slice %arg5[%add3A_85, %dma_start3A_117] : memref<20480x16xf32, #tpu.memory_space<hbm>> -> memref<80x16xf32, #tpu.memory_space<hbm>>
      tpu.enqueue_dma source(%arg8 : memref<80x16xf32, #tpu.memory_space<vmem>>) target(%dma_start3A_118 : memref<80x16xf32, #tpu.memory_space<hbm>>) target_semaphore(%run_scoped3A_114 : memref<!tpu.dma_semaphore, #tpu.memory_space<semaphore_mem>>)
      %dma_wait3A_119 = arith.constant 0 : i32
      %dma_wait3A_120 = tpu.memref_slice %arg5[%add3A_85, %dma_wait3A_119] : memref<20480x16xf32, #tpu.memory_space<hbm>> -> memref<80x16xf32, #tpu.memory_space<hbm>>
      %dma_wait3A_121 = arith.constant 0 : i32
      %dma_wait3A_122 = tpu.memref_slice %arg5[%add3A_85, %dma_wait3A_121] : memref<20480x16xf32, #tpu.memory_space<hbm>> -> memref<80x16xf32, #tpu.memory_space<hbm>>
      tpu.wait_dma2 semaphore(%run_scoped3A_114 : memref<!tpu.dma_semaphore, #tpu.memory_space<semaphore_mem>>) src(%arg8 : memref<80x16xf32, #tpu.memory_space<vmem>>) dst(%dma_wait3A_122 : memref<80x16xf32, #tpu.memory_space<hbm>>)
      tpu.yield
    }) : () -> ()
    %mul3A_86 = arith.constant 640 : i32
    %mul3A_87 = arith.muli %arg1, %mul3A_86 : i32
    %add3A_88 = arith.constant 320 : i32
    %add3A_89 = arith.addi %mul3A_87, %add3A_88 : i32
    "tpu.region"() ({
      %run_scoped3A_114 = tpu.sem_alloc : memref<!tpu.dma_semaphore, #tpu.memory_space<semaphore_mem>>
      %dma_start3A_115 = arith.constant 0 : i32
      %dma_start3A_116 = tpu.memref_slice %arg10[%add3A_89, %dma_start3A_115] : memref<10240x16xf32, #tpu.memory_space<vmem_shared>> -> memref<80x16xf32, #tpu.memory_space<vmem_shared>>
      %dma_start3A_117 = arith.constant 0 : i32
      %dma_start3A_118 = tpu.memref_slice %arg10[%add3A_89, %dma_start3A_117] : memref<10240x16xf32, #tpu.memory_space<vmem_shared>> -> memref<80x16xf32, #tpu.memory_space<vmem_shared>>
      tpu.enqueue_dma source(%dma_start3A_118 : memref<80x16xf32, #tpu.memory_space<vmem_shared>>) target(%arg8 : memref<80x16xf32, #tpu.memory_space<vmem>>) target_semaphore(%run_scoped3A_114 : memref<!tpu.dma_semaphore, #tpu.memory_space<semaphore_mem>>)
      %dma_wait3A_119 = arith.constant 0 : i32
      %dma_wait3A_120 = tpu.memref_slice %arg10[%add3A_89, %dma_wait3A_119] : memref<10240x16xf32, #tpu.memory_space<vmem_shared>> -> memref<80x16xf32, #tpu.memory_space<vmem_shared>>
      %dma_wait3A_121 = arith.constant 0 : i32
      %dma_wait3A_122 = tpu.memref_slice %arg10[%add3A_89, %dma_wait3A_121] : memref<10240x16xf32, #tpu.memory_space<vmem_shared>> -> memref<80x16xf32, #tpu.memory_space<vmem_shared>>
      tpu.wait_dma2 semaphore(%run_scoped3A_114 : memref<!tpu.dma_semaphore, #tpu.memory_space<semaphore_mem>>) src(%dma_wait3A_122 : memref<80x16xf32, #tpu.memory_space<vmem_shared>>) dst(%arg8 : memref<80x16xf32, #tpu.memory_space<vmem>>)
      tpu.yield
    }) : () -> ()
    %mul3A_90 = arith.constant 10240 : i32
    %mul3A_91 = arith.muli %arg0, %mul3A_90 : i32
    %add3A_92 = arith.addi %mul3A_91, %add3A_89 : i32
    "tpu.region"() ({
      %run_scoped3A_114 = tpu.sem_alloc : memref<!tpu.dma_semaphore, #tpu.memory_space<semaphore_mem>>
      %dma_start3A_115 = arith.constant 0 : i32
      %dma_start3A_116 = tpu.memref_slice %arg5[%add3A_92, %dma_start3A_115] : memref<20480x16xf32, #tpu.memory_space<hbm>> -> memref<80x16xf32, #tpu.memory_space<hbm>>
      %dma_start3A_117 = arith.constant 0 : i32
      %dma_start3A_118 = tpu.memref_slice %arg5[%add3A_92, %dma_start3A_117] : memref<20480x16xf32, #tpu.memory_space<hbm>> -> memref<80x16xf32, #tpu.memory_space<hbm>>
      tpu.enqueue_dma source(%arg8 : memref<80x16xf32, #tpu.memory_space<vmem>>) target(%dma_start3A_118 : memref<80x16xf32, #tpu.memory_space<hbm>>) target_semaphore(%run_scoped3A_114 : memref<!tpu.dma_semaphore, #tpu.memory_space<semaphore_mem>>)
      %dma_wait3A_119 = arith.constant 0 : i32
      %dma_wait3A_120 = tpu.memref_slice %arg5[%add3A_92, %dma_wait3A_119] : memref<20480x16xf32, #tpu.memory_space<hbm>> -> memref<80x16xf32, #tpu.memory_space<hbm>>
      %dma_wait3A_121 = arith.constant 0 : i32
      %dma_wait3A_122 = tpu.memref_slice %arg5[%add3A_92, %dma_wait3A_121] : memref<20480x16xf32, #tpu.memory_space<hbm>> -> memref<80x16xf32, #tpu.memory_space<hbm>>
      tpu.wait_dma2 semaphore(%run_scoped3A_114 : memref<!tpu.dma_semaphore, #tpu.memory_space<semaphore_mem>>) src(%arg8 : memref<80x16xf32, #tpu.memory_space<vmem>>) dst(%dma_wait3A_122 : memref<80x16xf32, #tpu.memory_space<hbm>>)
      tpu.yield
    }) : () -> ()
    %mul3A_93 = arith.constant 640 : i32
    %mul3A_94 = arith.muli %arg1, %mul3A_93 : i32
    %add3A_95 = arith.constant 400 : i32
    %add3A_96 = arith.addi %mul3A_94, %add3A_95 : i32
    "tpu.region"() ({
      %run_scoped3A_114 = tpu.sem_alloc : memref<!tpu.dma_semaphore, #tpu.memory_space<semaphore_mem>>
      %dma_start3A_115 = arith.constant 0 : i32
      %dma_start3A_116 = tpu.memref_slice %arg10[%add3A_96, %dma_start3A_115] : memref<10240x16xf32, #tpu.memory_space<vmem_shared>> -> memref<80x16xf32, #tpu.memory_space<vmem_shared>>
      %dma_start3A_117 = arith.constant 0 : i32
      %dma_start3A_118 = tpu.memref_slice %arg10[%add3A_96, %dma_start3A_117] : memref<10240x16xf32, #tpu.memory_space<vmem_shared>> -> memref<80x16xf32, #tpu.memory_space<vmem_shared>>
      tpu.enqueue_dma source(%dma_start3A_118 : memref<80x16xf32, #tpu.memory_space<vmem_shared>>) target(%arg8 : memref<80x16xf32, #tpu.memory_space<vmem>>) target_semaphore(%run_scoped3A_114 : memref<!tpu.dma_semaphore, #tpu.memory_space<semaphore_mem>>)
      %dma_wait3A_119 = arith.constant 0 : i32
      %dma_wait3A_120 = tpu.memref_slice %arg10[%add3A_96, %dma_wait3A_119] : memref<10240x16xf32, #tpu.memory_space<vmem_shared>> -> memref<80x16xf32, #tpu.memory_space<vmem_shared>>
      %dma_wait3A_121 = arith.constant 0 : i32
      %dma_wait3A_122 = tpu.memref_slice %arg10[%add3A_96, %dma_wait3A_121] : memref<10240x16xf32, #tpu.memory_space<vmem_shared>> -> memref<80x16xf32, #tpu.memory_space<vmem_shared>>
      tpu.wait_dma2 semaphore(%run_scoped3A_114 : memref<!tpu.dma_semaphore, #tpu.memory_space<semaphore_mem>>) src(%dma_wait3A_122 : memref<80x16xf32, #tpu.memory_space<vmem_shared>>) dst(%arg8 : memref<80x16xf32, #tpu.memory_space<vmem>>)
      tpu.yield
    }) : () -> ()
    %mul3A_97 = arith.constant 10240 : i32
    %mul3A_98 = arith.muli %arg0, %mul3A_97 : i32
    %add3A_99 = arith.addi %mul3A_98, %add3A_96 : i32
    "tpu.region"() ({
      %run_scoped3A_114 = tpu.sem_alloc : memref<!tpu.dma_semaphore, #tpu.memory_space<semaphore_mem>>
      %dma_start3A_115 = arith.constant 0 : i32
      %dma_start3A_116 = tpu.memref_slice %arg5[%add3A_99, %dma_start3A_115] : memref<20480x16xf32, #tpu.memory_space<hbm>> -> memref<80x16xf32, #tpu.memory_space<hbm>>
      %dma_start3A_117 = arith.constant 0 : i32
      %dma_start3A_118 = tpu.memref_slice %arg5[%add3A_99, %dma_start3A_117] : memref<20480x16xf32, #tpu.memory_space<hbm>> -> memref<80x16xf32, #tpu.memory_space<hbm>>
      tpu.enqueue_dma source(%arg8 : memref<80x16xf32, #tpu.memory_space<vmem>>) target(%dma_start3A_118 : memref<80x16xf32, #tpu.memory_space<hbm>>) target_semaphore(%run_scoped3A_114 : memref<!tpu.dma_semaphore, #tpu.memory_space<semaphore_mem>>)
      %dma_wait3A_119 = arith.constant 0 : i32
      %dma_wait3A_120 = tpu.memref_slice %arg5[%add3A_99, %dma_wait3A_119] : memref<20480x16xf32, #tpu.memory_space<hbm>> -> memref<80x16xf32, #tpu.memory_space<hbm>>
      %dma_wait3A_121 = arith.constant 0 : i32
      %dma_wait3A_122 = tpu.memref_slice %arg5[%add3A_99, %dma_wait3A_121] : memref<20480x16xf32, #tpu.memory_space<hbm>> -> memref<80x16xf32, #tpu.memory_space<hbm>>
      tpu.wait_dma2 semaphore(%run_scoped3A_114 : memref<!tpu.dma_semaphore, #tpu.memory_space<semaphore_mem>>) src(%arg8 : memref<80x16xf32, #tpu.memory_space<vmem>>) dst(%dma_wait3A_122 : memref<80x16xf32, #tpu.memory_space<hbm>>)
      tpu.yield
    }) : () -> ()
    %mul3A_100 = arith.constant 640 : i32
    %mul3A_101 = arith.muli %arg1, %mul3A_100 : i32
    %add3A_102 = arith.constant 480 : i32
    %add3A_103 = arith.addi %mul3A_101, %add3A_102 : i32
    "tpu.region"() ({
      %run_scoped3A_114 = tpu.sem_alloc : memref<!tpu.dma_semaphore, #tpu.memory_space<semaphore_mem>>
      %dma_start3A_115 = arith.constant 0 : i32
      %dma_start3A_116 = tpu.memref_slice %arg10[%add3A_103, %dma_start3A_115] : memref<10240x16xf32, #tpu.memory_space<vmem_shared>> -> memref<80x16xf32, #tpu.memory_space<vmem_shared>>
      %dma_start3A_117 = arith.constant 0 : i32
      %dma_start3A_118 = tpu.memref_slice %arg10[%add3A_103, %dma_start3A_117] : memref<10240x16xf32, #tpu.memory_space<vmem_shared>> -> memref<80x16xf32, #tpu.memory_space<vmem_shared>>
      tpu.enqueue_dma source(%dma_start3A_118 : memref<80x16xf32, #tpu.memory_space<vmem_shared>>) target(%arg8 : memref<80x16xf32, #tpu.memory_space<vmem>>) target_semaphore(%run_scoped3A_114 : memref<!tpu.dma_semaphore, #tpu.memory_space<semaphore_mem>>)
      %dma_wait3A_119 = arith.constant 0 : i32
      %dma_wait3A_120 = tpu.memref_slice %arg10[%add3A_103, %dma_wait3A_119] : memref<10240x16xf32, #tpu.memory_space<vmem_shared>> -> memref<80x16xf32, #tpu.memory_space<vmem_shared>>
      %dma_wait3A_121 = arith.constant 0 : i32
      %dma_wait3A_122 = tpu.memref_slice %arg10[%add3A_103, %dma_wait3A_121] : memref<10240x16xf32, #tpu.memory_space<vmem_shared>> -> memref<80x16xf32, #tpu.memory_space<vmem_shared>>
      tpu.wait_dma2 semaphore(%run_scoped3A_114 : memref<!tpu.dma_semaphore, #tpu.memory_space<semaphore_mem>>) src(%dma_wait3A_122 : memref<80x16xf32, #tpu.memory_space<vmem_shared>>) dst(%arg8 : memref<80x16xf32, #tpu.memory_space<vmem>>)
      tpu.yield
    }) : () -> ()
    %mul3A_104 = arith.constant 10240 : i32
    %mul3A_105 = arith.muli %arg0, %mul3A_104 : i32
    %add3A_106 = arith.addi %mul3A_105, %add3A_103 : i32
    "tpu.region"() ({
      %run_scoped3A_114 = tpu.sem_alloc : memref<!tpu.dma_semaphore, #tpu.memory_space<semaphore_mem>>
      %dma_start3A_115 = arith.constant 0 : i32
      %dma_start3A_116 = tpu.memref_slice %arg5[%add3A_106, %dma_start3A_115] : memref<20480x16xf32, #tpu.memory_space<hbm>> -> memref<80x16xf32, #tpu.memory_space<hbm>>
      %dma_start3A_117 = arith.constant 0 : i32
      %dma_start3A_118 = tpu.memref_slice %arg5[%add3A_106, %dma_start3A_117] : memref<20480x16xf32, #tpu.memory_space<hbm>> -> memref<80x16xf32, #tpu.memory_space<hbm>>
      tpu.enqueue_dma source(%arg8 : memref<80x16xf32, #tpu.memory_space<vmem>>) target(%dma_start3A_118 : memref<80x16xf32, #tpu.memory_space<hbm>>) target_semaphore(%run_scoped3A_114 : memref<!tpu.dma_semaphore, #tpu.memory_space<semaphore_mem>>)
      %dma_wait3A_119 = arith.constant 0 : i32
      %dma_wait3A_120 = tpu.memref_slice %arg5[%add3A_106, %dma_wait3A_119] : memref<20480x16xf32, #tpu.memory_space<hbm>> -> memref<80x16xf32, #tpu.memory_space<hbm>>
      %dma_wait3A_121 = arith.constant 0 : i32
      %dma_wait3A_122 = tpu.memref_slice %arg5[%add3A_106, %dma_wait3A_121] : memref<20480x16xf32, #tpu.memory_space<hbm>> -> memref<80x16xf32, #tpu.memory_space<hbm>>
      tpu.wait_dma2 semaphore(%run_scoped3A_114 : memref<!tpu.dma_semaphore, #tpu.memory_space<semaphore_mem>>) src(%arg8 : memref<80x16xf32, #tpu.memory_space<vmem>>) dst(%dma_wait3A_122 : memref<80x16xf32, #tpu.memory_space<hbm>>)
      tpu.yield
    }) : () -> ()
    %mul3A_107 = arith.constant 640 : i32
    %mul3A_108 = arith.muli %arg1, %mul3A_107 : i32
    %add3A_109 = arith.constant 560 : i32
    %add3A_110 = arith.addi %mul3A_108, %add3A_109 : i32
    "tpu.region"() ({
      %run_scoped3A_114 = tpu.sem_alloc : memref<!tpu.dma_semaphore, #tpu.memory_space<semaphore_mem>>
      %dma_start3A_115 = arith.constant 0 : i32
      %dma_start3A_116 = tpu.memref_slice %arg10[%add3A_110, %dma_start3A_115] : memref<10240x16xf32, #tpu.memory_space<vmem_shared>> -> memref<80x16xf32, #tpu.memory_space<vmem_shared>>
      %dma_start3A_117 = arith.constant 0 : i32
      %dma_start3A_118 = tpu.memref_slice %arg10[%add3A_110, %dma_start3A_117] : memref<10240x16xf32, #tpu.memory_space<vmem_shared>> -> memref<80x16xf32, #tpu.memory_space<vmem_shared>>
      tpu.enqueue_dma source(%dma_start3A_118 : memref<80x16xf32, #tpu.memory_space<vmem_shared>>) target(%arg8 : memref<80x16xf32, #tpu.memory_space<vmem>>) target_semaphore(%run_scoped3A_114 : memref<!tpu.dma_semaphore, #tpu.memory_space<semaphore_mem>>)
      %dma_wait3A_119 = arith.constant 0 : i32
      %dma_wait3A_120 = tpu.memref_slice %arg10[%add3A_110, %dma_wait3A_119] : memref<10240x16xf32, #tpu.memory_space<vmem_shared>> -> memref<80x16xf32, #tpu.memory_space<vmem_shared>>
      %dma_wait3A_121 = arith.constant 0 : i32
      %dma_wait3A_122 = tpu.memref_slice %arg10[%add3A_110, %dma_wait3A_121] : memref<10240x16xf32, #tpu.memory_space<vmem_shared>> -> memref<80x16xf32, #tpu.memory_space<vmem_shared>>
      tpu.wait_dma2 semaphore(%run_scoped3A_114 : memref<!tpu.dma_semaphore, #tpu.memory_space<semaphore_mem>>) src(%dma_wait3A_122 : memref<80x16xf32, #tpu.memory_space<vmem_shared>>) dst(%arg8 : memref<80x16xf32, #tpu.memory_space<vmem>>)
      tpu.yield
    }) : () -> ()
    %mul3A_111 = arith.constant 10240 : i32
    %mul3A_112 = arith.muli %arg0, %mul3A_111 : i32
    %add3A_113 = arith.addi %mul3A_112, %add3A_110 : i32
    "tpu.region"() ({
      %run_scoped3A_114 = tpu.sem_alloc : memref<!tpu.dma_semaphore, #tpu.memory_space<semaphore_mem>>
      %dma_start3A_115 = arith.constant 0 : i32
      %dma_start3A_116 = tpu.memref_slice %arg5[%add3A_113, %dma_start3A_115] : memref<20480x16xf32, #tpu.memory_space<hbm>> -> memref<80x16xf32, #tpu.memory_space<hbm>>
      %dma_start3A_117 = arith.constant 0 : i32
      %dma_start3A_118 = tpu.memref_slice %arg5[%add3A_113, %dma_start3A_117] : memref<20480x16xf32, #tpu.memory_space<hbm>> -> memref<80x16xf32, #tpu.memory_space<hbm>>
      tpu.enqueue_dma source(%arg8 : memref<80x16xf32, #tpu.memory_space<vmem>>) target(%dma_start3A_118 : memref<80x16xf32, #tpu.memory_space<hbm>>) target_semaphore(%run_scoped3A_114 : memref<!tpu.dma_semaphore, #tpu.memory_space<semaphore_mem>>)
      %dma_wait3A_119 = arith.constant 0 : i32
      %dma_wait3A_120 = tpu.memref_slice %arg5[%add3A_113, %dma_wait3A_119] : memref<20480x16xf32, #tpu.memory_space<hbm>> -> memref<80x16xf32, #tpu.memory_space<hbm>>
      %dma_wait3A_121 = arith.constant 0 : i32
      %dma_wait3A_122 = tpu.memref_slice %arg5[%add3A_113, %dma_wait3A_121] : memref<20480x16xf32, #tpu.memory_space<hbm>> -> memref<80x16xf32, #tpu.memory_space<hbm>>
      tpu.wait_dma2 semaphore(%run_scoped3A_114 : memref<!tpu.dma_semaphore, #tpu.memory_space<semaphore_mem>>) src(%arg8 : memref<80x16xf32, #tpu.memory_space<vmem>>) dst(%dma_wait3A_122 : memref<80x16xf32, #tpu.memory_space<hbm>>)
      tpu.yield
    }) : () -> ()
    return
  }
}

#map = affine_map<(d0, d1) -> (0, 0)>
#map1 = affine_map<(d0, d1) -> (0, 0, 0)>
module attributes {stable_mosaic.version = 14 : i64} {
  func.func @body(%arg0: i32, %arg1: i32, %arg2: memref<10000x128xf32, #tpu.memory_space<hbm>>, %arg3: memref<32x125x80xi32, #tpu.memory_space<hbm>>, %arg4: memref<32x125x80xi32, #tpu.memory_space<hbm>>, %arg5: memref<20480x128xf32, #tpu.memory_space<hbm>>, %arg6: memref<125x80xi32, #tpu.memory_space<vmem>>, %arg7: memref<125x80xi32, #tpu.memory_space<vmem>>, %arg8: memref<80x128xf32, #tpu.memory_space<vmem>>, %arg9: memref<80x128xf32, #tpu.memory_space<vmem>>, %arg10: memref<10240x128xf32, #tpu.memory_space<vmem_shared>>, %arg11: memref<!tpu.dma_semaphore, #tpu.memory_space<semaphore_mem>>, %arg12: memref<!tpu.dma_semaphore, #tpu.memory_space<semaphore_mem>>) attributes {dimension_semantics = [#tpu.dimension_semantics<core_parallel>, #tpu.dimension_semantics<subcore_parallel>], iteration_bounds = array<i64: 2, 16>, scalar_prefetch = 0 : i64, scratch_operands = 7 : i64, tpu.core_type = #tpu.core_type<sc_vector_subcore>, window_params = [{transform_indices = #map}, {transform_indices = #map1}, {transform_indices = #map1}, {transform_indices = #map}]} {
    %mul3A = arith.constant 2 : i32
    %mul3A_0 = arith.muli %arg1, %mul3A : i32
    %add3A = arith.addi %mul3A_0, %arg0 : i32
    "tpu.region"() ({
      %run_scoped3A_114 = tpu.sem_alloc : memref<!tpu.dma_semaphore, #tpu.memory_space<semaphore_mem>>
      %dma_start3A_115 = arith.constant 0 : i32
      %dma_start3A_116 = arith.constant 0 : i32
      %dma_start3A_117 = tpu.memref_slice %arg3[%add3A, %dma_start3A_115, %dma_start3A_116] : memref<32x125x80xi32, #tpu.memory_space<hbm>> -> memref<1x125x80xi32, #tpu.memory_space<hbm>>
      %dma_start3A_118 = tpu.memref_squeeze %dma_start3A_117 : memref<1x125x80xi32, #tpu.memory_space<hbm>> -> memref<125x80xi32, #tpu.memory_space<hbm>>
      %dma_start3A_119 = arith.constant 0 : i32
      %dma_start3A_120 = arith.constant 0 : i32
      %dma_start3A_121 = tpu.memref_slice %arg3[%add3A, %dma_start3A_119, %dma_start3A_120] : memref<32x125x80xi32, #tpu.memory_space<hbm>> -> memref<1x125x80xi32, #tpu.memory_space<hbm>>
      %dma_start3A_122 = tpu.memref_squeeze %dma_start3A_121 : memref<1x125x80xi32, #tpu.memory_space<hbm>> -> memref<125x80xi32, #tpu.memory_space<hbm>>
      tpu.enqueue_dma source(%dma_start3A_122 : memref<125x80xi32, #tpu.memory_space<hbm>>) target(%arg6 : memref<125x80xi32, #tpu.memory_space<vmem>>) target_semaphore(%run_scoped3A_114 : memref<!tpu.dma_semaphore, #tpu.memory_space<semaphore_mem>>)
      %dma_wait3A_123 = arith.constant 0 : i32
      %dma_wait3A_124 = arith.constant 0 : i32
      %dma_wait3A_125 = tpu.memref_slice %arg3[%add3A, %dma_wait3A_123, %dma_wait3A_124] : memref<32x125x80xi32, #tpu.memory_space<hbm>> -> memref<1x125x80xi32, #tpu.memory_space<hbm>>
      %dma_wait3A_126 = tpu.memref_squeeze %dma_wait3A_125 : memref<1x125x80xi32, #tpu.memory_space<hbm>> -> memref<125x80xi32, #tpu.memory_space<hbm>>
      %dma_wait3A_127 = arith.constant 0 : i32
      %dma_wait3A_128 = arith.constant 0 : i32
      %dma_wait3A_129 = tpu.memref_slice %arg3[%add3A, %dma_wait3A_127, %dma_wait3A_128] : memref<32x125x80xi32, #tpu.memory_space<hbm>> -> memref<1x125x80xi32, #tpu.memory_space<hbm>>
      %dma_wait3A_130 = tpu.memref_squeeze %dma_wait3A_129 : memref<1x125x80xi32, #tpu.memory_space<hbm>> -> memref<125x80xi32, #tpu.memory_space<hbm>>
      tpu.wait_dma2 semaphore(%run_scoped3A_114 : memref<!tpu.dma_semaphore, #tpu.memory_space<semaphore_mem>>) src(%dma_wait3A_130 : memref<125x80xi32, #tpu.memory_space<hbm>>) dst(%arg6 : memref<125x80xi32, #tpu.memory_space<vmem>>)
      tpu.yield
    }) : () -> ()
    "tpu.region"() ({
      %run_scoped3A_114 = tpu.sem_alloc : memref<!tpu.dma_semaphore, #tpu.memory_space<semaphore_mem>>
      %dma_start3A_115 = arith.constant 0 : i32
      %dma_start3A_116 = arith.constant 0 : i32
      %dma_start3A_117 = tpu.memref_slice %arg4[%add3A, %dma_start3A_115, %dma_start3A_116] : memref<32x125x80xi32, #tpu.memory_space<hbm>> -> memref<1x125x80xi32, #tpu.memory_space<hbm>>
      %dma_start3A_118 = tpu.memref_squeeze %dma_start3A_117 : memref<1x125x80xi32, #tpu.memory_space<hbm>> -> memref<125x80xi32, #tpu.memory_space<hbm>>
      %dma_start3A_119 = arith.constant 0 : i32
      %dma_start3A_120 = arith.constant 0 : i32
      %dma_start3A_121 = tpu.memref_slice %arg4[%add3A, %dma_start3A_119, %dma_start3A_120] : memref<32x125x80xi32, #tpu.memory_space<hbm>> -> memref<1x125x80xi32, #tpu.memory_space<hbm>>
      %dma_start3A_122 = tpu.memref_squeeze %dma_start3A_121 : memref<1x125x80xi32, #tpu.memory_space<hbm>> -> memref<125x80xi32, #tpu.memory_space<hbm>>
      tpu.enqueue_dma source(%dma_start3A_122 : memref<125x80xi32, #tpu.memory_space<hbm>>) target(%arg7 : memref<125x80xi32, #tpu.memory_space<vmem>>) target_semaphore(%run_scoped3A_114 : memref<!tpu.dma_semaphore, #tpu.memory_space<semaphore_mem>>)
      %dma_wait3A_123 = arith.constant 0 : i32
      %dma_wait3A_124 = arith.constant 0 : i32
      %dma_wait3A_125 = tpu.memref_slice %arg4[%add3A, %dma_wait3A_123, %dma_wait3A_124] : memref<32x125x80xi32, #tpu.memory_space<hbm>> -> memref<1x125x80xi32, #tpu.memory_space<hbm>>
      %dma_wait3A_126 = tpu.memref_squeeze %dma_wait3A_125 : memref<1x125x80xi32, #tpu.memory_space<hbm>> -> memref<125x80xi32, #tpu.memory_space<hbm>>
      %dma_wait3A_127 = arith.constant 0 : i32
      %dma_wait3A_128 = arith.constant 0 : i32
      %dma_wait3A_129 = tpu.memref_slice %arg4[%add3A, %dma_wait3A_127, %dma_wait3A_128] : memref<32x125x80xi32, #tpu.memory_space<hbm>> -> memref<1x125x80xi32, #tpu.memory_space<hbm>>
      %dma_wait3A_130 = tpu.memref_squeeze %dma_wait3A_129 : memref<1x125x80xi32, #tpu.memory_space<hbm>> -> memref<125x80xi32, #tpu.memory_space<hbm>>
      tpu.wait_dma2 semaphore(%run_scoped3A_114 : memref<!tpu.dma_semaphore, #tpu.memory_space<semaphore_mem>>) src(%dma_wait3A_130 : memref<125x80xi32, #tpu.memory_space<hbm>>) dst(%arg7 : memref<125x80xi32, #tpu.memory_space<vmem>>)
      tpu.yield
    }) : () -> ()
    %dma_start3A = arith.constant 0 : i32
    %dma_start3A_1 = arith.constant 0 : i32
    %dma_start3A_2 = tpu.memref_slice %arg6[%dma_start3A, %dma_start3A_1] : memref<125x80xi32, #tpu.memory_space<vmem>> -> memref<1x80xi32, #tpu.memory_space<vmem>>
    %dma_start3A_3 = tpu.memref_squeeze %dma_start3A_2 : memref<1x80xi32, #tpu.memory_space<vmem>> -> memref<80xi32, #tpu.memory_space<vmem>>
    %dma_start3A_4 = arith.constant 0 : i32
    %dma_start3A_5 = arith.constant 0 : i32
    %dma_start3A_6 = tpu.memref_slice %arg2[%dma_start3A_4, %dma_start3A_5] : memref<10000x128xf32, #tpu.memory_space<hbm>> -> memref<10000x128xf32, #tpu.memory_space<hbm>>
    tpu.enqueue_indirect_dma source(%dma_start3A_6 : memref<10000x128xf32, #tpu.memory_space<hbm>>) target(%arg8 : memref<80x128xf32, #tpu.memory_space<vmem>>) offsets(%dma_start3A_3 : memref<80xi32, #tpu.memory_space<vmem>>) semaphore(%arg11 : memref<!tpu.dma_semaphore, #tpu.memory_space<semaphore_mem>>)
    %broadcast_in_dim3A = arith.constant 0.000000e+00 : f32
    %broadcast_in_dim3A_7 = vector.broadcast %broadcast_in_dim3A : f32 to vector<16xf32>
    %scan3A = arith.constant 0 : i32
    %scan3A_8 = arith.constant 0 : i32
    %scan3A_9 = arith.constant 80 : i32
    %scan3A_10 = arith.addi %scan3A_8, %scan3A_9 : i32
    %scan3A_11 = arith.constant 1 : i32
    scf.for %scan3A_114 = %scan3A_8 to %scan3A_10 step %scan3A_11  : i32 {
      %swap3A = arith.index_cast %scan3A_114 : i32 to index
      %swap3A_115 = arith.constant 0 : index
      %swap3A_116 = tpu.vector_load %arg9[%swap3A, %swap3A_115] {strides = array<i32>} : memref<80x128xf32, #tpu.memory_space<vmem>>, vector<1x16xf32>,
      %swap3A_117 = vector.shape_cast %swap3A_116 : vector<1x16xf32> to vector<16xf32>
      %swap3A_118 = vector.shape_cast %broadcast_in_dim3A_7 : vector<16xf32> to vector<1x16xf32>
      tpu.vector_store %arg9[%swap3A, %swap3A_115], %swap3A_118 {strides = array<i32>} : memref<80x128xf32, #tpu.memory_space<vmem>>, vector<1x16xf32>,
      %swap3A_119 = arith.index_cast %scan3A_114 : i32 to index
      %swap3A_120 = arith.constant 16 : index
      %swap3A_121 = tpu.vector_load %arg9[%swap3A_119, %swap3A_120] {strides = array<i32>} : memref<80x128xf32, #tpu.memory_space<vmem>>, vector<1x16xf32>,
      %swap3A_122 = vector.shape_cast %swap3A_121 : vector<1x16xf32> to vector<16xf32>
      %swap3A_123 = vector.shape_cast %broadcast_in_dim3A_7 : vector<16xf32> to vector<1x16xf32>
      tpu.vector_store %arg9[%swap3A_119, %swap3A_120], %swap3A_123 {strides = array<i32>} : memref<80x128xf32, #tpu.memory_space<vmem>>, vector<1x16xf32>,
      %swap3A_124 = arith.index_cast %scan3A_114 : i32 to index
      %swap3A_125 = arith.constant 32 : index
      %swap3A_126 = tpu.vector_load %arg9[%swap3A_124, %swap3A_125] {strides = array<i32>} : memref<80x128xf32, #tpu.memory_space<vmem>>, vector<1x16xf32>,
      %swap3A_127 = vector.shape_cast %swap3A_126 : vector<1x16xf32> to vector<16xf32>
      %swap3A_128 = vector.shape_cast %broadcast_in_dim3A_7 : vector<16xf32> to vector<1x16xf32>
      tpu.vector_store %arg9[%swap3A_124, %swap3A_125], %swap3A_128 {strides = array<i32>} : memref<80x128xf32, #tpu.memory_space<vmem>>, vector<1x16xf32>,
      %swap3A_129 = arith.index_cast %scan3A_114 : i32 to index
      %swap3A_130 = arith.constant 48 : index
      %swap3A_131 = tpu.vector_load %arg9[%swap3A_129, %swap3A_130] {strides = array<i32>} : memref<80x128xf32, #tpu.memory_space<vmem>>, vector<1x16xf32>,
      %swap3A_132 = vector.shape_cast %swap3A_131 : vector<1x16xf32> to vector<16xf32>
      %swap3A_133 = vector.shape_cast %broadcast_in_dim3A_7 : vector<16xf32> to vector<1x16xf32>
      tpu.vector_store %arg9[%swap3A_129, %swap3A_130], %swap3A_133 {strides = array<i32>} : memref<80x128xf32, #tpu.memory_space<vmem>>, vector<1x16xf32>,
      %swap3A_134 = arith.index_cast %scan3A_114 : i32 to index
      %swap3A_135 = arith.constant 64 : index
      %swap3A_136 = tpu.vector_load %arg9[%swap3A_134, %swap3A_135] {strides = array<i32>} : memref<80x128xf32, #tpu.memory_space<vmem>>, vector<1x16xf32>,
      %swap3A_137 = vector.shape_cast %swap3A_136 : vector<1x16xf32> to vector<16xf32>
      %swap3A_138 = vector.shape_cast %broadcast_in_dim3A_7 : vector<16xf32> to vector<1x16xf32>
      tpu.vector_store %arg9[%swap3A_134, %swap3A_135], %swap3A_138 {strides = array<i32>} : memref<80x128xf32, #tpu.memory_space<vmem>>, vector<1x16xf32>,
      %swap3A_139 = arith.index_cast %scan3A_114 : i32 to index
      %swap3A_140 = arith.constant 80 : index
      %swap3A_141 = tpu.vector_load %arg9[%swap3A_139, %swap3A_140] {strides = array<i32>} : memref<80x128xf32, #tpu.memory_space<vmem>>, vector<1x16xf32>,
      %swap3A_142 = vector.shape_cast %swap3A_141 : vector<1x16xf32> to vector<16xf32>
      %swap3A_143 = vector.shape_cast %broadcast_in_dim3A_7 : vector<16xf32> to vector<1x16xf32>
      tpu.vector_store %arg9[%swap3A_139, %swap3A_140], %swap3A_143 {strides = array<i32>} : memref<80x128xf32, #tpu.memory_space<vmem>>, vector<1x16xf32>,
      %swap3A_144 = arith.index_cast %scan3A_114 : i32 to index
      %swap3A_145 = arith.constant 96 : index
      %swap3A_146 = tpu.vector_load %arg9[%swap3A_144, %swap3A_145] {strides = array<i32>} : memref<80x128xf32, #tpu.memory_space<vmem>>, vector<1x16xf32>,
      %swap3A_147 = vector.shape_cast %swap3A_146 : vector<1x16xf32> to vector<16xf32>
      %swap3A_148 = vector.shape_cast %broadcast_in_dim3A_7 : vector<16xf32> to vector<1x16xf32>
      tpu.vector_store %arg9[%swap3A_144, %swap3A_145], %swap3A_148 {strides = array<i32>} : memref<80x128xf32, #tpu.memory_space<vmem>>, vector<1x16xf32>,
      %swap3A_149 = arith.index_cast %scan3A_114 : i32 to index
      %swap3A_150 = arith.constant 112 : index
      %swap3A_151 = tpu.vector_load %arg9[%swap3A_149, %swap3A_150] {strides = array<i32>} : memref<80x128xf32, #tpu.memory_space<vmem>>, vector<1x16xf32>,
      %swap3A_152 = vector.shape_cast %swap3A_151 : vector<1x16xf32> to vector<16xf32>
      %swap3A_153 = vector.shape_cast %broadcast_in_dim3A_7 : vector<16xf32> to vector<1x16xf32>
      tpu.vector_store %arg9[%swap3A_149, %swap3A_150], %swap3A_153 {strides = array<i32>} : memref<80x128xf32, #tpu.memory_space<vmem>>, vector<1x16xf32>,
    }
    %scan3A_12 = arith.constant 80 : i32
    %mul3A_13 = arith.constant 640 : i32
    %mul3A_14 = arith.muli %arg1, %mul3A_13 : i32
    %add3A_15 = arith.constant 0 : i32
    %add3A_16 = arith.addi %mul3A_14, %add3A_15 : i32
    "tpu.region"() ({
      %run_scoped3A_114 = tpu.sem_alloc : memref<!tpu.dma_semaphore, #tpu.memory_space<semaphore_mem>>
      %dma_start3A_115 = arith.constant 0 : i32
      %dma_start3A_116 = tpu.memref_slice %arg10[%add3A_16, %dma_start3A_115] : memref<10240x128xf32, #tpu.memory_space<vmem_shared>> -> memref<80x128xf32, #tpu.memory_space<vmem_shared>>
      %dma_start3A_117 = arith.constant 0 : i32
      %dma_start3A_118 = tpu.memref_slice %arg10[%add3A_16, %dma_start3A_117] : memref<10240x128xf32, #tpu.memory_space<vmem_shared>> -> memref<80x128xf32, #tpu.memory_space<vmem_shared>>
      tpu.enqueue_dma source(%arg9 : memref<80x128xf32, #tpu.memory_space<vmem>>) target(%dma_start3A_118 : memref<80x128xf32, #tpu.memory_space<vmem_shared>>) target_semaphore(%run_scoped3A_114 : memref<!tpu.dma_semaphore, #tpu.memory_space<semaphore_mem>>)
      %dma_wait3A_119 = arith.constant 0 : i32
      %dma_wait3A_120 = tpu.memref_slice %arg10[%add3A_16, %dma_wait3A_119] : memref<10240x128xf32, #tpu.memory_space<vmem_shared>> -> memref<80x128xf32, #tpu.memory_space<vmem_shared>>
      %dma_wait3A_121 = arith.constant 0 : i32
      %dma_wait3A_122 = tpu.memref_slice %arg10[%add3A_16, %dma_wait3A_121] : memref<10240x128xf32, #tpu.memory_space<vmem_shared>> -> memref<80x128xf32, #tpu.memory_space<vmem_shared>>
      tpu.wait_dma2 semaphore(%run_scoped3A_114 : memref<!tpu.dma_semaphore, #tpu.memory_space<semaphore_mem>>) src(%arg9 : memref<80x128xf32, #tpu.memory_space<vmem>>) dst(%dma_wait3A_122 : memref<80x128xf32, #tpu.memory_space<vmem_shared>>)
      tpu.yield
    }) : () -> ()
    %mul3A_17 = arith.constant 640 : i32
    %mul3A_18 = arith.muli %arg1, %mul3A_17 : i32
    %add3A_19 = arith.constant 80 : i32
    %add3A_20 = arith.addi %mul3A_18, %add3A_19 : i32
    "tpu.region"() ({
      %run_scoped3A_114 = tpu.sem_alloc : memref<!tpu.dma_semaphore, #tpu.memory_space<semaphore_mem>>
      %dma_start3A_115 = arith.constant 0 : i32
      %dma_start3A_116 = tpu.memref_slice %arg10[%add3A_20, %dma_start3A_115] : memref<10240x128xf32, #tpu.memory_space<vmem_shared>> -> memref<80x128xf32, #tpu.memory_space<vmem_shared>>
      %dma_start3A_117 = arith.constant 0 : i32
      %dma_start3A_118 = tpu.memref_slice %arg10[%add3A_20, %dma_start3A_117] : memref<10240x128xf32, #tpu.memory_space<vmem_shared>> -> memref<80x128xf32, #tpu.memory_space<vmem_shared>>
      tpu.enqueue_dma source(%arg9 : memref<80x128xf32, #tpu.memory_space<vmem>>) target(%dma_start3A_118 : memref<80x128xf32, #tpu.memory_space<vmem_shared>>) target_semaphore(%run_scoped3A_114 : memref<!tpu.dma_semaphore, #tpu.memory_space<semaphore_mem>>)
      %dma_wait3A_119 = arith.constant 0 : i32
      %dma_wait3A_120 = tpu.memref_slice %arg10[%add3A_20, %dma_wait3A_119] : memref<10240x128xf32, #tpu.memory_space<vmem_shared>> -> memref<80x128xf32, #tpu.memory_space<vmem_shared>>
      %dma_wait3A_121 = arith.constant 0 : i32
      %dma_wait3A_122 = tpu.memref_slice %arg10[%add3A_20, %dma_wait3A_121] : memref<10240x128xf32, #tpu.memory_space<vmem_shared>> -> memref<80x128xf32, #tpu.memory_space<vmem_shared>>
      tpu.wait_dma2 semaphore(%run_scoped3A_114 : memref<!tpu.dma_semaphore, #tpu.memory_space<semaphore_mem>>) src(%arg9 : memref<80x128xf32, #tpu.memory_space<vmem>>) dst(%dma_wait3A_122 : memref<80x128xf32, #tpu.memory_space<vmem_shared>>)
      tpu.yield
    }) : () -> ()
    %mul3A_21 = arith.constant 640 : i32
    %mul3A_22 = arith.muli %arg1, %mul3A_21 : i32
    %add3A_23 = arith.constant 160 : i32
    %add3A_24 = arith.addi %mul3A_22, %add3A_23 : i32
    "tpu.region"() ({
      %run_scoped3A_114 = tpu.sem_alloc : memref<!tpu.dma_semaphore, #tpu.memory_space<semaphore_mem>>
      %dma_start3A_115 = arith.constant 0 : i32
      %dma_start3A_116 = tpu.memref_slice %arg10[%add3A_24, %dma_start3A_115] : memref<10240x128xf32, #tpu.memory_space<vmem_shared>> -> memref<80x128xf32, #tpu.memory_space<vmem_shared>>
      %dma_start3A_117 = arith.constant 0 : i32
      %dma_start3A_118 = tpu.memref_slice %arg10[%add3A_24, %dma_start3A_117] : memref<10240x128xf32, #tpu.memory_space<vmem_shared>> -> memref<80x128xf32, #tpu.memory_space<vmem_shared>>
      tpu.enqueue_dma source(%arg9 : memref<80x128xf32, #tpu.memory_space<vmem>>) target(%dma_start3A_118 : memref<80x128xf32, #tpu.memory_space<vmem_shared>>) target_semaphore(%run_scoped3A_114 : memref<!tpu.dma_semaphore, #tpu.memory_space<semaphore_mem>>)
      %dma_wait3A_119 = arith.constant 0 : i32
      %dma_wait3A_120 = tpu.memref_slice %arg10[%add3A_24, %dma_wait3A_119] : memref<10240x128xf32, #tpu.memory_space<vmem_shared>> -> memref<80x128xf32, #tpu.memory_space<vmem_shared>>
      %dma_wait3A_121 = arith.constant 0 : i32
      %dma_wait3A_122 = tpu.memref_slice %arg10[%add3A_24, %dma_wait3A_121] : memref<10240x128xf32, #tpu.memory_space<vmem_shared>> -> memref<80x128xf32, #tpu.memory_space<vmem_shared>>
      tpu.wait_dma2 semaphore(%run_scoped3A_114 : memref<!tpu.dma_semaphore, #tpu.memory_space<semaphore_mem>>) src(%arg9 : memref<80x128xf32, #tpu.memory_space<vmem>>) dst(%dma_wait3A_122 : memref<80x128xf32, #tpu.memory_space<vmem_shared>>)
      tpu.yield
    }) : () -> ()
    %mul3A_25 = arith.constant 640 : i32
    %mul3A_26 = arith.muli %arg1, %mul3A_25 : i32
    %add3A_27 = arith.constant 240 : i32
    %add3A_28 = arith.addi %mul3A_26, %add3A_27 : i32
    "tpu.region"() ({
      %run_scoped3A_114 = tpu.sem_alloc : memref<!tpu.dma_semaphore, #tpu.memory_space<semaphore_mem>>
      %dma_start3A_115 = arith.constant 0 : i32
      %dma_start3A_116 = tpu.memref_slice %arg10[%add3A_28, %dma_start3A_115] : memref<10240x128xf32, #tpu.memory_space<vmem_shared>> -> memref<80x128xf32, #tpu.memory_space<vmem_shared>>
      %dma_start3A_117 = arith.constant 0 : i32
      %dma_start3A_118 = tpu.memref_slice %arg10[%add3A_28, %dma_start3A_117] : memref<10240x128xf32, #tpu.memory_space<vmem_shared>> -> memref<80x128xf32, #tpu.memory_space<vmem_shared>>
      tpu.enqueue_dma source(%arg9 : memref<80x128xf32, #tpu.memory_space<vmem>>) target(%dma_start3A_118 : memref<80x128xf32, #tpu.memory_space<vmem_shared>>) target_semaphore(%run_scoped3A_114 : memref<!tpu.dma_semaphore, #tpu.memory_space<semaphore_mem>>)
      %dma_wait3A_119 = arith.constant 0 : i32
      %dma_wait3A_120 = tpu.memref_slice %arg10[%add3A_28, %dma_wait3A_119] : memref<10240x128xf32, #tpu.memory_space<vmem_shared>> -> memref<80x128xf32, #tpu.memory_space<vmem_shared>>
      %dma_wait3A_121 = arith.constant 0 : i32
      %dma_wait3A_122 = tpu.memref_slice %arg10[%add3A_28, %dma_wait3A_121] : memref<10240x128xf32, #tpu.memory_space<vmem_shared>> -> memref<80x128xf32, #tpu.memory_space<vmem_shared>>
      tpu.wait_dma2 semaphore(%run_scoped3A_114 : memref<!tpu.dma_semaphore, #tpu.memory_space<semaphore_mem>>) src(%arg9 : memref<80x128xf32, #tpu.memory_space<vmem>>) dst(%dma_wait3A_122 : memref<80x128xf32, #tpu.memory_space<vmem_shared>>)
      tpu.yield
    }) : () -> ()
    %mul3A_29 = arith.constant 640 : i32
    %mul3A_30 = arith.muli %arg1, %mul3A_29 : i32
    %add3A_31 = arith.constant 320 : i32
    %add3A_32 = arith.addi %mul3A_30, %add3A_31 : i32
    "tpu.region"() ({
      %run_scoped3A_114 = tpu.sem_alloc : memref<!tpu.dma_semaphore, #tpu.memory_space<semaphore_mem>>
      %dma_start3A_115 = arith.constant 0 : i32
      %dma_start3A_116 = tpu.memref_slice %arg10[%add3A_32, %dma_start3A_115] : memref<10240x128xf32, #tpu.memory_space<vmem_shared>> -> memref<80x128xf32, #tpu.memory_space<vmem_shared>>
      %dma_start3A_117 = arith.constant 0 : i32
      %dma_start3A_118 = tpu.memref_slice %arg10[%add3A_32, %dma_start3A_117] : memref<10240x128xf32, #tpu.memory_space<vmem_shared>> -> memref<80x128xf32, #tpu.memory_space<vmem_shared>>
      tpu.enqueue_dma source(%arg9 : memref<80x128xf32, #tpu.memory_space<vmem>>) target(%dma_start3A_118 : memref<80x128xf32, #tpu.memory_space<vmem_shared>>) target_semaphore(%run_scoped3A_114 : memref<!tpu.dma_semaphore, #tpu.memory_space<semaphore_mem>>)
      %dma_wait3A_119 = arith.constant 0 : i32
      %dma_wait3A_120 = tpu.memref_slice %arg10[%add3A_32, %dma_wait3A_119] : memref<10240x128xf32, #tpu.memory_space<vmem_shared>> -> memref<80x128xf32, #tpu.memory_space<vmem_shared>>
      %dma_wait3A_121 = arith.constant 0 : i32
      %dma_wait3A_122 = tpu.memref_slice %arg10[%add3A_32, %dma_wait3A_121] : memref<10240x128xf32, #tpu.memory_space<vmem_shared>> -> memref<80x128xf32, #tpu.memory_space<vmem_shared>>
      tpu.wait_dma2 semaphore(%run_scoped3A_114 : memref<!tpu.dma_semaphore, #tpu.memory_space<semaphore_mem>>) src(%arg9 : memref<80x128xf32, #tpu.memory_space<vmem>>) dst(%dma_wait3A_122 : memref<80x128xf32, #tpu.memory_space<vmem_shared>>)
      tpu.yield
    }) : () -> ()
    %mul3A_33 = arith.constant 640 : i32
    %mul3A_34 = arith.muli %arg1, %mul3A_33 : i32
    %add3A_35 = arith.constant 400 : i32
    %add3A_36 = arith.addi %mul3A_34, %add3A_35 : i32
    "tpu.region"() ({
      %run_scoped3A_114 = tpu.sem_alloc : memref<!tpu.dma_semaphore, #tpu.memory_space<semaphore_mem>>
      %dma_start3A_115 = arith.constant 0 : i32
      %dma_start3A_116 = tpu.memref_slice %arg10[%add3A_36, %dma_start3A_115] : memref<10240x128xf32, #tpu.memory_space<vmem_shared>> -> memref<80x128xf32, #tpu.memory_space<vmem_shared>>
      %dma_start3A_117 = arith.constant 0 : i32
      %dma_start3A_118 = tpu.memref_slice %arg10[%add3A_36, %dma_start3A_117] : memref<10240x128xf32, #tpu.memory_space<vmem_shared>> -> memref<80x128xf32, #tpu.memory_space<vmem_shared>>
      tpu.enqueue_dma source(%arg9 : memref<80x128xf32, #tpu.memory_space<vmem>>) target(%dma_start3A_118 : memref<80x128xf32, #tpu.memory_space<vmem_shared>>) target_semaphore(%run_scoped3A_114 : memref<!tpu.dma_semaphore, #tpu.memory_space<semaphore_mem>>)
      %dma_wait3A_119 = arith.constant 0 : i32
      %dma_wait3A_120 = tpu.memref_slice %arg10[%add3A_36, %dma_wait3A_119] : memref<10240x128xf32, #tpu.memory_space<vmem_shared>> -> memref<80x128xf32, #tpu.memory_space<vmem_shared>>
      %dma_wait3A_121 = arith.constant 0 : i32
      %dma_wait3A_122 = tpu.memref_slice %arg10[%add3A_36, %dma_wait3A_121] : memref<10240x128xf32, #tpu.memory_space<vmem_shared>> -> memref<80x128xf32, #tpu.memory_space<vmem_shared>>
      tpu.wait_dma2 semaphore(%run_scoped3A_114 : memref<!tpu.dma_semaphore, #tpu.memory_space<semaphore_mem>>) src(%arg9 : memref<80x128xf32, #tpu.memory_space<vmem>>) dst(%dma_wait3A_122 : memref<80x128xf32, #tpu.memory_space<vmem_shared>>)
      tpu.yield
    }) : () -> ()
    %mul3A_37 = arith.constant 640 : i32
    %mul3A_38 = arith.muli %arg1, %mul3A_37 : i32
    %add3A_39 = arith.constant 480 : i32
    %add3A_40 = arith.addi %mul3A_38, %add3A_39 : i32
    "tpu.region"() ({
      %run_scoped3A_114 = tpu.sem_alloc : memref<!tpu.dma_semaphore, #tpu.memory_space<semaphore_mem>>
      %dma_start3A_115 = arith.constant 0 : i32
      %dma_start3A_116 = tpu.memref_slice %arg10[%add3A_40, %dma_start3A_115] : memref<10240x128xf32, #tpu.memory_space<vmem_shared>> -> memref<80x128xf32, #tpu.memory_space<vmem_shared>>
      %dma_start3A_117 = arith.constant 0 : i32
      %dma_start3A_118 = tpu.memref_slice %arg10[%add3A_40, %dma_start3A_117] : memref<10240x128xf32, #tpu.memory_space<vmem_shared>> -> memref<80x128xf32, #tpu.memory_space<vmem_shared>>
      tpu.enqueue_dma source(%arg9 : memref<80x128xf32, #tpu.memory_space<vmem>>) target(%dma_start3A_118 : memref<80x128xf32, #tpu.memory_space<vmem_shared>>) target_semaphore(%run_scoped3A_114 : memref<!tpu.dma_semaphore, #tpu.memory_space<semaphore_mem>>)
      %dma_wait3A_119 = arith.constant 0 : i32
      %dma_wait3A_120 = tpu.memref_slice %arg10[%add3A_40, %dma_wait3A_119] : memref<10240x128xf32, #tpu.memory_space<vmem_shared>> -> memref<80x128xf32, #tpu.memory_space<vmem_shared>>
      %dma_wait3A_121 = arith.constant 0 : i32
      %dma_wait3A_122 = tpu.memref_slice %arg10[%add3A_40, %dma_wait3A_121] : memref<10240x128xf32, #tpu.memory_space<vmem_shared>> -> memref<80x128xf32, #tpu.memory_space<vmem_shared>>
      tpu.wait_dma2 semaphore(%run_scoped3A_114 : memref<!tpu.dma_semaphore, #tpu.memory_space<semaphore_mem>>) src(%arg9 : memref<80x128xf32, #tpu.memory_space<vmem>>) dst(%dma_wait3A_122 : memref<80x128xf32, #tpu.memory_space<vmem_shared>>)
      tpu.yield
    }) : () -> ()
    %mul3A_41 = arith.constant 640 : i32
    %mul3A_42 = arith.muli %arg1, %mul3A_41 : i32
    %add3A_43 = arith.constant 560 : i32
    %add3A_44 = arith.addi %mul3A_42, %add3A_43 : i32
    "tpu.region"() ({
      %run_scoped3A_114 = tpu.sem_alloc : memref<!tpu.dma_semaphore, #tpu.memory_space<semaphore_mem>>
      %dma_start3A_115 = arith.constant 0 : i32
      %dma_start3A_116 = tpu.memref_slice %arg10[%add3A_44, %dma_start3A_115] : memref<10240x128xf32, #tpu.memory_space<vmem_shared>> -> memref<80x128xf32, #tpu.memory_space<vmem_shared>>
      %dma_start3A_117 = arith.constant 0 : i32
      %dma_start3A_118 = tpu.memref_slice %arg10[%add3A_44, %dma_start3A_117] : memref<10240x128xf32, #tpu.memory_space<vmem_shared>> -> memref<80x128xf32, #tpu.memory_space<vmem_shared>>
      tpu.enqueue_dma source(%arg9 : memref<80x128xf32, #tpu.memory_space<vmem>>) target(%dma_start3A_118 : memref<80x128xf32, #tpu.memory_space<vmem_shared>>) target_semaphore(%run_scoped3A_114 : memref<!tpu.dma_semaphore, #tpu.memory_space<semaphore_mem>>)
      %dma_wait3A_119 = arith.constant 0 : i32
      %dma_wait3A_120 = tpu.memref_slice %arg10[%add3A_44, %dma_wait3A_119] : memref<10240x128xf32, #tpu.memory_space<vmem_shared>> -> memref<80x128xf32, #tpu.memory_space<vmem_shared>>
      %dma_wait3A_121 = arith.constant 0 : i32
      %dma_wait3A_122 = tpu.memref_slice %arg10[%add3A_44, %dma_wait3A_121] : memref<10240x128xf32, #tpu.memory_space<vmem_shared>> -> memref<80x128xf32, #tpu.memory_space<vmem_shared>>
      tpu.wait_dma2 semaphore(%run_scoped3A_114 : memref<!tpu.dma_semaphore, #tpu.memory_space<semaphore_mem>>) src(%arg9 : memref<80x128xf32, #tpu.memory_space<vmem>>) dst(%dma_wait3A_122 : memref<80x128xf32, #tpu.memory_space<vmem_shared>>)
      tpu.yield
    }) : () -> ()
    %barrier3A = arith.constant 0 : index
    tpu.barrier barrier_id(%barrier3A)
    %scan3A_45 = arith.constant 0 : i32
    %scan3A_46 = arith.constant 0 : i32
    %scan3A_47 = arith.constant 62 : i32
    %scan3A_48 = arith.addi %scan3A_46, %scan3A_47 : i32
    %scan3A_49 = arith.constant 1 : i32
    scf.for %scan3A_114 = %scan3A_46 to %scan3A_48 step %scan3A_49  : i32 {
      %mul3A_115 = arith.constant 2 : i32
      %mul3A_116 = arith.muli %mul3A_115, %scan3A_114 : i32
      %dma_wait3A_117 = arith.constant 0 : i32
      %dma_wait3A_118 = tpu.memref_slice %arg6[%mul3A_116, %dma_wait3A_117] : memref<125x80xi32, #tpu.memory_space<vmem>> -> memref<1x80xi32, #tpu.memory_space<vmem>>
      %dma_wait3A_119 = tpu.memref_squeeze %dma_wait3A_118 : memref<1x80xi32, #tpu.memory_space<vmem>> -> memref<80xi32, #tpu.memory_space<vmem>>
      %dma_wait3A_120 = arith.constant 0 : i32
      %dma_wait3A_121 = arith.constant 0 : i32
      %dma_wait3A_122 = tpu.memref_slice %arg2[%dma_wait3A_120, %dma_wait3A_121] : memref<10000x128xf32, #tpu.memory_space<hbm>> -> memref<10000x128xf32, #tpu.memory_space<hbm>>
      tpu.wait_indirect_dma semaphore(%arg11 : memref<!tpu.dma_semaphore, #tpu.memory_space<semaphore_mem>>) src(%dma_wait3A_122 : memref<10000x128xf32, #tpu.memory_space<hbm>>) dst(%arg8 : memref<80x128xf32, #tpu.memory_space<vmem>>)
      %add3A_123 = arith.constant 1 : i32
      %add3A_124 = arith.addi %mul3A_116, %add3A_123 : i32
      %dma_start3A_125 = arith.constant 0 : i32
      %dma_start3A_126 = tpu.memref_slice %arg6[%add3A_124, %dma_start3A_125] : memref<125x80xi32, #tpu.memory_space<vmem>> -> memref<1x80xi32, #tpu.memory_space<vmem>>
      %dma_start3A_127 = tpu.memref_squeeze %dma_start3A_126 : memref<1x80xi32, #tpu.memory_space<vmem>> -> memref<80xi32, #tpu.memory_space<vmem>>
      %dma_start3A_128 = arith.constant 0 : i32
      %dma_start3A_129 = arith.constant 0 : i32
      %dma_start3A_130 = tpu.memref_slice %arg2[%dma_start3A_128, %dma_start3A_129] : memref<10000x128xf32, #tpu.memory_space<hbm>> -> memref<10000x128xf32, #tpu.memory_space<hbm>>
      tpu.enqueue_indirect_dma source(%dma_start3A_130 : memref<10000x128xf32, #tpu.memory_space<hbm>>) target(%arg9 : memref<80x128xf32, #tpu.memory_space<vmem>>) offsets(%dma_start3A_127 : memref<80xi32, #tpu.memory_space<vmem>>) semaphore(%arg12 : memref<!tpu.dma_semaphore, #tpu.memory_space<semaphore_mem>>)
      "tpu.region"() ({
        %run_scoped3A_149 = tpu.sem_alloc : memref<!tpu.dma_semaphore, #tpu.memory_space<semaphore_mem>>
        %dma_start3A_150 = arith.constant 0 : i32
        %dma_start3A_151 = tpu.memref_slice %arg7[%mul3A_116, %dma_start3A_150] : memref<125x80xi32, #tpu.memory_space<vmem>> -> memref<1x80xi32, #tpu.memory_space<vmem>>
        %dma_start3A_152 = tpu.memref_squeeze %dma_start3A_151 : memref<1x80xi32, #tpu.memory_space<vmem>> -> memref<80xi32, #tpu.memory_space<vmem>>
        %dma_start3A_153 = arith.constant 0 : i32
        %dma_start3A_154 = arith.constant 0 : i32
        %dma_start3A_155 = tpu.memref_slice %arg10[%dma_start3A_153, %dma_start3A_154] : memref<10240x128xf32, #tpu.memory_space<vmem_shared>> -> memref<10240x128xf32, #tpu.memory_space<vmem_shared>>
        tpu.enqueue_indirect_dma source(%arg8 : memref<80x128xf32, #tpu.memory_space<vmem>>) target(%dma_start3A_155 : memref<10240x128xf32, #tpu.memory_space<vmem_shared>>) offsets(%dma_start3A_152 : memref<80xi32, #tpu.memory_space<vmem>>) semaphore(%run_scoped3A_149 : memref<!tpu.dma_semaphore, #tpu.memory_space<semaphore_mem>>) {add = true}
        %dma_wait3A_156 = arith.constant 0 : i32
        %dma_wait3A_157 = tpu.memref_slice %arg7[%mul3A_116, %dma_wait3A_156] : memref<125x80xi32, #tpu.memory_space<vmem>> -> memref<1x80xi32, #tpu.memory_space<vmem>>
        %dma_wait3A_158 = tpu.memref_squeeze %dma_wait3A_157 : memref<1x80xi32, #tpu.memory_space<vmem>> -> memref<80xi32, #tpu.memory_space<vmem>>
        %dma_wait3A_159 = arith.constant 0 : i32
        %dma_wait3A_160 = arith.constant 0 : i32
        %dma_wait3A_161 = tpu.memref_slice %arg10[%dma_wait3A_159, %dma_wait3A_160] : memref<10240x128xf32, #tpu.memory_space<vmem_shared>> -> memref<10240x128xf32, #tpu.memory_space<vmem_shared>>
        tpu.wait_indirect_dma semaphore(%run_scoped3A_149 : memref<!tpu.dma_semaphore, #tpu.memory_space<semaphore_mem>>) src(%arg8 : memref<80x128xf32, #tpu.memory_space<vmem>>) dst(%dma_wait3A_161 : memref<10240x128xf32, #tpu.memory_space<vmem_shared>>)
        tpu.yield
      }) : () -> ()
      %add3A_131 = arith.constant 2 : i32
      %add3A_132 = arith.addi %mul3A_116, %add3A_131 : i32
      %dma_start3A_133 = arith.constant 0 : i32
      %dma_start3A_134 = tpu.memref_slice %arg6[%add3A_132, %dma_start3A_133] : memref<125x80xi32, #tpu.memory_space<vmem>> -> memref<1x80xi32, #tpu.memory_space<vmem>>
      %dma_start3A_135 = tpu.memref_squeeze %dma_start3A_134 : memref<1x80xi32, #tpu.memory_space<vmem>> -> memref<80xi32, #tpu.memory_space<vmem>>
      %dma_start3A_136 = arith.constant 0 : i32
      %dma_start3A_137 = arith.constant 0 : i32
      %dma_start3A_138 = tpu.memref_slice %arg2[%dma_start3A_136, %dma_start3A_137] : memref<10000x128xf32, #tpu.memory_space<hbm>> -> memref<10000x128xf32, #tpu.memory_space<hbm>>
      tpu.enqueue_indirect_dma source(%dma_start3A_138 : memref<10000x128xf32, #tpu.memory_space<hbm>>) target(%arg8 : memref<80x128xf32, #tpu.memory_space<vmem>>) offsets(%dma_start3A_135 : memref<80xi32, #tpu.memory_space<vmem>>) semaphore(%arg11 : memref<!tpu.dma_semaphore, #tpu.memory_space<semaphore_mem>>)
      %add3A_139 = arith.constant 1 : i32
      %add3A_140 = arith.addi %mul3A_116, %add3A_139 : i32
      %dma_wait3A_141 = arith.constant 0 : i32
      %dma_wait3A_142 = tpu.memref_slice %arg6[%add3A_140, %dma_wait3A_141] : memref<125x80xi32, #tpu.memory_space<vmem>> -> memref<1x80xi32, #tpu.memory_space<vmem>>
      %dma_wait3A_143 = tpu.memref_squeeze %dma_wait3A_142 : memref<1x80xi32, #tpu.memory_space<vmem>> -> memref<80xi32, #tpu.memory_space<vmem>>
      %dma_wait3A_144 = arith.constant 0 : i32
      %dma_wait3A_145 = arith.constant 0 : i32
      %dma_wait3A_146 = tpu.memref_slice %arg2[%dma_wait3A_144, %dma_wait3A_145] : memref<10000x128xf32, #tpu.memory_space<hbm>> -> memref<10000x128xf32, #tpu.memory_space<hbm>>
      tpu.wait_indirect_dma semaphore(%arg12 : memref<!tpu.dma_semaphore, #tpu.memory_space<semaphore_mem>>) src(%dma_wait3A_146 : memref<10000x128xf32, #tpu.memory_space<hbm>>) dst(%arg9 : memref<80x128xf32, #tpu.memory_space<vmem>>)
      %add3A_147 = arith.constant 1 : i32
      %add3A_148 = arith.addi %mul3A_116, %add3A_147 : i32
      "tpu.region"() ({
        %run_scoped3A_149 = tpu.sem_alloc : memref<!tpu.dma_semaphore, #tpu.memory_space<semaphore_mem>>
        %dma_start3A_150 = arith.constant 0 : i32
        %dma_start3A_151 = tpu.memref_slice %arg7[%add3A_148, %dma_start3A_150] : memref<125x80xi32, #tpu.memory_space<vmem>> -> memref<1x80xi32, #tpu.memory_space<vmem>>
        %dma_start3A_152 = tpu.memref_squeeze %dma_start3A_151 : memref<1x80xi32, #tpu.memory_space<vmem>> -> memref<80xi32, #tpu.memory_space<vmem>>
        %dma_start3A_153 = arith.constant 0 : i32
        %dma_start3A_154 = arith.constant 0 : i32
        %dma_start3A_155 = tpu.memref_slice %arg10[%dma_start3A_153, %dma_start3A_154] : memref<10240x128xf32, #tpu.memory_space<vmem_shared>> -> memref<10240x128xf32, #tpu.memory_space<vmem_shared>>
        tpu.enqueue_indirect_dma source(%arg9 : memref<80x128xf32, #tpu.memory_space<vmem>>) target(%dma_start3A_155 : memref<10240x128xf32, #tpu.memory_space<vmem_shared>>) offsets(%dma_start3A_152 : memref<80xi32, #tpu.memory_space<vmem>>) semaphore(%run_scoped3A_149 : memref<!tpu.dma_semaphore, #tpu.memory_space<semaphore_mem>>) {add = true}
        %dma_wait3A_156 = arith.constant 0 : i32
        %dma_wait3A_157 = tpu.memref_slice %arg7[%add3A_148, %dma_wait3A_156] : memref<125x80xi32, #tpu.memory_space<vmem>> -> memref<1x80xi32, #tpu.memory_space<vmem>>
        %dma_wait3A_158 = tpu.memref_squeeze %dma_wait3A_157 : memref<1x80xi32, #tpu.memory_space<vmem>> -> memref<80xi32, #tpu.memory_space<vmem>>
        %dma_wait3A_159 = arith.constant 0 : i32
        %dma_wait3A_160 = arith.constant 0 : i32
        %dma_wait3A_161 = tpu.memref_slice %arg10[%dma_wait3A_159, %dma_wait3A_160] : memref<10240x128xf32, #tpu.memory_space<vmem_shared>> -> memref<10240x128xf32, #tpu.memory_space<vmem_shared>>
        tpu.wait_indirect_dma semaphore(%run_scoped3A_149 : memref<!tpu.dma_semaphore, #tpu.memory_space<semaphore_mem>>) src(%arg9 : memref<80x128xf32, #tpu.memory_space<vmem>>) dst(%dma_wait3A_161 : memref<10240x128xf32, #tpu.memory_space<vmem_shared>>)
        tpu.yield
      }) : () -> ()
    }
    %scan3A_50 = arith.constant 62 : i32
    %dma_wait3A = arith.constant 124 : i32
    %dma_wait3A_51 = arith.constant 0 : i32
    %dma_wait3A_52 = tpu.memref_slice %arg6[%dma_wait3A, %dma_wait3A_51] : memref<125x80xi32, #tpu.memory_space<vmem>> -> memref<1x80xi32, #tpu.memory_space<vmem>>
    %dma_wait3A_53 = tpu.memref_squeeze %dma_wait3A_52 : memref<1x80xi32, #tpu.memory_space<vmem>> -> memref<80xi32, #tpu.memory_space<vmem>>
    %dma_wait3A_54 = arith.constant 0 : i32
    %dma_wait3A_55 = arith.constant 0 : i32
    %dma_wait3A_56 = tpu.memref_slice %arg2[%dma_wait3A_54, %dma_wait3A_55] : memref<10000x128xf32, #tpu.memory_space<hbm>> -> memref<10000x128xf32, #tpu.memory_space<hbm>>
    tpu.wait_indirect_dma semaphore(%arg11 : memref<!tpu.dma_semaphore, #tpu.memory_space<semaphore_mem>>) src(%dma_wait3A_56 : memref<10000x128xf32, #tpu.memory_space<hbm>>) dst(%arg8 : memref<80x128xf32, #tpu.memory_space<vmem>>)
    %run_scoped3A = arith.constant 124 : i32
    "tpu.region"() ({
      %run_scoped3A_114 = tpu.sem_alloc : memref<!tpu.dma_semaphore, #tpu.memory_space<semaphore_mem>>
      %dma_start3A_115 = arith.constant 0 : i32
      %dma_start3A_116 = tpu.memref_slice %arg7[%run_scoped3A, %dma_start3A_115] : memref<125x80xi32, #tpu.memory_space<vmem>> -> memref<1x80xi32, #tpu.memory_space<vmem>>
      %dma_start3A_117 = tpu.memref_squeeze %dma_start3A_116 : memref<1x80xi32, #tpu.memory_space<vmem>> -> memref<80xi32, #tpu.memory_space<vmem>>
      %dma_start3A_118 = arith.constant 0 : i32
      %dma_start3A_119 = arith.constant 0 : i32
      %dma_start3A_120 = tpu.memref_slice %arg10[%dma_start3A_118, %dma_start3A_119] : memref<10240x128xf32, #tpu.memory_space<vmem_shared>> -> memref<10240x128xf32, #tpu.memory_space<vmem_shared>>
      tpu.enqueue_indirect_dma source(%arg8 : memref<80x128xf32, #tpu.memory_space<vmem>>) target(%dma_start3A_120 : memref<10240x128xf32, #tpu.memory_space<vmem_shared>>) offsets(%dma_start3A_117 : memref<80xi32, #tpu.memory_space<vmem>>) semaphore(%run_scoped3A_114 : memref<!tpu.dma_semaphore, #tpu.memory_space<semaphore_mem>>) {add = true}
      %dma_wait3A_121 = arith.constant 0 : i32
      %dma_wait3A_122 = tpu.memref_slice %arg7[%run_scoped3A, %dma_wait3A_121] : memref<125x80xi32, #tpu.memory_space<vmem>> -> memref<1x80xi32, #tpu.memory_space<vmem>>
      %dma_wait3A_123 = tpu.memref_squeeze %dma_wait3A_122 : memref<1x80xi32, #tpu.memory_space<vmem>> -> memref<80xi32, #tpu.memory_space<vmem>>
      %dma_wait3A_124 = arith.constant 0 : i32
      %dma_wait3A_125 = arith.constant 0 : i32
      %dma_wait3A_126 = tpu.memref_slice %arg10[%dma_wait3A_124, %dma_wait3A_125] : memref<10240x128xf32, #tpu.memory_space<vmem_shared>> -> memref<10240x128xf32, #tpu.memory_space<vmem_shared>>
      tpu.wait_indirect_dma semaphore(%run_scoped3A_114 : memref<!tpu.dma_semaphore, #tpu.memory_space<semaphore_mem>>) src(%arg8 : memref<80x128xf32, #tpu.memory_space<vmem>>) dst(%dma_wait3A_126 : memref<10240x128xf32, #tpu.memory_space<vmem_shared>>)
      tpu.yield
    }) : () -> ()
    %barrier3A_57 = arith.constant 0 : index
    tpu.barrier barrier_id(%barrier3A_57)
    %mul3A_58 = arith.constant 640 : i32
    %mul3A_59 = arith.muli %arg1, %mul3A_58 : i32
    %add3A_60 = arith.constant 0 : i32
    %add3A_61 = arith.addi %mul3A_59, %add3A_60 : i32
    "tpu.region"() ({
      %run_scoped3A_114 = tpu.sem_alloc : memref<!tpu.dma_semaphore, #tpu.memory_space<semaphore_mem>>
      %dma_start3A_115 = arith.constant 0 : i32
      %dma_start3A_116 = tpu.memref_slice %arg10[%add3A_61, %dma_start3A_115] : memref<10240x128xf32, #tpu.memory_space<vmem_shared>> -> memref<80x128xf32, #tpu.memory_space<vmem_shared>>
      %dma_start3A_117 = arith.constant 0 : i32
      %dma_start3A_118 = tpu.memref_slice %arg10[%add3A_61, %dma_start3A_117] : memref<10240x128xf32, #tpu.memory_space<vmem_shared>> -> memref<80x128xf32, #tpu.memory_space<vmem_shared>>
      tpu.enqueue_dma source(%dma_start3A_118 : memref<80x128xf32, #tpu.memory_space<vmem_shared>>) target(%arg8 : memref<80x128xf32, #tpu.memory_space<vmem>>) target_semaphore(%run_scoped3A_114 : memref<!tpu.dma_semaphore, #tpu.memory_space<semaphore_mem>>)
      %dma_wait3A_119 = arith.constant 0 : i32
      %dma_wait3A_120 = tpu.memref_slice %arg10[%add3A_61, %dma_wait3A_119] : memref<10240x128xf32, #tpu.memory_space<vmem_shared>> -> memref<80x128xf32, #tpu.memory_space<vmem_shared>>
      %dma_wait3A_121 = arith.constant 0 : i32
      %dma_wait3A_122 = tpu.memref_slice %arg10[%add3A_61, %dma_wait3A_121] : memref<10240x128xf32, #tpu.memory_space<vmem_shared>> -> memref<80x128xf32, #tpu.memory_space<vmem_shared>>
      tpu.wait_dma2 semaphore(%run_scoped3A_114 : memref<!tpu.dma_semaphore, #tpu.memory_space<semaphore_mem>>) src(%dma_wait3A_122 : memref<80x128xf32, #tpu.memory_space<vmem_shared>>) dst(%arg8 : memref<80x128xf32, #tpu.memory_space<vmem>>)
      tpu.yield
    }) : () -> ()
    %mul3A_62 = arith.constant 10240 : i32
    %mul3A_63 = arith.muli %arg0, %mul3A_62 : i32
    %add3A_64 = arith.addi %mul3A_63, %add3A_61 : i32
    "tpu.region"() ({
      %run_scoped3A_114 = tpu.sem_alloc : memref<!tpu.dma_semaphore, #tpu.memory_space<semaphore_mem>>
      %dma_start3A_115 = arith.constant 0 : i32
      %dma_start3A_116 = tpu.memref_slice %arg5[%add3A_64, %dma_start3A_115] : memref<20480x128xf32, #tpu.memory_space<hbm>> -> memref<80x128xf32, #tpu.memory_space<hbm>>
      %dma_start3A_117 = arith.constant 0 : i32
      %dma_start3A_118 = tpu.memref_slice %arg5[%add3A_64, %dma_start3A_117] : memref<20480x128xf32, #tpu.memory_space<hbm>> -> memref<80x128xf32, #tpu.memory_space<hbm>>
      tpu.enqueue_dma source(%arg8 : memref<80x128xf32, #tpu.memory_space<vmem>>) target(%dma_start3A_118 : memref<80x128xf32, #tpu.memory_space<hbm>>) target_semaphore(%run_scoped3A_114 : memref<!tpu.dma_semaphore, #tpu.memory_space<semaphore_mem>>)
      %dma_wait3A_119 = arith.constant 0 : i32
      %dma_wait3A_120 = tpu.memref_slice %arg5[%add3A_64, %dma_wait3A_119] : memref<20480x128xf32, #tpu.memory_space<hbm>> -> memref<80x128xf32, #tpu.memory_space<hbm>>
      %dma_wait3A_121 = arith.constant 0 : i32
      %dma_wait3A_122 = tpu.memref_slice %arg5[%add3A_64, %dma_wait3A_121] : memref<20480x128xf32, #tpu.memory_space<hbm>> -> memref<80x128xf32, #tpu.memory_space<hbm>>
      tpu.wait_dma2 semaphore(%run_scoped3A_114 : memref<!tpu.dma_semaphore, #tpu.memory_space<semaphore_mem>>) src(%arg8 : memref<80x128xf32, #tpu.memory_space<vmem>>) dst(%dma_wait3A_122 : memref<80x128xf32, #tpu.memory_space<hbm>>)
      tpu.yield
    }) : () -> ()
    %mul3A_65 = arith.constant 640 : i32
    %mul3A_66 = arith.muli %arg1, %mul3A_65 : i32
    %add3A_67 = arith.constant 80 : i32
    %add3A_68 = arith.addi %mul3A_66, %add3A_67 : i32
    "tpu.region"() ({
      %run_scoped3A_114 = tpu.sem_alloc : memref<!tpu.dma_semaphore, #tpu.memory_space<semaphore_mem>>
      %dma_start3A_115 = arith.constant 0 : i32
      %dma_start3A_116 = tpu.memref_slice %arg10[%add3A_68, %dma_start3A_115] : memref<10240x128xf32, #tpu.memory_space<vmem_shared>> -> memref<80x128xf32, #tpu.memory_space<vmem_shared>>
      %dma_start3A_117 = arith.constant 0 : i32
      %dma_start3A_118 = tpu.memref_slice %arg10[%add3A_68, %dma_start3A_117] : memref<10240x128xf32, #tpu.memory_space<vmem_shared>> -> memref<80x128xf32, #tpu.memory_space<vmem_shared>>
      tpu.enqueue_dma source(%dma_start3A_118 : memref<80x128xf32, #tpu.memory_space<vmem_shared>>) target(%arg8 : memref<80x128xf32, #tpu.memory_space<vmem>>) target_semaphore(%run_scoped3A_114 : memref<!tpu.dma_semaphore, #tpu.memory_space<semaphore_mem>>)
      %dma_wait3A_119 = arith.constant 0 : i32
      %dma_wait3A_120 = tpu.memref_slice %arg10[%add3A_68, %dma_wait3A_119] : memref<10240x128xf32, #tpu.memory_space<vmem_shared>> -> memref<80x128xf32, #tpu.memory_space<vmem_shared>>
      %dma_wait3A_121 = arith.constant 0 : i32
      %dma_wait3A_122 = tpu.memref_slice %arg10[%add3A_68, %dma_wait3A_121] : memref<10240x128xf32, #tpu.memory_space<vmem_shared>> -> memref<80x128xf32, #tpu.memory_space<vmem_shared>>
      tpu.wait_dma2 semaphore(%run_scoped3A_114 : memref<!tpu.dma_semaphore, #tpu.memory_space<semaphore_mem>>) src(%dma_wait3A_122 : memref<80x128xf32, #tpu.memory_space<vmem_shared>>) dst(%arg8 : memref<80x128xf32, #tpu.memory_space<vmem>>)
      tpu.yield
    }) : () -> ()
    %mul3A_69 = arith.constant 10240 : i32
    %mul3A_70 = arith.muli %arg0, %mul3A_69 : i32
    %add3A_71 = arith.addi %mul3A_70, %add3A_68 : i32
    "tpu.region"() ({
      %run_scoped3A_114 = tpu.sem_alloc : memref<!tpu.dma_semaphore, #tpu.memory_space<semaphore_mem>>
      %dma_start3A_115 = arith.constant 0 : i32
      %dma_start3A_116 = tpu.memref_slice %arg5[%add3A_71, %dma_start3A_115] : memref<20480x128xf32, #tpu.memory_space<hbm>> -> memref<80x128xf32, #tpu.memory_space<hbm>>
      %dma_start3A_117 = arith.constant 0 : i32
      %dma_start3A_118 = tpu.memref_slice %arg5[%add3A_71, %dma_start3A_117] : memref<20480x128xf32, #tpu.memory_space<hbm>> -> memref<80x128xf32, #tpu.memory_space<hbm>>
      tpu.enqueue_dma source(%arg8 : memref<80x128xf32, #tpu.memory_space<vmem>>) target(%dma_start3A_118 : memref<80x128xf32, #tpu.memory_space<hbm>>) target_semaphore(%run_scoped3A_114 : memref<!tpu.dma_semaphore, #tpu.memory_space<semaphore_mem>>)
      %dma_wait3A_119 = arith.constant 0 : i32
      %dma_wait3A_120 = tpu.memref_slice %arg5[%add3A_71, %dma_wait3A_119] : memref<20480x128xf32, #tpu.memory_space<hbm>> -> memref<80x128xf32, #tpu.memory_space<hbm>>
      %dma_wait3A_121 = arith.constant 0 : i32
      %dma_wait3A_122 = tpu.memref_slice %arg5[%add3A_71, %dma_wait3A_121] : memref<20480x128xf32, #tpu.memory_space<hbm>> -> memref<80x128xf32, #tpu.memory_space<hbm>>
      tpu.wait_dma2 semaphore(%run_scoped3A_114 : memref<!tpu.dma_semaphore, #tpu.memory_space<semaphore_mem>>) src(%arg8 : memref<80x128xf32, #tpu.memory_space<vmem>>) dst(%dma_wait3A_122 : memref<80x128xf32, #tpu.memory_space<hbm>>)
      tpu.yield
    }) : () -> ()
    %mul3A_72 = arith.constant 640 : i32
    %mul3A_73 = arith.muli %arg1, %mul3A_72 : i32
    %add3A_74 = arith.constant 160 : i32
    %add3A_75 = arith.addi %mul3A_73, %add3A_74 : i32
    "tpu.region"() ({
      %run_scoped3A_114 = tpu.sem_alloc : memref<!tpu.dma_semaphore, #tpu.memory_space<semaphore_mem>>
      %dma_start3A_115 = arith.constant 0 : i32
      %dma_start3A_116 = tpu.memref_slice %arg10[%add3A_75, %dma_start3A_115] : memref<10240x128xf32, #tpu.memory_space<vmem_shared>> -> memref<80x128xf32, #tpu.memory_space<vmem_shared>>
      %dma_start3A_117 = arith.constant 0 : i32
      %dma_start3A_118 = tpu.memref_slice %arg10[%add3A_75, %dma_start3A_117] : memref<10240x128xf32, #tpu.memory_space<vmem_shared>> -> memref<80x128xf32, #tpu.memory_space<vmem_shared>>
      tpu.enqueue_dma source(%dma_start3A_118 : memref<80x128xf32, #tpu.memory_space<vmem_shared>>) target(%arg8 : memref<80x128xf32, #tpu.memory_space<vmem>>) target_semaphore(%run_scoped3A_114 : memref<!tpu.dma_semaphore, #tpu.memory_space<semaphore_mem>>)
      %dma_wait3A_119 = arith.constant 0 : i32
      %dma_wait3A_120 = tpu.memref_slice %arg10[%add3A_75, %dma_wait3A_119] : memref<10240x128xf32, #tpu.memory_space<vmem_shared>> -> memref<80x128xf32, #tpu.memory_space<vmem_shared>>
      %dma_wait3A_121 = arith.constant 0 : i32
      %dma_wait3A_122 = tpu.memref_slice %arg10[%add3A_75, %dma_wait3A_121] : memref<10240x128xf32, #tpu.memory_space<vmem_shared>> -> memref<80x128xf32, #tpu.memory_space<vmem_shared>>
      tpu.wait_dma2 semaphore(%run_scoped3A_114 : memref<!tpu.dma_semaphore, #tpu.memory_space<semaphore_mem>>) src(%dma_wait3A_122 : memref<80x128xf32, #tpu.memory_space<vmem_shared>>) dst(%arg8 : memref<80x128xf32, #tpu.memory_space<vmem>>)
      tpu.yield
    }) : () -> ()
    %mul3A_76 = arith.constant 10240 : i32
    %mul3A_77 = arith.muli %arg0, %mul3A_76 : i32
    %add3A_78 = arith.addi %mul3A_77, %add3A_75 : i32
    "tpu.region"() ({
      %run_scoped3A_114 = tpu.sem_alloc : memref<!tpu.dma_semaphore, #tpu.memory_space<semaphore_mem>>
      %dma_start3A_115 = arith.constant 0 : i32
      %dma_start3A_116 = tpu.memref_slice %arg5[%add3A_78, %dma_start3A_115] : memref<20480x128xf32, #tpu.memory_space<hbm>> -> memref<80x128xf32, #tpu.memory_space<hbm>>
      %dma_start3A_117 = arith.constant 0 : i32
      %dma_start3A_118 = tpu.memref_slice %arg5[%add3A_78, %dma_start3A_117] : memref<20480x128xf32, #tpu.memory_space<hbm>> -> memref<80x128xf32, #tpu.memory_space<hbm>>
      tpu.enqueue_dma source(%arg8 : memref<80x128xf32, #tpu.memory_space<vmem>>) target(%dma_start3A_118 : memref<80x128xf32, #tpu.memory_space<hbm>>) target_semaphore(%run_scoped3A_114 : memref<!tpu.dma_semaphore, #tpu.memory_space<semaphore_mem>>)
      %dma_wait3A_119 = arith.constant 0 : i32
      %dma_wait3A_120 = tpu.memref_slice %arg5[%add3A_78, %dma_wait3A_119] : memref<20480x128xf32, #tpu.memory_space<hbm>> -> memref<80x128xf32, #tpu.memory_space<hbm>>
      %dma_wait3A_121 = arith.constant 0 : i32
      %dma_wait3A_122 = tpu.memref_slice %arg5[%add3A_78, %dma_wait3A_121] : memref<20480x128xf32, #tpu.memory_space<hbm>> -> memref<80x128xf32, #tpu.memory_space<hbm>>
      tpu.wait_dma2 semaphore(%run_scoped3A_114 : memref<!tpu.dma_semaphore, #tpu.memory_space<semaphore_mem>>) src(%arg8 : memref<80x128xf32, #tpu.memory_space<vmem>>) dst(%dma_wait3A_122 : memref<80x128xf32, #tpu.memory_space<hbm>>)
      tpu.yield
    }) : () -> ()
    %mul3A_79 = arith.constant 640 : i32
    %mul3A_80 = arith.muli %arg1, %mul3A_79 : i32
    %add3A_81 = arith.constant 240 : i32
    %add3A_82 = arith.addi %mul3A_80, %add3A_81 : i32
    "tpu.region"() ({
      %run_scoped3A_114 = tpu.sem_alloc : memref<!tpu.dma_semaphore, #tpu.memory_space<semaphore_mem>>
      %dma_start3A_115 = arith.constant 0 : i32
      %dma_start3A_116 = tpu.memref_slice %arg10[%add3A_82, %dma_start3A_115] : memref<10240x128xf32, #tpu.memory_space<vmem_shared>> -> memref<80x128xf32, #tpu.memory_space<vmem_shared>>
      %dma_start3A_117 = arith.constant 0 : i32
      %dma_start3A_118 = tpu.memref_slice %arg10[%add3A_82, %dma_start3A_117] : memref<10240x128xf32, #tpu.memory_space<vmem_shared>> -> memref<80x128xf32, #tpu.memory_space<vmem_shared>>
      tpu.enqueue_dma source(%dma_start3A_118 : memref<80x128xf32, #tpu.memory_space<vmem_shared>>) target(%arg8 : memref<80x128xf32, #tpu.memory_space<vmem>>) target_semaphore(%run_scoped3A_114 : memref<!tpu.dma_semaphore, #tpu.memory_space<semaphore_mem>>)
      %dma_wait3A_119 = arith.constant 0 : i32
      %dma_wait3A_120 = tpu.memref_slice %arg10[%add3A_82, %dma_wait3A_119] : memref<10240x128xf32, #tpu.memory_space<vmem_shared>> -> memref<80x128xf32, #tpu.memory_space<vmem_shared>>
      %dma_wait3A_121 = arith.constant 0 : i32
      %dma_wait3A_122 = tpu.memref_slice %arg10[%add3A_82, %dma_wait3A_121] : memref<10240x128xf32, #tpu.memory_space<vmem_shared>> -> memref<80x128xf32, #tpu.memory_space<vmem_shared>>
      tpu.wait_dma2 semaphore(%run_scoped3A_114 : memref<!tpu.dma_semaphore, #tpu.memory_space<semaphore_mem>>) src(%dma_wait3A_122 : memref<80x128xf32, #tpu.memory_space<vmem_shared>>) dst(%arg8 : memref<80x128xf32, #tpu.memory_space<vmem>>)
      tpu.yield
    }) : () -> ()
    %mul3A_83 = arith.constant 10240 : i32
    %mul3A_84 = arith.muli %arg0, %mul3A_83 : i32
    %add3A_85 = arith.addi %mul3A_84, %add3A_82 : i32
    "tpu.region"() ({
      %run_scoped3A_114 = tpu.sem_alloc : memref<!tpu.dma_semaphore, #tpu.memory_space<semaphore_mem>>
      %dma_start3A_115 = arith.constant 0 : i32
      %dma_start3A_116 = tpu.memref_slice %arg5[%add3A_85, %dma_start3A_115] : memref<20480x128xf32, #tpu.memory_space<hbm>> -> memref<80x128xf32, #tpu.memory_space<hbm>>
      %dma_start3A_117 = arith.constant 0 : i32
      %dma_start3A_118 = tpu.memref_slice %arg5[%add3A_85, %dma_start3A_117] : memref<20480x128xf32, #tpu.memory_space<hbm>> -> memref<80x128xf32, #tpu.memory_space<hbm>>
      tpu.enqueue_dma source(%arg8 : memref<80x128xf32, #tpu.memory_space<vmem>>) target(%dma_start3A_118 : memref<80x128xf32, #tpu.memory_space<hbm>>) target_semaphore(%run_scoped3A_114 : memref<!tpu.dma_semaphore, #tpu.memory_space<semaphore_mem>>)
      %dma_wait3A_119 = arith.constant 0 : i32
      %dma_wait3A_120 = tpu.memref_slice %arg5[%add3A_85, %dma_wait3A_119] : memref<20480x128xf32, #tpu.memory_space<hbm>> -> memref<80x128xf32, #tpu.memory_space<hbm>>
      %dma_wait3A_121 = arith.constant 0 : i32
      %dma_wait3A_122 = tpu.memref_slice %arg5[%add3A_85, %dma_wait3A_121] : memref<20480x128xf32, #tpu.memory_space<hbm>> -> memref<80x128xf32, #tpu.memory_space<hbm>>
      tpu.wait_dma2 semaphore(%run_scoped3A_114 : memref<!tpu.dma_semaphore, #tpu.memory_space<semaphore_mem>>) src(%arg8 : memref<80x128xf32, #tpu.memory_space<vmem>>) dst(%dma_wait3A_122 : memref<80x128xf32, #tpu.memory_space<hbm>>)
      tpu.yield
    }) : () -> ()
    %mul3A_86 = arith.constant 640 : i32
    %mul3A_87 = arith.muli %arg1, %mul3A_86 : i32
    %add3A_88 = arith.constant 320 : i32
    %add3A_89 = arith.addi %mul3A_87, %add3A_88 : i32
    "tpu.region"() ({
      %run_scoped3A_114 = tpu.sem_alloc : memref<!tpu.dma_semaphore, #tpu.memory_space<semaphore_mem>>
      %dma_start3A_115 = arith.constant 0 : i32
      %dma_start3A_116 = tpu.memref_slice %arg10[%add3A_89, %dma_start3A_115] : memref<10240x128xf32, #tpu.memory_space<vmem_shared>> -> memref<80x128xf32, #tpu.memory_space<vmem_shared>>
      %dma_start3A_117 = arith.constant 0 : i32
      %dma_start3A_118 = tpu.memref_slice %arg10[%add3A_89, %dma_start3A_117] : memref<10240x128xf32, #tpu.memory_space<vmem_shared>> -> memref<80x128xf32, #tpu.memory_space<vmem_shared>>
      tpu.enqueue_dma source(%dma_start3A_118 : memref<80x128xf32, #tpu.memory_space<vmem_shared>>) target(%arg8 : memref<80x128xf32, #tpu.memory_space<vmem>>) target_semaphore(%run_scoped3A_114 : memref<!tpu.dma_semaphore, #tpu.memory_space<semaphore_mem>>)
      %dma_wait3A_119 = arith.constant 0 : i32
      %dma_wait3A_120 = tpu.memref_slice %arg10[%add3A_89, %dma_wait3A_119] : memref<10240x128xf32, #tpu.memory_space<vmem_shared>> -> memref<80x128xf32, #tpu.memory_space<vmem_shared>>
      %dma_wait3A_121 = arith.constant 0 : i32
      %dma_wait3A_122 = tpu.memref_slice %arg10[%add3A_89, %dma_wait3A_121] : memref<10240x128xf32, #tpu.memory_space<vmem_shared>> -> memref<80x128xf32, #tpu.memory_space<vmem_shared>>
      tpu.wait_dma2 semaphore(%run_scoped3A_114 : memref<!tpu.dma_semaphore, #tpu.memory_space<semaphore_mem>>) src(%dma_wait3A_122 : memref<80x128xf32, #tpu.memory_space<vmem_shared>>) dst(%arg8 : memref<80x128xf32, #tpu.memory_space<vmem>>)
      tpu.yield
    }) : () -> ()
    %mul3A_90 = arith.constant 10240 : i32
    %mul3A_91 = arith.muli %arg0, %mul3A_90 : i32
    %add3A_92 = arith.addi %mul3A_91, %add3A_89 : i32
    "tpu.region"() ({
      %run_scoped3A_114 = tpu.sem_alloc : memref<!tpu.dma_semaphore, #tpu.memory_space<semaphore_mem>>
      %dma_start3A_115 = arith.constant 0 : i32
      %dma_start3A_116 = tpu.memref_slice %arg5[%add3A_92, %dma_start3A_115] : memref<20480x128xf32, #tpu.memory_space<hbm>> -> memref<80x128xf32, #tpu.memory_space<hbm>>
      %dma_start3A_117 = arith.constant 0 : i32
      %dma_start3A_118 = tpu.memref_slice %arg5[%add3A_92, %dma_start3A_117] : memref<20480x128xf32, #tpu.memory_space<hbm>> -> memref<80x128xf32, #tpu.memory_space<hbm>>
      tpu.enqueue_dma source(%arg8 : memref<80x128xf32, #tpu.memory_space<vmem>>) target(%dma_start3A_118 : memref<80x128xf32, #tpu.memory_space<hbm>>) target_semaphore(%run_scoped3A_114 : memref<!tpu.dma_semaphore, #tpu.memory_space<semaphore_mem>>)
      %dma_wait3A_119 = arith.constant 0 : i32
      %dma_wait3A_120 = tpu.memref_slice %arg5[%add3A_92, %dma_wait3A_119] : memref<20480x128xf32, #tpu.memory_space<hbm>> -> memref<80x128xf32, #tpu.memory_space<hbm>>
      %dma_wait3A_121 = arith.constant 0 : i32
      %dma_wait3A_122 = tpu.memref_slice %arg5[%add3A_92, %dma_wait3A_121] : memref<20480x128xf32, #tpu.memory_space<hbm>> -> memref<80x128xf32, #tpu.memory_space<hbm>>
      tpu.wait_dma2 semaphore(%run_scoped3A_114 : memref<!tpu.dma_semaphore, #tpu.memory_space<semaphore_mem>>) src(%arg8 : memref<80x128xf32, #tpu.memory_space<vmem>>) dst(%dma_wait3A_122 : memref<80x128xf32, #tpu.memory_space<hbm>>)
      tpu.yield
    }) : () -> ()
    %mul3A_93 = arith.constant 640 : i32
    %mul3A_94 = arith.muli %arg1, %mul3A_93 : i32
    %add3A_95 = arith.constant 400 : i32
    %add3A_96 = arith.addi %mul3A_94, %add3A_95 : i32
    "tpu.region"() ({
      %run_scoped3A_114 = tpu.sem_alloc : memref<!tpu.dma_semaphore, #tpu.memory_space<semaphore_mem>>
      %dma_start3A_115 = arith.constant 0 : i32
      %dma_start3A_116 = tpu.memref_slice %arg10[%add3A_96, %dma_start3A_115] : memref<10240x128xf32, #tpu.memory_space<vmem_shared>> -> memref<80x128xf32, #tpu.memory_space<vmem_shared>>
      %dma_start3A_117 = arith.constant 0 : i32
      %dma_start3A_118 = tpu.memref_slice %arg10[%add3A_96, %dma_start3A_117] : memref<10240x128xf32, #tpu.memory_space<vmem_shared>> -> memref<80x128xf32, #tpu.memory_space<vmem_shared>>
      tpu.enqueue_dma source(%dma_start3A_118 : memref<80x128xf32, #tpu.memory_space<vmem_shared>>) target(%arg8 : memref<80x128xf32, #tpu.memory_space<vmem>>) target_semaphore(%run_scoped3A_114 : memref<!tpu.dma_semaphore, #tpu.memory_space<semaphore_mem>>)
      %dma_wait3A_119 = arith.constant 0 : i32
      %dma_wait3A_120 = tpu.memref_slice %arg10[%add3A_96, %dma_wait3A_119] : memref<10240x128xf32, #tpu.memory_space<vmem_shared>> -> memref<80x128xf32, #tpu.memory_space<vmem_shared>>
      %dma_wait3A_121 = arith.constant 0 : i32
      %dma_wait3A_122 = tpu.memref_slice %arg10[%add3A_96, %dma_wait3A_121] : memref<10240x128xf32, #tpu.memory_space<vmem_shared>> -> memref<80x128xf32, #tpu.memory_space<vmem_shared>>
      tpu.wait_dma2 semaphore(%run_scoped3A_114 : memref<!tpu.dma_semaphore, #tpu.memory_space<semaphore_mem>>) src(%dma_wait3A_122 : memref<80x128xf32, #tpu.memory_space<vmem_shared>>) dst(%arg8 : memref<80x128xf32, #tpu.memory_space<vmem>>)
      tpu.yield
    }) : () -> ()
    %mul3A_97 = arith.constant 10240 : i32
    %mul3A_98 = arith.muli %arg0, %mul3A_97 : i32
    %add3A_99 = arith.addi %mul3A_98, %add3A_96 : i32
    "tpu.region"() ({
      %run_scoped3A_114 = tpu.sem_alloc : memref<!tpu.dma_semaphore, #tpu.memory_space<semaphore_mem>>
      %dma_start3A_115 = arith.constant 0 : i32
      %dma_start3A_116 = tpu.memref_slice %arg5[%add3A_99, %dma_start3A_115] : memref<20480x128xf32, #tpu.memory_space<hbm>> -> memref<80x128xf32, #tpu.memory_space<hbm>>
      %dma_start3A_117 = arith.constant 0 : i32
      %dma_start3A_118 = tpu.memref_slice %arg5[%add3A_99, %dma_start3A_117] : memref<20480x128xf32, #tpu.memory_space<hbm>> -> memref<80x128xf32, #tpu.memory_space<hbm>>
      tpu.enqueue_dma source(%arg8 : memref<80x128xf32, #tpu.memory_space<vmem>>) target(%dma_start3A_118 : memref<80x128xf32, #tpu.memory_space<hbm>>) target_semaphore(%run_scoped3A_114 : memref<!tpu.dma_semaphore, #tpu.memory_space<semaphore_mem>>)
      %dma_wait3A_119 = arith.constant 0 : i32
      %dma_wait3A_120 = tpu.memref_slice %arg5[%add3A_99, %dma_wait3A_119] : memref<20480x128xf32, #tpu.memory_space<hbm>> -> memref<80x128xf32, #tpu.memory_space<hbm>>
      %dma_wait3A_121 = arith.constant 0 : i32
      %dma_wait3A_122 = tpu.memref_slice %arg5[%add3A_99, %dma_wait3A_121] : memref<20480x128xf32, #tpu.memory_space<hbm>> -> memref<80x128xf32, #tpu.memory_space<hbm>>
      tpu.wait_dma2 semaphore(%run_scoped3A_114 : memref<!tpu.dma_semaphore, #tpu.memory_space<semaphore_mem>>) src(%arg8 : memref<80x128xf32, #tpu.memory_space<vmem>>) dst(%dma_wait3A_122 : memref<80x128xf32, #tpu.memory_space<hbm>>)
      tpu.yield
    }) : () -> ()
    %mul3A_100 = arith.constant 640 : i32
    %mul3A_101 = arith.muli %arg1, %mul3A_100 : i32
    %add3A_102 = arith.constant 480 : i32
    %add3A_103 = arith.addi %mul3A_101, %add3A_102 : i32
    "tpu.region"() ({
      %run_scoped3A_114 = tpu.sem_alloc : memref<!tpu.dma_semaphore, #tpu.memory_space<semaphore_mem>>
      %dma_start3A_115 = arith.constant 0 : i32
      %dma_start3A_116 = tpu.memref_slice %arg10[%add3A_103, %dma_start3A_115] : memref<10240x128xf32, #tpu.memory_space<vmem_shared>> -> memref<80x128xf32, #tpu.memory_space<vmem_shared>>
      %dma_start3A_117 = arith.constant 0 : i32
      %dma_start3A_118 = tpu.memref_slice %arg10[%add3A_103, %dma_start3A_117] : memref<10240x128xf32, #tpu.memory_space<vmem_shared>> -> memref<80x128xf32, #tpu.memory_space<vmem_shared>>
      tpu.enqueue_dma source(%dma_start3A_118 : memref<80x128xf32, #tpu.memory_space<vmem_shared>>) target(%arg8 : memref<80x128xf32, #tpu.memory_space<vmem>>) target_semaphore(%run_scoped3A_114 : memref<!tpu.dma_semaphore, #tpu.memory_space<semaphore_mem>>)
      %dma_wait3A_119 = arith.constant 0 : i32
      %dma_wait3A_120 = tpu.memref_slice %arg10[%add3A_103, %dma_wait3A_119] : memref<10240x128xf32, #tpu.memory_space<vmem_shared>> -> memref<80x128xf32, #tpu.memory_space<vmem_shared>>
      %dma_wait3A_121 = arith.constant 0 : i32
      %dma_wait3A_122 = tpu.memref_slice %arg10[%add3A_103, %dma_wait3A_121] : memref<10240x128xf32, #tpu.memory_space<vmem_shared>> -> memref<80x128xf32, #tpu.memory_space<vmem_shared>>
      tpu.wait_dma2 semaphore(%run_scoped3A_114 : memref<!tpu.dma_semaphore, #tpu.memory_space<semaphore_mem>>) src(%dma_wait3A_122 : memref<80x128xf32, #tpu.memory_space<vmem_shared>>) dst(%arg8 : memref<80x128xf32, #tpu.memory_space<vmem>>)
      tpu.yield
    }) : () -> ()
    %mul3A_104 = arith.constant 10240 : i32
    %mul3A_105 = arith.muli %arg0, %mul3A_104 : i32
    %add3A_106 = arith.addi %mul3A_105, %add3A_103 : i32
    "tpu.region"() ({
      %run_scoped3A_114 = tpu.sem_alloc : memref<!tpu.dma_semaphore, #tpu.memory_space<semaphore_mem>>
      %dma_start3A_115 = arith.constant 0 : i32
      %dma_start3A_116 = tpu.memref_slice %arg5[%add3A_106, %dma_start3A_115] : memref<20480x128xf32, #tpu.memory_space<hbm>> -> memref<80x128xf32, #tpu.memory_space<hbm>>
      %dma_start3A_117 = arith.constant 0 : i32
      %dma_start3A_118 = tpu.memref_slice %arg5[%add3A_106, %dma_start3A_117] : memref<20480x128xf32, #tpu.memory_space<hbm>> -> memref<80x128xf32, #tpu.memory_space<hbm>>
      tpu.enqueue_dma source(%arg8 : memref<80x128xf32, #tpu.memory_space<vmem>>) target(%dma_start3A_118 : memref<80x128xf32, #tpu.memory_space<hbm>>) target_semaphore(%run_scoped3A_114 : memref<!tpu.dma_semaphore, #tpu.memory_space<semaphore_mem>>)
      %dma_wait3A_119 = arith.constant 0 : i32
      %dma_wait3A_120 = tpu.memref_slice %arg5[%add3A_106, %dma_wait3A_119] : memref<20480x128xf32, #tpu.memory_space<hbm>> -> memref<80x128xf32, #tpu.memory_space<hbm>>
      %dma_wait3A_121 = arith.constant 0 : i32
      %dma_wait3A_122 = tpu.memref_slice %arg5[%add3A_106, %dma_wait3A_121] : memref<20480x128xf32, #tpu.memory_space<hbm>> -> memref<80x128xf32, #tpu.memory_space<hbm>>
      tpu.wait_dma2 semaphore(%run_scoped3A_114 : memref<!tpu.dma_semaphore, #tpu.memory_space<semaphore_mem>>) src(%arg8 : memref<80x128xf32, #tpu.memory_space<vmem>>) dst(%dma_wait3A_122 : memref<80x128xf32, #tpu.memory_space<hbm>>)
      tpu.yield
    }) : () -> ()
    %mul3A_107 = arith.constant 640 : i32
    %mul3A_108 = arith.muli %arg1, %mul3A_107 : i32
    %add3A_109 = arith.constant 560 : i32
    %add3A_110 = arith.addi %mul3A_108, %add3A_109 : i32
    "tpu.region"() ({
      %run_scoped3A_114 = tpu.sem_alloc : memref<!tpu.dma_semaphore, #tpu.memory_space<semaphore_mem>>
      %dma_start3A_115 = arith.constant 0 : i32
      %dma_start3A_116 = tpu.memref_slice %arg10[%add3A_110, %dma_start3A_115] : memref<10240x128xf32, #tpu.memory_space<vmem_shared>> -> memref<80x128xf32, #tpu.memory_space<vmem_shared>>
      %dma_start3A_117 = arith.constant 0 : i32
      %dma_start3A_118 = tpu.memref_slice %arg10[%add3A_110, %dma_start3A_117] : memref<10240x128xf32, #tpu.memory_space<vmem_shared>> -> memref<80x128xf32, #tpu.memory_space<vmem_shared>>
      tpu.enqueue_dma source(%dma_start3A_118 : memref<80x128xf32, #tpu.memory_space<vmem_shared>>) target(%arg8 : memref<80x128xf32, #tpu.memory_space<vmem>>) target_semaphore(%run_scoped3A_114 : memref<!tpu.dma_semaphore, #tpu.memory_space<semaphore_mem>>)
      %dma_wait3A_119 = arith.constant 0 : i32
      %dma_wait3A_120 = tpu.memref_slice %arg10[%add3A_110, %dma_wait3A_119] : memref<10240x128xf32, #tpu.memory_space<vmem_shared>> -> memref<80x128xf32, #tpu.memory_space<vmem_shared>>
      %dma_wait3A_121 = arith.constant 0 : i32
      %dma_wait3A_122 = tpu.memref_slice %arg10[%add3A_110, %dma_wait3A_121] : memref<10240x128xf32, #tpu.memory_space<vmem_shared>> -> memref<80x128xf32, #tpu.memory_space<vmem_shared>>
      tpu.wait_dma2 semaphore(%run_scoped3A_114 : memref<!tpu.dma_semaphore, #tpu.memory_space<semaphore_mem>>) src(%dma_wait3A_122 : memref<80x128xf32, #tpu.memory_space<vmem_shared>>) dst(%arg8 : memref<80x128xf32, #tpu.memory_space<vmem>>)
      tpu.yield
    }) : () -> ()
    %mul3A_111 = arith.constant 10240 : i32
    %mul3A_112 = arith.muli %arg0, %mul3A_111 : i32
    %add3A_113 = arith.addi %mul3A_112, %add3A_110 : i32
    "tpu.region"() ({
      %run_scoped3A_114 = tpu.sem_alloc : memref<!tpu.dma_semaphore, #tpu.memory_space<semaphore_mem>>
      %dma_start3A_115 = arith.constant 0 : i32
      %dma_start3A_116 = tpu.memref_slice %arg5[%add3A_113, %dma_start3A_115] : memref<20480x128xf32, #tpu.memory_space<hbm>> -> memref<80x128xf32, #tpu.memory_space<hbm>>
      %dma_start3A_117 = arith.constant 0 : i32
      %dma_start3A_118 = tpu.memref_slice %arg5[%add3A_113, %dma_start3A_117] : memref<20480x128xf32, #tpu.memory_space<hbm>> -> memref<80x128xf32, #tpu.memory_space<hbm>>
      tpu.enqueue_dma source(%arg8 : memref<80x128xf32, #tpu.memory_space<vmem>>) target(%dma_start3A_118 : memref<80x128xf32, #tpu.memory_space<hbm>>) target_semaphore(%run_scoped3A_114 : memref<!tpu.dma_semaphore, #tpu.memory_space<semaphore_mem>>)
      %dma_wait3A_119 = arith.constant 0 : i32
      %dma_wait3A_120 = tpu.memref_slice %arg5[%add3A_113, %dma_wait3A_119] : memref<20480x128xf32, #tpu.memory_space<hbm>> -> memref<80x128xf32, #tpu.memory_space<hbm>>
      %dma_wait3A_121 = arith.constant 0 : i32
      %dma_wait3A_122 = tpu.memref_slice %arg5[%add3A_113, %dma_wait3A_121] : memref<20480x128xf32, #tpu.memory_space<hbm>> -> memref<80x128xf32, #tpu.memory_space<hbm>>
      tpu.wait_dma2 semaphore(%run_scoped3A_114 : memref<!tpu.dma_semaphore, #tpu.memory_space<semaphore_mem>>) src(%arg8 : memref<80x128xf32, #tpu.memory_space<vmem>>) dst(%dma_wait3A_122 : memref<80x128xf32, #tpu.memory_space<hbm>>)
      tpu.yield
    }) : () -> ()
    return
  }
}

#map = affine_map<(d0, d1) -> (0, 0)>
#map1 = affine_map<(d0, d1) -> (0, 0, 0)>
module attributes {stable_mosaic.version = 14 : i64} {
  func.func @body(%arg0: i32, %arg1: i32, %arg2: memref<10000x16xf32, #tpu.memory_space<hbm>>, %arg3: memref<32x125x80xi32, #tpu.memory_space<hbm>>, %arg4: memref<32x125x80xi32, #tpu.memory_space<hbm>>, %arg5: memref<20480x16xf32, #tpu.memory_space<hbm>>, %arg6: memref<125x80xi32, #tpu.memory_space<vmem>>, %arg7: memref<125x80xi32, #tpu.memory_space<vmem>>, %arg8: memref<80x16xf32, #tpu.memory_space<vmem>>, %arg9: memref<80x16xf32, #tpu.memory_space<vmem>>, %arg10: memref<10240x16xf32, #tpu.memory_space<vmem_shared>>, %arg11: memref<!tpu.dma_semaphore, #tpu.memory_space<semaphore_mem>>, %arg12: memref<!tpu.dma_semaphore, #tpu.memory_space<semaphore_mem>>) attributes {dimension_semantics = [#tpu.dimension_semantics<core_parallel>, #tpu.dimension_semantics<subcore_parallel>], iteration_bounds = array<i64: 2, 16>, scalar_prefetch = 0 : i64, scratch_operands = 7 : i64, tpu.core_type = #tpu.core_type<sc_vector_subcore>, window_params = [{transform_indices = #map}, {transform_indices = #map1}, {transform_indices = #map1}, {transform_indices = #map}]} {
    %mul3A = arith.constant 2 : i32
    %mul3A_0 = arith.muli %arg1, %mul3A : i32
    %add3A = arith.addi %mul3A_0, %arg0 : i32
    "tpu.region"() ({
      %run_scoped3A_114 = tpu.sem_alloc : memref<!tpu.dma_semaphore, #tpu.memory_space<semaphore_mem>>
      %dma_start3A_115 = arith.constant 0 : i32
      %dma_start3A_116 = arith.constant 0 : i32
      %dma_start3A_117 = tpu.memref_slice %arg3[%add3A, %dma_start3A_115, %dma_start3A_116] : memref<32x125x80xi32, #tpu.memory_space<hbm>> -> memref<1x125x80xi32, #tpu.memory_space<hbm>>
      %dma_start3A_118 = tpu.memref_squeeze %dma_start3A_117 : memref<1x125x80xi32, #tpu.memory_space<hbm>> -> memref<125x80xi32, #tpu.memory_space<hbm>>
      %dma_start3A_119 = arith.constant 0 : i32
      %dma_start3A_120 = arith.constant 0 : i32
      %dma_start3A_121 = tpu.memref_slice %arg3[%add3A, %dma_start3A_119, %dma_start3A_120] : memref<32x125x80xi32, #tpu.memory_space<hbm>> -> memref<1x125x80xi32, #tpu.memory_space<hbm>>
      %dma_start3A_122 = tpu.memref_squeeze %dma_start3A_121 : memref<1x125x80xi32, #tpu.memory_space<hbm>> -> memref<125x80xi32, #tpu.memory_space<hbm>>
      tpu.enqueue_dma source(%dma_start3A_122 : memref<125x80xi32, #tpu.memory_space<hbm>>) target(%arg6 : memref<125x80xi32, #tpu.memory_space<vmem>>) target_semaphore(%run_scoped3A_114 : memref<!tpu.dma_semaphore, #tpu.memory_space<semaphore_mem>>)
      %dma_wait3A_123 = arith.constant 0 : i32
      %dma_wait3A_124 = arith.constant 0 : i32
      %dma_wait3A_125 = tpu.memref_slice %arg3[%add3A, %dma_wait3A_123, %dma_wait3A_124] : memref<32x125x80xi32, #tpu.memory_space<hbm>> -> memref<1x125x80xi32, #tpu.memory_space<hbm>>
      %dma_wait3A_126 = tpu.memref_squeeze %dma_wait3A_125 : memref<1x125x80xi32, #tpu.memory_space<hbm>> -> memref<125x80xi32, #tpu.memory_space<hbm>>
      %dma_wait3A_127 = arith.constant 0 : i32
      %dma_wait3A_128 = arith.constant 0 : i32
      %dma_wait3A_129 = tpu.memref_slice %arg3[%add3A, %dma_wait3A_127, %dma_wait3A_128] : memref<32x125x80xi32, #tpu.memory_space<hbm>> -> memref<1x125x80xi32, #tpu.memory_space<hbm>>
      %dma_wait3A_130 = tpu.memref_squeeze %dma_wait3A_129 : memref<1x125x80xi32, #tpu.memory_space<hbm>> -> memref<125x80xi32, #tpu.memory_space<hbm>>
      tpu.wait_dma2 semaphore(%run_scoped3A_114 : memref<!tpu.dma_semaphore, #tpu.memory_space<semaphore_mem>>) src(%dma_wait3A_130 : memref<125x80xi32, #tpu.memory_space<hbm>>) dst(%arg6 : memref<125x80xi32, #tpu.memory_space<vmem>>)
      tpu.yield
    }) : () -> ()
    "tpu.region"() ({
      %run_scoped3A_114 = tpu.sem_alloc : memref<!tpu.dma_semaphore, #tpu.memory_space<semaphore_mem>>
      %dma_start3A_115 = arith.constant 0 : i32
      %dma_start3A_116 = arith.constant 0 : i32
      %dma_start3A_117 = tpu.memref_slice %arg4[%add3A, %dma_start3A_115, %dma_start3A_116] : memref<32x125x80xi32, #tpu.memory_space<hbm>> -> memref<1x125x80xi32, #tpu.memory_space<hbm>>
      %dma_start3A_118 = tpu.memref_squeeze %dma_start3A_117 : memref<1x125x80xi32, #tpu.memory_space<hbm>> -> memref<125x80xi32, #tpu.memory_space<hbm>>
      %dma_start3A_119 = arith.constant 0 : i32
      %dma_start3A_120 = arith.constant 0 : i32
      %dma_start3A_121 = tpu.memref_slice %arg4[%add3A, %dma_start3A_119, %dma_start3A_120] : memref<32x125x80xi32, #tpu.memory_space<hbm>> -> memref<1x125x80xi32, #tpu.memory_space<hbm>>
      %dma_start3A_122 = tpu.memref_squeeze %dma_start3A_121 : memref<1x125x80xi32, #tpu.memory_space<hbm>> -> memref<125x80xi32, #tpu.memory_space<hbm>>
      tpu.enqueue_dma source(%dma_start3A_122 : memref<125x80xi32, #tpu.memory_space<hbm>>) target(%arg7 : memref<125x80xi32, #tpu.memory_space<vmem>>) target_semaphore(%run_scoped3A_114 : memref<!tpu.dma_semaphore, #tpu.memory_space<semaphore_mem>>)
      %dma_wait3A_123 = arith.constant 0 : i32
      %dma_wait3A_124 = arith.constant 0 : i32
      %dma_wait3A_125 = tpu.memref_slice %arg4[%add3A, %dma_wait3A_123, %dma_wait3A_124] : memref<32x125x80xi32, #tpu.memory_space<hbm>> -> memref<1x125x80xi32, #tpu.memory_space<hbm>>
      %dma_wait3A_126 = tpu.memref_squeeze %dma_wait3A_125 : memref<1x125x80xi32, #tpu.memory_space<hbm>> -> memref<125x80xi32, #tpu.memory_space<hbm>>
      %dma_wait3A_127 = arith.constant 0 : i32
      %dma_wait3A_128 = arith.constant 0 : i32
      %dma_wait3A_129 = tpu.memref_slice %arg4[%add3A, %dma_wait3A_127, %dma_wait3A_128] : memref<32x125x80xi32, #tpu.memory_space<hbm>> -> memref<1x125x80xi32, #tpu.memory_space<hbm>>
      %dma_wait3A_130 = tpu.memref_squeeze %dma_wait3A_129 : memref<1x125x80xi32, #tpu.memory_space<hbm>> -> memref<125x80xi32, #tpu.memory_space<hbm>>
      tpu.wait_dma2 semaphore(%run_scoped3A_114 : memref<!tpu.dma_semaphore, #tpu.memory_space<semaphore_mem>>) src(%dma_wait3A_130 : memref<125x80xi32, #tpu.memory_space<hbm>>) dst(%arg7 : memref<125x80xi32, #tpu.memory_space<vmem>>)
      tpu.yield
    }) : () -> ()
    %dma_start3A = arith.constant 0 : i32
    %dma_start3A_1 = arith.constant 0 : i32
    %dma_start3A_2 = tpu.memref_slice %arg6[%dma_start3A, %dma_start3A_1] : memref<125x80xi32, #tpu.memory_space<vmem>> -> memref<1x80xi32, #tpu.memory_space<vmem>>
    %dma_start3A_3 = tpu.memref_squeeze %dma_start3A_2 : memref<1x80xi32, #tpu.memory_space<vmem>> -> memref<80xi32, #tpu.memory_space<vmem>>
    %dma_start3A_4 = arith.constant 0 : i32
    %dma_start3A_5 = arith.constant 0 : i32
    %dma_start3A_6 = tpu.memref_slice %arg2[%dma_start3A_4, %dma_start3A_5] : memref<10000x16xf32, #tpu.memory_space<hbm>> -> memref<10000x16xf32, #tpu.memory_space<hbm>>
    tpu.enqueue_indirect_dma source(%dma_start3A_6 : memref<10000x16xf32, #tpu.memory_space<hbm>>) target(%arg8 : memref<80x16xf32, #tpu.memory_space<vmem>>) offsets(%dma_start3A_3 : memref<80xi32, #tpu.memory_space<vmem>>) semaphore(%arg11 : memref<!tpu.dma_semaphore, #tpu.memory_space<semaphore_mem>>)
    %broadcast_in_dim3A = arith.constant 0.000000e+00 : f32
    %broadcast_in_dim3A_7 = vector.broadcast %broadcast_in_dim3A : f32 to vector<16xf32>
    %scan3A = arith.constant 0 : i32
    %scan3A_8 = arith.constant 0 : i32
    %scan3A_9 = arith.constant 80 : i32
    %scan3A_10 = arith.addi %scan3A_8, %scan3A_9 : i32
    %scan3A_11 = arith.constant 1 : i32
    scf.for %scan3A_114 = %scan3A_8 to %scan3A_10 step %scan3A_11  : i32 {
      %swap3A = arith.index_cast %scan3A_114 : i32 to index
      %swap3A_115 = arith.constant 0 : index
      %swap3A_116 = tpu.vector_load %arg9[%swap3A, %swap3A_115] {strides = array<i32>} : memref<80x16xf32, #tpu.memory_space<vmem>>, vector<1x16xf32>,
      %swap3A_117 = vector.shape_cast %swap3A_116 : vector<1x16xf32> to vector<16xf32>
      %swap3A_118 = vector.shape_cast %broadcast_in_dim3A_7 : vector<16xf32> to vector<1x16xf32>
      tpu.vector_store %arg9[%swap3A, %swap3A_115], %swap3A_118 {strides = array<i32>} : memref<80x16xf32, #tpu.memory_space<vmem>>, vector<1x16xf32>,
    }
    %scan3A_12 = arith.constant 80 : i32
    %mul3A_13 = arith.constant 640 : i32
    %mul3A_14 = arith.muli %arg1, %mul3A_13 : i32
    %add3A_15 = arith.constant 0 : i32
    %add3A_16 = arith.addi %mul3A_14, %add3A_15 : i32
    "tpu.region"() ({
      %run_scoped3A_114 = tpu.sem_alloc : memref<!tpu.dma_semaphore, #tpu.memory_space<semaphore_mem>>
      %dma_start3A_115 = arith.constant 0 : i32
      %dma_start3A_116 = tpu.memref_slice %arg10[%add3A_16, %dma_start3A_115] : memref<10240x16xf32, #tpu.memory_space<vmem_shared>> -> memref<80x16xf32, #tpu.memory_space<vmem_shared>>
      %dma_start3A_117 = arith.constant 0 : i32
      %dma_start3A_118 = tpu.memref_slice %arg10[%add3A_16, %dma_start3A_117] : memref<10240x16xf32, #tpu.memory_space<vmem_shared>> -> memref<80x16xf32, #tpu.memory_space<vmem_shared>>
      tpu.enqueue_dma source(%arg9 : memref<80x16xf32, #tpu.memory_space<vmem>>) target(%dma_start3A_118 : memref<80x16xf32, #tpu.memory_space<vmem_shared>>) target_semaphore(%run_scoped3A_114 : memref<!tpu.dma_semaphore, #tpu.memory_space<semaphore_mem>>)
      %dma_wait3A_119 = arith.constant 0 : i32
      %dma_wait3A_120 = tpu.memref_slice %arg10[%add3A_16, %dma_wait3A_119] : memref<10240x16xf32, #tpu.memory_space<vmem_shared>> -> memref<80x16xf32, #tpu.memory_space<vmem_shared>>
      %dma_wait3A_121 = arith.constant 0 : i32
      %dma_wait3A_122 = tpu.memref_slice %arg10[%add3A_16, %dma_wait3A_121] : memref<10240x16xf32, #tpu.memory_space<vmem_shared>> -> memref<80x16xf32, #tpu.memory_space<vmem_shared>>
      tpu.wait_dma2 semaphore(%run_scoped3A_114 : memref<!tpu.dma_semaphore, #tpu.memory_space<semaphore_mem>>) src(%arg9 : memref<80x16xf32, #tpu.memory_space<vmem>>) dst(%dma_wait3A_122 : memref<80x16xf32, #tpu.memory_space<vmem_shared>>)
      tpu.yield
    }) : () -> ()
    %mul3A_17 = arith.constant 640 : i32
    %mul3A_18 = arith.muli %arg1, %mul3A_17 : i32
    %add3A_19 = arith.constant 80 : i32
    %add3A_20 = arith.addi %mul3A_18, %add3A_19 : i32
    "tpu.region"() ({
      %run_scoped3A_114 = tpu.sem_alloc : memref<!tpu.dma_semaphore, #tpu.memory_space<semaphore_mem>>
      %dma_start3A_115 = arith.constant 0 : i32
      %dma_start3A_116 = tpu.memref_slice %arg10[%add3A_20, %dma_start3A_115] : memref<10240x16xf32, #tpu.memory_space<vmem_shared>> -> memref<80x16xf32, #tpu.memory_space<vmem_shared>>
      %dma_start3A_117 = arith.constant 0 : i32
      %dma_start3A_118 = tpu.memref_slice %arg10[%add3A_20, %dma_start3A_117] : memref<10240x16xf32, #tpu.memory_space<vmem_shared>> -> memref<80x16xf32, #tpu.memory_space<vmem_shared>>
      tpu.enqueue_dma source(%arg9 : memref<80x16xf32, #tpu.memory_space<vmem>>) target(%dma_start3A_118 : memref<80x16xf32, #tpu.memory_space<vmem_shared>>) target_semaphore(%run_scoped3A_114 : memref<!tpu.dma_semaphore, #tpu.memory_space<semaphore_mem>>)
      %dma_wait3A_119 = arith.constant 0 : i32
      %dma_wait3A_120 = tpu.memref_slice %arg10[%add3A_20, %dma_wait3A_119] : memref<10240x16xf32, #tpu.memory_space<vmem_shared>> -> memref<80x16xf32, #tpu.memory_space<vmem_shared>>
      %dma_wait3A_121 = arith.constant 0 : i32
      %dma_wait3A_122 = tpu.memref_slice %arg10[%add3A_20, %dma_wait3A_121] : memref<10240x16xf32, #tpu.memory_space<vmem_shared>> -> memref<80x16xf32, #tpu.memory_space<vmem_shared>>
      tpu.wait_dma2 semaphore(%run_scoped3A_114 : memref<!tpu.dma_semaphore, #tpu.memory_space<semaphore_mem>>) src(%arg9 : memref<80x16xf32, #tpu.memory_space<vmem>>) dst(%dma_wait3A_122 : memref<80x16xf32, #tpu.memory_space<vmem_shared>>)
      tpu.yield
    }) : () -> ()
    %mul3A_21 = arith.constant 640 : i32
    %mul3A_22 = arith.muli %arg1, %mul3A_21 : i32
    %add3A_23 = arith.constant 160 : i32
    %add3A_24 = arith.addi %mul3A_22, %add3A_23 : i32
    "tpu.region"() ({
      %run_scoped3A_114 = tpu.sem_alloc : memref<!tpu.dma_semaphore, #tpu.memory_space<semaphore_mem>>
      %dma_start3A_115 = arith.constant 0 : i32
      %dma_start3A_116 = tpu.memref_slice %arg10[%add3A_24, %dma_start3A_115] : memref<10240x16xf32, #tpu.memory_space<vmem_shared>> -> memref<80x16xf32, #tpu.memory_space<vmem_shared>>
      %dma_start3A_117 = arith.constant 0 : i32
      %dma_start3A_118 = tpu.memref_slice %arg10[%add3A_24, %dma_start3A_117] : memref<10240x16xf32, #tpu.memory_space<vmem_shared>> -> memref<80x16xf32, #tpu.memory_space<vmem_shared>>
      tpu.enqueue_dma source(%arg9 : memref<80x16xf32, #tpu.memory_space<vmem>>) target(%dma_start3A_118 : memref<80x16xf32, #tpu.memory_space<vmem_shared>>) target_semaphore(%run_scoped3A_114 : memref<!tpu.dma_semaphore, #tpu.memory_space<semaphore_mem>>)
      %dma_wait3A_119 = arith.constant 0 : i32
      %dma_wait3A_120 = tpu.memref_slice %arg10[%add3A_24, %dma_wait3A_119] : memref<10240x16xf32, #tpu.memory_space<vmem_shared>> -> memref<80x16xf32, #tpu.memory_space<vmem_shared>>
      %dma_wait3A_121 = arith.constant 0 : i32
      %dma_wait3A_122 = tpu.memref_slice %arg10[%add3A_24, %dma_wait3A_121] : memref<10240x16xf32, #tpu.memory_space<vmem_shared>> -> memref<80x16xf32, #tpu.memory_space<vmem_shared>>
      tpu.wait_dma2 semaphore(%run_scoped3A_114 : memref<!tpu.dma_semaphore, #tpu.memory_space<semaphore_mem>>) src(%arg9 : memref<80x16xf32, #tpu.memory_space<vmem>>) dst(%dma_wait3A_122 : memref<80x16xf32, #tpu.memory_space<vmem_shared>>)
      tpu.yield
    }) : () -> ()
    %mul3A_25 = arith.constant 640 : i32
    %mul3A_26 = arith.muli %arg1, %mul3A_25 : i32
    %add3A_27 = arith.constant 240 : i32
    %add3A_28 = arith.addi %mul3A_26, %add3A_27 : i32
    "tpu.region"() ({
      %run_scoped3A_114 = tpu.sem_alloc : memref<!tpu.dma_semaphore, #tpu.memory_space<semaphore_mem>>
      %dma_start3A_115 = arith.constant 0 : i32
      %dma_start3A_116 = tpu.memref_slice %arg10[%add3A_28, %dma_start3A_115] : memref<10240x16xf32, #tpu.memory_space<vmem_shared>> -> memref<80x16xf32, #tpu.memory_space<vmem_shared>>
      %dma_start3A_117 = arith.constant 0 : i32
      %dma_start3A_118 = tpu.memref_slice %arg10[%add3A_28, %dma_start3A_117] : memref<10240x16xf32, #tpu.memory_space<vmem_shared>> -> memref<80x16xf32, #tpu.memory_space<vmem_shared>>
      tpu.enqueue_dma source(%arg9 : memref<80x16xf32, #tpu.memory_space<vmem>>) target(%dma_start3A_118 : memref<80x16xf32, #tpu.memory_space<vmem_shared>>) target_semaphore(%run_scoped3A_114 : memref<!tpu.dma_semaphore, #tpu.memory_space<semaphore_mem>>)
      %dma_wait3A_119 = arith.constant 0 : i32
      %dma_wait3A_120 = tpu.memref_slice %arg10[%add3A_28, %dma_wait3A_119] : memref<10240x16xf32, #tpu.memory_space<vmem_shared>> -> memref<80x16xf32, #tpu.memory_space<vmem_shared>>
      %dma_wait3A_121 = arith.constant 0 : i32
      %dma_wait3A_122 = tpu.memref_slice %arg10[%add3A_28, %dma_wait3A_121] : memref<10240x16xf32, #tpu.memory_space<vmem_shared>> -> memref<80x16xf32, #tpu.memory_space<vmem_shared>>
      tpu.wait_dma2 semaphore(%run_scoped3A_114 : memref<!tpu.dma_semaphore, #tpu.memory_space<semaphore_mem>>) src(%arg9 : memref<80x16xf32, #tpu.memory_space<vmem>>) dst(%dma_wait3A_122 : memref<80x16xf32, #tpu.memory_space<vmem_shared>>)
      tpu.yield
    }) : () -> ()
    %mul3A_29 = arith.constant 640 : i32
    %mul3A_30 = arith.muli %arg1, %mul3A_29 : i32
    %add3A_31 = arith.constant 320 : i32
    %add3A_32 = arith.addi %mul3A_30, %add3A_31 : i32
    "tpu.region"() ({
      %run_scoped3A_114 = tpu.sem_alloc : memref<!tpu.dma_semaphore, #tpu.memory_space<semaphore_mem>>
      %dma_start3A_115 = arith.constant 0 : i32
      %dma_start3A_116 = tpu.memref_slice %arg10[%add3A_32, %dma_start3A_115] : memref<10240x16xf32, #tpu.memory_space<vmem_shared>> -> memref<80x16xf32, #tpu.memory_space<vmem_shared>>
      %dma_start3A_117 = arith.constant 0 : i32
      %dma_start3A_118 = tpu.memref_slice %arg10[%add3A_32, %dma_start3A_117] : memref<10240x16xf32, #tpu.memory_space<vmem_shared>> -> memref<80x16xf32, #tpu.memory_space<vmem_shared>>
      tpu.enqueue_dma source(%arg9 : memref<80x16xf32, #tpu.memory_space<vmem>>) target(%dma_start3A_118 : memref<80x16xf32, #tpu.memory_space<vmem_shared>>) target_semaphore(%run_scoped3A_114 : memref<!tpu.dma_semaphore, #tpu.memory_space<semaphore_mem>>)
      %dma_wait3A_119 = arith.constant 0 : i32
      %dma_wait3A_120 = tpu.memref_slice %arg10[%add3A_32, %dma_wait3A_119] : memref<10240x16xf32, #tpu.memory_space<vmem_shared>> -> memref<80x16xf32, #tpu.memory_space<vmem_shared>>
      %dma_wait3A_121 = arith.constant 0 : i32
      %dma_wait3A_122 = tpu.memref_slice %arg10[%add3A_32, %dma_wait3A_121] : memref<10240x16xf32, #tpu.memory_space<vmem_shared>> -> memref<80x16xf32, #tpu.memory_space<vmem_shared>>
      tpu.wait_dma2 semaphore(%run_scoped3A_114 : memref<!tpu.dma_semaphore, #tpu.memory_space<semaphore_mem>>) src(%arg9 : memref<80x16xf32, #tpu.memory_space<vmem>>) dst(%dma_wait3A_122 : memref<80x16xf32, #tpu.memory_space<vmem_shared>>)
      tpu.yield
    }) : () -> ()
    %mul3A_33 = arith.constant 640 : i32
    %mul3A_34 = arith.muli %arg1, %mul3A_33 : i32
    %add3A_35 = arith.constant 400 : i32
    %add3A_36 = arith.addi %mul3A_34, %add3A_35 : i32
    "tpu.region"() ({
      %run_scoped3A_114 = tpu.sem_alloc : memref<!tpu.dma_semaphore, #tpu.memory_space<semaphore_mem>>
      %dma_start3A_115 = arith.constant 0 : i32
      %dma_start3A_116 = tpu.memref_slice %arg10[%add3A_36, %dma_start3A_115] : memref<10240x16xf32, #tpu.memory_space<vmem_shared>> -> memref<80x16xf32, #tpu.memory_space<vmem_shared>>
      %dma_start3A_117 = arith.constant 0 : i32
      %dma_start3A_118 = tpu.memref_slice %arg10[%add3A_36, %dma_start3A_117] : memref<10240x16xf32, #tpu.memory_space<vmem_shared>> -> memref<80x16xf32, #tpu.memory_space<vmem_shared>>
      tpu.enqueue_dma source(%arg9 : memref<80x16xf32, #tpu.memory_space<vmem>>) target(%dma_start3A_118 : memref<80x16xf32, #tpu.memory_space<vmem_shared>>) target_semaphore(%run_scoped3A_114 : memref<!tpu.dma_semaphore, #tpu.memory_space<semaphore_mem>>)
      %dma_wait3A_119 = arith.constant 0 : i32
      %dma_wait3A_120 = tpu.memref_slice %arg10[%add3A_36, %dma_wait3A_119] : memref<10240x16xf32, #tpu.memory_space<vmem_shared>> -> memref<80x16xf32, #tpu.memory_space<vmem_shared>>
      %dma_wait3A_121 = arith.constant 0 : i32
      %dma_wait3A_122 = tpu.memref_slice %arg10[%add3A_36, %dma_wait3A_121] : memref<10240x16xf32, #tpu.memory_space<vmem_shared>> -> memref<80x16xf32, #tpu.memory_space<vmem_shared>>
      tpu.wait_dma2 semaphore(%run_scoped3A_114 : memref<!tpu.dma_semaphore, #tpu.memory_space<semaphore_mem>>) src(%arg9 : memref<80x16xf32, #tpu.memory_space<vmem>>) dst(%dma_wait3A_122 : memref<80x16xf32, #tpu.memory_space<vmem_shared>>)
      tpu.yield
    }) : () -> ()
    %mul3A_37 = arith.constant 640 : i32
    %mul3A_38 = arith.muli %arg1, %mul3A_37 : i32
    %add3A_39 = arith.constant 480 : i32
    %add3A_40 = arith.addi %mul3A_38, %add3A_39 : i32
    "tpu.region"() ({
      %run_scoped3A_114 = tpu.sem_alloc : memref<!tpu.dma_semaphore, #tpu.memory_space<semaphore_mem>>
      %dma_start3A_115 = arith.constant 0 : i32
      %dma_start3A_116 = tpu.memref_slice %arg10[%add3A_40, %dma_start3A_115] : memref<10240x16xf32, #tpu.memory_space<vmem_shared>> -> memref<80x16xf32, #tpu.memory_space<vmem_shared>>
      %dma_start3A_117 = arith.constant 0 : i32
      %dma_start3A_118 = tpu.memref_slice %arg10[%add3A_40, %dma_start3A_117] : memref<10240x16xf32, #tpu.memory_space<vmem_shared>> -> memref<80x16xf32, #tpu.memory_space<vmem_shared>>
      tpu.enqueue_dma source(%arg9 : memref<80x16xf32, #tpu.memory_space<vmem>>) target(%dma_start3A_118 : memref<80x16xf32, #tpu.memory_space<vmem_shared>>) target_semaphore(%run_scoped3A_114 : memref<!tpu.dma_semaphore, #tpu.memory_space<semaphore_mem>>)
      %dma_wait3A_119 = arith.constant 0 : i32
      %dma_wait3A_120 = tpu.memref_slice %arg10[%add3A_40, %dma_wait3A_119] : memref<10240x16xf32, #tpu.memory_space<vmem_shared>> -> memref<80x16xf32, #tpu.memory_space<vmem_shared>>
      %dma_wait3A_121 = arith.constant 0 : i32
      %dma_wait3A_122 = tpu.memref_slice %arg10[%add3A_40, %dma_wait3A_121] : memref<10240x16xf32, #tpu.memory_space<vmem_shared>> -> memref<80x16xf32, #tpu.memory_space<vmem_shared>>
      tpu.wait_dma2 semaphore(%run_scoped3A_114 : memref<!tpu.dma_semaphore, #tpu.memory_space<semaphore_mem>>) src(%arg9 : memref<80x16xf32, #tpu.memory_space<vmem>>) dst(%dma_wait3A_122 : memref<80x16xf32, #tpu.memory_space<vmem_shared>>)
      tpu.yield
    }) : () -> ()
    %mul3A_41 = arith.constant 640 : i32
    %mul3A_42 = arith.muli %arg1, %mul3A_41 : i32
    %add3A_43 = arith.constant 560 : i32
    %add3A_44 = arith.addi %mul3A_42, %add3A_43 : i32
    "tpu.region"() ({
      %run_scoped3A_114 = tpu.sem_alloc : memref<!tpu.dma_semaphore, #tpu.memory_space<semaphore_mem>>
      %dma_start3A_115 = arith.constant 0 : i32
      %dma_start3A_116 = tpu.memref_slice %arg10[%add3A_44, %dma_start3A_115] : memref<10240x16xf32, #tpu.memory_space<vmem_shared>> -> memref<80x16xf32, #tpu.memory_space<vmem_shared>>
      %dma_start3A_117 = arith.constant 0 : i32
      %dma_start3A_118 = tpu.memref_slice %arg10[%add3A_44, %dma_start3A_117] : memref<10240x16xf32, #tpu.memory_space<vmem_shared>> -> memref<80x16xf32, #tpu.memory_space<vmem_shared>>
      tpu.enqueue_dma source(%arg9 : memref<80x16xf32, #tpu.memory_space<vmem>>) target(%dma_start3A_118 : memref<80x16xf32, #tpu.memory_space<vmem_shared>>) target_semaphore(%run_scoped3A_114 : memref<!tpu.dma_semaphore, #tpu.memory_space<semaphore_mem>>)
      %dma_wait3A_119 = arith.constant 0 : i32
      %dma_wait3A_120 = tpu.memref_slice %arg10[%add3A_44, %dma_wait3A_119] : memref<10240x16xf32, #tpu.memory_space<vmem_shared>> -> memref<80x16xf32, #tpu.memory_space<vmem_shared>>
      %dma_wait3A_121 = arith.constant 0 : i32
      %dma_wait3A_122 = tpu.memref_slice %arg10[%add3A_44, %dma_wait3A_121] : memref<10240x16xf32, #tpu.memory_space<vmem_shared>> -> memref<80x16xf32, #tpu.memory_space<vmem_shared>>
      tpu.wait_dma2 semaphore(%run_scoped3A_114 : memref<!tpu.dma_semaphore, #tpu.memory_space<semaphore_mem>>) src(%arg9 : memref<80x16xf32, #tpu.memory_space<vmem>>) dst(%dma_wait3A_122 : memref<80x16xf32, #tpu.memory_space<vmem_shared>>)
      tpu.yield
    }) : () -> ()
    %barrier3A = arith.constant 0 : index
    tpu.barrier barrier_id(%barrier3A)
    %scan3A_45 = arith.constant 0 : i32
    %scan3A_46 = arith.constant 0 : i32
    %scan3A_47 = arith.constant 62 : i32
    %scan3A_48 = arith.addi %scan3A_46, %scan3A_47 : i32
    %scan3A_49 = arith.constant 1 : i32
    scf.for %scan3A_114 = %scan3A_46 to %scan3A_48 step %scan3A_49  : i32 {
      %mul3A_115 = arith.constant 2 : i32
      %mul3A_116 = arith.muli %mul3A_115, %scan3A_114 : i32
      %dma_wait3A_117 = arith.constant 0 : i32
      %dma_wait3A_118 = tpu.memref_slice %arg6[%mul3A_116, %dma_wait3A_117] : memref<125x80xi32, #tpu.memory_space<vmem>> -> memref<1x80xi32, #tpu.memory_space<vmem>>
      %dma_wait3A_119 = tpu.memref_squeeze %dma_wait3A_118 : memref<1x80xi32, #tpu.memory_space<vmem>> -> memref<80xi32, #tpu.memory_space<vmem>>
      %dma_wait3A_120 = arith.constant 0 : i32
      %dma_wait3A_121 = arith.constant 0 : i32
      %dma_wait3A_122 = tpu.memref_slice %arg2[%dma_wait3A_120, %dma_wait3A_121] : memref<10000x16xf32, #tpu.memory_space<hbm>> -> memref<10000x16xf32, #tpu.memory_space<hbm>>
      tpu.wait_indirect_dma semaphore(%arg11 : memref<!tpu.dma_semaphore, #tpu.memory_space<semaphore_mem>>) src(%dma_wait3A_122 : memref<10000x16xf32, #tpu.memory_space<hbm>>) dst(%arg8 : memref<80x16xf32, #tpu.memory_space<vmem>>)
      %add3A_123 = arith.constant 1 : i32
      %add3A_124 = arith.addi %mul3A_116, %add3A_123 : i32
      %dma_start3A_125 = arith.constant 0 : i32
      %dma_start3A_126 = tpu.memref_slice %arg6[%add3A_124, %dma_start3A_125] : memref<125x80xi32, #tpu.memory_space<vmem>> -> memref<1x80xi32, #tpu.memory_space<vmem>>
      %dma_start3A_127 = tpu.memref_squeeze %dma_start3A_126 : memref<1x80xi32, #tpu.memory_space<vmem>> -> memref<80xi32, #tpu.memory_space<vmem>>
      %dma_start3A_128 = arith.constant 0 : i32
      %dma_start3A_129 = arith.constant 0 : i32
      %dma_start3A_130 = tpu.memref_slice %arg2[%dma_start3A_128, %dma_start3A_129] : memref<10000x16xf32, #tpu.memory_space<hbm>> -> memref<10000x16xf32, #tpu.memory_space<hbm>>
      tpu.enqueue_indirect_dma source(%dma_start3A_130 : memref<10000x16xf32, #tpu.memory_space<hbm>>) target(%arg9 : memref<80x16xf32, #tpu.memory_space<vmem>>) offsets(%dma_start3A_127 : memref<80xi32, #tpu.memory_space<vmem>>) semaphore(%arg12 : memref<!tpu.dma_semaphore, #tpu.memory_space<semaphore_mem>>)
      "tpu.region"() ({
        %run_scoped3A_149 = tpu.sem_alloc : memref<!tpu.dma_semaphore, #tpu.memory_space<semaphore_mem>>
        %dma_start3A_150 = arith.constant 0 : i32
        %dma_start3A_151 = tpu.memref_slice %arg7[%mul3A_116, %dma_start3A_150] : memref<125x80xi32, #tpu.memory_space<vmem>> -> memref<1x80xi32, #tpu.memory_space<vmem>>
        %dma_start3A_152 = tpu.memref_squeeze %dma_start3A_151 : memref<1x80xi32, #tpu.memory_space<vmem>> -> memref<80xi32, #tpu.memory_space<vmem>>
        %dma_start3A_153 = arith.constant 0 : i32
        %dma_start3A_154 = arith.constant 0 : i32
        %dma_start3A_155 = tpu.memref_slice %arg10[%dma_start3A_153, %dma_start3A_154] : memref<10240x16xf32, #tpu.memory_space<vmem_shared>> -> memref<10240x16xf32, #tpu.memory_space<vmem_shared>>
        tpu.enqueue_indirect_dma source(%arg8 : memref<80x16xf32, #tpu.memory_space<vmem>>) target(%dma_start3A_155 : memref<10240x16xf32, #tpu.memory_space<vmem_shared>>) offsets(%dma_start3A_152 : memref<80xi32, #tpu.memory_space<vmem>>) semaphore(%run_scoped3A_149 : memref<!tpu.dma_semaphore, #tpu.memory_space<semaphore_mem>>) {add = true}
        %dma_wait3A_156 = arith.constant 0 : i32
        %dma_wait3A_157 = tpu.memref_slice %arg7[%mul3A_116, %dma_wait3A_156] : memref<125x80xi32, #tpu.memory_space<vmem>> -> memref<1x80xi32, #tpu.memory_space<vmem>>
        %dma_wait3A_158 = tpu.memref_squeeze %dma_wait3A_157 : memref<1x80xi32, #tpu.memory_space<vmem>> -> memref<80xi32, #tpu.memory_space<vmem>>
        %dma_wait3A_159 = arith.constant 0 : i32
        %dma_wait3A_160 = arith.constant 0 : i32
        %dma_wait3A_161 = tpu.memref_slice %arg10[%dma_wait3A_159, %dma_wait3A_160] : memref<10240x16xf32, #tpu.memory_space<vmem_shared>> -> memref<10240x16xf32, #tpu.memory_space<vmem_shared>>
        tpu.wait_indirect_dma semaphore(%run_scoped3A_149 : memref<!tpu.dma_semaphore, #tpu.memory_space<semaphore_mem>>) src(%arg8 : memref<80x16xf32, #tpu.memory_space<vmem>>) dst(%dma_wait3A_161 : memref<10240x16xf32, #tpu.memory_space<vmem_shared>>)
        tpu.yield
      }) : () -> ()
      %add3A_131 = arith.constant 2 : i32
      %add3A_132 = arith.addi %mul3A_116, %add3A_131 : i32
      %dma_start3A_133 = arith.constant 0 : i32
      %dma_start3A_134 = tpu.memref_slice %arg6[%add3A_132, %dma_start3A_133] : memref<125x80xi32, #tpu.memory_space<vmem>> -> memref<1x80xi32, #tpu.memory_space<vmem>>
      %dma_start3A_135 = tpu.memref_squeeze %dma_start3A_134 : memref<1x80xi32, #tpu.memory_space<vmem>> -> memref<80xi32, #tpu.memory_space<vmem>>
      %dma_start3A_136 = arith.constant 0 : i32
      %dma_start3A_137 = arith.constant 0 : i32
      %dma_start3A_138 = tpu.memref_slice %arg2[%dma_start3A_136, %dma_start3A_137] : memref<10000x16xf32, #tpu.memory_space<hbm>> -> memref<10000x16xf32, #tpu.memory_space<hbm>>
      tpu.enqueue_indirect_dma source(%dma_start3A_138 : memref<10000x16xf32, #tpu.memory_space<hbm>>) target(%arg8 : memref<80x16xf32, #tpu.memory_space<vmem>>) offsets(%dma_start3A_135 : memref<80xi32, #tpu.memory_space<vmem>>) semaphore(%arg11 : memref<!tpu.dma_semaphore, #tpu.memory_space<semaphore_mem>>)
      %add3A_139 = arith.constant 1 : i32
      %add3A_140 = arith.addi %mul3A_116, %add3A_139 : i32
      %dma_wait3A_141 = arith.constant 0 : i32
      %dma_wait3A_142 = tpu.memref_slice %arg6[%add3A_140, %dma_wait3A_141] : memref<125x80xi32, #tpu.memory_space<vmem>> -> memref<1x80xi32, #tpu.memory_space<vmem>>
      %dma_wait3A_143 = tpu.memref_squeeze %dma_wait3A_142 : memref<1x80xi32, #tpu.memory_space<vmem>> -> memref<80xi32, #tpu.memory_space<vmem>>
      %dma_wait3A_144 = arith.constant 0 : i32
      %dma_wait3A_145 = arith.constant 0 : i32
      %dma_wait3A_146 = tpu.memref_slice %arg2[%dma_wait3A_144, %dma_wait3A_145] : memref<10000x16xf32, #tpu.memory_space<hbm>> -> memref<10000x16xf32, #tpu.memory_space<hbm>>
      tpu.wait_indirect_dma semaphore(%arg12 : memref<!tpu.dma_semaphore, #tpu.memory_space<semaphore_mem>>) src(%dma_wait3A_146 : memref<10000x16xf32, #tpu.memory_space<hbm>>) dst(%arg9 : memref<80x16xf32, #tpu.memory_space<vmem>>)
      %add3A_147 = arith.constant 1 : i32
      %add3A_148 = arith.addi %mul3A_116, %add3A_147 : i32
      "tpu.region"() ({
        %run_scoped3A_149 = tpu.sem_alloc : memref<!tpu.dma_semaphore, #tpu.memory_space<semaphore_mem>>
        %dma_start3A_150 = arith.constant 0 : i32
        %dma_start3A_151 = tpu.memref_slice %arg7[%add3A_148, %dma_start3A_150] : memref<125x80xi32, #tpu.memory_space<vmem>> -> memref<1x80xi32, #tpu.memory_space<vmem>>
        %dma_start3A_152 = tpu.memref_squeeze %dma_start3A_151 : memref<1x80xi32, #tpu.memory_space<vmem>> -> memref<80xi32, #tpu.memory_space<vmem>>
        %dma_start3A_153 = arith.constant 0 : i32
        %dma_start3A_154 = arith.constant 0 : i32
        %dma_start3A_155 = tpu.memref_slice %arg10[%dma_start3A_153, %dma_start3A_154] : memref<10240x16xf32, #tpu.memory_space<vmem_shared>> -> memref<10240x16xf32, #tpu.memory_space<vmem_shared>>
        tpu.enqueue_indirect_dma source(%arg9 : memref<80x16xf32, #tpu.memory_space<vmem>>) target(%dma_start3A_155 : memref<10240x16xf32, #tpu.memory_space<vmem_shared>>) offsets(%dma_start3A_152 : memref<80xi32, #tpu.memory_space<vmem>>) semaphore(%run_scoped3A_149 : memref<!tpu.dma_semaphore, #tpu.memory_space<semaphore_mem>>) {add = true}
        %dma_wait3A_156 = arith.constant 0 : i32
        %dma_wait3A_157 = tpu.memref_slice %arg7[%add3A_148, %dma_wait3A_156] : memref<125x80xi32, #tpu.memory_space<vmem>> -> memref<1x80xi32, #tpu.memory_space<vmem>>
        %dma_wait3A_158 = tpu.memref_squeeze %dma_wait3A_157 : memref<1x80xi32, #tpu.memory_space<vmem>> -> memref<80xi32, #tpu.memory_space<vmem>>
        %dma_wait3A_159 = arith.constant 0 : i32
        %dma_wait3A_160 = arith.constant 0 : i32
        %dma_wait3A_161 = tpu.memref_slice %arg10[%dma_wait3A_159, %dma_wait3A_160] : memref<10240x16xf32, #tpu.memory_space<vmem_shared>> -> memref<10240x16xf32, #tpu.memory_space<vmem_shared>>
        tpu.wait_indirect_dma semaphore(%run_scoped3A_149 : memref<!tpu.dma_semaphore, #tpu.memory_space<semaphore_mem>>) src(%arg9 : memref<80x16xf32, #tpu.memory_space<vmem>>) dst(%dma_wait3A_161 : memref<10240x16xf32, #tpu.memory_space<vmem_shared>>)
        tpu.yield
      }) : () -> ()
    }
    %scan3A_50 = arith.constant 62 : i32
    %dma_wait3A = arith.constant 124 : i32
    %dma_wait3A_51 = arith.constant 0 : i32
    %dma_wait3A_52 = tpu.memref_slice %arg6[%dma_wait3A, %dma_wait3A_51] : memref<125x80xi32, #tpu.memory_space<vmem>> -> memref<1x80xi32, #tpu.memory_space<vmem>>
    %dma_wait3A_53 = tpu.memref_squeeze %dma_wait3A_52 : memref<1x80xi32, #tpu.memory_space<vmem>> -> memref<80xi32, #tpu.memory_space<vmem>>
    %dma_wait3A_54 = arith.constant 0 : i32
    %dma_wait3A_55 = arith.constant 0 : i32
    %dma_wait3A_56 = tpu.memref_slice %arg2[%dma_wait3A_54, %dma_wait3A_55] : memref<10000x16xf32, #tpu.memory_space<hbm>> -> memref<10000x16xf32, #tpu.memory_space<hbm>>
    tpu.wait_indirect_dma semaphore(%arg11 : memref<!tpu.dma_semaphore, #tpu.memory_space<semaphore_mem>>) src(%dma_wait3A_56 : memref<10000x16xf32, #tpu.memory_space<hbm>>) dst(%arg8 : memref<80x16xf32, #tpu.memory_space<vmem>>)
    %run_scoped3A = arith.constant 124 : i32
    "tpu.region"() ({
      %run_scoped3A_114 = tpu.sem_alloc : memref<!tpu.dma_semaphore, #tpu.memory_space<semaphore_mem>>
      %dma_start3A_115 = arith.constant 0 : i32
      %dma_start3A_116 = tpu.memref_slice %arg7[%run_scoped3A, %dma_start3A_115] : memref<125x80xi32, #tpu.memory_space<vmem>> -> memref<1x80xi32, #tpu.memory_space<vmem>>
      %dma_start3A_117 = tpu.memref_squeeze %dma_start3A_116 : memref<1x80xi32, #tpu.memory_space<vmem>> -> memref<80xi32, #tpu.memory_space<vmem>>
      %dma_start3A_118 = arith.constant 0 : i32
      %dma_start3A_119 = arith.constant 0 : i32
      %dma_start3A_120 = tpu.memref_slice %arg10[%dma_start3A_118, %dma_start3A_119] : memref<10240x16xf32, #tpu.memory_space<vmem_shared>> -> memref<10240x16xf32, #tpu.memory_space<vmem_shared>>
      tpu.enqueue_indirect_dma source(%arg8 : memref<80x16xf32, #tpu.memory_space<vmem>>) target(%dma_start3A_120 : memref<10240x16xf32, #tpu.memory_space<vmem_shared>>) offsets(%dma_start3A_117 : memref<80xi32, #tpu.memory_space<vmem>>) semaphore(%run_scoped3A_114 : memref<!tpu.dma_semaphore, #tpu.memory_space<semaphore_mem>>) {add = true}
      %dma_wait3A_121 = arith.constant 0 : i32
      %dma_wait3A_122 = tpu.memref_slice %arg7[%run_scoped3A, %dma_wait3A_121] : memref<125x80xi32, #tpu.memory_space<vmem>> -> memref<1x80xi32, #tpu.memory_space<vmem>>
      %dma_wait3A_123 = tpu.memref_squeeze %dma_wait3A_122 : memref<1x80xi32, #tpu.memory_space<vmem>> -> memref<80xi32, #tpu.memory_space<vmem>>
      %dma_wait3A_124 = arith.constant 0 : i32
      %dma_wait3A_125 = arith.constant 0 : i32
      %dma_wait3A_126 = tpu.memref_slice %arg10[%dma_wait3A_124, %dma_wait3A_125] : memref<10240x16xf32, #tpu.memory_space<vmem_shared>> -> memref<10240x16xf32, #tpu.memory_space<vmem_shared>>
      tpu.wait_indirect_dma semaphore(%run_scoped3A_114 : memref<!tpu.dma_semaphore, #tpu.memory_space<semaphore_mem>>) src(%arg8 : memref<80x16xf32, #tpu.memory_space<vmem>>) dst(%dma_wait3A_126 : memref<10240x16xf32, #tpu.memory_space<vmem_shared>>)
      tpu.yield
    }) : () -> ()
    %barrier3A_57 = arith.constant 0 : index
    tpu.barrier barrier_id(%barrier3A_57)
    %mul3A_58 = arith.constant 640 : i32
    %mul3A_59 = arith.muli %arg1, %mul3A_58 : i32
    %add3A_60 = arith.constant 0 : i32
    %add3A_61 = arith.addi %mul3A_59, %add3A_60 : i32
    "tpu.region"() ({
      %run_scoped3A_114 = tpu.sem_alloc : memref<!tpu.dma_semaphore, #tpu.memory_space<semaphore_mem>>
      %dma_start3A_115 = arith.constant 0 : i32
      %dma_start3A_116 = tpu.memref_slice %arg10[%add3A_61, %dma_start3A_115] : memref<10240x16xf32, #tpu.memory_space<vmem_shared>> -> memref<80x16xf32, #tpu.memory_space<vmem_shared>>
      %dma_start3A_117 = arith.constant 0 : i32
      %dma_start3A_118 = tpu.memref_slice %arg10[%add3A_61, %dma_start3A_117] : memref<10240x16xf32, #tpu.memory_space<vmem_shared>> -> memref<80x16xf32, #tpu.memory_space<vmem_shared>>
      tpu.enqueue_dma source(%dma_start3A_118 : memref<80x16xf32, #tpu.memory_space<vmem_shared>>) target(%arg8 : memref<80x16xf32, #tpu.memory_space<vmem>>) target_semaphore(%run_scoped3A_114 : memref<!tpu.dma_semaphore, #tpu.memory_space<semaphore_mem>>)
      %dma_wait3A_119 = arith.constant 0 : i32
      %dma_wait3A_120 = tpu.memref_slice %arg10[%add3A_61, %dma_wait3A_119] : memref<10240x16xf32, #tpu.memory_space<vmem_shared>> -> memref<80x16xf32, #tpu.memory_space<vmem_shared>>
      %dma_wait3A_121 = arith.constant 0 : i32
      %dma_wait3A_122 = tpu.memref_slice %arg10[%add3A_61, %dma_wait3A_121] : memref<10240x16xf32, #tpu.memory_space<vmem_shared>> -> memref<80x16xf32, #tpu.memory_space<vmem_shared>>
      tpu.wait_dma2 semaphore(%run_scoped3A_114 : memref<!tpu.dma_semaphore, #tpu.memory_space<semaphore_mem>>) src(%dma_wait3A_122 : memref<80x16xf32, #tpu.memory_space<vmem_shared>>) dst(%arg8 : memref<80x16xf32, #tpu.memory_space<vmem>>)
      tpu.yield
    }) : () -> ()
    %mul3A_62 = arith.constant 10240 : i32
    %mul3A_63 = arith.muli %arg0, %mul3A_62 : i32
    %add3A_64 = arith.addi %mul3A_63, %add3A_61 : i32
    "tpu.region"() ({
      %run_scoped3A_114 = tpu.sem_alloc : memref<!tpu.dma_semaphore, #tpu.memory_space<semaphore_mem>>
      %dma_start3A_115 = arith.constant 0 : i32
      %dma_start3A_116 = tpu.memref_slice %arg5[%add3A_64, %dma_start3A_115] : memref<20480x16xf32, #tpu.memory_space<hbm>> -> memref<80x16xf32, #tpu.memory_space<hbm>>
      %dma_start3A_117 = arith.constant 0 : i32
      %dma_start3A_118 = tpu.memref_slice %arg5[%add3A_64, %dma_start3A_117] : memref<20480x16xf32, #tpu.memory_space<hbm>> -> memref<80x16xf32, #tpu.memory_space<hbm>>
      tpu.enqueue_dma source(%arg8 : memref<80x16xf32, #tpu.memory_space<vmem>>) target(%dma_start3A_118 : memref<80x16xf32, #tpu.memory_space<hbm>>) target_semaphore(%run_scoped3A_114 : memref<!tpu.dma_semaphore, #tpu.memory_space<semaphore_mem>>)
      %dma_wait3A_119 = arith.constant 0 : i32
      %dma_wait3A_120 = tpu.memref_slice %arg5[%add3A_64, %dma_wait3A_119] : memref<20480x16xf32, #tpu.memory_space<hbm>> -> memref<80x16xf32, #tpu.memory_space<hbm>>
      %dma_wait3A_121 = arith.constant 0 : i32
      %dma_wait3A_122 = tpu.memref_slice %arg5[%add3A_64, %dma_wait3A_121] : memref<20480x16xf32, #tpu.memory_space<hbm>> -> memref<80x16xf32, #tpu.memory_space<hbm>>
      tpu.wait_dma2 semaphore(%run_scoped3A_114 : memref<!tpu.dma_semaphore, #tpu.memory_space<semaphore_mem>>) src(%arg8 : memref<80x16xf32, #tpu.memory_space<vmem>>) dst(%dma_wait3A_122 : memref<80x16xf32, #tpu.memory_space<hbm>>)
      tpu.yield
    }) : () -> ()
    %mul3A_65 = arith.constant 640 : i32
    %mul3A_66 = arith.muli %arg1, %mul3A_65 : i32
    %add3A_67 = arith.constant 80 : i32
    %add3A_68 = arith.addi %mul3A_66, %add3A_67 : i32
    "tpu.region"() ({
      %run_scoped3A_114 = tpu.sem_alloc : memref<!tpu.dma_semaphore, #tpu.memory_space<semaphore_mem>>
      %dma_start3A_115 = arith.constant 0 : i32
      %dma_start3A_116 = tpu.memref_slice %arg10[%add3A_68, %dma_start3A_115] : memref<10240x16xf32, #tpu.memory_space<vmem_shared>> -> memref<80x16xf32, #tpu.memory_space<vmem_shared>>
      %dma_start3A_117 = arith.constant 0 : i32
      %dma_start3A_118 = tpu.memref_slice %arg10[%add3A_68, %dma_start3A_117] : memref<10240x16xf32, #tpu.memory_space<vmem_shared>> -> memref<80x16xf32, #tpu.memory_space<vmem_shared>>
      tpu.enqueue_dma source(%dma_start3A_118 : memref<80x16xf32, #tpu.memory_space<vmem_shared>>) target(%arg8 : memref<80x16xf32, #tpu.memory_space<vmem>>) target_semaphore(%run_scoped3A_114 : memref<!tpu.dma_semaphore, #tpu.memory_space<semaphore_mem>>)
      %dma_wait3A_119 = arith.constant 0 : i32
      %dma_wait3A_120 = tpu.memref_slice %arg10[%add3A_68, %dma_wait3A_119] : memref<10240x16xf32, #tpu.memory_space<vmem_shared>> -> memref<80x16xf32, #tpu.memory_space<vmem_shared>>
      %dma_wait3A_121 = arith.constant 0 : i32
      %dma_wait3A_122 = tpu.memref_slice %arg10[%add3A_68, %dma_wait3A_121] : memref<10240x16xf32, #tpu.memory_space<vmem_shared>> -> memref<80x16xf32, #tpu.memory_space<vmem_shared>>
      tpu.wait_dma2 semaphore(%run_scoped3A_114 : memref<!tpu.dma_semaphore, #tpu.memory_space<semaphore_mem>>) src(%dma_wait3A_122 : memref<80x16xf32, #tpu.memory_space<vmem_shared>>) dst(%arg8 : memref<80x16xf32, #tpu.memory_space<vmem>>)
      tpu.yield
    }) : () -> ()
    %mul3A_69 = arith.constant 10240 : i32
    %mul3A_70 = arith.muli %arg0, %mul3A_69 : i32
    %add3A_71 = arith.addi %mul3A_70, %add3A_68 : i32
    "tpu.region"() ({
      %run_scoped3A_114 = tpu.sem_alloc : memref<!tpu.dma_semaphore, #tpu.memory_space<semaphore_mem>>
      %dma_start3A_115 = arith.constant 0 : i32
      %dma_start3A_116 = tpu.memref_slice %arg5[%add3A_71, %dma_start3A_115] : memref<20480x16xf32, #tpu.memory_space<hbm>> -> memref<80x16xf32, #tpu.memory_space<hbm>>
      %dma_start3A_117 = arith.constant 0 : i32
      %dma_start3A_118 = tpu.memref_slice %arg5[%add3A_71, %dma_start3A_117] : memref<20480x16xf32, #tpu.memory_space<hbm>> -> memref<80x16xf32, #tpu.memory_space<hbm>>
      tpu.enqueue_dma source(%arg8 : memref<80x16xf32, #tpu.memory_space<vmem>>) target(%dma_start3A_118 : memref<80x16xf32, #tpu.memory_space<hbm>>) target_semaphore(%run_scoped3A_114 : memref<!tpu.dma_semaphore, #tpu.memory_space<semaphore_mem>>)
      %dma_wait3A_119 = arith.constant 0 : i32
      %dma_wait3A_120 = tpu.memref_slice %arg5[%add3A_71, %dma_wait3A_119] : memref<20480x16xf32, #tpu.memory_space<hbm>> -> memref<80x16xf32, #tpu.memory_space<hbm>>
      %dma_wait3A_121 = arith.constant 0 : i32
      %dma_wait3A_122 = tpu.memref_slice %arg5[%add3A_71, %dma_wait3A_121] : memref<20480x16xf32, #tpu.memory_space<hbm>> -> memref<80x16xf32, #tpu.memory_space<hbm>>
      tpu.wait_dma2 semaphore(%run_scoped3A_114 : memref<!tpu.dma_semaphore, #tpu.memory_space<semaphore_mem>>) src(%arg8 : memref<80x16xf32, #tpu.memory_space<vmem>>) dst(%dma_wait3A_122 : memref<80x16xf32, #tpu.memory_space<hbm>>)
      tpu.yield
    }) : () -> ()
    %mul3A_72 = arith.constant 640 : i32
    %mul3A_73 = arith.muli %arg1, %mul3A_72 : i32
    %add3A_74 = arith.constant 160 : i32
    %add3A_75 = arith.addi %mul3A_73, %add3A_74 : i32
    "tpu.region"() ({
      %run_scoped3A_114 = tpu.sem_alloc : memref<!tpu.dma_semaphore, #tpu.memory_space<semaphore_mem>>
      %dma_start3A_115 = arith.constant 0 : i32
      %dma_start3A_116 = tpu.memref_slice %arg10[%add3A_75, %dma_start3A_115] : memref<10240x16xf32, #tpu.memory_space<vmem_shared>> -> memref<80x16xf32, #tpu.memory_space<vmem_shared>>
      %dma_start3A_117 = arith.constant 0 : i32
      %dma_start3A_118 = tpu.memref_slice %arg10[%add3A_75, %dma_start3A_117] : memref<10240x16xf32, #tpu.memory_space<vmem_shared>> -> memref<80x16xf32, #tpu.memory_space<vmem_shared>>
      tpu.enqueue_dma source(%dma_start3A_118 : memref<80x16xf32, #tpu.memory_space<vmem_shared>>) target(%arg8 : memref<80x16xf32, #tpu.memory_space<vmem>>) target_semaphore(%run_scoped3A_114 : memref<!tpu.dma_semaphore, #tpu.memory_space<semaphore_mem>>)
      %dma_wait3A_119 = arith.constant 0 : i32
      %dma_wait3A_120 = tpu.memref_slice %arg10[%add3A_75, %dma_wait3A_119] : memref<10240x16xf32, #tpu.memory_space<vmem_shared>> -> memref<80x16xf32, #tpu.memory_space<vmem_shared>>
      %dma_wait3A_121 = arith.constant 0 : i32
      %dma_wait3A_122 = tpu.memref_slice %arg10[%add3A_75, %dma_wait3A_121] : memref<10240x16xf32, #tpu.memory_space<vmem_shared>> -> memref<80x16xf32, #tpu.memory_space<vmem_shared>>
      tpu.wait_dma2 semaphore(%run_scoped3A_114 : memref<!tpu.dma_semaphore, #tpu.memory_space<semaphore_mem>>) src(%dma_wait3A_122 : memref<80x16xf32, #tpu.memory_space<vmem_shared>>) dst(%arg8 : memref<80x16xf32, #tpu.memory_space<vmem>>)
      tpu.yield
    }) : () -> ()
    %mul3A_76 = arith.constant 10240 : i32
    %mul3A_77 = arith.muli %arg0, %mul3A_76 : i32
    %add3A_78 = arith.addi %mul3A_77, %add3A_75 : i32
    "tpu.region"() ({
      %run_scoped3A_114 = tpu.sem_alloc : memref<!tpu.dma_semaphore, #tpu.memory_space<semaphore_mem>>
      %dma_start3A_115 = arith.constant 0 : i32
      %dma_start3A_116 = tpu.memref_slice %arg5[%add3A_78, %dma_start3A_115] : memref<20480x16xf32, #tpu.memory_space<hbm>> -> memref<80x16xf32, #tpu.memory_space<hbm>>
      %dma_start3A_117 = arith.constant 0 : i32
      %dma_start3A_118 = tpu.memref_slice %arg5[%add3A_78, %dma_start3A_117] : memref<20480x16xf32, #tpu.memory_space<hbm>> -> memref<80x16xf32, #tpu.memory_space<hbm>>
      tpu.enqueue_dma source(%arg8 : memref<80x16xf32, #tpu.memory_space<vmem>>) target(%dma_start3A_118 : memref<80x16xf32, #tpu.memory_space<hbm>>) target_semaphore(%run_scoped3A_114 : memref<!tpu.dma_semaphore, #tpu.memory_space<semaphore_mem>>)
      %dma_wait3A_119 = arith.constant 0 : i32
      %dma_wait3A_120 = tpu.memref_slice %arg5[%add3A_78, %dma_wait3A_119] : memref<20480x16xf32, #tpu.memory_space<hbm>> -> memref<80x16xf32, #tpu.memory_space<hbm>>
      %dma_wait3A_121 = arith.constant 0 : i32
      %dma_wait3A_122 = tpu.memref_slice %arg5[%add3A_78, %dma_wait3A_121] : memref<20480x16xf32, #tpu.memory_space<hbm>> -> memref<80x16xf32, #tpu.memory_space<hbm>>
      tpu.wait_dma2 semaphore(%run_scoped3A_114 : memref<!tpu.dma_semaphore, #tpu.memory_space<semaphore_mem>>) src(%arg8 : memref<80x16xf32, #tpu.memory_space<vmem>>) dst(%dma_wait3A_122 : memref<80x16xf32, #tpu.memory_space<hbm>>)
      tpu.yield
    }) : () -> ()
    %mul3A_79 = arith.constant 640 : i32
    %mul3A_80 = arith.muli %arg1, %mul3A_79 : i32
    %add3A_81 = arith.constant 240 : i32
    %add3A_82 = arith.addi %mul3A_80, %add3A_81 : i32
    "tpu.region"() ({
      %run_scoped3A_114 = tpu.sem_alloc : memref<!tpu.dma_semaphore, #tpu.memory_space<semaphore_mem>>
      %dma_start3A_115 = arith.constant 0 : i32
      %dma_start3A_116 = tpu.memref_slice %arg10[%add3A_82, %dma_start3A_115] : memref<10240x16xf32, #tpu.memory_space<vmem_shared>> -> memref<80x16xf32, #tpu.memory_space<vmem_shared>>
      %dma_start3A_117 = arith.constant 0 : i32
      %dma_start3A_118 = tpu.memref_slice %arg10[%add3A_82, %dma_start3A_117] : memref<10240x16xf32, #tpu.memory_space<vmem_shared>> -> memref<80x16xf32, #tpu.memory_space<vmem_shared>>
      tpu.enqueue_dma source(%dma_start3A_118 : memref<80x16xf32, #tpu.memory_space<vmem_shared>>) target(%arg8 : memref<80x16xf32, #tpu.memory_space<vmem>>) target_semaphore(%run_scoped3A_114 : memref<!tpu.dma_semaphore, #tpu.memory_space<semaphore_mem>>)
      %dma_wait3A_119 = arith.constant 0 : i32
      %dma_wait3A_120 = tpu.memref_slice %arg10[%add3A_82, %dma_wait3A_119] : memref<10240x16xf32, #tpu.memory_space<vmem_shared>> -> memref<80x16xf32, #tpu.memory_space<vmem_shared>>
      %dma_wait3A_121 = arith.constant 0 : i32
      %dma_wait3A_122 = tpu.memref_slice %arg10[%add3A_82, %dma_wait3A_121] : memref<10240x16xf32, #tpu.memory_space<vmem_shared>> -> memref<80x16xf32, #tpu.memory_space<vmem_shared>>
      tpu.wait_dma2 semaphore(%run_scoped3A_114 : memref<!tpu.dma_semaphore, #tpu.memory_space<semaphore_mem>>) src(%dma_wait3A_122 : memref<80x16xf32, #tpu.memory_space<vmem_shared>>) dst(%arg8 : memref<80x16xf32, #tpu.memory_space<vmem>>)
      tpu.yield
    }) : () -> ()
    %mul3A_83 = arith.constant 10240 : i32
    %mul3A_84 = arith.muli %arg0, %mul3A_83 : i32
    %add3A_85 = arith.addi %mul3A_84, %add3A_82 : i32
    "tpu.region"() ({
      %run_scoped3A_114 = tpu.sem_alloc : memref<!tpu.dma_semaphore, #tpu.memory_space<semaphore_mem>>
      %dma_start3A_115 = arith.constant 0 : i32
      %dma_start3A_116 = tpu.memref_slice %arg5[%add3A_85, %dma_start3A_115] : memref<20480x16xf32, #tpu.memory_space<hbm>> -> memref<80x16xf32, #tpu.memory_space<hbm>>
      %dma_start3A_117 = arith.constant 0 : i32
      %dma_start3A_118 = tpu.memref_slice %arg5[%add3A_85, %dma_start3A_117] : memref<20480x16xf32, #tpu.memory_space<hbm>> -> memref<80x16xf32, #tpu.memory_space<hbm>>
      tpu.enqueue_dma source(%arg8 : memref<80x16xf32, #tpu.memory_space<vmem>>) target(%dma_start3A_118 : memref<80x16xf32, #tpu.memory_space<hbm>>) target_semaphore(%run_scoped3A_114 : memref<!tpu.dma_semaphore, #tpu.memory_space<semaphore_mem>>)
      %dma_wait3A_119 = arith.constant 0 : i32
      %dma_wait3A_120 = tpu.memref_slice %arg5[%add3A_85, %dma_wait3A_119] : memref<20480x16xf32, #tpu.memory_space<hbm>> -> memref<80x16xf32, #tpu.memory_space<hbm>>
      %dma_wait3A_121 = arith.constant 0 : i32
      %dma_wait3A_122 = tpu.memref_slice %arg5[%add3A_85, %dma_wait3A_121] : memref<20480x16xf32, #tpu.memory_space<hbm>> -> memref<80x16xf32, #tpu.memory_space<hbm>>
      tpu.wait_dma2 semaphore(%run_scoped3A_114 : memref<!tpu.dma_semaphore, #tpu.memory_space<semaphore_mem>>) src(%arg8 : memref<80x16xf32, #tpu.memory_space<vmem>>) dst(%dma_wait3A_122 : memref<80x16xf32, #tpu.memory_space<hbm>>)
      tpu.yield
    }) : () -> ()
    %mul3A_86 = arith.constant 640 : i32
    %mul3A_87 = arith.muli %arg1, %mul3A_86 : i32
    %add3A_88 = arith.constant 320 : i32
    %add3A_89 = arith.addi %mul3A_87, %add3A_88 : i32
    "tpu.region"() ({
      %run_scoped3A_114 = tpu.sem_alloc : memref<!tpu.dma_semaphore, #tpu.memory_space<semaphore_mem>>
      %dma_start3A_115 = arith.constant 0 : i32
      %dma_start3A_116 = tpu.memref_slice %arg10[%add3A_89, %dma_start3A_115] : memref<10240x16xf32, #tpu.memory_space<vmem_shared>> -> memref<80x16xf32, #tpu.memory_space<vmem_shared>>
      %dma_start3A_117 = arith.constant 0 : i32
      %dma_start3A_118 = tpu.memref_slice %arg10[%add3A_89, %dma_start3A_117] : memref<10240x16xf32, #tpu.memory_space<vmem_shared>> -> memref<80x16xf32, #tpu.memory_space<vmem_shared>>
      tpu.enqueue_dma source(%dma_start3A_118 : memref<80x16xf32, #tpu.memory_space<vmem_shared>>) target(%arg8 : memref<80x16xf32, #tpu.memory_space<vmem>>) target_semaphore(%run_scoped3A_114 : memref<!tpu.dma_semaphore, #tpu.memory_space<semaphore_mem>>)
      %dma_wait3A_119 = arith.constant 0 : i32
      %dma_wait3A_120 = tpu.memref_slice %arg10[%add3A_89, %dma_wait3A_119] : memref<10240x16xf32, #tpu.memory_space<vmem_shared>> -> memref<80x16xf32, #tpu.memory_space<vmem_shared>>
      %dma_wait3A_121 = arith.constant 0 : i32
      %dma_wait3A_122 = tpu.memref_slice %arg10[%add3A_89, %dma_wait3A_121] : memref<10240x16xf32, #tpu.memory_space<vmem_shared>> -> memref<80x16xf32, #tpu.memory_space<vmem_shared>>
      tpu.wait_dma2 semaphore(%run_scoped3A_114 : memref<!tpu.dma_semaphore, #tpu.memory_space<semaphore_mem>>) src(%dma_wait3A_122 : memref<80x16xf32, #tpu.memory_space<vmem_shared>>) dst(%arg8 : memref<80x16xf32, #tpu.memory_space<vmem>>)
      tpu.yield
    }) : () -> ()
    %mul3A_90 = arith.constant 10240 : i32
    %mul3A_91 = arith.muli %arg0, %mul3A_90 : i32
    %add3A_92 = arith.addi %mul3A_91, %add3A_89 : i32
    "tpu.region"() ({
      %run_scoped3A_114 = tpu.sem_alloc : memref<!tpu.dma_semaphore, #tpu.memory_space<semaphore_mem>>
      %dma_start3A_115 = arith.constant 0 : i32
      %dma_start3A_116 = tpu.memref_slice %arg5[%add3A_92, %dma_start3A_115] : memref<20480x16xf32, #tpu.memory_space<hbm>> -> memref<80x16xf32, #tpu.memory_space<hbm>>
      %dma_start3A_117 = arith.constant 0 : i32
      %dma_start3A_118 = tpu.memref_slice %arg5[%add3A_92, %dma_start3A_117] : memref<20480x16xf32, #tpu.memory_space<hbm>> -> memref<80x16xf32, #tpu.memory_space<hbm>>
      tpu.enqueue_dma source(%arg8 : memref<80x16xf32, #tpu.memory_space<vmem>>) target(%dma_start3A_118 : memref<80x16xf32, #tpu.memory_space<hbm>>) target_semaphore(%run_scoped3A_114 : memref<!tpu.dma_semaphore, #tpu.memory_space<semaphore_mem>>)
      %dma_wait3A_119 = arith.constant 0 : i32
      %dma_wait3A_120 = tpu.memref_slice %arg5[%add3A_92, %dma_wait3A_119] : memref<20480x16xf32, #tpu.memory_space<hbm>> -> memref<80x16xf32, #tpu.memory_space<hbm>>
      %dma_wait3A_121 = arith.constant 0 : i32
      %dma_wait3A_122 = tpu.memref_slice %arg5[%add3A_92, %dma_wait3A_121] : memref<20480x16xf32, #tpu.memory_space<hbm>> -> memref<80x16xf32, #tpu.memory_space<hbm>>
      tpu.wait_dma2 semaphore(%run_scoped3A_114 : memref<!tpu.dma_semaphore, #tpu.memory_space<semaphore_mem>>) src(%arg8 : memref<80x16xf32, #tpu.memory_space<vmem>>) dst(%dma_wait3A_122 : memref<80x16xf32, #tpu.memory_space<hbm>>)
      tpu.yield
    }) : () -> ()
    %mul3A_93 = arith.constant 640 : i32
    %mul3A_94 = arith.muli %arg1, %mul3A_93 : i32
    %add3A_95 = arith.constant 400 : i32
    %add3A_96 = arith.addi %mul3A_94, %add3A_95 : i32
    "tpu.region"() ({
      %run_scoped3A_114 = tpu.sem_alloc : memref<!tpu.dma_semaphore, #tpu.memory_space<semaphore_mem>>
      %dma_start3A_115 = arith.constant 0 : i32
      %dma_start3A_116 = tpu.memref_slice %arg10[%add3A_96, %dma_start3A_115] : memref<10240x16xf32, #tpu.memory_space<vmem_shared>> -> memref<80x16xf32, #tpu.memory_space<vmem_shared>>
      %dma_start3A_117 = arith.constant 0 : i32
      %dma_start3A_118 = tpu.memref_slice %arg10[%add3A_96, %dma_start3A_117] : memref<10240x16xf32, #tpu.memory_space<vmem_shared>> -> memref<80x16xf32, #tpu.memory_space<vmem_shared>>
      tpu.enqueue_dma source(%dma_start3A_118 : memref<80x16xf32, #tpu.memory_space<vmem_shared>>) target(%arg8 : memref<80x16xf32, #tpu.memory_space<vmem>>) target_semaphore(%run_scoped3A_114 : memref<!tpu.dma_semaphore, #tpu.memory_space<semaphore_mem>>)
      %dma_wait3A_119 = arith.constant 0 : i32
      %dma_wait3A_120 = tpu.memref_slice %arg10[%add3A_96, %dma_wait3A_119] : memref<10240x16xf32, #tpu.memory_space<vmem_shared>> -> memref<80x16xf32, #tpu.memory_space<vmem_shared>>
      %dma_wait3A_121 = arith.constant 0 : i32
      %dma_wait3A_122 = tpu.memref_slice %arg10[%add3A_96, %dma_wait3A_121] : memref<10240x16xf32, #tpu.memory_space<vmem_shared>> -> memref<80x16xf32, #tpu.memory_space<vmem_shared>>
      tpu.wait_dma2 semaphore(%run_scoped3A_114 : memref<!tpu.dma_semaphore, #tpu.memory_space<semaphore_mem>>) src(%dma_wait3A_122 : memref<80x16xf32, #tpu.memory_space<vmem_shared>>) dst(%arg8 : memref<80x16xf32, #tpu.memory_space<vmem>>)
      tpu.yield
    }) : () -> ()
    %mul3A_97 = arith.constant 10240 : i32
    %mul3A_98 = arith.muli %arg0, %mul3A_97 : i32
    %add3A_99 = arith.addi %mul3A_98, %add3A_96 : i32
    "tpu.region"() ({
      %run_scoped3A_114 = tpu.sem_alloc : memref<!tpu.dma_semaphore, #tpu.memory_space<semaphore_mem>>
      %dma_start3A_115 = arith.constant 0 : i32
      %dma_start3A_116 = tpu.memref_slice %arg5[%add3A_99, %dma_start3A_115] : memref<20480x16xf32, #tpu.memory_space<hbm>> -> memref<80x16xf32, #tpu.memory_space<hbm>>
      %dma_start3A_117 = arith.constant 0 : i32
      %dma_start3A_118 = tpu.memref_slice %arg5[%add3A_99, %dma_start3A_117] : memref<20480x16xf32, #tpu.memory_space<hbm>> -> memref<80x16xf32, #tpu.memory_space<hbm>>
      tpu.enqueue_dma source(%arg8 : memref<80x16xf32, #tpu.memory_space<vmem>>) target(%dma_start3A_118 : memref<80x16xf32, #tpu.memory_space<hbm>>) target_semaphore(%run_scoped3A_114 : memref<!tpu.dma_semaphore, #tpu.memory_space<semaphore_mem>>)
      %dma_wait3A_119 = arith.constant 0 : i32
      %dma_wait3A_120 = tpu.memref_slice %arg5[%add3A_99, %dma_wait3A_119] : memref<20480x16xf32, #tpu.memory_space<hbm>> -> memref<80x16xf32, #tpu.memory_space<hbm>>
      %dma_wait3A_121 = arith.constant 0 : i32
      %dma_wait3A_122 = tpu.memref_slice %arg5[%add3A_99, %dma_wait3A_121] : memref<20480x16xf32, #tpu.memory_space<hbm>> -> memref<80x16xf32, #tpu.memory_space<hbm>>
      tpu.wait_dma2 semaphore(%run_scoped3A_114 : memref<!tpu.dma_semaphore, #tpu.memory_space<semaphore_mem>>) src(%arg8 : memref<80x16xf32, #tpu.memory_space<vmem>>) dst(%dma_wait3A_122 : memref<80x16xf32, #tpu.memory_space<hbm>>)
      tpu.yield
    }) : () -> ()
    %mul3A_100 = arith.constant 640 : i32
    %mul3A_101 = arith.muli %arg1, %mul3A_100 : i32
    %add3A_102 = arith.constant 480 : i32
    %add3A_103 = arith.addi %mul3A_101, %add3A_102 : i32
    "tpu.region"() ({
      %run_scoped3A_114 = tpu.sem_alloc : memref<!tpu.dma_semaphore, #tpu.memory_space<semaphore_mem>>
      %dma_start3A_115 = arith.constant 0 : i32
      %dma_start3A_116 = tpu.memref_slice %arg10[%add3A_103, %dma_start3A_115] : memref<10240x16xf32, #tpu.memory_space<vmem_shared>> -> memref<80x16xf32, #tpu.memory_space<vmem_shared>>
      %dma_start3A_117 = arith.constant 0 : i32
      %dma_start3A_118 = tpu.memref_slice %arg10[%add3A_103, %dma_start3A_117] : memref<10240x16xf32, #tpu.memory_space<vmem_shared>> -> memref<80x16xf32, #tpu.memory_space<vmem_shared>>
      tpu.enqueue_dma source(%dma_start3A_118 : memref<80x16xf32, #tpu.memory_space<vmem_shared>>) target(%arg8 : memref<80x16xf32, #tpu.memory_space<vmem>>) target_semaphore(%run_scoped3A_114 : memref<!tpu.dma_semaphore, #tpu.memory_space<semaphore_mem>>)
      %dma_wait3A_119 = arith.constant 0 : i32
      %dma_wait3A_120 = tpu.memref_slice %arg10[%add3A_103, %dma_wait3A_119] : memref<10240x16xf32, #tpu.memory_space<vmem_shared>> -> memref<80x16xf32, #tpu.memory_space<vmem_shared>>
      %dma_wait3A_121 = arith.constant 0 : i32
      %dma_wait3A_122 = tpu.memref_slice %arg10[%add3A_103, %dma_wait3A_121] : memref<10240x16xf32, #tpu.memory_space<vmem_shared>> -> memref<80x16xf32, #tpu.memory_space<vmem_shared>>
      tpu.wait_dma2 semaphore(%run_scoped3A_114 : memref<!tpu.dma_semaphore, #tpu.memory_space<semaphore_mem>>) src(%dma_wait3A_122 : memref<80x16xf32, #tpu.memory_space<vmem_shared>>) dst(%arg8 : memref<80x16xf32, #tpu.memory_space<vmem>>)
      tpu.yield
    }) : () -> ()
    %mul3A_104 = arith.constant 10240 : i32
    %mul3A_105 = arith.muli %arg0, %mul3A_104 : i32
    %add3A_106 = arith.addi %mul3A_105, %add3A_103 : i32
    "tpu.region"() ({
      %run_scoped3A_114 = tpu.sem_alloc : memref<!tpu.dma_semaphore, #tpu.memory_space<semaphore_mem>>
      %dma_start3A_115 = arith.constant 0 : i32
      %dma_start3A_116 = tpu.memref_slice %arg5[%add3A_106, %dma_start3A_115] : memref<20480x16xf32, #tpu.memory_space<hbm>> -> memref<80x16xf32, #tpu.memory_space<hbm>>
      %dma_start3A_117 = arith.constant 0 : i32
      %dma_start3A_118 = tpu.memref_slice %arg5[%add3A_106, %dma_start3A_117] : memref<20480x16xf32, #tpu.memory_space<hbm>> -> memref<80x16xf32, #tpu.memory_space<hbm>>
      tpu.enqueue_dma source(%arg8 : memref<80x16xf32, #tpu.memory_space<vmem>>) target(%dma_start3A_118 : memref<80x16xf32, #tpu.memory_space<hbm>>) target_semaphore(%run_scoped3A_114 : memref<!tpu.dma_semaphore, #tpu.memory_space<semaphore_mem>>)
      %dma_wait3A_119 = arith.constant 0 : i32
      %dma_wait3A_120 = tpu.memref_slice %arg5[%add3A_106, %dma_wait3A_119] : memref<20480x16xf32, #tpu.memory_space<hbm>> -> memref<80x16xf32, #tpu.memory_space<hbm>>
      %dma_wait3A_121 = arith.constant 0 : i32
      %dma_wait3A_122 = tpu.memref_slice %arg5[%add3A_106, %dma_wait3A_121] : memref<20480x16xf32, #tpu.memory_space<hbm>> -> memref<80x16xf32, #tpu.memory_space<hbm>>
      tpu.wait_dma2 semaphore(%run_scoped3A_114 : memref<!tpu.dma_semaphore, #tpu.memory_space<semaphore_mem>>) src(%arg8 : memref<80x16xf32, #tpu.memory_space<vmem>>) dst(%dma_wait3A_122 : memref<80x16xf32, #tpu.memory_space<hbm>>)
      tpu.yield
    }) : () -> ()
    %mul3A_107 = arith.constant 640 : i32
    %mul3A_108 = arith.muli %arg1, %mul3A_107 : i32
    %add3A_109 = arith.constant 560 : i32
    %add3A_110 = arith.addi %mul3A_108, %add3A_109 : i32
    "tpu.region"() ({
      %run_scoped3A_114 = tpu.sem_alloc : memref<!tpu.dma_semaphore, #tpu.memory_space<semaphore_mem>>
      %dma_start3A_115 = arith.constant 0 : i32
      %dma_start3A_116 = tpu.memref_slice %arg10[%add3A_110, %dma_start3A_115] : memref<10240x16xf32, #tpu.memory_space<vmem_shared>> -> memref<80x16xf32, #tpu.memory_space<vmem_shared>>
      %dma_start3A_117 = arith.constant 0 : i32
      %dma_start3A_118 = tpu.memref_slice %arg10[%add3A_110, %dma_start3A_117] : memref<10240x16xf32, #tpu.memory_space<vmem_shared>> -> memref<80x16xf32, #tpu.memory_space<vmem_shared>>
      tpu.enqueue_dma source(%dma_start3A_118 : memref<80x16xf32, #tpu.memory_space<vmem_shared>>) target(%arg8 : memref<80x16xf32, #tpu.memory_space<vmem>>) target_semaphore(%run_scoped3A_114 : memref<!tpu.dma_semaphore, #tpu.memory_space<semaphore_mem>>)
      %dma_wait3A_119 = arith.constant 0 : i32
      %dma_wait3A_120 = tpu.memref_slice %arg10[%add3A_110, %dma_wait3A_119] : memref<10240x16xf32, #tpu.memory_space<vmem_shared>> -> memref<80x16xf32, #tpu.memory_space<vmem_shared>>
      %dma_wait3A_121 = arith.constant 0 : i32
      %dma_wait3A_122 = tpu.memref_slice %arg10[%add3A_110, %dma_wait3A_121] : memref<10240x16xf32, #tpu.memory_space<vmem_shared>> -> memref<80x16xf32, #tpu.memory_space<vmem_shared>>
      tpu.wait_dma2 semaphore(%run_scoped3A_114 : memref<!tpu.dma_semaphore, #tpu.memory_space<semaphore_mem>>) src(%dma_wait3A_122 : memref<80x16xf32, #tpu.memory_space<vmem_shared>>) dst(%arg8 : memref<80x16xf32, #tpu.memory_space<vmem>>)
      tpu.yield
    }) : () -> ()
    %mul3A_111 = arith.constant 10240 : i32
    %mul3A_112 = arith.muli %arg0, %mul3A_111 : i32
    %add3A_113 = arith.addi %mul3A_112, %add3A_110 : i32
    "tpu.region"() ({
      %run_scoped3A_114 = tpu.sem_alloc : memref<!tpu.dma_semaphore, #tpu.memory_space<semaphore_mem>>
      %dma_start3A_115 = arith.constant 0 : i32
      %dma_start3A_116 = tpu.memref_slice %arg5[%add3A_113, %dma_start3A_115] : memref<20480x16xf32, #tpu.memory_space<hbm>> -> memref<80x16xf32, #tpu.memory_space<hbm>>
      %dma_start3A_117 = arith.constant 0 : i32
      %dma_start3A_118 = tpu.memref_slice %arg5[%add3A_113, %dma_start3A_117] : memref<20480x16xf32, #tpu.memory_space<hbm>> -> memref<80x16xf32, #tpu.memory_space<hbm>>
      tpu.enqueue_dma source(%arg8 : memref<80x16xf32, #tpu.memory_space<vmem>>) target(%dma_start3A_118 : memref<80x16xf32, #tpu.memory_space<hbm>>) target_semaphore(%run_scoped3A_114 : memref<!tpu.dma_semaphore, #tpu.memory_space<semaphore_mem>>)
      %dma_wait3A_119 = arith.constant 0 : i32
      %dma_wait3A_120 = tpu.memref_slice %arg5[%add3A_113, %dma_wait3A_119] : memref<20480x16xf32, #tpu.memory_space<hbm>> -> memref<80x16xf32, #tpu.memory_space<hbm>>
      %dma_wait3A_121 = arith.constant 0 : i32
      %dma_wait3A_122 = tpu.memref_slice %arg5[%add3A_113, %dma_wait3A_121] : memref<20480x16xf32, #tpu.memory_space<hbm>> -> memref<80x16xf32, #tpu.memory_space<hbm>>
      tpu.wait_dma2 semaphore(%run_scoped3A_114 : memref<!tpu.dma_semaphore, #tpu.memory_space<semaphore_mem>>) src(%arg8 : memref<80x16xf32, #tpu.memory_space<vmem>>) dst(%dma_wait3A_122 : memref<80x16xf32, #tpu.memory_space<hbm>>)
      tpu.yield
    }) : () -> ()
    return
  }
}

#map = affine_map<(d0, d1) -> (0)>
#map1 = affine_map<(d0, d1) -> (0, 0)>
module attributes {stable_mosaic.version = 14 : i64} {
  func.func @body(%arg0: i32, %arg1: i32, %arg2: memref<90000xf32, #tpu.memory_space<hbm>>, %arg3: memref<32x960xi32, #tpu.memory_space<hbm>>, %arg4: memref<32x960xi32, #tpu.memory_space<hbm>>, %arg5: memref<32x960xi32, #tpu.memory_space<hbm>>, %arg6: memref<32x960xi32, #tpu.memory_space<hbm>>, %arg7: memref<32x16xf32, #tpu.memory_space<hbm>>, %arg8: memref<90000xf32, #tpu.memory_space<vmem>>, %arg9: memref<960xi32, #tpu.memory_space<vmem>>, %arg10: memref<960xi32, #tpu.memory_space<vmem>>, %arg11: memref<960xi32, #tpu.memory_space<vmem>>, %arg12: memref<960xi32, #tpu.memory_space<vmem>>, %arg13: memref<16xf32, #tpu.memory_space<vmem>>) attributes {dimension_semantics = [#tpu.dimension_semantics<core_parallel>, #tpu.dimension_semantics<subcore_parallel>], iteration_bounds = array<i64: 2, 16>, scalar_prefetch = 0 : i64, scratch_operands = 6 : i64, tpu.core_type = #tpu.core_type<sc_vector_subcore>, window_params = [{transform_indices = #map}, {transform_indices = #map1}, {transform_indices = #map1}, {transform_indices = #map1}, {transform_indices = #map1}, {transform_indices = #map1}]} {
    %mul3A = arith.constant 2 : i32
    %mul3A_0 = arith.muli %arg1, %mul3A : i32
    %add3A = arith.addi %mul3A_0, %arg0 : i32
    "tpu.region"() ({
      %run_scoped3A = tpu.sem_alloc : memref<!tpu.dma_semaphore, #tpu.memory_space<semaphore_mem>>
      tpu.enqueue_dma source(%arg2 : memref<90000xf32, #tpu.memory_space<hbm>>) target(%arg8 : memref<90000xf32, #tpu.memory_space<vmem>>) target_semaphore(%run_scoped3A : memref<!tpu.dma_semaphore, #tpu.memory_space<semaphore_mem>>)
      tpu.wait_dma2 semaphore(%run_scoped3A : memref<!tpu.dma_semaphore, #tpu.memory_space<semaphore_mem>>) src(%arg2 : memref<90000xf32, #tpu.memory_space<hbm>>) dst(%arg8 : memref<90000xf32, #tpu.memory_space<vmem>>)
      tpu.yield
    }) : () -> ()
    "tpu.region"() ({
      %run_scoped3A = tpu.sem_alloc : memref<!tpu.dma_semaphore, #tpu.memory_space<semaphore_mem>>
      %dma_start3A = arith.constant 0 : i32
      %dma_start3A_8 = tpu.memref_slice %arg3[%add3A, %dma_start3A] : memref<32x960xi32, #tpu.memory_space<hbm>> -> memref<1x960xi32, #tpu.memory_space<hbm>>
      %dma_start3A_9 = tpu.memref_squeeze %dma_start3A_8 : memref<1x960xi32, #tpu.memory_space<hbm>> -> memref<960xi32, #tpu.memory_space<hbm>>
      %dma_start3A_10 = arith.constant 0 : i32
      %dma_start3A_11 = tpu.memref_slice %arg3[%add3A, %dma_start3A_10] : memref<32x960xi32, #tpu.memory_space<hbm>> -> memref<1x960xi32, #tpu.memory_space<hbm>>
      %dma_start3A_12 = tpu.memref_squeeze %dma_start3A_11 : memref<1x960xi32, #tpu.memory_space<hbm>> -> memref<960xi32, #tpu.memory_space<hbm>>
      tpu.enqueue_dma source(%dma_start3A_12 : memref<960xi32, #tpu.memory_space<hbm>>) target(%arg9 : memref<960xi32, #tpu.memory_space<vmem>>) target_semaphore(%run_scoped3A : memref<!tpu.dma_semaphore, #tpu.memory_space<semaphore_mem>>)
      %dma_wait3A = arith.constant 0 : i32
      %dma_wait3A_13 = tpu.memref_slice %arg3[%add3A, %dma_wait3A] : memref<32x960xi32, #tpu.memory_space<hbm>> -> memref<1x960xi32, #tpu.memory_space<hbm>>
      %dma_wait3A_14 = tpu.memref_squeeze %dma_wait3A_13 : memref<1x960xi32, #tpu.memory_space<hbm>> -> memref<960xi32, #tpu.memory_space<hbm>>
      %dma_wait3A_15 = arith.constant 0 : i32
      %dma_wait3A_16 = tpu.memref_slice %arg3[%add3A, %dma_wait3A_15] : memref<32x960xi32, #tpu.memory_space<hbm>> -> memref<1x960xi32, #tpu.memory_space<hbm>>
      %dma_wait3A_17 = tpu.memref_squeeze %dma_wait3A_16 : memref<1x960xi32, #tpu.memory_space<hbm>> -> memref<960xi32, #tpu.memory_space<hbm>>
      tpu.wait_dma2 semaphore(%run_scoped3A : memref<!tpu.dma_semaphore, #tpu.memory_space<semaphore_mem>>) src(%dma_wait3A_17 : memref<960xi32, #tpu.memory_space<hbm>>) dst(%arg9 : memref<960xi32, #tpu.memory_space<vmem>>)
      tpu.yield
    }) : () -> ()
    "tpu.region"() ({
      %run_scoped3A = tpu.sem_alloc : memref<!tpu.dma_semaphore, #tpu.memory_space<semaphore_mem>>
      %dma_start3A = arith.constant 0 : i32
      %dma_start3A_8 = tpu.memref_slice %arg4[%add3A, %dma_start3A] : memref<32x960xi32, #tpu.memory_space<hbm>> -> memref<1x960xi32, #tpu.memory_space<hbm>>
      %dma_start3A_9 = tpu.memref_squeeze %dma_start3A_8 : memref<1x960xi32, #tpu.memory_space<hbm>> -> memref<960xi32, #tpu.memory_space<hbm>>
      %dma_start3A_10 = arith.constant 0 : i32
      %dma_start3A_11 = tpu.memref_slice %arg4[%add3A, %dma_start3A_10] : memref<32x960xi32, #tpu.memory_space<hbm>> -> memref<1x960xi32, #tpu.memory_space<hbm>>
      %dma_start3A_12 = tpu.memref_squeeze %dma_start3A_11 : memref<1x960xi32, #tpu.memory_space<hbm>> -> memref<960xi32, #tpu.memory_space<hbm>>
      tpu.enqueue_dma source(%dma_start3A_12 : memref<960xi32, #tpu.memory_space<hbm>>) target(%arg10 : memref<960xi32, #tpu.memory_space<vmem>>) target_semaphore(%run_scoped3A : memref<!tpu.dma_semaphore, #tpu.memory_space<semaphore_mem>>)
      %dma_wait3A = arith.constant 0 : i32
      %dma_wait3A_13 = tpu.memref_slice %arg4[%add3A, %dma_wait3A] : memref<32x960xi32, #tpu.memory_space<hbm>> -> memref<1x960xi32, #tpu.memory_space<hbm>>
      %dma_wait3A_14 = tpu.memref_squeeze %dma_wait3A_13 : memref<1x960xi32, #tpu.memory_space<hbm>> -> memref<960xi32, #tpu.memory_space<hbm>>
      %dma_wait3A_15 = arith.constant 0 : i32
      %dma_wait3A_16 = tpu.memref_slice %arg4[%add3A, %dma_wait3A_15] : memref<32x960xi32, #tpu.memory_space<hbm>> -> memref<1x960xi32, #tpu.memory_space<hbm>>
      %dma_wait3A_17 = tpu.memref_squeeze %dma_wait3A_16 : memref<1x960xi32, #tpu.memory_space<hbm>> -> memref<960xi32, #tpu.memory_space<hbm>>
      tpu.wait_dma2 semaphore(%run_scoped3A : memref<!tpu.dma_semaphore, #tpu.memory_space<semaphore_mem>>) src(%dma_wait3A_17 : memref<960xi32, #tpu.memory_space<hbm>>) dst(%arg10 : memref<960xi32, #tpu.memory_space<vmem>>)
      tpu.yield
    }) : () -> ()
    "tpu.region"() ({
      %run_scoped3A = tpu.sem_alloc : memref<!tpu.dma_semaphore, #tpu.memory_space<semaphore_mem>>
      %dma_start3A = arith.constant 0 : i32
      %dma_start3A_8 = tpu.memref_slice %arg5[%add3A, %dma_start3A] : memref<32x960xi32, #tpu.memory_space<hbm>> -> memref<1x960xi32, #tpu.memory_space<hbm>>
      %dma_start3A_9 = tpu.memref_squeeze %dma_start3A_8 : memref<1x960xi32, #tpu.memory_space<hbm>> -> memref<960xi32, #tpu.memory_space<hbm>>
      %dma_start3A_10 = arith.constant 0 : i32
      %dma_start3A_11 = tpu.memref_slice %arg5[%add3A, %dma_start3A_10] : memref<32x960xi32, #tpu.memory_space<hbm>> -> memref<1x960xi32, #tpu.memory_space<hbm>>
      %dma_start3A_12 = tpu.memref_squeeze %dma_start3A_11 : memref<1x960xi32, #tpu.memory_space<hbm>> -> memref<960xi32, #tpu.memory_space<hbm>>
      tpu.enqueue_dma source(%dma_start3A_12 : memref<960xi32, #tpu.memory_space<hbm>>) target(%arg11 : memref<960xi32, #tpu.memory_space<vmem>>) target_semaphore(%run_scoped3A : memref<!tpu.dma_semaphore, #tpu.memory_space<semaphore_mem>>)
      %dma_wait3A = arith.constant 0 : i32
      %dma_wait3A_13 = tpu.memref_slice %arg5[%add3A, %dma_wait3A] : memref<32x960xi32, #tpu.memory_space<hbm>> -> memref<1x960xi32, #tpu.memory_space<hbm>>
      %dma_wait3A_14 = tpu.memref_squeeze %dma_wait3A_13 : memref<1x960xi32, #tpu.memory_space<hbm>> -> memref<960xi32, #tpu.memory_space<hbm>>
      %dma_wait3A_15 = arith.constant 0 : i32
      %dma_wait3A_16 = tpu.memref_slice %arg5[%add3A, %dma_wait3A_15] : memref<32x960xi32, #tpu.memory_space<hbm>> -> memref<1x960xi32, #tpu.memory_space<hbm>>
      %dma_wait3A_17 = tpu.memref_squeeze %dma_wait3A_16 : memref<1x960xi32, #tpu.memory_space<hbm>> -> memref<960xi32, #tpu.memory_space<hbm>>
      tpu.wait_dma2 semaphore(%run_scoped3A : memref<!tpu.dma_semaphore, #tpu.memory_space<semaphore_mem>>) src(%dma_wait3A_17 : memref<960xi32, #tpu.memory_space<hbm>>) dst(%arg11 : memref<960xi32, #tpu.memory_space<vmem>>)
      tpu.yield
    }) : () -> ()
    "tpu.region"() ({
      %run_scoped3A = tpu.sem_alloc : memref<!tpu.dma_semaphore, #tpu.memory_space<semaphore_mem>>
      %dma_start3A = arith.constant 0 : i32
      %dma_start3A_8 = tpu.memref_slice %arg6[%add3A, %dma_start3A] : memref<32x960xi32, #tpu.memory_space<hbm>> -> memref<1x960xi32, #tpu.memory_space<hbm>>
      %dma_start3A_9 = tpu.memref_squeeze %dma_start3A_8 : memref<1x960xi32, #tpu.memory_space<hbm>> -> memref<960xi32, #tpu.memory_space<hbm>>
      %dma_start3A_10 = arith.constant 0 : i32
      %dma_start3A_11 = tpu.memref_slice %arg6[%add3A, %dma_start3A_10] : memref<32x960xi32, #tpu.memory_space<hbm>> -> memref<1x960xi32, #tpu.memory_space<hbm>>
      %dma_start3A_12 = tpu.memref_squeeze %dma_start3A_11 : memref<1x960xi32, #tpu.memory_space<hbm>> -> memref<960xi32, #tpu.memory_space<hbm>>
      tpu.enqueue_dma source(%dma_start3A_12 : memref<960xi32, #tpu.memory_space<hbm>>) target(%arg12 : memref<960xi32, #tpu.memory_space<vmem>>) target_semaphore(%run_scoped3A : memref<!tpu.dma_semaphore, #tpu.memory_space<semaphore_mem>>)
      %dma_wait3A = arith.constant 0 : i32
      %dma_wait3A_13 = tpu.memref_slice %arg6[%add3A, %dma_wait3A] : memref<32x960xi32, #tpu.memory_space<hbm>> -> memref<1x960xi32, #tpu.memory_space<hbm>>
      %dma_wait3A_14 = tpu.memref_squeeze %dma_wait3A_13 : memref<1x960xi32, #tpu.memory_space<hbm>> -> memref<960xi32, #tpu.memory_space<hbm>>
      %dma_wait3A_15 = arith.constant 0 : i32
      %dma_wait3A_16 = tpu.memref_slice %arg6[%add3A, %dma_wait3A_15] : memref<32x960xi32, #tpu.memory_space<hbm>> -> memref<1x960xi32, #tpu.memory_space<hbm>>
      %dma_wait3A_17 = tpu.memref_squeeze %dma_wait3A_16 : memref<1x960xi32, #tpu.memory_space<hbm>> -> memref<960xi32, #tpu.memory_space<hbm>>
      tpu.wait_dma2 semaphore(%run_scoped3A : memref<!tpu.dma_semaphore, #tpu.memory_space<semaphore_mem>>) src(%dma_wait3A_17 : memref<960xi32, #tpu.memory_space<hbm>>) dst(%arg12 : memref<960xi32, #tpu.memory_space<vmem>>)
      tpu.yield
    }) : () -> ()
    %broadcast_in_dim3A = arith.constant 0.000000e+00 : f32
    %broadcast_in_dim3A_1 = vector.broadcast %broadcast_in_dim3A : f32 to vector<16xf32>
    %scan3A = arith.constant 0 : i32
    %scan3A_2 = arith.constant 60 : i32
    %scan3A_3 = arith.addi %scan3A, %scan3A_2 : i32
    %scan3A_4 = arith.constant 1 : i32
    %scan3A_5 = scf.for %scan3A_8 = %scan3A to %scan3A_3 step %scan3A_4 iter_args(%scan3A_9 = %broadcast_in_dim3A_1) -> (vector<16xf32>)  : i32 {
      %mul3A_10 = arith.constant 16 : i32
      %mul3A_11 = arith.muli %scan3A_8, %mul3A_10 : i32
      %get3A = arith.index_cast %mul3A_11 : i32 to index
      %get3A_12 = tpu.vector_load %arg9[%get3A] {strides = array<i32>} : memref<960xi32, #tpu.memory_space<vmem>>, vector<16xi32>,
      %mul3A_13 = arith.constant 16 : i32
      %mul3A_14 = arith.muli %scan3A_8, %mul3A_13 : i32
      %get3A_15 = arith.index_cast %mul3A_14 : i32 to index
      %get3A_16 = tpu.vector_load %arg10[%get3A_15] {strides = array<i32>} : memref<960xi32, #tpu.memory_space<vmem>>, vector<16xi32>,
      %mul3A_17 = arith.constant 16 : i32
      %mul3A_18 = arith.muli %scan3A_8, %mul3A_17 : i32
      %get3A_19 = arith.index_cast %mul3A_18 : i32 to index
      %get3A_20 = tpu.vector_load %arg11[%get3A_19] {strides = array<i32>} : memref<960xi32, #tpu.memory_space<vmem>>, vector<16xi32>,
      %mul3A_21 = arith.constant 16 : i32
      %mul3A_22 = arith.muli %scan3A_8, %mul3A_21 : i32
      %get3A_23 = arith.index_cast %mul3A_22 : i32 to index
      %get3A_24 = tpu.vector_load %arg12[%get3A_23] {strides = array<i32>} : memref<960xi32, #tpu.memory_space<vmem>>, vector<16xi32>,
      %mul3A_25 = arith.constant 9 : i32
      %mul3A_26 = vector.broadcast %mul3A_25 : i32 to vector<16xi32>
      %mul3A_27 = arith.muli %get3A_12, %mul3A_26 : vector<16xi32>
      %mul3A_28 = arith.constant 3 : i32
      %mul3A_29 = vector.broadcast %mul3A_28 : i32 to vector<16xi32>
      %mul3A_30 = arith.muli %get3A_16, %mul3A_29 : vector<16xi32>
      %add3A_31 = arith.addi %mul3A_27, %mul3A_30 : vector<16xi32>
      %mul3A_32 = arith.constant 9 : i32
      %mul3A_33 = vector.broadcast %mul3A_32 : i32 to vector<16xi32>
      %mul3A_34 = arith.muli %get3A_20, %mul3A_33 : vector<16xi32>
      %mul3A_35 = arith.constant 3 : i32
      %mul3A_36 = vector.broadcast %mul3A_35 : i32 to vector<16xi32>
      %mul3A_37 = arith.muli %get3A_24, %mul3A_36 : vector<16xi32>
      %add3A_38 = arith.addi %mul3A_34, %mul3A_37 : vector<16xi32>
      %add3A_39 = arith.constant 0 : i32
      %add3A_40 = vector.broadcast %add3A_39 : i32 to vector<16xi32>
      %add3A_41 = arith.addi %add3A_31, %add3A_40 : vector<16xi32>
      %gather3A = tpu.vector_load_idx %arg8[%add3A_41] : memref<90000xf32, #tpu.memory_space<vmem>>[vector<16xi32>], vector<16xf32>,
      %add3A_42 = arith.constant 0 : i32
      %add3A_43 = vector.broadcast %add3A_42 : i32 to vector<16xi32>
      %add3A_44 = arith.addi %add3A_38, %add3A_43 : vector<16xi32>
      %gather3A_45 = tpu.vector_load_idx %arg8[%add3A_44] : memref<90000xf32, #tpu.memory_space<vmem>>[vector<16xi32>], vector<16xf32>,
      %sub3A = arith.subf %gather3A, %gather3A_45 : vector<16xf32>
      %mul3A_46 = arith.mulf %sub3A, %sub3A : vector<16xf32>
      %add3A_47 = arith.addf %scan3A_9, %mul3A_46 : vector<16xf32>
      %add3A_48 = arith.constant 1 : i32
      %add3A_49 = vector.broadcast %add3A_48 : i32 to vector<16xi32>
      %add3A_50 = arith.addi %add3A_31, %add3A_49 : vector<16xi32>
      %gather3A_51 = tpu.vector_load_idx %arg8[%add3A_50] : memref<90000xf32, #tpu.memory_space<vmem>>[vector<16xi32>], vector<16xf32>,
      %add3A_52 = arith.constant 1 : i32
      %add3A_53 = vector.broadcast %add3A_52 : i32 to vector<16xi32>
      %add3A_54 = arith.addi %add3A_38, %add3A_53 : vector<16xi32>
      %gather3A_55 = tpu.vector_load_idx %arg8[%add3A_54] : memref<90000xf32, #tpu.memory_space<vmem>>[vector<16xi32>], vector<16xf32>,
      %sub3A_56 = arith.subf %gather3A_51, %gather3A_55 : vector<16xf32>
      %mul3A_57 = arith.mulf %sub3A_56, %sub3A_56 : vector<16xf32>
      %add3A_58 = arith.addf %add3A_47, %mul3A_57 : vector<16xf32>
      %add3A_59 = arith.constant 2 : i32
      %add3A_60 = vector.broadcast %add3A_59 : i32 to vector<16xi32>
      %add3A_61 = arith.addi %add3A_31, %add3A_60 : vector<16xi32>
      %gather3A_62 = tpu.vector_load_idx %arg8[%add3A_61] : memref<90000xf32, #tpu.memory_space<vmem>>[vector<16xi32>], vector<16xf32>,
      %add3A_63 = arith.constant 2 : i32
      %add3A_64 = vector.broadcast %add3A_63 : i32 to vector<16xi32>
      %add3A_65 = arith.addi %add3A_38, %add3A_64 : vector<16xi32>
      %gather3A_66 = tpu.vector_load_idx %arg8[%add3A_65] : memref<90000xf32, #tpu.memory_space<vmem>>[vector<16xi32>], vector<16xf32>,
      %sub3A_67 = arith.subf %gather3A_62, %gather3A_66 : vector<16xf32>
      %mul3A_68 = arith.mulf %sub3A_67, %sub3A_67 : vector<16xf32>
      %add3A_69 = arith.addf %add3A_58, %mul3A_68 : vector<16xf32>
      scf.yield %add3A_69 : vector<16xf32>
    }
    %scan3A_6 = arith.constant 60 : i32
    %swap3A = arith.constant 0 : index
    %swap3A_7 = tpu.vector_load %arg13[%swap3A] {strides = array<i32>} : memref<16xf32, #tpu.memory_space<vmem>>, vector<16xf32>,
    tpu.vector_store %arg13[%swap3A], %scan3A_5 {strides = array<i32>} : memref<16xf32, #tpu.memory_space<vmem>>, vector<16xf32>,
    "tpu.region"() ({
      %run_scoped3A = tpu.sem_alloc : memref<!tpu.dma_semaphore, #tpu.memory_space<semaphore_mem>>
      %dma_start3A = arith.constant 0 : i32
      %dma_start3A_8 = tpu.memref_slice %arg7[%add3A, %dma_start3A] : memref<32x16xf32, #tpu.memory_space<hbm>> -> memref<1x16xf32, #tpu.memory_space<hbm>>
      %dma_start3A_9 = tpu.memref_squeeze %dma_start3A_8 : memref<1x16xf32, #tpu.memory_space<hbm>> -> memref<16xf32, #tpu.memory_space<hbm>>
      %dma_start3A_10 = arith.constant 0 : i32
      %dma_start3A_11 = tpu.memref_slice %arg7[%add3A, %dma_start3A_10] : memref<32x16xf32, #tpu.memory_space<hbm>> -> memref<1x16xf32, #tpu.memory_space<hbm>>
      %dma_start3A_12 = tpu.memref_squeeze %dma_start3A_11 : memref<1x16xf32, #tpu.memory_space<hbm>> -> memref<16xf32, #tpu.memory_space<hbm>>
      tpu.enqueue_dma source(%arg13 : memref<16xf32, #tpu.memory_space<vmem>>) target(%dma_start3A_12 : memref<16xf32, #tpu.memory_space<hbm>>) target_semaphore(%run_scoped3A : memref<!tpu.dma_semaphore, #tpu.memory_space<semaphore_mem>>)
      %dma_wait3A = arith.constant 0 : i32
      %dma_wait3A_13 = tpu.memref_slice %arg7[%add3A, %dma_wait3A] : memref<32x16xf32, #tpu.memory_space<hbm>> -> memref<1x16xf32, #tpu.memory_space<hbm>>
      %dma_wait3A_14 = tpu.memref_squeeze %dma_wait3A_13 : memref<1x16xf32, #tpu.memory_space<hbm>> -> memref<16xf32, #tpu.memory_space<hbm>>
      %dma_wait3A_15 = arith.constant 0 : i32
      %dma_wait3A_16 = tpu.memref_slice %arg7[%add3A, %dma_wait3A_15] : memref<32x16xf32, #tpu.memory_space<hbm>> -> memref<1x16xf32, #tpu.memory_space<hbm>>
      %dma_wait3A_17 = tpu.memref_squeeze %dma_wait3A_16 : memref<1x16xf32, #tpu.memory_space<hbm>> -> memref<16xf32, #tpu.memory_space<hbm>>
      tpu.wait_dma2 semaphore(%run_scoped3A : memref<!tpu.dma_semaphore, #tpu.memory_space<semaphore_mem>>) src(%arg13 : memref<16xf32, #tpu.memory_space<vmem>>) dst(%dma_wait3A_17 : memref<16xf32, #tpu.memory_space<hbm>>)
      tpu.yield
    }) : () -> ()
    return
  }
}

module attributes {stable_mosaic.version = 14 : i64} {
  func.func @_tc1_body(%arg0: i32, %arg1: memref<1000x16xf32, #tpu.memory_space<vmem>>, %arg2: memref<1000x16xf32, #tpu.memory_space<vmem>>, %arg3: memref<1000x16xf32, #tpu.memory_space<vmem>>, %arg4: memref<16x128xf32, #tpu.memory_space<vmem>>, %arg5: memref<1x128xf32, #tpu.memory_space<vmem>>, %arg6: memref<1000x128xf32, #tpu.memory_space<vmem>>, %arg7: memref<1000x1xf32, #tpu.memory_space<vmem>>) attributes {dimension_semantics = [#tpu.dimension_semantics<arbitrary>], iteration_bounds = array<i64: 10>, scalar_prefetch = 0 : i64, scratch_operands = 0 : i64, tpu.core_type = #tpu.core_type<tc>, window_params = [{transform_indices = @transform_0, window_bounds = array<i64: 1000, 16>}, {transform_indices = @transform_1, window_bounds = array<i64: 1000, 16>}, {transform_indices = @transform_2, window_bounds = array<i64: 1000, 16>}, {pipeline_mode = #tpu.pipeline_mode<synchronous>, transform_indices = @transform_3, window_bounds = array<i64: 16, 128>}, {pipeline_mode = #tpu.pipeline_mode<synchronous>, transform_indices = @transform_4, window_bounds = array<i64: 1, 128>}, {transform_indices = @transform_5, window_bounds = array<i64: 1000, 128>}, {transform_indices = @transform_6, window_bounds = array<i64: 1000, 1>}]} {
    %get3A = arith.constant 0 : index
    %get3A_0 = arith.constant 0 : index
    %get3A_1 = vector.load %arg1[%get3A, %get3A_0] : memref<1000x16xf32, #tpu.memory_space<vmem>>, vector<1000x16xf32>
    %get3A_2 = arith.constant 0 : index
    %get3A_3 = arith.constant 0 : index
    %get3A_4 = vector.load %arg2[%get3A_2, %get3A_3] : memref<1000x16xf32, #tpu.memory_space<vmem>>, vector<1000x16xf32>
    %add3A = arith.addf %get3A_1, %get3A_4 : vector<1000x16xf32>
    %slice3A = vector.extract_strided_slice %add3A {offsets = [0, 9], sizes = [1000, 1], strides = [1, 1]} : vector<1000x16xf32> to vector<1000x1xf32>
    %jit3A = arith.constant 1.000000e+00 : f32
    %max3A = vector.broadcast %jit3A : f32 to vector<1000x1xf32>
    %max3A_5 = arith.maximumf %max3A, %slice3A : vector<1000x1xf32>
    %div3A = arith.constant 1.000000e+00 : f32
    %div3A_6 = vector.broadcast %div3A : f32 to vector<1000x1xf32>
    %div3A_7 = arith.divf %div3A_6, %max3A_5 : vector<1000x1xf32>
    %get3A_8 = arith.constant 0 : index
    %get3A_9 = arith.constant 0 : index
    %get3A_10 = vector.load %arg3[%get3A_8, %get3A_9] : memref<1000x16xf32, #tpu.memory_space<vmem>>, vector<1000x16xf32>
    %mul3A = vector.broadcast %div3A_7 : vector<1000x1xf32> to vector<1000x16xf32>
    %mul3A_11 = arith.mulf %add3A, %mul3A : vector<1000x16xf32>
    %add3A_12 = arith.addf %get3A_10, %mul3A_11 : vector<1000x16xf32>
    %get3A_13 = arith.constant 0 : index
    %get3A_14 = arith.constant 0 : index
    %get3A_15 = vector.load %arg4[%get3A_13, %get3A_14] : memref<16x128xf32, #tpu.memory_space<vmem>>, vector<16x128xf32>
    %dot_general3A = arith.constant dense<0.000000e+00> : vector<1000x128xf32>
    %dot_general3A_16 = tpu.matmul %add3A_12, %get3A_15, %dot_general3A {dimension_numbers = #tpu.dot_dimension_numbers<[1], [0], [0], [1], [0, 0, 1, 1], [], []>, transpose_lhs_hint = false} : vector<1000x16xf32>, vector<16x128xf32>, vector<1000x128xf32> -> vector<1000x128xf32>
    %get3A_17 = arith.constant 0 : index
    %get3A_18 = arith.constant 0 : index
    %get3A_19 = vector.load %arg5[%get3A_17, %get3A_18] : memref<1x128xf32, #tpu.memory_space<vmem>>, vector<1x128xf32>
    %add3A_20 = vector.broadcast %get3A_19 : vector<1x128xf32> to vector<1000x128xf32>
    %add3A_21 = arith.addf %dot_general3A_16, %add3A_20 : vector<1000x128xf32>
    %max3A_22 = arith.constant 0.000000e+00 : f32
    %max3A_23 = vector.broadcast %max3A_22 : f32 to vector<1000x128xf32>
    %max3A_24 = arith.maximumf %add3A_21, %max3A_23 : vector<1000x128xf32>
    %swap3A = arith.constant 0 : index
    %swap3A_25 = arith.constant 0 : index
    %swap3A_26 = vector.load %arg6[%swap3A, %swap3A_25] : memref<1000x128xf32, #tpu.memory_space<vmem>>, vector<1000x128xf32>
    tpu.vector_store %arg6[%swap3A, %swap3A_25], %max3A_24 {strides = array<i32>} : memref<1000x128xf32, #tpu.memory_space<vmem>>, vector<1000x128xf32>,
    %swap3A_27 = arith.constant 0 : index
    %swap3A_28 = arith.constant 0 : index
    %swap3A_29 = vector.load %arg7[%swap3A_27, %swap3A_28] : memref<1000x1xf32, #tpu.memory_space<vmem>>, vector<1000x1xf32>
    tpu.vector_store %arg7[%swap3A_27, %swap3A_28], %div3A_7 {strides = array<i32>} : memref<1000x1xf32, #tpu.memory_space<vmem>>, vector<1000x1xf32>,
    return
  }
  func.func @transform_0(%arg0: i32) -> (i32, i32) {
    %c0_i32 = arith.constant 0 : i32
    %c0_i32_0 = arith.constant 0 : i32
    return %arg0, %c0_i32 : i32, i32
  }
  func.func @transform_1(%arg0: i32) -> (i32, i32) {
    %c0_i32 = arith.constant 0 : i32
    %c0_i32_0 = arith.constant 0 : i32
    return %arg0, %c0_i32 : i32, i32
  }
  func.func @transform_2(%arg0: i32) -> (i32, i32) {
    %c0_i32 = arith.constant 0 : i32
    %c0_i32_0 = arith.constant 0 : i32
    return %arg0, %c0_i32 : i32, i32
  }
  func.func @transform_3(%arg0: i32) -> (i32, i32) {
    %c0_i32 = arith.constant 0 : i32
    %c0_i32_0 = arith.constant 0 : i32
    %c0_i32_1 = arith.constant 0 : i32
    return %c0_i32, %c0_i32_0 : i32, i32
  }
  func.func @transform_4(%arg0: i32) -> (i32, i32) {
    %c0_i32 = arith.constant 0 : i32
    %c0_i32_0 = arith.constant 0 : i32
    %c0_i32_1 = arith.constant 0 : i32
    return %c0_i32, %c0_i32_0 : i32, i32
  }
  func.func @transform_5(%arg0: i32) -> (i32, i32) {
    %c0_i32 = arith.constant 0 : i32
    %c0_i32_0 = arith.constant 0 : i32
    return %arg0, %c0_i32 : i32, i32
  }
  func.func @transform_6(%arg0: i32) -> (i32, i32) {
    %c0_i32 = arith.constant 0 : i32
    %c0_i32_0 = arith.constant 0 : i32
    return %arg0, %c0_i32 : i32, i32
  }
}

module attributes {stable_mosaic.version = 14 : i64} {
  func.func @_tc_ze_rvq_body(%arg0: i32, %arg1: memref<1000x128xf32, #tpu.memory_space<vmem>>, %arg2: memref<1000x128xf32, #tpu.memory_space<vmem>>, %arg3: memref<1000x128xf32, #tpu.memory_space<vmem>>, %arg4: memref<1000x1xf32, #tpu.memory_space<vmem>>, %arg5: memref<128x128xf32, #tpu.memory_space<vmem>>, %arg6: memref<1x128xf32, #tpu.memory_space<vmem>>, %arg7: memref<3x512x128xf32, #tpu.memory_space<vmem>>, %arg8: memref<1000x128xf32, #tpu.memory_space<vmem>>, %arg9: memref<1000x128xf32, #tpu.memory_space<vmem>>, %arg10: memref<1000x8xi32, #tpu.memory_space<vmem>>, %arg11: memref<1x1xf32, #tpu.memory_space<vmem>>) attributes {dimension_semantics = [#tpu.dimension_semantics<arbitrary>], iteration_bounds = array<i64: 10>, scalar_prefetch = 0 : i64, scratch_operands = 0 : i64, tpu.core_type = #tpu.core_type<tc>, window_params = [{transform_indices = @transform_0, window_bounds = array<i64: 1000, 128>}, {transform_indices = @transform_1, window_bounds = array<i64: 1000, 128>}, {transform_indices = @transform_2, window_bounds = array<i64: 1000, 128>}, {transform_indices = @transform_3, window_bounds = array<i64: 1000, 1>}, {pipeline_mode = #tpu.pipeline_mode<synchronous>, transform_indices = @transform_4, window_bounds = array<i64: 128, 128>}, {pipeline_mode = #tpu.pipeline_mode<synchronous>, transform_indices = @transform_5, window_bounds = array<i64: 1, 128>}, {pipeline_mode = #tpu.pipeline_mode<synchronous>, transform_indices = @transform_6, window_bounds = array<i64: 3, 512, 128>}, {transform_indices = @transform_7, window_bounds = array<i64: 1000, 128>}, {transform_indices = @transform_8, window_bounds = array<i64: 1000, 128>}, {transform_indices = @transform_9, window_bounds = array<i64: 1000, 8>}, {pipeline_mode = #tpu.pipeline_mode<synchronous>, transform_indices = @transform_10, window_bounds = array<i64: 1, 1>}]} {
    %eq3A = arith.constant 0 : i32
    %eq3A_0 = arith.cmpi eq, %arg0, %eq3A : i32
    %convert_element_type3A = arith.extui %eq3A_0 : i1 to i32
    %cond3A = arith.constant 0 : i32
    %cond3A_1 = arith.cmpi ne, %convert_element_type3A, %cond3A : i32
    scf.if %cond3A_1 {
      %broadcast_in_dim3A_228 = arith.constant 0.000000e+00 : f32
      %broadcast_in_dim3A_229 = vector.broadcast %broadcast_in_dim3A_228 : f32 to vector<1x1xf32>
      %swap3A_230 = arith.constant 0 : index
      %swap3A_231 = arith.constant 0 : index
      %swap3A_232 = vector.load %arg11[%swap3A_230, %swap3A_231] : memref<1x1xf32, #tpu.memory_space<vmem>>, vector<1x1xf32>
      tpu.vector_store %arg11[%swap3A_230, %swap3A_231], %broadcast_in_dim3A_229 {strides = array<i32>} : memref<1x1xf32, #tpu.memory_space<vmem>>, vector<1x1xf32>,
    } else {
    }
    %get3A = arith.constant 0 : index
    %get3A_2 = arith.constant 0 : index
    %get3A_3 = vector.load %arg1[%get3A, %get3A_2] : memref<1000x128xf32, #tpu.memory_space<vmem>>, vector<1000x128xf32>
    %get3A_4 = arith.constant 0 : index
    %get3A_5 = arith.constant 0 : index
    %get3A_6 = vector.load %arg2[%get3A_4, %get3A_5] : memref<1000x128xf32, #tpu.memory_space<vmem>>, vector<1000x128xf32>
    %add3A = arith.addf %get3A_3, %get3A_6 : vector<1000x128xf32>
    %get3A_7 = arith.constant 0 : index
    %get3A_8 = arith.constant 0 : index
    %get3A_9 = vector.load %arg3[%get3A_7, %get3A_8] : memref<1000x128xf32, #tpu.memory_space<vmem>>, vector<1000x128xf32>
    %get3A_10 = arith.constant 0 : index
    %get3A_11 = arith.constant 0 : index
    %get3A_12 = vector.load %arg4[%get3A_10, %get3A_11] : memref<1000x1xf32, #tpu.memory_space<vmem>>, vector<1000x1xf32>
    %mul3A = vector.broadcast %get3A_12 : vector<1000x1xf32> to vector<1000x128xf32>
    %mul3A_13 = arith.mulf %add3A, %mul3A : vector<1000x128xf32>
    %add3A_14 = arith.addf %get3A_9, %mul3A_13 : vector<1000x128xf32>
    %get3A_15 = arith.constant 0 : index
    %get3A_16 = arith.constant 0 : index
    %get3A_17 = vector.load %arg5[%get3A_15, %get3A_16] : memref<128x128xf32, #tpu.memory_space<vmem>>, vector<128x128xf32>
    %dot_general3A = arith.constant dense<0.000000e+00> : vector<1000x128xf32>
    %dot_general3A_18 = tpu.matmul %add3A_14, %get3A_17, %dot_general3A {dimension_numbers = #tpu.dot_dimension_numbers<[1], [0], [0], [1], [0, 0, 1, 1], [], []>, transpose_lhs_hint = false} : vector<1000x128xf32>, vector<128x128xf32>, vector<1000x128xf32> -> vector<1000x128xf32>
    %get3A_19 = arith.constant 0 : index
    %get3A_20 = arith.constant 0 : index
    %get3A_21 = vector.load %arg6[%get3A_19, %get3A_20] : memref<1x128xf32, #tpu.memory_space<vmem>>, vector<1x128xf32>
    %add3A_22 = vector.broadcast %get3A_21 : vector<1x128xf32> to vector<1000x128xf32>
    %add3A_23 = arith.addf %dot_general3A_18, %add3A_22 : vector<1000x128xf32>
    %swap3A = arith.constant 0 : index
    %swap3A_24 = arith.constant 0 : index
    %swap3A_25 = vector.load %arg8[%swap3A, %swap3A_24] : memref<1000x128xf32, #tpu.memory_space<vmem>>, vector<1000x128xf32>
    tpu.vector_store %arg8[%swap3A, %swap3A_24], %add3A_23 {strides = array<i32>} : memref<1000x128xf32, #tpu.memory_space<vmem>>, vector<1000x128xf32>,
    %broadcast_in_dim3A = arith.constant 0.000000e+00 : f32
    %broadcast_in_dim3A_26 = vector.broadcast %broadcast_in_dim3A : f32 to vector<1000x128xf32>
    %iota3A = tpu.iota {dimensions = array<i32: 1>} : vector<1x512xi32>
    %get3A_27 = arith.constant 0 : index
    %get3A_28 = arith.constant 0 : index
    %get3A_29 = arith.constant 0 : index
    %get3A_30 = vector.load %arg7[%get3A_27, %get3A_28, %get3A_29] : memref<3x512x128xf32, #tpu.memory_space<vmem>>, vector<1x512x128xf32>
    %get3A_31 = vector.shape_cast %get3A_30 : vector<1x512x128xf32> to vector<512x128xf32>
    %mul3A_32 = arith.mulf %get3A_31, %get3A_31 : vector<512x128xf32>
    %reduce_sum3A = arith.constant dense<0.000000e+00> : vector<512xf32>
    %reduce_sum3A_33 = vector.multi_reduction <add>, %mul3A_32, %reduce_sum3A [1] : vector<512x128xf32> to vector<512xf32>
    %broadcast_in_dim3A_34 = vector.shape_cast %reduce_sum3A_33 : vector<512xf32> to vector<1x512xf32>
    %mul3A_35 = arith.mulf %add3A_23, %add3A_23 : vector<1000x128xf32>
    %reduce_sum3A_36 = arith.constant dense<0.000000e+00> : vector<1000xf32>
    %reduce_sum3A_37 = vector.multi_reduction <add>, %mul3A_35, %reduce_sum3A_36 [1] : vector<1000x128xf32> to vector<1000xf32>
    %broadcast_in_dim3A_38 = vector.shape_cast %reduce_sum3A_37 : vector<1000xf32> to vector<1000x1xf32>
    %dot_general3A_39 = arith.constant dense<0.000000e+00> : vector<1000x512xf32>
    %dot_general3A_40 = tpu.matmul %add3A_23, %get3A_31, %dot_general3A_39 {dimension_numbers = #tpu.dot_dimension_numbers<[1], [1], [0], [0], [0, 0, 1, 0], [], []>, transpose_lhs_hint = false} : vector<1000x128xf32>, vector<512x128xf32>, vector<1000x512xf32> -> vector<1000x512xf32>
    %mul3A_41 = arith.constant 2.000000e+00 : f32
    %mul3A_42 = vector.broadcast %mul3A_41 : f32 to vector<1000x512xf32>
    %mul3A_43 = arith.mulf %mul3A_42, %dot_general3A_40 : vector<1000x512xf32>
    %sub3A = vector.broadcast %broadcast_in_dim3A_38 : vector<1000x1xf32> to vector<1000x512xf32>
    %sub3A_44 = arith.subf %sub3A, %mul3A_43 : vector<1000x512xf32>
    %add3A_45 = vector.broadcast %broadcast_in_dim3A_34 : vector<1x512xf32> to vector<1000x512xf32>
    %add3A_46 = arith.addf %sub3A_44, %add3A_45 : vector<1000x512xf32>
    %reduce_min3A = arith.constant dense<0x7F800000> : vector<1000xf32>
    %reduce_min3A_47 = vector.multi_reduction <minimumf>, %add3A_46, %reduce_min3A [1] : vector<1000x512xf32> to vector<1000xf32>
    %broadcast_in_dim3A_48 = vector.shape_cast %reduce_min3A_47 : vector<1000xf32> to vector<1000x1xf32>
    %eq3A_49 = vector.broadcast %broadcast_in_dim3A_48 : vector<1000x1xf32> to vector<1000x512xf32>
    %eq3A_50 = arith.cmpf oeq, %add3A_46, %eq3A_49 : vector<1000x512xf32>
    %jit3A = arith.constant 512 : i32
    %broadcast_in_dim3A_51 = vector.shape_cast %iota3A : vector<1x512xi32> to vector<1x512xi32>
    %broadcast_in_dim3A_52 = vector.broadcast %broadcast_in_dim3A_51 : vector<1x512xi32> to vector<1000x512xi32>
    %broadcast_in_dim3A_53 = vector.broadcast %jit3A : i32 to vector<1000x512xi32>
    %select_n3A = arith.select %eq3A_50, %broadcast_in_dim3A_52, %broadcast_in_dim3A_53 : vector<1000x512xi1>, vector<1000x512xi32>
    %reduce_min3A_54 = arith.constant dense<2147483647> : vector<1000xi32>
    %reduce_min3A_55 = vector.multi_reduction <minsi>, %select_n3A, %reduce_min3A_54 [1] : vector<1000x512xi32> to vector<1000xi32>
    %broadcast_in_dim3A_56 = vector.shape_cast %reduce_min3A_55 : vector<1000xi32> to vector<1000x1xi32>
    %eq3A_57 = vector.broadcast %iota3A : vector<1x512xi32> to vector<1000x512xi32>
    %eq3A_58 = vector.broadcast %broadcast_in_dim3A_56 : vector<1000x1xi32> to vector<1000x512xi32>
    %eq3A_59 = arith.cmpi eq, %eq3A_57, %eq3A_58 : vector<1000x512xi32>
    %convert_element_type3A_60 = arith.extui %eq3A_59 : vector<1000x512xi1> to vector<1000x512xi32>
    %convert_element_type3A_61 = arith.sitofp %convert_element_type3A_60 : vector<1000x512xi32> to vector<1000x512xf32>
    %convert_element_type3A_62 = arith.truncf %get3A_31 : vector<512x128xf32> to vector<512x128xbf16>
    %convert_element_type3A_63 = arith.extf %convert_element_type3A_62 : vector<512x128xbf16> to vector<512x128xf32>
    %sub3A_64 = arith.subf %get3A_31, %convert_element_type3A_63 : vector<512x128xf32>
    %convert_element_type3A_65 = arith.truncf %sub3A_64 : vector<512x128xf32> to vector<512x128xbf16>
    %convert_element_type3A_66 = arith.extf %convert_element_type3A_65 : vector<512x128xbf16> to vector<512x128xf32>
    %sub3A_67 = arith.subf %sub3A_64, %convert_element_type3A_66 : vector<512x128xf32>
    %dot_general3A_68 = arith.constant dense<0.000000e+00> : vector<1000x128xf32>
    %dot_general3A_69 = tpu.matmul %convert_element_type3A_61, %convert_element_type3A_63, %dot_general3A_68 {dimension_numbers = #tpu.dot_dimension_numbers<[1], [0], [0], [1], [0, 0, 1, 1], [], []>, transpose_lhs_hint = false} : vector<1000x512xf32>, vector<512x128xf32>, vector<1000x128xf32> -> vector<1000x128xf32>
    %dot_general3A_70 = arith.constant dense<0.000000e+00> : vector<1000x128xf32>
    %dot_general3A_71 = tpu.matmul %convert_element_type3A_61, %convert_element_type3A_66, %dot_general3A_70 {dimension_numbers = #tpu.dot_dimension_numbers<[1], [0], [0], [1], [0, 0, 1, 1], [], []>, transpose_lhs_hint = false} : vector<1000x512xf32>, vector<512x128xf32>, vector<1000x128xf32> -> vector<1000x128xf32>
    %add3A_72 = arith.addf %dot_general3A_69, %dot_general3A_71 : vector<1000x128xf32>
    %dot_general3A_73 = arith.constant dense<0.000000e+00> : vector<1000x128xf32>
    %dot_general3A_74 = tpu.matmul %convert_element_type3A_61, %sub3A_67, %dot_general3A_73 {dimension_numbers = #tpu.dot_dimension_numbers<[1], [0], [0], [1], [0, 0, 1, 1], [], []>, transpose_lhs_hint = false} : vector<1000x512xf32>, vector<512x128xf32>, vector<1000x128xf32> -> vector<1000x128xf32>
    %add3A_75 = arith.addf %add3A_72, %dot_general3A_74 : vector<1000x128xf32>
    %sub3A_76 = arith.subf %add3A_23, %add3A_75 : vector<1000x128xf32>
    %integer_pow3A = arith.mulf %sub3A_76, %sub3A_76 : vector<1000x128xf32>
    %reduce_sum3A_77 = vector.shape_cast %integer_pow3A : vector<1000x128xf32> to vector<1x1000x128xf32>
    %reduce_sum3A_78 = arith.constant dense<0.000000e+00> : vector<1xf32>
    %reduce_sum3A_79 = vector.multi_reduction <add>, %reduce_sum3A_77, %reduce_sum3A_78 [1, 2] : vector<1x1000x128xf32> to vector<1xf32>
    %reduce_sum3A_80 = vector.shape_cast %reduce_sum3A_79 : vector<1xf32> to vector<1x1x1xf32>
    %reduce_sum3A_81 = vector.extract %reduce_sum3A_80[0, 0, 0] : f32 from vector<1x1x1xf32>
    %add3A_82 = arith.constant 0.000000e+00 : f32
    %add3A_83 = arith.addf %add3A_82, %reduce_sum3A_81 : f32
    %add3A_84 = arith.addf %broadcast_in_dim3A_26, %add3A_75 : vector<1000x128xf32>
    %sub3A_85 = arith.subf %add3A_23, %add3A_75 : vector<1000x128xf32>
    %get3A_86 = arith.constant 1 : index
    %get3A_87 = arith.constant 0 : index
    %get3A_88 = arith.constant 0 : index
    %get3A_89 = vector.load %arg7[%get3A_86, %get3A_87, %get3A_88] : memref<3x512x128xf32, #tpu.memory_space<vmem>>, vector<1x512x128xf32>
    %get3A_90 = vector.shape_cast %get3A_89 : vector<1x512x128xf32> to vector<512x128xf32>
    %mul3A_91 = arith.mulf %get3A_90, %get3A_90 : vector<512x128xf32>
    %reduce_sum3A_92 = arith.constant dense<0.000000e+00> : vector<512xf32>
    %reduce_sum3A_93 = vector.multi_reduction <add>, %mul3A_91, %reduce_sum3A_92 [1] : vector<512x128xf32> to vector<512xf32>
    %broadcast_in_dim3A_94 = vector.shape_cast %reduce_sum3A_93 : vector<512xf32> to vector<1x512xf32>
    %mul3A_95 = arith.mulf %sub3A_85, %sub3A_85 : vector<1000x128xf32>
    %reduce_sum3A_96 = arith.constant dense<0.000000e+00> : vector<1000xf32>
    %reduce_sum3A_97 = vector.multi_reduction <add>, %mul3A_95, %reduce_sum3A_96 [1] : vector<1000x128xf32> to vector<1000xf32>
    %broadcast_in_dim3A_98 = vector.shape_cast %reduce_sum3A_97 : vector<1000xf32> to vector<1000x1xf32>
    %dot_general3A_99 = arith.constant dense<0.000000e+00> : vector<1000x512xf32>
    %dot_general3A_100 = tpu.matmul %sub3A_85, %get3A_90, %dot_general3A_99 {dimension_numbers = #tpu.dot_dimension_numbers<[1], [1], [0], [0], [0, 0, 1, 0], [], []>, transpose_lhs_hint = false} : vector<1000x128xf32>, vector<512x128xf32>, vector<1000x512xf32> -> vector<1000x512xf32>
    %mul3A_101 = arith.constant 2.000000e+00 : f32
    %mul3A_102 = vector.broadcast %mul3A_101 : f32 to vector<1000x512xf32>
    %mul3A_103 = arith.mulf %mul3A_102, %dot_general3A_100 : vector<1000x512xf32>
    %sub3A_104 = vector.broadcast %broadcast_in_dim3A_98 : vector<1000x1xf32> to vector<1000x512xf32>
    %sub3A_105 = arith.subf %sub3A_104, %mul3A_103 : vector<1000x512xf32>
    %add3A_106 = vector.broadcast %broadcast_in_dim3A_94 : vector<1x512xf32> to vector<1000x512xf32>
    %add3A_107 = arith.addf %sub3A_105, %add3A_106 : vector<1000x512xf32>
    %reduce_min3A_108 = arith.constant dense<0x7F800000> : vector<1000xf32>
    %reduce_min3A_109 = vector.multi_reduction <minimumf>, %add3A_107, %reduce_min3A_108 [1] : vector<1000x512xf32> to vector<1000xf32>
    %broadcast_in_dim3A_110 = vector.shape_cast %reduce_min3A_109 : vector<1000xf32> to vector<1000x1xf32>
    %eq3A_111 = vector.broadcast %broadcast_in_dim3A_110 : vector<1000x1xf32> to vector<1000x512xf32>
    %eq3A_112 = arith.cmpf oeq, %add3A_107, %eq3A_111 : vector<1000x512xf32>
    %jit3A_113 = arith.constant 512 : i32
    %broadcast_in_dim3A_114 = vector.shape_cast %iota3A : vector<1x512xi32> to vector<1x512xi32>
    %broadcast_in_dim3A_115 = vector.broadcast %broadcast_in_dim3A_114 : vector<1x512xi32> to vector<1000x512xi32>
    %broadcast_in_dim3A_116 = vector.broadcast %jit3A_113 : i32 to vector<1000x512xi32>
    %select_n3A_117 = arith.select %eq3A_112, %broadcast_in_dim3A_115, %broadcast_in_dim3A_116 : vector<1000x512xi1>, vector<1000x512xi32>
    %reduce_min3A_118 = arith.constant dense<2147483647> : vector<1000xi32>
    %reduce_min3A_119 = vector.multi_reduction <minsi>, %select_n3A_117, %reduce_min3A_118 [1] : vector<1000x512xi32> to vector<1000xi32>
    %broadcast_in_dim3A_120 = vector.shape_cast %reduce_min3A_119 : vector<1000xi32> to vector<1000x1xi32>
    %eq3A_121 = vector.broadcast %iota3A : vector<1x512xi32> to vector<1000x512xi32>
    %eq3A_122 = vector.broadcast %broadcast_in_dim3A_120 : vector<1000x1xi32> to vector<1000x512xi32>
    %eq3A_123 = arith.cmpi eq, %eq3A_121, %eq3A_122 : vector<1000x512xi32>
    %convert_element_type3A_124 = arith.extui %eq3A_123 : vector<1000x512xi1> to vector<1000x512xi32>
    %convert_element_type3A_125 = arith.sitofp %convert_element_type3A_124 : vector<1000x512xi32> to vector<1000x512xf32>
    %convert_element_type3A_126 = arith.truncf %get3A_90 : vector<512x128xf32> to vector<512x128xbf16>
    %convert_element_type3A_127 = arith.extf %convert_element_type3A_126 : vector<512x128xbf16> to vector<512x128xf32>
    %sub3A_128 = arith.subf %get3A_90, %convert_element_type3A_127 : vector<512x128xf32>
    %convert_element_type3A_129 = arith.truncf %sub3A_128 : vector<512x128xf32> to vector<512x128xbf16>
    %convert_element_type3A_130 = arith.extf %convert_element_type3A_129 : vector<512x128xbf16> to vector<512x128xf32>
    %sub3A_131 = arith.subf %sub3A_128, %convert_element_type3A_130 : vector<512x128xf32>
    %dot_general3A_132 = arith.constant dense<0.000000e+00> : vector<1000x128xf32>
    %dot_general3A_133 = tpu.matmul %convert_element_type3A_125, %convert_element_type3A_127, %dot_general3A_132 {dimension_numbers = #tpu.dot_dimension_numbers<[1], [0], [0], [1], [0, 0, 1, 1], [], []>, transpose_lhs_hint = false} : vector<1000x512xf32>, vector<512x128xf32>, vector<1000x128xf32> -> vector<1000x128xf32>
    %dot_general3A_134 = arith.constant dense<0.000000e+00> : vector<1000x128xf32>
    %dot_general3A_135 = tpu.matmul %convert_element_type3A_125, %convert_element_type3A_130, %dot_general3A_134 {dimension_numbers = #tpu.dot_dimension_numbers<[1], [0], [0], [1], [0, 0, 1, 1], [], []>, transpose_lhs_hint = false} : vector<1000x512xf32>, vector<512x128xf32>, vector<1000x128xf32> -> vector<1000x128xf32>
    %add3A_136 = arith.addf %dot_general3A_133, %dot_general3A_135 : vector<1000x128xf32>
    %dot_general3A_137 = arith.constant dense<0.000000e+00> : vector<1000x128xf32>
    %dot_general3A_138 = tpu.matmul %convert_element_type3A_125, %sub3A_131, %dot_general3A_137 {dimension_numbers = #tpu.dot_dimension_numbers<[1], [0], [0], [1], [0, 0, 1, 1], [], []>, transpose_lhs_hint = false} : vector<1000x512xf32>, vector<512x128xf32>, vector<1000x128xf32> -> vector<1000x128xf32>
    %add3A_139 = arith.addf %add3A_136, %dot_general3A_138 : vector<1000x128xf32>
    %sub3A_140 = arith.subf %sub3A_85, %add3A_139 : vector<1000x128xf32>
    %integer_pow3A_141 = arith.mulf %sub3A_140, %sub3A_140 : vector<1000x128xf32>
    %reduce_sum3A_142 = vector.shape_cast %integer_pow3A_141 : vector<1000x128xf32> to vector<1x1000x128xf32>
    %reduce_sum3A_143 = arith.constant dense<0.000000e+00> : vector<1xf32>
    %reduce_sum3A_144 = vector.multi_reduction <add>, %reduce_sum3A_142, %reduce_sum3A_143 [1, 2] : vector<1x1000x128xf32> to vector<1xf32>
    %reduce_sum3A_145 = vector.shape_cast %reduce_sum3A_144 : vector<1xf32> to vector<1x1x1xf32>
    %reduce_sum3A_146 = vector.extract %reduce_sum3A_145[0, 0, 0] : f32 from vector<1x1x1xf32>
    %add3A_147 = arith.addf %add3A_83, %reduce_sum3A_146 : f32
    %add3A_148 = arith.addf %add3A_84, %add3A_139 : vector<1000x128xf32>
    %sub3A_149 = arith.subf %sub3A_85, %add3A_139 : vector<1000x128xf32>
    %get3A_150 = arith.constant 2 : index
    %get3A_151 = arith.constant 0 : index
    %get3A_152 = arith.constant 0 : index
    %get3A_153 = vector.load %arg7[%get3A_150, %get3A_151, %get3A_152] : memref<3x512x128xf32, #tpu.memory_space<vmem>>, vector<1x512x128xf32>
    %get3A_154 = vector.shape_cast %get3A_153 : vector<1x512x128xf32> to vector<512x128xf32>
    %mul3A_155 = arith.mulf %get3A_154, %get3A_154 : vector<512x128xf32>
    %reduce_sum3A_156 = arith.constant dense<0.000000e+00> : vector<512xf32>
    %reduce_sum3A_157 = vector.multi_reduction <add>, %mul3A_155, %reduce_sum3A_156 [1] : vector<512x128xf32> to vector<512xf32>
    %broadcast_in_dim3A_158 = vector.shape_cast %reduce_sum3A_157 : vector<512xf32> to vector<1x512xf32>
    %mul3A_159 = arith.mulf %sub3A_149, %sub3A_149 : vector<1000x128xf32>
    %reduce_sum3A_160 = arith.constant dense<0.000000e+00> : vector<1000xf32>
    %reduce_sum3A_161 = vector.multi_reduction <add>, %mul3A_159, %reduce_sum3A_160 [1] : vector<1000x128xf32> to vector<1000xf32>
    %broadcast_in_dim3A_162 = vector.shape_cast %reduce_sum3A_161 : vector<1000xf32> to vector<1000x1xf32>
    %dot_general3A_163 = arith.constant dense<0.000000e+00> : vector<1000x512xf32>
    %dot_general3A_164 = tpu.matmul %sub3A_149, %get3A_154, %dot_general3A_163 {dimension_numbers = #tpu.dot_dimension_numbers<[1], [1], [0], [0], [0, 0, 1, 0], [], []>, transpose_lhs_hint = false} : vector<1000x128xf32>, vector<512x128xf32>, vector<1000x512xf32> -> vector<1000x512xf32>
    %mul3A_165 = arith.constant 2.000000e+00 : f32
    %mul3A_166 = vector.broadcast %mul3A_165 : f32 to vector<1000x512xf32>
    %mul3A_167 = arith.mulf %mul3A_166, %dot_general3A_164 : vector<1000x512xf32>
    %sub3A_168 = vector.broadcast %broadcast_in_dim3A_162 : vector<1000x1xf32> to vector<1000x512xf32>
    %sub3A_169 = arith.subf %sub3A_168, %mul3A_167 : vector<1000x512xf32>
    %add3A_170 = vector.broadcast %broadcast_in_dim3A_158 : vector<1x512xf32> to vector<1000x512xf32>
    %add3A_171 = arith.addf %sub3A_169, %add3A_170 : vector<1000x512xf32>
    %reduce_min3A_172 = arith.constant dense<0x7F800000> : vector<1000xf32>
    %reduce_min3A_173 = vector.multi_reduction <minimumf>, %add3A_171, %reduce_min3A_172 [1] : vector<1000x512xf32> to vector<1000xf32>
    %broadcast_in_dim3A_174 = vector.shape_cast %reduce_min3A_173 : vector<1000xf32> to vector<1000x1xf32>
    %eq3A_175 = vector.broadcast %broadcast_in_dim3A_174 : vector<1000x1xf32> to vector<1000x512xf32>
    %eq3A_176 = arith.cmpf oeq, %add3A_171, %eq3A_175 : vector<1000x512xf32>
    %jit3A_177 = arith.constant 512 : i32
    %broadcast_in_dim3A_178 = vector.shape_cast %iota3A : vector<1x512xi32> to vector<1x512xi32>
    %broadcast_in_dim3A_179 = vector.broadcast %broadcast_in_dim3A_178 : vector<1x512xi32> to vector<1000x512xi32>
    %broadcast_in_dim3A_180 = vector.broadcast %jit3A_177 : i32 to vector<1000x512xi32>
    %select_n3A_181 = arith.select %eq3A_176, %broadcast_in_dim3A_179, %broadcast_in_dim3A_180 : vector<1000x512xi1>, vector<1000x512xi32>
    %reduce_min3A_182 = arith.constant dense<2147483647> : vector<1000xi32>
    %reduce_min3A_183 = vector.multi_reduction <minsi>, %select_n3A_181, %reduce_min3A_182 [1] : vector<1000x512xi32> to vector<1000xi32>
    %broadcast_in_dim3A_184 = vector.shape_cast %reduce_min3A_183 : vector<1000xi32> to vector<1000x1xi32>
    %eq3A_185 = vector.broadcast %iota3A : vector<1x512xi32> to vector<1000x512xi32>
    %eq3A_186 = vector.broadcast %broadcast_in_dim3A_184 : vector<1000x1xi32> to vector<1000x512xi32>
    %eq3A_187 = arith.cmpi eq, %eq3A_185, %eq3A_186 : vector<1000x512xi32>
    %convert_element_type3A_188 = arith.extui %eq3A_187 : vector<1000x512xi1> to vector<1000x512xi32>
    %convert_element_type3A_189 = arith.sitofp %convert_element_type3A_188 : vector<1000x512xi32> to vector<1000x512xf32>
    %convert_element_type3A_190 = arith.truncf %get3A_154 : vector<512x128xf32> to vector<512x128xbf16>
    %convert_element_type3A_191 = arith.extf %convert_element_type3A_190 : vector<512x128xbf16> to vector<512x128xf32>
    %sub3A_192 = arith.subf %get3A_154, %convert_element_type3A_191 : vector<512x128xf32>
    %convert_element_type3A_193 = arith.truncf %sub3A_192 : vector<512x128xf32> to vector<512x128xbf16>
    %convert_element_type3A_194 = arith.extf %convert_element_type3A_193 : vector<512x128xbf16> to vector<512x128xf32>
    %sub3A_195 = arith.subf %sub3A_192, %convert_element_type3A_194 : vector<512x128xf32>
    %dot_general3A_196 = arith.constant dense<0.000000e+00> : vector<1000x128xf32>
    %dot_general3A_197 = tpu.matmul %convert_element_type3A_189, %convert_element_type3A_191, %dot_general3A_196 {dimension_numbers = #tpu.dot_dimension_numbers<[1], [0], [0], [1], [0, 0, 1, 1], [], []>, transpose_lhs_hint = false} : vector<1000x512xf32>, vector<512x128xf32>, vector<1000x128xf32> -> vector<1000x128xf32>
    %dot_general3A_198 = arith.constant dense<0.000000e+00> : vector<1000x128xf32>
    %dot_general3A_199 = tpu.matmul %convert_element_type3A_189, %convert_element_type3A_194, %dot_general3A_198 {dimension_numbers = #tpu.dot_dimension_numbers<[1], [0], [0], [1], [0, 0, 1, 1], [], []>, transpose_lhs_hint = false} : vector<1000x512xf32>, vector<512x128xf32>, vector<1000x128xf32> -> vector<1000x128xf32>
    %add3A_200 = arith.addf %dot_general3A_197, %dot_general3A_199 : vector<1000x128xf32>
    %dot_general3A_201 = arith.constant dense<0.000000e+00> : vector<1000x128xf32>
    %dot_general3A_202 = tpu.matmul %convert_element_type3A_189, %sub3A_195, %dot_general3A_201 {dimension_numbers = #tpu.dot_dimension_numbers<[1], [0], [0], [1], [0, 0, 1, 1], [], []>, transpose_lhs_hint = false} : vector<1000x512xf32>, vector<512x128xf32>, vector<1000x128xf32> -> vector<1000x128xf32>
    %add3A_203 = arith.addf %add3A_200, %dot_general3A_202 : vector<1000x128xf32>
    %sub3A_204 = arith.subf %sub3A_149, %add3A_203 : vector<1000x128xf32>
    %integer_pow3A_205 = arith.mulf %sub3A_204, %sub3A_204 : vector<1000x128xf32>
    %reduce_sum3A_206 = vector.shape_cast %integer_pow3A_205 : vector<1000x128xf32> to vector<1x1000x128xf32>
    %reduce_sum3A_207 = arith.constant dense<0.000000e+00> : vector<1xf32>
    %reduce_sum3A_208 = vector.multi_reduction <add>, %reduce_sum3A_206, %reduce_sum3A_207 [1, 2] : vector<1x1000x128xf32> to vector<1xf32>
    %reduce_sum3A_209 = vector.shape_cast %reduce_sum3A_208 : vector<1xf32> to vector<1x1x1xf32>
    %reduce_sum3A_210 = vector.extract %reduce_sum3A_209[0, 0, 0] : f32 from vector<1x1x1xf32>
    %add3A_211 = arith.addf %add3A_147, %reduce_sum3A_210 : f32
    %add3A_212 = arith.addf %add3A_148, %add3A_203 : vector<1000x128xf32>
    %swap3A_213 = arith.constant 0 : index
    %swap3A_214 = arith.constant 0 : index
    %swap3A_215 = vector.load %arg9[%swap3A_213, %swap3A_214] : memref<1000x128xf32, #tpu.memory_space<vmem>>, vector<1000x128xf32>
    tpu.vector_store %arg9[%swap3A_213, %swap3A_214], %add3A_212 {strides = array<i32>} : memref<1000x128xf32, #tpu.memory_space<vmem>>, vector<1000x128xf32>,
    %broadcast_in_dim3A_216 = arith.constant 0 : i32
    %broadcast_in_dim3A_217 = vector.broadcast %broadcast_in_dim3A_216 : i32 to vector<1000x5xi32>
    %concatenate3A = tpu.concatenate %broadcast_in_dim3A_56, %broadcast_in_dim3A_120, %broadcast_in_dim3A_184, %broadcast_in_dim3A_217 in 1 : vector<1000x1xi32>, vector<1000x1xi32>, vector<1000x1xi32>, vector<1000x5xi32> -> vector<1000x8xi32>
    %swap3A_218 = arith.constant 0 : index
    %swap3A_219 = arith.constant 0 : index
    %swap3A_220 = vector.load %arg10[%swap3A_218, %swap3A_219] : memref<1000x8xi32, #tpu.memory_space<vmem>>, vector<1000x8xi32>
    tpu.vector_store %arg10[%swap3A_218, %swap3A_219], %concatenate3A {strides = array<i32>} : memref<1000x8xi32, #tpu.memory_space<vmem>>, vector<1000x8xi32>,
    %get3A_221 = arith.constant 0 : index
    %get3A_222 = arith.constant 0 : index
    %get3A_223 = vector.load %arg11[%get3A_221, %get3A_222] : memref<1x1xf32, #tpu.memory_space<vmem>>, vector<1x1xf32>
    %reshape3A = vector.broadcast %add3A_211 : f32 to vector<1x1xf32>
    %add3A_224 = arith.addf %get3A_223, %reshape3A : vector<1x1xf32>
    %swap3A_225 = arith.constant 0 : index
    %swap3A_226 = arith.constant 0 : index
    %swap3A_227 = vector.load %arg11[%swap3A_225, %swap3A_226] : memref<1x1xf32, #tpu.memory_space<vmem>>, vector<1x1xf32>
    tpu.vector_store %arg11[%swap3A_225, %swap3A_226], %add3A_224 {strides = array<i32>} : memref<1x1xf32, #tpu.memory_space<vmem>>, vector<1x1xf32>,
    return
  }
  func.func @transform_0(%arg0: i32) -> (i32, i32) {
    %c0_i32 = arith.constant 0 : i32
    %c0_i32_0 = arith.constant 0 : i32
    return %arg0, %c0_i32 : i32, i32
  }
  func.func @transform_1(%arg0: i32) -> (i32, i32) {
    %c0_i32 = arith.constant 0 : i32
    %c0_i32_0 = arith.constant 0 : i32
    return %arg0, %c0_i32 : i32, i32
  }
  func.func @transform_2(%arg0: i32) -> (i32, i32) {
    %c0_i32 = arith.constant 0 : i32
    %c0_i32_0 = arith.constant 0 : i32
    return %arg0, %c0_i32 : i32, i32
  }
  func.func @transform_3(%arg0: i32) -> (i32, i32) {
    %c0_i32 = arith.constant 0 : i32
    %c0_i32_0 = arith.constant 0 : i32
    return %arg0, %c0_i32 : i32, i32
  }
  func.func @transform_4(%arg0: i32) -> (i32, i32) {
    %c0_i32 = arith.constant 0 : i32
    %c0_i32_0 = arith.constant 0 : i32
    %c0_i32_1 = arith.constant 0 : i32
    return %c0_i32, %c0_i32_0 : i32, i32
  }
  func.func @transform_5(%arg0: i32) -> (i32, i32) {
    %c0_i32 = arith.constant 0 : i32
    %c0_i32_0 = arith.constant 0 : i32
    %c0_i32_1 = arith.constant 0 : i32
    return %c0_i32, %c0_i32_0 : i32, i32
  }
  func.func @transform_6(%arg0: i32) -> (i32, i32, i32) {
    %c0_i32 = arith.constant 0 : i32
    %c0_i32_0 = arith.constant 0 : i32
    %c0_i32_1 = arith.constant 0 : i32
    %c0_i32_2 = arith.constant 0 : i32
    return %c0_i32, %c0_i32_0, %c0_i32_1 : i32, i32, i32
  }
  func.func @transform_7(%arg0: i32) -> (i32, i32) {
    %c0_i32 = arith.constant 0 : i32
    %c0_i32_0 = arith.constant 0 : i32
    return %arg0, %c0_i32 : i32, i32
  }
  func.func @transform_8(%arg0: i32) -> (i32, i32) {
    %c0_i32 = arith.constant 0 : i32
    %c0_i32_0 = arith.constant 0 : i32
    return %arg0, %c0_i32 : i32, i32
  }
  func.func @transform_9(%arg0: i32) -> (i32, i32) {
    %c0_i32 = arith.constant 0 : i32
    %c0_i32_0 = arith.constant 0 : i32
    return %arg0, %c0_i32 : i32, i32
  }
  func.func @transform_10(%arg0: i32) -> (i32, i32) {
    %c0_i32 = arith.constant 0 : i32
    %c0_i32_0 = arith.constant 0 : i32
    %c0_i32_1 = arith.constant 0 : i32
    return %c0_i32, %c0_i32_0 : i32, i32
  }
}

module attributes {stable_mosaic.version = 14 : i64} {
  func.func @_tc3u_body(%arg0: i32, %arg1: memref<1000x128xf32, #tpu.memory_space<vmem>>, %arg2: memref<1000x128xf32, #tpu.memory_space<vmem>>, %arg3: memref<1000x128xf32, #tpu.memory_space<vmem>>, %arg4: memref<1000x1xf32, #tpu.memory_space<vmem>>, %arg5: memref<128x128xf32, #tpu.memory_space<vmem>>, %arg6: memref<1x128xf32, #tpu.memory_space<vmem>>, %arg7: memref<128x16xf32, #tpu.memory_space<vmem>>, %arg8: memref<1000x16xf32, #tpu.memory_space<vmem>>) attributes {dimension_semantics = [#tpu.dimension_semantics<arbitrary>], iteration_bounds = array<i64: 10>, scalar_prefetch = 0 : i64, scratch_operands = 0 : i64, tpu.core_type = #tpu.core_type<tc>, window_params = [{transform_indices = @transform_0, window_bounds = array<i64: 1000, 128>}, {transform_indices = @transform_1, window_bounds = array<i64: 1000, 128>}, {transform_indices = @transform_2, window_bounds = array<i64: 1000, 128>}, {transform_indices = @transform_3, window_bounds = array<i64: 1000, 1>}, {pipeline_mode = #tpu.pipeline_mode<synchronous>, transform_indices = @transform_4, window_bounds = array<i64: 128, 128>}, {pipeline_mode = #tpu.pipeline_mode<synchronous>, transform_indices = @transform_5, window_bounds = array<i64: 1, 128>}, {pipeline_mode = #tpu.pipeline_mode<synchronous>, transform_indices = @transform_6, window_bounds = array<i64: 128, 16>}, {transform_indices = @transform_7, window_bounds = array<i64: 1000, 16>}]} {
    %get3A = arith.constant 0 : index
    %get3A_0 = arith.constant 0 : index
    %get3A_1 = vector.load %arg1[%get3A, %get3A_0] : memref<1000x128xf32, #tpu.memory_space<vmem>>, vector<1000x128xf32>
    %get3A_2 = arith.constant 0 : index
    %get3A_3 = arith.constant 0 : index
    %get3A_4 = vector.load %arg2[%get3A_2, %get3A_3] : memref<1000x128xf32, #tpu.memory_space<vmem>>, vector<1000x128xf32>
    %add3A = arith.addf %get3A_1, %get3A_4 : vector<1000x128xf32>
    %get3A_5 = arith.constant 0 : index
    %get3A_6 = arith.constant 0 : index
    %get3A_7 = vector.load %arg3[%get3A_5, %get3A_6] : memref<1000x128xf32, #tpu.memory_space<vmem>>, vector<1000x128xf32>
    %get3A_8 = arith.constant 0 : index
    %get3A_9 = arith.constant 0 : index
    %get3A_10 = vector.load %arg4[%get3A_8, %get3A_9] : memref<1000x1xf32, #tpu.memory_space<vmem>>, vector<1000x1xf32>
    %mul3A = vector.broadcast %get3A_10 : vector<1000x1xf32> to vector<1000x128xf32>
    %mul3A_11 = arith.mulf %add3A, %mul3A : vector<1000x128xf32>
    %add3A_12 = arith.addf %get3A_7, %mul3A_11 : vector<1000x128xf32>
    %get3A_13 = arith.constant 0 : index
    %get3A_14 = arith.constant 0 : index
    %get3A_15 = vector.load %arg5[%get3A_13, %get3A_14] : memref<128x128xf32, #tpu.memory_space<vmem>>, vector<128x128xf32>
    %dot_general3A = arith.constant dense<0.000000e+00> : vector<1000x128xf32>
    %dot_general3A_16 = tpu.matmul %add3A_12, %get3A_15, %dot_general3A {dimension_numbers = #tpu.dot_dimension_numbers<[1], [0], [0], [1], [0, 0, 1, 1], [], []>, transpose_lhs_hint = false} : vector<1000x128xf32>, vector<128x128xf32>, vector<1000x128xf32> -> vector<1000x128xf32>
    %get3A_17 = arith.constant 0 : index
    %get3A_18 = arith.constant 0 : index
    %get3A_19 = vector.load %arg6[%get3A_17, %get3A_18] : memref<1x128xf32, #tpu.memory_space<vmem>>, vector<1x128xf32>
    %add3A_20 = vector.broadcast %get3A_19 : vector<1x128xf32> to vector<1000x128xf32>
    %add3A_21 = arith.addf %dot_general3A_16, %add3A_20 : vector<1000x128xf32>
    %max3A = arith.constant 0.000000e+00 : f32
    %max3A_22 = vector.broadcast %max3A : f32 to vector<1000x128xf32>
    %max3A_23 = arith.maximumf %add3A_21, %max3A_22 : vector<1000x128xf32>
    %get3A_24 = arith.constant 0 : index
    %get3A_25 = arith.constant 0 : index
    %get3A_26 = vector.load %arg7[%get3A_24, %get3A_25] : memref<128x16xf32, #tpu.memory_space<vmem>>, vector<128x16xf32>
    %dot_general3A_27 = arith.constant dense<0.000000e+00> : vector<1000x16xf32>
    %dot_general3A_28 = tpu.matmul %max3A_23, %get3A_26, %dot_general3A_27 {dimension_numbers = #tpu.dot_dimension_numbers<[1], [0], [0], [1], [0, 0, 1, 1], [], []>, transpose_lhs_hint = false} : vector<1000x128xf32>, vector<128x16xf32>, vector<1000x16xf32> -> vector<1000x16xf32>
    %swap3A = arith.constant 0 : index
    %swap3A_29 = arith.constant 0 : index
    %swap3A_30 = vector.load %arg8[%swap3A, %swap3A_29] : memref<1000x16xf32, #tpu.memory_space<vmem>>, vector<1000x16xf32>
    tpu.vector_store %arg8[%swap3A, %swap3A_29], %dot_general3A_28 {strides = array<i32>} : memref<1000x16xf32, #tpu.memory_space<vmem>>, vector<1000x16xf32>,
    return
  }
  func.func @transform_0(%arg0: i32) -> (i32, i32) {
    %c0_i32 = arith.constant 0 : i32
    %c0_i32_0 = arith.constant 0 : i32
    return %arg0, %c0_i32 : i32, i32
  }
  func.func @transform_1(%arg0: i32) -> (i32, i32) {
    %c0_i32 = arith.constant 0 : i32
    %c0_i32_0 = arith.constant 0 : i32
    return %arg0, %c0_i32 : i32, i32
  }
  func.func @transform_2(%arg0: i32) -> (i32, i32) {
    %c0_i32 = arith.constant 0 : i32
    %c0_i32_0 = arith.constant 0 : i32
    return %arg0, %c0_i32 : i32, i32
  }
  func.func @transform_3(%arg0: i32) -> (i32, i32) {
    %c0_i32 = arith.constant 0 : i32
    %c0_i32_0 = arith.constant 0 : i32
    return %arg0, %c0_i32 : i32, i32
  }
  func.func @transform_4(%arg0: i32) -> (i32, i32) {
    %c0_i32 = arith.constant 0 : i32
    %c0_i32_0 = arith.constant 0 : i32
    %c0_i32_1 = arith.constant 0 : i32
    return %c0_i32, %c0_i32_0 : i32, i32
  }
  func.func @transform_5(%arg0: i32) -> (i32, i32) {
    %c0_i32 = arith.constant 0 : i32
    %c0_i32_0 = arith.constant 0 : i32
    %c0_i32_1 = arith.constant 0 : i32
    return %c0_i32, %c0_i32_0 : i32, i32
  }
  func.func @transform_6(%arg0: i32) -> (i32, i32) {
    %c0_i32 = arith.constant 0 : i32
    %c0_i32_0 = arith.constant 0 : i32
    %c0_i32_1 = arith.constant 0 : i32
    return %c0_i32, %c0_i32_0 : i32, i32
  }
  func.func @transform_7(%arg0: i32) -> (i32, i32) {
    %c0_i32 = arith.constant 0 : i32
    %c0_i32_0 = arith.constant 0 : i32
    return %arg0, %c0_i32 : i32, i32
  }
}

module attributes {stable_mosaic.version = 14 : i64} {
  func.func @_tc_fin_body(%arg0: i32, %arg1: memref<1000x16xf32, #tpu.memory_space<vmem>>, %arg2: memref<1000x16xf32, #tpu.memory_space<vmem>>, %arg3: memref<1000x16xf32, #tpu.memory_space<vmem>>, %arg4: memref<1000x1xf32, #tpu.memory_space<vmem>>, %arg5: memref<1x16xf32, #tpu.memory_space<vmem>>, %arg6: memref<1000x16xf32, #tpu.memory_space<vmem>>, %arg7: memref<16x16xf32, #tpu.memory_space<vmem>>, %arg8: memref<16x16xf32, #tpu.memory_space<vmem>>, %arg9: memref<1000x16xf32, #tpu.memory_space<vmem>>, %arg10: memref<1x1xf32, #tpu.memory_space<vmem>>) attributes {dimension_semantics = [#tpu.dimension_semantics<arbitrary>], iteration_bounds = array<i64: 10>, scalar_prefetch = 0 : i64, scratch_operands = 0 : i64, tpu.core_type = #tpu.core_type<tc>, window_params = [{transform_indices = @transform_0, window_bounds = array<i64: 1000, 16>}, {transform_indices = @transform_1, window_bounds = array<i64: 1000, 16>}, {transform_indices = @transform_2, window_bounds = array<i64: 1000, 16>}, {transform_indices = @transform_3, window_bounds = array<i64: 1000, 1>}, {pipeline_mode = #tpu.pipeline_mode<synchronous>, transform_indices = @transform_4, window_bounds = array<i64: 1, 16>}, {transform_indices = @transform_5, window_bounds = array<i64: 1000, 16>}, {pipeline_mode = #tpu.pipeline_mode<synchronous>, transform_indices = @transform_6, window_bounds = array<i64: 16, 16>}, {pipeline_mode = #tpu.pipeline_mode<synchronous>, transform_indices = @transform_7, window_bounds = array<i64: 16, 16>}, {transform_indices = @transform_8, window_bounds = array<i64: 1000, 16>}, {pipeline_mode = #tpu.pipeline_mode<synchronous>, transform_indices = @transform_9, window_bounds = array<i64: 1, 1>}]} {
    %eq3A = arith.constant 0 : i32
    %eq3A_0 = arith.cmpi eq, %arg0, %eq3A : i32
    %convert_element_type3A = arith.extui %eq3A_0 : i1 to i32
    %cond3A = arith.constant 0 : i32
    %cond3A_1 = arith.cmpi ne, %convert_element_type3A, %cond3A : i32
    scf.if %cond3A_1 {
      %broadcast_in_dim3A = arith.constant 0.000000e+00 : f32
      %broadcast_in_dim3A_64 = vector.broadcast %broadcast_in_dim3A : f32 to vector<1x1xf32>
      %swap3A_65 = arith.constant 0 : index
      %swap3A_66 = arith.constant 0 : index
      %swap3A_67 = vector.load %arg10[%swap3A_65, %swap3A_66] : memref<1x1xf32, #tpu.memory_space<vmem>>, vector<1x1xf32>
      tpu.vector_store %arg10[%swap3A_65, %swap3A_66], %broadcast_in_dim3A_64 {strides = array<i32>} : memref<1x1xf32, #tpu.memory_space<vmem>>, vector<1x1xf32>,
    } else {
    }
    %get3A = arith.constant 0 : index
    %get3A_2 = arith.constant 0 : index
    %get3A_3 = vector.load %arg2[%get3A, %get3A_2] : memref<1000x16xf32, #tpu.memory_space<vmem>>, vector<1000x16xf32>
    %get3A_4 = arith.constant 0 : index
    %get3A_5 = arith.constant 0 : index
    %get3A_6 = vector.load %arg3[%get3A_4, %get3A_5] : memref<1000x16xf32, #tpu.memory_space<vmem>>, vector<1000x16xf32>
    %add3A = arith.addf %get3A_3, %get3A_6 : vector<1000x16xf32>
    %get3A_7 = arith.constant 0 : index
    %get3A_8 = arith.constant 0 : index
    %get3A_9 = vector.load %arg1[%get3A_7, %get3A_8] : memref<1000x16xf32, #tpu.memory_space<vmem>>, vector<1000x16xf32>
    %get3A_10 = arith.constant 0 : index
    %get3A_11 = arith.constant 0 : index
    %get3A_12 = vector.load %arg4[%get3A_10, %get3A_11] : memref<1000x1xf32, #tpu.memory_space<vmem>>, vector<1000x1xf32>
    %mul3A = vector.broadcast %get3A_12 : vector<1000x1xf32> to vector<1000x16xf32>
    %mul3A_13 = arith.mulf %add3A, %mul3A : vector<1000x16xf32>
    %add3A_14 = arith.addf %get3A_9, %mul3A_13 : vector<1000x16xf32>
    %get3A_15 = arith.constant 0 : index
    %get3A_16 = arith.constant 0 : index
    %get3A_17 = vector.load %arg5[%get3A_15, %get3A_16] : memref<1x16xf32, #tpu.memory_space<vmem>>, vector<1x16xf32>
    %add3A_18 = vector.broadcast %get3A_17 : vector<1x16xf32> to vector<1000x16xf32>
    %add3A_19 = arith.addf %add3A_14, %add3A_18 : vector<1000x16xf32>
    %swap3A = arith.constant 0 : index
    %swap3A_20 = arith.constant 0 : index
    %swap3A_21 = vector.load %arg9[%swap3A, %swap3A_20] : memref<1000x16xf32, #tpu.memory_space<vmem>>, vector<1000x16xf32>
    tpu.vector_store %arg9[%swap3A, %swap3A_20], %add3A_19 {strides = array<i32>} : memref<1000x16xf32, #tpu.memory_space<vmem>>, vector<1000x16xf32>,
    %get3A_22 = arith.constant 0 : index
    %get3A_23 = arith.constant 0 : index
    %get3A_24 = vector.load %arg6[%get3A_22, %get3A_23] : memref<1000x16xf32, #tpu.memory_space<vmem>>, vector<1000x16xf32>
    %get3A_25 = arith.constant 0 : index
    %get3A_26 = arith.constant 0 : index
    %get3A_27 = vector.load %arg7[%get3A_25, %get3A_26] : memref<16x16xf32, #tpu.memory_space<vmem>>, vector<16x16xf32>
    %dot_general3A = arith.constant dense<0.000000e+00> : vector<1000x16xf32>
    %dot_general3A_28 = tpu.matmul %get3A_24, %get3A_27, %dot_general3A {dimension_numbers = #tpu.dot_dimension_numbers<[1], [0], [0], [1], [0, 0, 1, 1], [], []>, transpose_lhs_hint = false} : vector<1000x16xf32>, vector<16x16xf32>, vector<1000x16xf32> -> vector<1000x16xf32>
    %get3A_29 = arith.constant 0 : index
    %get3A_30 = arith.constant 0 : index
    %get3A_31 = vector.load %arg8[%get3A_29, %get3A_30] : memref<16x16xf32, #tpu.memory_space<vmem>>, vector<16x16xf32>
    %dot_general3A_32 = arith.constant dense<0.000000e+00> : vector<1000x16xf32>
    %dot_general3A_33 = tpu.matmul %get3A_24, %get3A_31, %dot_general3A_32 {dimension_numbers = #tpu.dot_dimension_numbers<[1], [0], [0], [1], [0, 0, 1, 1], [], []>, transpose_lhs_hint = false} : vector<1000x16xf32>, vector<16x16xf32>, vector<1000x16xf32> -> vector<1000x16xf32>
    %sub3A = arith.subf %add3A_19, %get3A_24 : vector<1000x16xf32>
    %abs3A = math.absf %sub3A : vector<1000x16xf32>
    %reduce_sum3A = arith.constant dense<0.000000e+00> : vector<1000xf32>
    %reduce_sum3A_34 = vector.multi_reduction <add>, %abs3A, %reduce_sum3A [1] : vector<1000x16xf32> to vector<1000xf32>
    %div3A = arith.constant 9.000000e+00 : f32
    %div3A_35 = vector.broadcast %div3A : f32 to vector<1000xf32>
    %div3A_36 = arith.divf %reduce_sum3A_34, %div3A_35 : vector<1000xf32>
    %sub3A_37 = arith.subf %add3A_19, %dot_general3A_28 : vector<1000x16xf32>
    %abs3A_38 = math.absf %sub3A_37 : vector<1000x16xf32>
    %reduce_sum3A_39 = arith.constant dense<0.000000e+00> : vector<1000xf32>
    %reduce_sum3A_40 = vector.multi_reduction <add>, %abs3A_38, %reduce_sum3A_39 [1] : vector<1000x16xf32> to vector<1000xf32>
    %div3A_41 = arith.constant 9.000000e+00 : f32
    %div3A_42 = vector.broadcast %div3A_41 : f32 to vector<1000xf32>
    %div3A_43 = arith.divf %reduce_sum3A_40, %div3A_42 : vector<1000xf32>
    %sub3A_44 = arith.subf %add3A_19, %dot_general3A_33 : vector<1000x16xf32>
    %abs3A_45 = math.absf %sub3A_44 : vector<1000x16xf32>
    %reduce_sum3A_46 = arith.constant dense<0.000000e+00> : vector<1000xf32>
    %reduce_sum3A_47 = vector.multi_reduction <add>, %abs3A_45, %reduce_sum3A_46 [1] : vector<1000x16xf32> to vector<1000xf32>
    %div3A_48 = arith.constant 9.000000e+00 : f32
    %div3A_49 = vector.broadcast %div3A_48 : f32 to vector<1000xf32>
    %div3A_50 = arith.divf %reduce_sum3A_47, %div3A_49 : vector<1000xf32>
    %min3A = arith.minimumf %div3A_43, %div3A_50 : vector<1000xf32>
    %min3A_51 = arith.minimumf %div3A_36, %min3A : vector<1000xf32>
    %get3A_52 = arith.constant 0 : index
    %get3A_53 = arith.constant 0 : index
    %get3A_54 = vector.load %arg10[%get3A_52, %get3A_53] : memref<1x1xf32, #tpu.memory_space<vmem>>, vector<1x1xf32>
    %reduce_sum3A_55 = vector.shape_cast %min3A_51 : vector<1000xf32> to vector<1x1000xf32>
    %reduce_sum3A_56 = arith.constant dense<0.000000e+00> : vector<1xf32>
    %reduce_sum3A_57 = vector.multi_reduction <add>, %reduce_sum3A_55, %reduce_sum3A_56 [1] : vector<1x1000xf32> to vector<1xf32>
    %reduce_sum3A_58 = vector.shape_cast %reduce_sum3A_57 : vector<1xf32> to vector<1x1xf32>
    %reduce_sum3A_59 = vector.extract %reduce_sum3A_58[0, 0] : f32 from vector<1x1xf32>
    %reshape3A = vector.broadcast %reduce_sum3A_59 : f32 to vector<1x1xf32>
    %add3A_60 = arith.addf %get3A_54, %reshape3A : vector<1x1xf32>
    %swap3A_61 = arith.constant 0 : index
    %swap3A_62 = arith.constant 0 : index
    %swap3A_63 = vector.load %arg10[%swap3A_61, %swap3A_62] : memref<1x1xf32, #tpu.memory_space<vmem>>, vector<1x1xf32>
    tpu.vector_store %arg10[%swap3A_61, %swap3A_62], %add3A_60 {strides = array<i32>} : memref<1x1xf32, #tpu.memory_space<vmem>>, vector<1x1xf32>,
    return
  }
  func.func @transform_0(%arg0: i32) -> (i32, i32) {
    %c0_i32 = arith.constant 0 : i32
    %c0_i32_0 = arith.constant 0 : i32
    return %arg0, %c0_i32 : i32, i32
  }
  func.func @transform_1(%arg0: i32) -> (i32, i32) {
    %c0_i32 = arith.constant 0 : i32
    %c0_i32_0 = arith.constant 0 : i32
    return %arg0, %c0_i32 : i32, i32
  }
  func.func @transform_2(%arg0: i32) -> (i32, i32) {
    %c0_i32 = arith.constant 0 : i32
    %c0_i32_0 = arith.constant 0 : i32
    return %arg0, %c0_i32 : i32, i32
  }
  func.func @transform_3(%arg0: i32) -> (i32, i32) {
    %c0_i32 = arith.constant 0 : i32
    %c0_i32_0 = arith.constant 0 : i32
    return %arg0, %c0_i32 : i32, i32
  }
  func.func @transform_4(%arg0: i32) -> (i32, i32) {
    %c0_i32 = arith.constant 0 : i32
    %c0_i32_0 = arith.constant 0 : i32
    %c0_i32_1 = arith.constant 0 : i32
    return %c0_i32, %c0_i32_0 : i32, i32
  }
  func.func @transform_5(%arg0: i32) -> (i32, i32) {
    %c0_i32 = arith.constant 0 : i32
    %c0_i32_0 = arith.constant 0 : i32
    return %arg0, %c0_i32 : i32, i32
  }
  func.func @transform_6(%arg0: i32) -> (i32, i32) {
    %c0_i32 = arith.constant 0 : i32
    %c0_i32_0 = arith.constant 0 : i32
    %c0_i32_1 = arith.constant 0 : i32
    return %c0_i32, %c0_i32_0 : i32, i32
  }
  func.func @transform_7(%arg0: i32) -> (i32, i32) {
    %c0_i32 = arith.constant 0 : i32
    %c0_i32_0 = arith.constant 0 : i32
    %c0_i32_1 = arith.constant 0 : i32
    return %c0_i32, %c0_i32_0 : i32, i32
  }
  func.func @transform_8(%arg0: i32) -> (i32, i32) {
    %c0_i32 = arith.constant 0 : i32
    %c0_i32_0 = arith.constant 0 : i32
    return %arg0, %c0_i32 : i32, i32
  }
  func.func @transform_9(%arg0: i32) -> (i32, i32) {
    %c0_i32 = arith.constant 0 : i32
    %c0_i32_0 = arith.constant 0 : i32
    %c0_i32_1 = arith.constant 0 : i32
    return %c0_i32, %c0_i32_0 : i32, i32
  }
}

module attributes {stable_mosaic.version = 14 : i64} {
  func.func @_tc_scalars_body(%arg0: i32, %arg1: memref<1x1xf32, #tpu.memory_space<vmem>>, %arg2: memref<1x1xf32, #tpu.memory_space<vmem>>, %arg3: memref<32x16xf32, #tpu.memory_space<vmem>>, %arg4: memref<1x1xf32, #tpu.memory_space<vmem>>, %arg5: memref<1x1xf32, #tpu.memory_space<vmem>>, %arg6: memref<1x1xf32, #tpu.memory_space<vmem>>, %arg7: memref<1x1xf32, #tpu.memory_space<vmem>>) attributes {dimension_semantics = [#tpu.dimension_semantics<arbitrary>], iteration_bounds = array<i64: 1>, scalar_prefetch = 0 : i64, scratch_operands = 0 : i64, tpu.core_type = #tpu.core_type<tc>, window_params = [{pipeline_mode = #tpu.pipeline_mode<synchronous>, transform_indices = @transform_0, window_bounds = array<i64: 1, 1>}, {pipeline_mode = #tpu.pipeline_mode<synchronous>, transform_indices = @transform_1, window_bounds = array<i64: 1, 1>}, {pipeline_mode = #tpu.pipeline_mode<synchronous>, transform_indices = @transform_2, window_bounds = array<i64: 32, 16>}, {pipeline_mode = #tpu.pipeline_mode<synchronous>, transform_indices = @transform_3, window_bounds = array<i64: 1, 1>}, {pipeline_mode = #tpu.pipeline_mode<synchronous>, transform_indices = @transform_4, window_bounds = array<i64: 1, 1>}, {pipeline_mode = #tpu.pipeline_mode<synchronous>, transform_indices = @transform_5, window_bounds = array<i64: 1, 1>}, {pipeline_mode = #tpu.pipeline_mode<synchronous>, transform_indices = @transform_6, window_bounds = array<i64: 1, 1>}]} {
    %get3A = arith.constant 0 : index
    %get3A_0 = arith.constant 0 : index
    %get3A_1 = vector.load %arg1[%get3A, %get3A_0] : memref<1x1xf32, #tpu.memory_space<vmem>>, vector<1x1xf32>
    %div3A = arith.constant 1.000000e+04 : f32
    %div3A_2 = vector.broadcast %div3A : f32 to vector<1x1xf32>
    %div3A_3 = arith.divf %get3A_1, %div3A_2 : vector<1x1xf32>
    %get3A_4 = arith.constant 0 : index
    %get3A_5 = arith.constant 0 : index
    %get3A_6 = vector.load %arg2[%get3A_4, %get3A_5] : memref<1x1xf32, #tpu.memory_space<vmem>>, vector<1x1xf32>
    %mul3A = arith.constant 1.250000e+00 : f32
    %mul3A_7 = vector.broadcast %mul3A : f32 to vector<1x1xf32>
    %mul3A_8 = arith.mulf %get3A_6, %mul3A_7 : vector<1x1xf32>
    %div3A_9 = arith.constant 1.280000e+06 : f32
    %div3A_10 = vector.broadcast %div3A_9 : f32 to vector<1x1xf32>
    %div3A_11 = arith.divf %mul3A_8, %div3A_10 : vector<1x1xf32>
    %get3A_12 = arith.constant 0 : index
    %get3A_13 = arith.constant 0 : index
    %get3A_14 = vector.load %arg3[%get3A_12, %get3A_13] : memref<32x16xf32, #tpu.memory_space<vmem>>, vector<32x16xf32>
    %reduce_sum3A = vector.shape_cast %get3A_14 : vector<32x16xf32> to vector<1x32x16xf32>
    %reduce_sum3A_15 = arith.constant dense<0.000000e+00> : vector<1xf32>
    %reduce_sum3A_16 = vector.multi_reduction <add>, %reduce_sum3A, %reduce_sum3A_15 [1, 2] : vector<1x32x16xf32> to vector<1xf32>
    %reduce_sum3A_17 = vector.shape_cast %reduce_sum3A_16 : vector<1xf32> to vector<1x1x1xf32>
    %reduce_sum3A_18 = vector.extract %reduce_sum3A_17[0, 0, 0] : f32 from vector<1x1x1xf32>
    %reshape3A = vector.broadcast %reduce_sum3A_18 : f32 to vector<1x1xf32>
    %div3A_19 = arith.constant 9.000000e+04 : f32
    %div3A_20 = vector.broadcast %div3A_19 : f32 to vector<1x1xf32>
    %div3A_21 = arith.divf %reshape3A, %div3A_20 : vector<1x1xf32>
    %swap3A = arith.constant 0 : index
    %swap3A_22 = arith.constant 0 : index
    %swap3A_23 = vector.load %arg4[%swap3A, %swap3A_22] : memref<1x1xf32, #tpu.memory_space<vmem>>, vector<1x1xf32>
    tpu.vector_store %arg4[%swap3A, %swap3A_22], %div3A_3 {strides = array<i32>} : memref<1x1xf32, #tpu.memory_space<vmem>>, vector<1x1xf32>,
    %swap3A_24 = arith.constant 0 : index
    %swap3A_25 = arith.constant 0 : index
    %swap3A_26 = vector.load %arg5[%swap3A_24, %swap3A_25] : memref<1x1xf32, #tpu.memory_space<vmem>>, vector<1x1xf32>
    tpu.vector_store %arg5[%swap3A_24, %swap3A_25], %div3A_11 {strides = array<i32>} : memref<1x1xf32, #tpu.memory_space<vmem>>, vector<1x1xf32>,
    %swap3A_27 = arith.constant 0 : index
    %swap3A_28 = arith.constant 0 : index
    %swap3A_29 = vector.load %arg6[%swap3A_27, %swap3A_28] : memref<1x1xf32, #tpu.memory_space<vmem>>, vector<1x1xf32>
    tpu.vector_store %arg6[%swap3A_27, %swap3A_28], %div3A_21 {strides = array<i32>} : memref<1x1xf32, #tpu.memory_space<vmem>>, vector<1x1xf32>,
    %add3A = arith.addf %div3A_3, %div3A_11 : vector<1x1xf32>
    %mul3A_30 = arith.constant 3.000000e-01 : f32
    %mul3A_31 = vector.broadcast %mul3A_30 : f32 to vector<1x1xf32>
    %mul3A_32 = arith.mulf %mul3A_31, %div3A_21 : vector<1x1xf32>
    %add3A_33 = arith.addf %add3A, %mul3A_32 : vector<1x1xf32>
    %swap3A_34 = arith.constant 0 : index
    %swap3A_35 = arith.constant 0 : index
    %swap3A_36 = vector.load %arg7[%swap3A_34, %swap3A_35] : memref<1x1xf32, #tpu.memory_space<vmem>>, vector<1x1xf32>
    tpu.vector_store %arg7[%swap3A_34, %swap3A_35], %add3A_33 {strides = array<i32>} : memref<1x1xf32, #tpu.memory_space<vmem>>, vector<1x1xf32>,
    return
  }
  func.func @transform_0(%arg0: i32) -> (i32, i32) {
    %c0_i32 = arith.constant 0 : i32
    %c0_i32_0 = arith.constant 0 : i32
    %c0_i32_1 = arith.constant 0 : i32
    return %c0_i32, %c0_i32_0 : i32, i32
  }
  func.func @transform_1(%arg0: i32) -> (i32, i32) {
    %c0_i32 = arith.constant 0 : i32
    %c0_i32_0 = arith.constant 0 : i32
    %c0_i32_1 = arith.constant 0 : i32
    return %c0_i32, %c0_i32_0 : i32, i32
  }
  func.func @transform_2(%arg0: i32) -> (i32, i32) {
    %c0_i32 = arith.constant 0 : i32
    %c0_i32_0 = arith.constant 0 : i32
    %c0_i32_1 = arith.constant 0 : i32
    return %c0_i32, %c0_i32_0 : i32, i32
  }
  func.func @transform_3(%arg0: i32) -> (i32, i32) {
    %c0_i32 = arith.constant 0 : i32
    %c0_i32_0 = arith.constant 0 : i32
    %c0_i32_1 = arith.constant 0 : i32
    return %c0_i32, %c0_i32_0 : i32, i32
  }
  func.func @transform_4(%arg0: i32) -> (i32, i32) {
    %c0_i32 = arith.constant 0 : i32
    %c0_i32_0 = arith.constant 0 : i32
    %c0_i32_1 = arith.constant 0 : i32
    return %c0_i32, %c0_i32_0 : i32, i32
  }
  func.func @transform_5(%arg0: i32) -> (i32, i32) {
    %c0_i32 = arith.constant 0 : i32
    %c0_i32_0 = arith.constant 0 : i32
    %c0_i32_1 = arith.constant 0 : i32
    return %c0_i32, %c0_i32_0 : i32, i32
  }
  func.func @transform_6(%arg0: i32) -> (i32, i32) {
    %c0_i32 = arith.constant 0 : i32
    %c0_i32_0 = arith.constant 0 : i32
    %c0_i32_1 = arith.constant 0 : i32
    return %c0_i32, %c0_i32_0 : i32, i32
  }
}

</mosaic_0001>

<sc_bundles>
// kernel: kernel.12.cloned.1.call-start
scs
__scs_entry_jumppad:
0x0: {  	(pc) =	sbr.rel $0x88, $3  }
0x1: {  	(tag) =	ssettag $0x0;
	lr =	simm.s32 $0x1  }
0x2: {  	[smem:$0x3F91] =	sst lr;
	_ =	strace $0xD0000000  }
0x3: {  	_ = 	snop  }
0x4: {  	_ = 	snop  }
0x5: {  	_ = 	snop  }
0x6: {  	_ = 	snop  }
0x7: {  	_ = 	snop  }
__scs_overlays_trampoline_lowered:
0x8: {  	[smem:$0x3FA0] =	sst s0  }
0x9: {  	[smem:$0x3FA1] =	sst s1  }
0xa: {  	[smem:$0x3FA2] =	sst s2  }
0xb: {  	[smem:$0x3FA3] =	sst s3  }
0xc: {  	[smem:$0x3FA4] =	sst s4  }
0xd: {  	[smem:$0x3FA5] =	sst s5  }
0xe: {  	[smem:$0x3FA6] =	sst s6  }
0xf: {  	[smem:$0x3FA7] =	sst s7  }
0x10: {  	[smem:$0x3FA8] =	sst s8  }
0x11: {  	[smem:$0x3FA9] =	sst s9;
	s0 =	simm.s32 @!p0 $0x0  }
0x12: {  	s1 =	sld [smem:$0x3F8F];
	s0 =	simm.s32 @p0 $0x1  }
0x13: {  	[smem:$0x3FAA] =	sst s0;
	s0 =	simm.s32 @!p1 $0x0  }
0x14: {  	s2 =	sld [smem:$0x3F8E];
	s0 =	simm.s32 @p1 $0x1  }
0x15: {  	[smem:$0x3FAB] =	sst s0;
	s0 =	simm.s32 @!p2 $0x0  }
0x16: {  	s3 =	sld [smem:$0x3FDB];
	s0 =	simm.s32 @p2 $0x1  }
0x17: {  	s4 =	simm.s32 $0x1BF5;
	[smem:$0x3FAD] =	sst s0  }
0x18: {  	s0 =	sld [smem:$0x3F90];
	_ =	swait.ge [sflag:s4], $0x0  }
0x19: {  	s7 =	sld [smem:$0x3F91]  }
0x1a: {  	s8 =	sadd.s32 $0xFFFFE003, lr  }
0x1b: {  	s9 =	sadd.s32 $0xFFFFFEF7, lr;
	s5 =	simm.s32 $0xFFFFFFFF;
	p2 =	slt.u32 s8, $0xFFFFF086  }
0x1c: {  	p1 =	slt.u32 s9, $0xF7A;
	s5 =	simm.s32 @!p2 $0x0  }
0x1d: {  	s5 =	simm.s32 @p1 $0x1;
	p0 =	seq.s32 s7, s2  }
0x1e: {  	s7 =	smul.u32 @!p0 $0xF7A, s2;
	p2 =	seq.s32 @!p0 s5, $0x0  }
0x1f: {  	s9 =	smul.u32 $0xF7A, s1;
	s8 =	simm.s32 @!p0 $0x1BF5;
	p2 =	por !p2, p0  }
0x20: {  	[sflag:s8] =	ssyncset.s32 @!p0 $0xFFFFF086;
	s6 =	sadd.s32 @!p0 s3, s7;
	s7 =	simm.s32 @!p0 $0x108  }
0x21: {  	s3 =	sadd.s32 s3, s9;
	s6 =	sadd.s32 @!p0 $0x88, s6;
	s7 =	simm.s32 @p2 $0x1082  }
0x22: {  	[simem:s7], [sflag:s8] =	dma.local @!p0 [hbm:s6], $0xF7A  }
0x23: {  	s9 =	sor.u32 $0xD0000000, s2;
	s6 =	simm.s32 $0x108;
	_ =	swait.ge @!p0 [sflag:s8], $0x0  }
0x24: {  	s3 =	sadd.s32 $0x88, s3;
	s6 =	simm.s32 @!p1 $0x1082;
	[sflag:s4] =	ssyncset.s32 $0xFFFFF086  }
0x25: {  	[simem:s6], [sflag:s4] =	dma.local [hbm:s3], $0xF7A  }
0x26: {  	[smem:$0x3F91] =	sst s1;
	(tag) =	ssettag s2;
	_ =	strace s9  }
0x27: {  	s1 =	sld [smem:$0x3FA1]  }
0x28: {  	s2 =	sld [smem:$0x3FA2]  }
0x29: {  	s4 =	sld [smem:$0x3FA4]  }
0x2a: {  	p0 =	seq.s32 s5, $0x0;
	s5 =	sld [smem:$0x3FA5]  }
0x2b: {  	s6 =	sld [smem:$0x3FA6]  }
0x2c: {  	s7 =	sld [smem:$0x3FA7]  }
0x2d: {  	s3 =	simm.s32 $0x108;
	s8 =	sld [smem:$0x3FA8]  }
0x2e: {  	s3 =	simm.s32 @!p0 $0x1082;
	s9 =	sld [smem:$0x3FA9]  }
0x2f: {  	lr =	sadd.s32 s0, s3;
	s0 =	sld [smem:$0x3FA0]  }
0x30: {  	s3 =	sld [smem:$0x3FA3]  }
0x31: {  	[smem:$0x3FAC] =	sst s10  }
0x32: {  	s10 =	sld [smem:$0x3FAA];
	_ =	sdelay $0x3  }
0x33: {  	p0 =	seq.s32 s10, $0x1;
	s10 =	sld [smem:$0x3FAC];
	_ =	sdelay $0x3  }
0x34: {  	[smem:$0x3FAC] =	sst s10  }
0x35: {  	s10 =	sld [smem:$0x3FAB];
	_ =	sdelay $0x3  }
0x36: {  	p1 =	seq.s32 s10, $0x1;
	s10 =	sld [smem:$0x3FAC];
	_ =	sdelay $0x3  }
0x37: {  	[smem:$0x3FAC] =	sst s10  }
0x38: {  	s10 =	sld [smem:$0x3FAD]  }
0x39: {  	_ = 	snop;
	(pc) =	sbr.ind lr, $3  }
0x3a: {  	_ = 	snop  }
0x3b: {  	_ = 	snop  }
0x3c: {  	p2 =	seq.s32 s10, $0x1;
	s10 =	sld [smem:$0x3FAC]  }
0x3d: {  	_ =	shalt  }
0x3e: {  	_ =	shalt  }
0x3f: {  	_ =	shalt  }
0x40: {  	_ =	shalt  }
0x41: {  	_ =	shalt  }
0x42: {  	_ =	shalt  }
0x43: {  	_ =	shalt  }
0x44: {  	_ =	shalt  }
0x45: {  	_ =	shalt  }
0x46: {  	_ =	shalt  }
0x47: {  	_ =	shalt  }
0x48: {  	_ =	shalt  }
0x49: {  	_ =	shalt  }
0x4a: {  	_ =	shalt  }
0x4b: {  	_ =	shalt  }
0x4c: {  	_ =	shalt  }
0x4d: {  	_ =	shalt  }
0x4e: {  	_ =	shalt  }
0x4f: {  	_ =	shalt  }
0x50: {  	_ =	shalt  }
0x51: {  	_ =	shalt  }
0x52: {  	_ =	shalt  }
0x53: {  	_ =	shalt  }
0x54: {  	_ =	shalt  }
0x55: {  	_ =	shalt  }
0x56: {  	_ =	shalt  }
0x57: {  	_ =	shalt  }
0x58: {  	_ =	shalt  }
0x59: {  	_ =	shalt  }
0x5a: {  	_ =	shalt  }
0x5b: {  	_ =	shalt  }
0x5c: {  	_ =	shalt  }
0x5d: {  	_ =	shalt  }
0x5e: {  	_ =	shalt  }
0x5f: {  	_ =	shalt  }
0x60: {  	_ =	shalt  }
0x61: {  	_ =	shalt  }
0x62: {  	_ =	shalt  }
0x63: {  	_ =	shalt  }
0x64: {  	_ =	shalt  }
0x65: {  	_ =	shalt  }
0x66: {  	_ =	shalt  }
0x67: {  	_ =	shalt  }
0x68: {  	_ =	shalt  }
0x69: {  	_ =	shalt  }
0x6a: {  	_ =	shalt  }
0x6b: {  	_ =	shalt  }
0x6c: {  	_ =	shalt  }
0x6d: {  	_ =	shalt  }
0x6e: {  	_ =	shalt  }
0x6f: {  	_ =	shalt  }
0x70: {  	_ =	shalt  }
0x71: {  	_ =	shalt  }
0x72: {  	_ =	shalt  }
0x73: {  	_ =	shalt  }
0x74: {  	_ =	shalt  }
0x75: {  	_ =	shalt  }
0x76: {  	_ =	shalt  }
0x77: {  	_ =	shalt  }
0x78: {  	_ =	shalt  }
0x79: {  	_ =	shalt  }
0x7a: {  	_ =	shalt  }
0x7b: {  	_ =	shalt  }
0x7c: {  	_ =	shalt  }
0x7d: {  	_ =	shalt  }
0x7e: {  	_ =	shalt  }
0x7f: {  	_ =	shalt  }
0x80: {  	_ =	shalt  }
0x81: {  	_ =	shalt  }
0x82: {  	_ =	shalt  }
0x83: {  	_ =	shalt  }
0x84: {  	_ =	shalt  }
0x85: {  	_ =	shalt  }
0x86: {  	_ =	shalt  }
0x87: {  	_ =	shalt  }
.Lfunc_end0:
.L_simem_size_0:
called_computation_lowered:
.L_overlay_start_0:
0x88: {  	s2 =	sld [smem:$0x3FD9]  }
0x89: {  	s3 =	sld [smem:$0x3FFE];
	_ =	sdelay $0x1  }
0x8a: {  	s1 =	srdreg.scid  }
0x8b: {  	s0 =	sand.u32 $0x1, s1  }
0x8c: {  	s14 =	sshll.u32 s0, $0xA;
	s2 =	sadd.s32 s3, s2  }
0x8d: {  	s2 =	sadd.s32 s2, s14  }
0x8e: {  	[smem:$0x3FB8] =	sst s2  }
0x8f: {  	_ = 	snop  }
0x90: {  	s2 =	sld [smem:$0x3FD0];
	_ =	sdelay $0x2  }
0x91: {  	s15 =	simm.s32 $0xA;
	s4 =	simm.s32 $0x10  }
0x92: {  	[smem:s4], [sflag:s15] =	dma.local [hbm:s2], $0x1  }
0x93: {  	_ =	swait.eq [sflag:s15], $0x1  }
0x94: {  	[sflag:s15] =	ssyncset.done $0x0  }
0x95: {  	s16 =	sld [smem:$0x10];
	[sflag:s15] =	ssyncadd.s32 $0xFFFFFFFF  }
0x96: {  	s17 =	sld [smem:$0x16];
	(tm) =	ssettm $0x1  }
0x97: {  	s18 =	sld [smem:$0x3FFB];
	_ =	sdelay $0x3  }
0x98: {  	_ =	strace s18  }
0x99: {  	s4 =	sld [smem:$0x3FFC];
	_ =	sdelay $0x3  }
0x9a: {  	_ =	strace s4  }
0x9b: {  	s4 =	sld [smem:$0x3FFD];
	_ =	sdelay $0x3  }
0x9c: {  	_ =	strace s4  }
0x9d: {  	_ =	strace $0x8FFFFFFF  }
0x9e: {  	s19 =	sld [smem:$0x3FDB];
	_ =	sdelay $0x1  }
0x9f: {  	s5 =	simm.s32 $_scs_section_size  }
0xa0: {  	s6 =	simm.s32 $_size__tile_overlayer_lowered;
	s7 =	simm.s32 $_tile_overlayer_lowered  }
0xa1: {  	s22 =	simm.s32 $0x1BFF;
	s21 =	sshll.u32 s7, $0x1;
	s4 =	sadd.s32 s5, s19  }
0xa2: {  	s8 =	simm.s32 $0x0;
	s20 =	sshll.u32 s6, $0x1;
	s6 =	sadd.s32 s21, s4  }
0xa3: {  	[timem:s8], [sflag:s22] =	dma.local [hbm:s6], s20  }
0xa4: {  	_ =	swait.ge [sflag:s22], s20  }
0xa5: {  	s5 =	ssub.s32 $0x0, s20;
	[sflag:s22] =	ssyncset.done $0x0  }
0xa6: {  	[sflag:s22] =	ssyncadd.s32 s5;
	_ =	sdelay $0x1  }
0xa7: {  	s23 =	simm.s32 $0x1B8B  }
0xa8: {  	_ =	swait.ge [sflag:s23], $0x1  }
0xa9: {  	[sflag:s23] =	ssyncset.done $0x0  }
0xaa: {  	s25 =	simm.s32 $0x1B8E;
	s24 =	sld [smem:$0x3FFE];
	[sflag:s23] =	ssyncadd.s32 $0xFFFFFFFF  }
0xab: {  	s26 =	simm.s32 $execute0_lowered;
	[smem:$0x3FD2] =	sst s25  }
0xac: {  	s6 =	sshll.u32 s26, $0x1;
	_ =	strace $0x80000046;
	[dreg:$0x1] =	wrdreg $0xFFFFFFFF  }
0xad: {  	s28 =	simm.s32 $_size_execute0_lowered;
	s4 =	sadd.s32 s4, s6;
	[dreg:$0x0] =	wrdreg $0x0  }
0xae: {  	s6 =	sshll.u32 s28, $0x1;
	[dreg:$0x2] =	wrdreg s4  }
0xaf: {  	[dreg:$0x3] =	wrdreg s6  }
0xb0: {  	[dreg:$0x4] =	wrdreg $0xC0  }
0xb1: {  	_ =	task [dreg:s8], $0x5FFFF  }
0xb2: {  	[dreg:$0x1] =	wrdreg $0xFFFFFFFF  }
0xb3: {  	[dreg:$0x0] =	wrdreg $0x60  }
0xb4: {  	[dreg:$0x2] =	wrdreg s16  }
0xb5: {  	[dreg:$0x3] =	wrdreg s24  }
0xb6: {  	[dreg:$0x4] =	wrdreg s17  }
0xb7: {  	[dreg:$0x5] =	wrdreg $0x58200  }
0xb8: {  	[dreg:$0x6] =	wrdreg $0x9  }
0xb9: {  	_ =	task.clear_ibuf [dreg:s8], $0x7FFFF;
	_ =	strace $0x90000046  }
0xba: {  	s29 =	simm.s32 $0x9;
	_ =	strace $0x80000048  }
0xbb: {  	_ =	swait.ge [sflag:s29], $0x1  }
0xbc: {  	[sflag:s29] =	ssyncadd.s32 $0xFFFFFFFF  }
0xbd: {  	_ =	strace $0x90000048  }
0xbe: {  	_ =	sfence  }
0xbf: {  	s30 =	sld [smem:$0x0];
	_ =	sdelay $0x2  }
0xc0: {  	s31 =	sshll.u32 s1, $0xD;
	s1 =	sshrl.u32 s1, $0x2  }
0xc1: {  	s3 =	sand.u32 $0x4000, s31;
	s1 =	sadd.s32 s1, s30  }
0xc2: {  	s0 =	sor.u32 s3, s0;
	s1 =	sshll.u32 s1, $0x11  }
0xc3: {  	s0 =	sor.u32 s1, s0  }
0xc4: {  	s0 =	sadd.s32 $0x8F2B, s0  }
0xc5: {  	[sflag:s0] =	ssyncadd.remote.s32 $0x1  }
0xc6: {  	_ =	sfence.sel $0xFFFF  }
0xc7: {  	[dreg:$0x0] =	wrdreg $0xFFFFFFFF;
	(pc) =	sbr.abs _section_cstart, $3  }
0xc8: {  	[dreg:$0x1] =	wrdreg $0xFFFFFFFF  }
0xc9: {  	_ =	task.clear_ibuf [dreg:s8], $0x2FFFF;
	_ =	strace $0x9FFFFFFF  }
0xca: {  	(tm) =	ssettm $0x7FFFFFFF  }
0xcb: {  	_ =	shalt  }
tec
execute0_lowered:
.L_overlay_start_1:
0x0: {  	(tag) =	ssettag $0x1  }
0x1: {  	s1 =	rddreg [dreg:$0x0]  }
0x2: {  	s2 =	rddreg [dreg:$0x1];
	s3 =	srdreg.scid  }
0x3: {  	s8 =	stileid.u32;
	s0 =	rddreg [dreg:$0x2];
	s28 =	simm.s32 $0x4E20  }
0x4: {  	s29 =	simm.s32 $0x5320;
	s30 =	simm.s32 $0x1;
	s31 =	simm.s32 $0x2  }
0x5: {  	s12 =	sand.u32 $0x1, s3;
	s4 =	sshll.u32 s8, $0x1;
	s14 =	smul.u32 $0x280, s8  }
0x6: {  	s3 =	rddreg [dreg:$0x3];
	s8 =	smul.u32 $0xA000, s8;
	s4 =	sor.u32 s12, s4  }
0x7: {  	s6 =	ssub.s32 $0x2, s12;
	s5 =	smul.u32 $0x4E2, s4;
	s4 =	simm.s32 $0x0  }
0x8: {  	s7 =	sshrl.u32 s6, $0x1;
	s22 =	sshrl.u32 s8, $0x2;
	s15 =	sor.u32 $0x50, s14  }
0x9: {  	s17 =	sadd.s32 $0xF0, s14;
	s18 =	sadd.s32 $0x140, s14;
	s20 =	sadd.s32 $0x190, s14  }
0xa: {  	s21 =	sadd.s32 $0x1E0, s14;
	[smem:$0x7FF] =	sst s4;
	s23 =	ssub.s32 s6, s7  }
0xb: {  	s7 =	sadd.s32 s22, s3;
	s24 =	sshll.u32 s15, $0x4;
	s10 =	sshll.u32 s17, $0x4  }
0xc: {  	s11 =	sshll.u32 s18, $0x4;
	s13 =	sshll.u32 s20, $0x4;
	s16 =	sshll.u32 s21, $0x4  }
0xd: {  	s22 =	smul.u32 $0x2800, s12;
	_ =	strace $0x80000047;
	s2 =	sadd.s32 s5, s2  }
0xe: {  	s8 =	sadd.s32 s24, s3;
	s10 =	sadd.s32 s10, s3;
	s11 =	sadd.s32 s11, s3  }
0xf: {  	s12 =	sadd.s32 s13, s3;
	s13 =	sadd.s32 s16, s3;
	s24 =	sadd.s32 $0x230, s14  }
0x10: {  	s23 =	smax.u32 s23, $0x1;
	s5 =	sadd.s32 $0xF200, s2;
	s6 =	sadd.s32 $0x5400, s2  }
0x11: {  	s2 =	sadd.s32 $0xA0, s14;
	s25 =	sshll.u32 s24, $0x4;
	s19 =	sadd.s32 s14, s22  }
0x12: {  	s15 =	sadd.s32 s22, s15;
	s18 =	sadd.s32 s22, s18;
	s21 =	sadd.s32 s22, s21  }
0x13: {  	[dreg:$0x5] =	wrdreg s5;
	s9 =	sshll.u32 s2, $0x4;
	s14 =	sadd.s32 s25, s3  }
0x14: {  	s26 =	sshll.u32 s19, $0x1;
	s5 =	sshll.u32 s15, $0x1;
	s2 =	sadd.s32 s22, s2  }
0x15: {  	s25 =	sadd.s32 s22, s17;
	s9 =	sadd.s32 s9, s3;
	s15 =	sadd.s32 s0, s26  }
0x16: {  	s16 =	sadd.s32 s0, s5;
	s2 =	sshll.u32 s2, $0x1;
	s26 =	sshll.u32 s25, $0x1  }
0x17: {  	s5 =	sshll.u32 s18, $0x1;
	s25 =	sadd.s32 s22, s20;
	s22 =	sadd.s32 s22, s24  }
0x18: {  	s24 =	simm.s32 $0x3;
	s17 =	sadd.s32 s0, s2;
	s18 =	sadd.s32 s0, s26  }
0x19: {  	s19 =	sadd.s32 s0, s5;
	s2 =	sshll.u32 s25, $0x1;
	s26 =	sshll.u32 s21, $0x1  }
0x1a: {  	s22 =	sshll.u32 s22, $0x1;
	s20 =	sadd.s32 s0, s2;
	s21 =	sadd.s32 s0, s26  }
0x1b: {  	v0 =	vimm.f32 $0.0e+00;
	s22 =	sadd.s32 s0, s22;
	s26 =	simm.s32 $0x50;
	s0 =	simm.s32 $0x0  }
.LBB2_1:
0x1c: {  	s2 =	rddreg [dreg:$0x5]  }
0x1d: {  	[tilespmem:s4], [sflag:$0x3] =	stream.linear.gather [hbm4b:s2+s4], $0x2710, $0x38;
	[tilespmem:$0x8020] =	vst v63  }
0x1e: {  	_ =	swait.ge [sflag:s24], $0x2710  }
0x1f: {  	[sflag:s24] =	ssyncset.done $0x0  }
0x20: {  	s25 =	simm.s32 $0x2710;
	[sflag:s24] =	ssyncadd.s32 $0xFFFFD8F0  }
0x21: {  	[tilespmem:s25], [sflag:$0x3] =	stream.linear.gather [hbm4b:s6+s4], $0x2710, $0x38;
	[tilespmem:$0x8020] =	vst v63  }
0x22: {  	_ =	swait.ge [sflag:s24], $0x2710  }
0x23: {  	[sflag:s24] =	ssyncset.done $0x0  }
0x24: {  	s2 =	simm.s32 $0x0;
	s25 =	simm.s32 $0x40;
	[sflag:s24] =	ssyncadd.s32 $0xFFFFD8F0  }
0x25: {  	[tilespmem:s28], [sflag:$0x1] =	stream.indirect.gather [hbm4b:s1+s26], $0x10, s4, s26, $0xb8;
	[tilespmem:$0x8020] =	vst v63  }
.LBB2_2:
0x26: {  	p0 =	sne.s32 s25, $0x13C0;
	[tilespmem:s2+$0x5320] =	vst v0;
	s2 =	smov.u32 s25;
	s25 =	sadd.s32 $0x40, s25  }
.Ltmp0:
0x27: {  	(pc) =	sbr.rel @p0 .LBB2_2-.Ltmp0, $2  }
0x28: {  	_ =	sdelay $0x2  }
0x29: {  	s2 =	sshra.s32 s2, $0x2  }
0x2a: {  	[tilespmem:s2+$0x5320] =	vst v0  }
0x2b: {  	[spmem:s7] =	stream.linear.scatter [tilespmem:s29], [sflag:$0x3], $0x500, $0x38;
	[tilespmem:$0x8020] =	vst v63  }
0x2c: {  	_ =	swait.ge [sflag:s24], $0x500  }
0x2d: {  	[sflag:s24] =	ssyncset.done $0x0  }
0x2e: {  	[sflag:s24] =	ssyncadd.s32 $0xFFFFFB00  }
0x2f: {  	[spmem:s8] =	stream.linear.scatter [tilespmem:s29], [sflag:$0x3], $0x500, $0x38;
	[tilespmem:$0x8020] =	vst v63  }
0x30: {  	_ =	swait.ge [sflag:s24], $0x500  }
0x31: {  	[sflag:s24] =	ssyncset.done $0x0  }
0x32: {  	[sflag:s24] =	ssyncadd.s32 $0xFFFFFB00  }
0x33: {  	[spmem:s9] =	stream.linear.scatter [tilespmem:s29], [sflag:$0x3], $0x500, $0x38;
	[tilespmem:$0x8020] =	vst v63  }
0x34: {  	_ =	swait.ge [sflag:s24], $0x500  }
0x35: {  	[sflag:s24] =	ssyncset.done $0x0  }
0x36: {  	[sflag:s24] =	ssyncadd.s32 $0xFFFFFB00  }
0x37: {  	[spmem:s10] =	stream.linear.scatter [tilespmem:s29], [sflag:$0x3], $0x500, $0x38;
	[tilespmem:$0x8020] =	vst v63  }
0x38: {  	_ =	swait.ge [sflag:s24], $0x500  }
0x39: {  	[sflag:s24] =	ssyncset.done $0x0  }
0x3a: {  	[sflag:s24] =	ssyncadd.s32 $0xFFFFFB00  }
0x3b: {  	[spmem:s11] =	stream.linear.scatter [tilespmem:s29], [sflag:$0x3], $0x500, $0x38;
	[tilespmem:$0x8020] =	vst v63  }
0x3c: {  	_ =	swait.ge [sflag:s24], $0x500  }
0x3d: {  	[sflag:s24] =	ssyncset.done $0x0  }
0x3e: {  	[sflag:s24] =	ssyncadd.s32 $0xFFFFFB00  }
0x3f: {  	[spmem:s12] =	stream.linear.scatter [tilespmem:s29], [sflag:$0x3], $0x500, $0x38;
	[tilespmem:$0x8020] =	vst v63  }
0x40: {  	_ =	swait.ge [sflag:s24], $0x500  }
0x41: {  	[sflag:s24] =	ssyncset.done $0x0  }
0x42: {  	[sflag:s24] =	ssyncadd.s32 $0xFFFFFB00  }
0x43: {  	[spmem:s13] =	stream.linear.scatter [tilespmem:s29], [sflag:$0x3], $0x500, $0x38;
	[tilespmem:$0x8020] =	vst v63  }
0x44: {  	_ =	swait.ge [sflag:s24], $0x500  }
0x45: {  	[sflag:s24] =	ssyncset.done $0x0  }
0x46: {  	[sflag:s24] =	ssyncadd.s32 $0xFFFFFB00  }
0x47: {  	[spmem:s14] =	stream.linear.scatter [tilespmem:s29], [sflag:$0x3], $0x500, $0x38;
	[tilespmem:$0x8020] =	vst v63  }
0x48: {  	_ =	swait.ge [sflag:s24], $0x500  }
0x49: {  	[sflag:s24] =	ssyncset.done $0x0  }
0x4a: {  	[sflag:s24] =	ssyncadd.s32 $0xFFFFFB00  }
0x4b: {  	[bflag:$0x0] =	sbarrier.arrive $0xFFFF  }
0x4c: {  	_ =	swait.ge [sflag:s30], $0x500  }
0x4d: {  	[sflag:s30] =	ssyncset.done $0x0  }
0x4e: {  	s5 =	simm.s32 $0x50;
	[sflag:s30] =	ssyncadd.s32 $0xFFFFFB00  }
0x4f: {  	[tilespmem:s29], [sflag:$0x2] =	stream.indirect.gather [hbm4b:s1+s26], $0x10, s5, s26, $0xb8;
	[tilespmem:$0x8020] =	vst v63  }
0x50: {  	s25 =	simm.s32 $0x2710  }
0x51: {  	[spmem:s3] =	stream.indirect.scatter.add.f32 [tilespmem:s28], [sflag:$0x3], $0x10, s25, s26, $0xb8;
	[tilespmem:$0x8020] =	vst v63  }
0x52: {  	_ =	swait.ge [sflag:s24], $0x500  }
0x53: {  	[sflag:s24] =	ssyncset.done $0x0  }
0x54: {  	s5 =	simm.s32 $0xA0;
	[sflag:s24] =	ssyncadd.s32 $0xFFFFFB00  }
0x55: {  	[tilespmem:s28], [sflag:$0x1] =	stream.indirect.gather [hbm4b:s1+s26], $0x10, s5, s26, $0xb8;
	[tilespmem:$0x8020] =	vst v63  }
0x56: {  	_ =	swait.ge [sflag:s31], $0x500  }
0x57: {  	[sflag:s31] =	ssyncset.done $0x0  }
0x58: {  	s25 =	simm.s32 $0x2760;
	[sflag:s31] =	ssyncadd.s32 $0xFFFFFB00  }
0x59: {  	[spmem:s3] =	stream.indirect.scatter.add.f32 [tilespmem:s29], [sflag:$0x3], $0x10, s25, s26, $0xb8;
	[tilespmem:$0x8020] =	vst v63  }
0x5a: {  	_ =	swait.ge [sflag:s24], $0x500  }
0x5b: {  	s25 =	simm.s32 $0x280;
	[sflag:s24] =	ssyncset.done $0x0  }
.LBB2_4:
0x5c: {  	p0 =	sne.s32 s25, $0x9880  }
0x5d: {  	[sflag:s24] =	ssyncadd.s32 $0xFFFFFB00;
	s2 =	smov.u32 s25;
	s25 =	sadd.s32 $0x280, s25  }
0x5e: {  	_ =	swait.ge [sflag:s30], $0x500  }
0x5f: {  	s2 =	sshra.s32 s2, $0x2;
	[sflag:s30] =	ssyncset.done $0x0  }
0x60: {  	s5 =	sadd.s32 $0x50, s2;
	[sflag:s30] =	ssyncadd.s32 $0xFFFFFB00  }
0x61: {  	[tilespmem:s29], [sflag:$0x2] =	stream.indirect.gather [hbm4b:s1+s26], $0x10, s5, s26, $0xb8;
	[tilespmem:$0x8020] =	vst v63  }
0x62: {  	s5 =	sadd.s32 $0x2710, s2  }
0x63: {  	[spmem:s3] =	stream.indirect.scatter.add.f32 [tilespmem:s28], [sflag:$0x3], $0x10, s5, s26, $0xb8;
	[tilespmem:$0x8020] =	vst v63  }
0x64: {  	_ =	swait.ge [sflag:s24], $0x500  }
0x65: {  	[sflag:s24] =	ssyncset.done $0x0  }
0x66: {  	s5 =	sadd.s32 $0xA0, s2;
	[sflag:s24] =	ssyncadd.s32 $0xFFFFFB00  }
0x67: {  	[tilespmem:s28], [sflag:$0x1] =	stream.indirect.gather [hbm4b:s1+s26], $0x10, s5, s26, $0xb8;
	[tilespmem:$0x8020] =	vst v63  }
0x68: {  	_ =	swait.ge [sflag:s31], $0x500  }
.Ltmp1:
0x69: {  	[sflag:s31] =	ssyncset.done $0x0;
	(pc) =	sbr.rel @p0 .LBB2_4-.Ltmp1, $4  }
0x6a: {  	s2 =	sadd.s32 $0x2760, s2;
	[sflag:s31] =	ssyncadd.s32 $0xFFFFFB00  }
0x6b: {  	[spmem:s3] =	stream.indirect.scatter.add.f32 [tilespmem:s29], [sflag:$0x3], $0x10, s2, s26, $0xb8;
	[tilespmem:$0x8020] =	vst v63  }
0x6c: {  	_ =	swait.ge [sflag:s24], $0x500  }
0x6d: {  	[sflag:s24] =	ssyncset.done $0x0  }
0x6e: {  	[sflag:s24] =	ssyncadd.s32 $0xFFFFFB00  }
0x6f: {  	_ =	swait.ge [sflag:s30], $0x500  }
0x70: {  	[sflag:s30] =	ssyncset.done $0x0  }
0x71: {  	s2 =	simm.s32 $0x4DD0;
	[sflag:s30] =	ssyncadd.s32 $0xFFFFFB00  }
0x72: {  	[spmem:s3] =	stream.indirect.scatter.add.f32 [tilespmem:s28], [sflag:$0x3], $0x10, s2, s26, $0xb8;
	[tilespmem:$0x8020] =	vst v63  }
0x73: {  	_ =	swait.ge [sflag:s24], $0x500  }
0x74: {  	[sflag:s24] =	ssyncset.done $0x0  }
0x75: {  	[sflag:s24] =	ssyncadd.s32 $0xFFFFFB00  }
0x76: {  	[bflag:$0x0] =	sbarrier.arrive $0xFFFF  }
0x77: {  	[tilespmem:s28], [sflag:$0x3] =	stream.linear.gather [spmem:s7], $0x500, $0x38;
	[tilespmem:$0x8020] =	vst v63  }
0x78: {  	_ =	swait.ge [sflag:s24], $0x500  }
0x79: {  	[sflag:s24] =	ssyncset.done $0x0  }
0x7a: {  	[sflag:s24] =	ssyncadd.s32 $0xFFFFFB00  }
0x7b: {  	[hbm4b:s15+s4] =	stream.linear.scatter [tilespmem:s28], [sflag:$0x3], $0x500, $0x38;
	[tilespmem:$0x8020] =	vst v63  }
0x7c: {  	_ =	swait.ge [sflag:s24], $0x500  }
0x7d: {  	[sflag:s24] =	ssyncset.done $0x0  }
0x7e: {  	[sflag:s24] =	ssyncadd.s32 $0xFFFFFB00  }
0x7f: {  	[tilespmem:s28], [sflag:$0x3] =	stream.linear.gather [spmem:s8], $0x500, $0x38;
	[tilespmem:$0x8020] =	vst v63  }
0x80: {  	_ =	swait.ge [sflag:s24], $0x500  }
0x81: {  	[sflag:s24] =	ssyncset.done $0x0  }
0x82: {  	[sflag:s24] =	ssyncadd.s32 $0xFFFFFB00  }
0x83: {  	[hbm4b:s16+s4] =	stream.linear.scatter [tilespmem:s28], [sflag:$0x3], $0x500, $0x38;
	[tilespmem:$0x8020] =	vst v63  }
0x84: {  	_ =	swait.ge [sflag:s24], $0x500  }
0x85: {  	[sflag:s24] =	ssyncset.done $0x0  }
0x86: {  	[sflag:s24] =	ssyncadd.s32 $0xFFFFFB00  }
0x87: {  	[tilespmem:s28], [sflag:$0x3] =	stream.linear.gather [spmem:s9], $0x500, $0x38;
	[tilespmem:$0x8020] =	vst v63  }
0x88: {  	_ =	swait.ge [sflag:s24], $0x500  }
0x89: {  	[sflag:s24] =	ssyncset.done $0x0  }
0x8a: {  	[sflag:s24] =	ssyncadd.s32 $0xFFFFFB00  }
0x8b: {  	[hbm4b:s17+s4] =	stream.linear.scatter [tilespmem:s28], [sflag:$0x3], $0x500, $0x38;
	[tilespmem:$0x8020] =	vst v63  }
0x8c: {  	_ =	swait.ge [sflag:s24], $0x500  }
0x8d: {  	[sflag:s24] =	ssyncset.done $0x0  }
0x8e: {  	[sflag:s24] =	ssyncadd.s32 $0xFFFFFB00  }
0x8f: {  	[tilespmem:s28], [sflag:$0x3] =	stream.linear.gather [spmem:s10], $0x500, $0x38;
	[tilespmem:$0x8020] =	vst v63  }
0x90: {  	_ =	swait.ge [sflag:s24], $0x500  }
0x91: {  	[sflag:s24] =	ssyncset.done $0x0  }
0x92: {  	[sflag:s24] =	ssyncadd.s32 $0xFFFFFB00  }
0x93: {  	[hbm4b:s18+s4] =	stream.linear.scatter [tilespmem:s28], [sflag:$0x3], $0x500, $0x38;
	[tilespmem:$0x8020] =	vst v63  }
0x94: {  	_ =	swait.ge [sflag:s24], $0x500  }
0x95: {  	[sflag:s24] =	ssyncset.done $0x0  }
0x96: {  	[sflag:s24] =	ssyncadd.s32 $0xFFFFFB00  }
0x97: {  	[tilespmem:s28], [sflag:$0x3] =	stream.linear.gather [spmem:s11], $0x500, $0x38;
	[tilespmem:$0x8020] =	vst v63  }
0x98: {  	_ =	swait.ge [sflag:s24], $0x500  }
0x99: {  	[sflag:s24] =	ssyncset.done $0x0  }
0x9a: {  	[sflag:s24] =	ssyncadd.s32 $0xFFFFFB00  }
0x9b: {  	[hbm4b:s19+s4] =	stream.linear.scatter [tilespmem:s28], [sflag:$0x3], $0x500, $0x38;
	[tilespmem:$0x8020] =	vst v63  }
0x9c: {  	_ =	swait.ge [sflag:s24], $0x500  }
0x9d: {  	[sflag:s24] =	ssyncset.done $0x0  }
0x9e: {  	[sflag:s24] =	ssyncadd.s32 $0xFFFFFB00  }
0x9f: {  	[tilespmem:s28], [sflag:$0x3] =	stream.linear.gather [spmem:s12], $0x500, $0x38;
	[tilespmem:$0x8020] =	vst v63  }
0xa0: {  	_ =	swait.ge [sflag:s24], $0x500  }
0xa1: {  	[sflag:s24] =	ssyncset.done $0x0  }
0xa2: {  	[sflag:s24] =	ssyncadd.s32 $0xFFFFFB00  }
0xa3: {  	[hbm4b:s20+s4] =	stream.linear.scatter [tilespmem:s28], [sflag:$0x3], $0x500, $0x38;
	[tilespmem:$0x8020] =	vst v63  }
0xa4: {  	_ =	swait.ge [sflag:s24], $0x500  }
0xa5: {  	[sflag:s24] =	ssyncset.done $0x0  }
0xa6: {  	[sflag:s24] =	ssyncadd.s32 $0xFFFFFB00  }
0xa7: {  	[tilespmem:s28], [sflag:$0x3] =	stream.linear.gather [spmem:s13], $0x500, $0x38;
	[tilespmem:$0x8020] =	vst v63  }
0xa8: {  	_ =	swait.ge [sflag:s24], $0x500  }
0xa9: {  	[sflag:s24] =	ssyncset.done $0x0  }
0xaa: {  	[sflag:s24] =	ssyncadd.s32 $0xFFFFFB00  }
0xab: {  	[hbm4b:s21+s4] =	stream.linear.scatter [tilespmem:s28], [sflag:$0x3], $0x500, $0x38;
	[tilespmem:$0x8020] =	vst v63  }
0xac: {  	_ =	swait.ge [sflag:s24], $0x500  }
0xad: {  	[sflag:s24] =	ssyncset.done $0x0  }
0xae: {  	[sflag:s24] =	ssyncadd.s32 $0xFFFFFB00  }
0xaf: {  	[tilespmem:s28], [sflag:$0x3] =	stream.linear.gather [spmem:s14], $0x500, $0x38;
	[tilespmem:$0x8020] =	vst v63  }
0xb0: {  	s0 =	sadd.s32 $0x1, s0;
	_ =	swait.ge [sflag:s24], $0x500  }
0xb1: {  	p0 =	sne.s32 s0, s23;
	[sflag:s24] =	ssyncset.done $0x0  }
.Ltmp2:
0xb2: {  	[sflag:s24] =	ssyncadd.s32 $0xFFFFFB00;
	(pc) =	sbr.rel @p0 .LBB2_1-.Ltmp2, $4  }
0xb3: {  	[hbm4b:s22+s4] =	stream.linear.scatter [tilespmem:s28], [sflag:$0x3], $0x500, $0x38;
	[tilespmem:$0x8020] =	vst v63  }
0xb4: {  	_ =	swait.ge [sflag:s24], $0x500  }
0xb5: {  	[sflag:s24] =	ssyncset.done $0x0  }
0xb6: {  	[sflag:s24] =	ssyncadd.s32 $0xFFFFFB00  }
0xb7: {  	_ =	sfence.sel $0x180000  }
0xb8: {  	[bflag:$0x0] =	sbarrier.arrive $0xFFFF  }
0xb9: {  	_ =	strace $0x90000047  }
0xba: {  	s0 =	stileid.u32;
	[bflag:$0x2] =	sbarrier.arrive $0xFFFF  }
0xbb: {  	p0 =	sne.s32 s0, $0x0;
	s0 =	rddreg [dreg:$0x4]  }
0xbc: {  	s0 =	sadd.s32 @!p0 $0x100000, s0  }
0xbd: {  	[sflag:s0] =	ssyncadd.tile.s32 @!p0 $0x1;
	_ =	shalt  }
.Lfunc_end2:
_tile_overlayer_lowered:
.L_overlay_start_2:
0xbe: {  	(tag) =	ssettag $0x2  }
0xbf: {  	s0 =	rddreg [dreg:$0x0];
	s2 =	stileid.u32  }
0xc0: {  	s1 =	rddreg [dreg:$0x1];
	p0 =	sne.s32 s2, $0x0  }
0xc1: {  	s3 =	rddreg [dreg:$0x2];
	[bflag:$0x3] =	sbarrier.arrive $0xFFFF;
	s2 =	simm.s32 @!p0 $0x1C03  }
0xc2: {  	[timem:s3], [sflag:s2] =	dma.local @!p0 [hbm:s0], s1  }
0xc3: {  	s0 =	simm.s32 @!p0 $0x3  }
0xc4: {  	_ =	swait.ge @!p0 [sflag:s0], s1  }
0xc5: {  	s1 =	ssub.s32 @!p0 $0x0, s1;
	[sflag:s0] =	ssyncset.done @!p0 $0x0  }
0xc6: {  	[sflag:s0] =	ssyncadd.s32 @!p0 s1  }
0xc7: {  	[bflag:$0x3] =	sbarrier.arrive $0xFFFF  }
0xc8: {  	_ =	shalt  }

// kernel: kernel.15.cloned.1.call-start
scs
__scs_entry_jumppad:
0x0: {  	(pc) =	sbr.rel $0x88, $3  }
0x1: {  	(tag) =	ssettag $0x0;
	lr =	simm.s32 $0x1  }
0x2: {  	[smem:$0x3F91] =	sst lr;
	_ =	strace $0xD0000000  }
0x3: {  	_ = 	snop  }
0x4: {  	_ = 	snop  }
0x5: {  	_ = 	snop  }
0x6: {  	_ = 	snop  }
0x7: {  	_ = 	snop  }
__scs_overlays_trampoline_lowered:
0x8: {  	[smem:$0x3FA0] =	sst s0  }
0x9: {  	[smem:$0x3FA1] =	sst s1  }
0xa: {  	[smem:$0x3FA2] =	sst s2  }
0xb: {  	[smem:$0x3FA3] =	sst s3  }
0xc: {  	[smem:$0x3FA4] =	sst s4  }
0xd: {  	[smem:$0x3FA5] =	sst s5  }
0xe: {  	[smem:$0x3FA6] =	sst s6  }
0xf: {  	[smem:$0x3FA7] =	sst s7  }
0x10: {  	[smem:$0x3FA8] =	sst s8  }
0x11: {  	[smem:$0x3FA9] =	sst s9;
	s0 =	simm.s32 @!p0 $0x0  }
0x12: {  	s1 =	sld [smem:$0x3F8F];
	s0 =	simm.s32 @p0 $0x1  }
0x13: {  	[smem:$0x3FAA] =	sst s0;
	s0 =	simm.s32 @!p1 $0x0  }
0x14: {  	s2 =	sld [smem:$0x3F8E];
	s0 =	simm.s32 @p1 $0x1  }
0x15: {  	[smem:$0x3FAB] =	sst s0;
	s0 =	simm.s32 @!p2 $0x0  }
0x16: {  	s3 =	sld [smem:$0x3FDB];
	s0 =	simm.s32 @p2 $0x1  }
0x17: {  	s4 =	simm.s32 $0x1BF5;
	[smem:$0x3FAD] =	sst s0  }
0x18: {  	s0 =	sld [smem:$0x3F90];
	_ =	swait.ge [sflag:s4], $0x0  }
0x19: {  	s7 =	sld [smem:$0x3F91]  }
0x1a: {  	s8 =	sadd.s32 $0xFFFFE003, lr  }
0x1b: {  	s9 =	sadd.s32 $0xFFFFFEF7, lr;
	s5 =	simm.s32 $0xFFFFFFFF;
	p2 =	slt.u32 s8, $0xFFFFF086  }
0x1c: {  	p1 =	slt.u32 s9, $0xF7A;
	s5 =	simm.s32 @!p2 $0x0  }
0x1d: {  	s5 =	simm.s32 @p1 $0x1;
	p0 =	seq.s32 s7, s2  }
0x1e: {  	s7 =	smul.u32 @!p0 $0xF7A, s2;
	p2 =	seq.s32 @!p0 s5, $0x0  }
0x1f: {  	s9 =	smul.u32 $0xF7A, s1;
	s8 =	simm.s32 @!p0 $0x1BF5;
	p2 =	por !p2, p0  }
0x20: {  	[sflag:s8] =	ssyncset.s32 @!p0 $0xFFFFF086;
	s6 =	sadd.s32 @!p0 s3, s7;
	s7 =	simm.s32 @!p0 $0x108  }
0x21: {  	s3 =	sadd.s32 s3, s9;
	s6 =	sadd.s32 @!p0 $0x88, s6;
	s7 =	simm.s32 @p2 $0x1082  }
0x22: {  	[simem:s7], [sflag:s8] =	dma.local @!p0 [hbm:s6], $0xF7A  }
0x23: {  	s9 =	sor.u32 $0xD0000000, s2;
	s6 =	simm.s32 $0x108;
	_ =	swait.ge @!p0 [sflag:s8], $0x0  }
0x24: {  	s3 =	sadd.s32 $0x88, s3;
	s6 =	simm.s32 @!p1 $0x1082;
	[sflag:s4] =	ssyncset.s32 $0xFFFFF086  }
0x25: {  	[simem:s6], [sflag:s4] =	dma.local [hbm:s3], $0xF7A  }
0x26: {  	[smem:$0x3F91] =	sst s1;
	(tag) =	ssettag s2;
	_ =	strace s9  }
0x27: {  	s1 =	sld [smem:$0x3FA1]  }
0x28: {  	s2 =	sld [smem:$0x3FA2]  }
0x29: {  	s4 =	sld [smem:$0x3FA4]  }
0x2a: {  	p0 =	seq.s32 s5, $0x0;
	s5 =	sld [smem:$0x3FA5]  }
0x2b: {  	s6 =	sld [smem:$0x3FA6]  }
0x2c: {  	s7 =	sld [smem:$0x3FA7]  }
0x2d: {  	s3 =	simm.s32 $0x108;
	s8 =	sld [smem:$0x3FA8]  }
0x2e: {  	s3 =	simm.s32 @!p0 $0x1082;
	s9 =	sld [smem:$0x3FA9]  }
0x2f: {  	lr =	sadd.s32 s0, s3;
	s0 =	sld [smem:$0x3FA0]  }
0x30: {  	s3 =	sld [smem:$0x3FA3]  }
0x31: {  	[smem:$0x3FAC] =	sst s10  }
0x32: {  	s10 =	sld [smem:$0x3FAA];
	_ =	sdelay $0x3  }
0x33: {  	p0 =	seq.s32 s10, $0x1;
	s10 =	sld [smem:$0x3FAC];
	_ =	sdelay $0x3  }
0x34: {  	[smem:$0x3FAC] =	sst s10  }
0x35: {  	s10 =	sld [smem:$0x3FAB];
	_ =	sdelay $0x3  }
0x36: {  	p1 =	seq.s32 s10, $0x1;
	s10 =	sld [smem:$0x3FAC];
	_ =	sdelay $0x3  }
0x37: {  	[smem:$0x3FAC] =	sst s10  }
0x38: {  	s10 =	sld [smem:$0x3FAD]  }
0x39: {  	_ = 	snop;
	(pc) =	sbr.ind lr, $3  }
0x3a: {  	_ = 	snop  }
0x3b: {  	_ = 	snop  }
0x3c: {  	p2 =	seq.s32 s10, $0x1;
	s10 =	sld [smem:$0x3FAC]  }
0x3d: {  	_ =	shalt  }
0x3e: {  	_ =	shalt  }
0x3f: {  	_ =	shalt  }
0x40: {  	_ =	shalt  }
0x41: {  	_ =	shalt  }
0x42: {  	_ =	shalt  }
0x43: {  	_ =	shalt  }
0x44: {  	_ =	shalt  }
0x45: {  	_ =	shalt  }
0x46: {  	_ =	shalt  }
0x47: {  	_ =	shalt  }
0x48: {  	_ =	shalt  }
0x49: {  	_ =	shalt  }
0x4a: {  	_ =	shalt  }
0x4b: {  	_ =	shalt  }
0x4c: {  	_ =	shalt  }
0x4d: {  	_ =	shalt  }
0x4e: {  	_ =	shalt  }
0x4f: {  	_ =	shalt  }
0x50: {  	_ =	shalt  }
0x51: {  	_ =	shalt  }
0x52: {  	_ =	shalt  }
0x53: {  	_ =	shalt  }
0x54: {  	_ =	shalt  }
0x55: {  	_ =	shalt  }
0x56: {  	_ =	shalt  }
0x57: {  	_ =	shalt  }
0x58: {  	_ =	shalt  }
0x59: {  	_ =	shalt  }
0x5a: {  	_ =	shalt  }
0x5b: {  	_ =	shalt  }
0x5c: {  	_ =	shalt  }
0x5d: {  	_ =	shalt  }
0x5e: {  	_ =	shalt  }
0x5f: {  	_ =	shalt  }
0x60: {  	_ =	shalt  }
0x61: {  	_ =	shalt  }
0x62: {  	_ =	shalt  }
0x63: {  	_ =	shalt  }
0x64: {  	_ =	shalt  }
0x65: {  	_ =	shalt  }
0x66: {  	_ =	shalt  }
0x67: {  	_ =	shalt  }
0x68: {  	_ =	shalt  }
0x69: {  	_ =	shalt  }
0x6a: {  	_ =	shalt  }
0x6b: {  	_ =	shalt  }
0x6c: {  	_ =	shalt  }
0x6d: {  	_ =	shalt  }
0x6e: {  	_ =	shalt  }
0x6f: {  	_ =	shalt  }
0x70: {  	_ =	shalt  }
0x71: {  	_ =	shalt  }
0x72: {  	_ =	shalt  }
0x73: {  	_ =	shalt  }
0x74: {  	_ =	shalt  }
0x75: {  	_ =	shalt  }
0x76: {  	_ =	shalt  }
0x77: {  	_ =	shalt  }
0x78: {  	_ =	shalt  }
0x79: {  	_ =	shalt  }
0x7a: {  	_ =	shalt  }
0x7b: {  	_ =	shalt  }
0x7c: {  	_ =	shalt  }
0x7d: {  	_ =	shalt  }
0x7e: {  	_ =	shalt  }
0x7f: {  	_ =	shalt  }
0x80: {  	_ =	shalt  }
0x81: {  	_ =	shalt  }
0x82: {  	_ =	shalt  }
0x83: {  	_ =	shalt  }
0x84: {  	_ =	shalt  }
0x85: {  	_ =	shalt  }
0x86: {  	_ =	shalt  }
0x87: {  	_ =	shalt  }
.Lfunc_end0:
.L_simem_size_0:
called_computation.1_lowered:
.L_overlay_start_0:
0x88: {  	s2 =	sld [smem:$0x3FD9]  }
0x89: {  	s3 =	sld [smem:$0x3FFE];
	_ =	sdelay $0x1  }
0x8a: {  	s1 =	srdreg.scid  }
0x8b: {  	s0 =	sand.u32 $0x1, s1  }
0x8c: {  	s14 =	sshll.u32 s0, $0xA;
	s2 =	sadd.s32 s3, s2  }
0x8d: {  	s2 =	sadd.s32 s2, s14  }
0x8e: {  	[smem:$0x3FB8] =	sst s2  }
0x8f: {  	_ = 	snop  }
0x90: {  	s2 =	sld [smem:$0x3FD0];
	_ =	sdelay $0x2  }
0x91: {  	s15 =	simm.s32 $0xA;
	s4 =	simm.s32 $0x10  }
0x92: {  	[smem:s4], [sflag:s15] =	dma.local [hbm:s2], $0x1  }
0x93: {  	_ =	swait.eq [sflag:s15], $0x1  }
0x94: {  	[sflag:s15] =	ssyncset.done $0x0  }
0x95: {  	[sflag:s15] =	ssyncadd.s32 $0xFFFFFFFF  }
0x96: {  	s16 =	sld [smem:$0x17];
	(tm) =	ssettm $0x1  }
0x97: {  	s17 =	sld [smem:$0x3FFB];
	_ =	sdelay $0x3  }
0x98: {  	_ =	strace s17  }
0x99: {  	s3 =	sld [smem:$0x3FFC];
	_ =	sdelay $0x3  }
0x9a: {  	_ =	strace s3  }
0x9b: {  	s3 =	sld [smem:$0x3FFD];
	_ =	sdelay $0x3  }
0x9c: {  	_ =	strace s3  }
0x9d: {  	_ =	strace $0x8FFFFFFF  }
0x9e: {  	s18 =	sld [smem:$0x3FDB];
	_ =	sdelay $0x1  }
0x9f: {  	s19 =	simm.s32 $_scs_section_size  }
0xa0: {  	s5 =	simm.s32 $_size__tile_overlayer_lowered;
	s6 =	simm.s32 $_tile_overlayer_lowered  }
0xa1: {  	s22 =	simm.s32 $0x1BFF;
	s21 =	sshll.u32 s6, $0x1;
	s3 =	sadd.s32 s19, s18  }
0xa2: {  	s7 =	simm.s32 $0x0;
	s20 =	sshll.u32 s5, $0x1;
	s5 =	sadd.s32 s21, s3  }
0xa3: {  	[timem:s7], [sflag:s22] =	dma.local [hbm:s5], s20  }
0xa4: {  	_ =	swait.ge [sflag:s22], s20  }
0xa5: {  	s4 =	ssub.s32 $0x0, s20;
	[sflag:s22] =	ssyncset.done $0x0  }
0xa6: {  	[sflag:s22] =	ssyncadd.s32 s4;
	_ =	sdelay $0x1  }
0xa7: {  	s23 =	simm.s32 $0x1B8B  }
0xa8: {  	_ =	swait.ge [sflag:s23], $0x1  }
0xa9: {  	[sflag:s23] =	ssyncset.done $0x0  }
0xaa: {  	s25 =	simm.s32 $0x1B8E;
	s24 =	sld [smem:$0x3FFE];
	[sflag:s23] =	ssyncadd.s32 $0xFFFFFFFF  }
0xab: {  	s26 =	simm.s32 $execute0_lowered;
	[smem:$0x3FD2] =	sst s25  }
0xac: {  	s5 =	sshll.u32 s26, $0x1;
	_ =	strace $0x80000049;
	[dreg:$0x1] =	wrdreg $0xFFFFFFFF  }
0xad: {  	s28 =	simm.s32 $_size_execute0_lowered;
	s3 =	sadd.s32 s3, s5;
	[dreg:$0x0] =	wrdreg $0x0  }
0xae: {  	s5 =	sshll.u32 s28, $0x1;
	[dreg:$0x2] =	wrdreg s3  }
0xaf: {  	[dreg:$0x3] =	wrdreg s5  }
0xb0: {  	[dreg:$0x4] =	wrdreg $0xC0  }
0xb1: {  	_ =	task [dreg:s7], $0x5FFFF  }
0xb2: {  	[dreg:$0x1] =	wrdreg $0xFFFFFFFF  }
0xb3: {  	[dreg:$0x0] =	wrdreg $0x60  }
0xb4: {  	[dreg:$0x2] =	wrdreg s16  }
0xb5: {  	[dreg:$0x3] =	wrdreg s24  }
0xb6: {  	[dreg:$0x4] =	wrdreg $0x9E200  }
0xb7: {  	[dreg:$0x5] =	wrdreg $0x9  }
0xb8: {  	_ =	task.clear_ibuf [dreg:s7], $0x6FFFF;
	_ =	strace $0x90000049  }
0xb9: {  	s29 =	simm.s32 $0x9;
	_ =	strace $0x8000004B  }
0xba: {  	_ =	swait.ge [sflag:s29], $0x1  }
0xbb: {  	[sflag:s29] =	ssyncadd.s32 $0xFFFFFFFF  }
0xbc: {  	_ =	strace $0x9000004B  }
0xbd: {  	_ =	sfence  }
0xbe: {  	s30 =	sld [smem:$0x0];
	_ =	sdelay $0x2  }
0xbf: {  	s31 =	sshll.u32 s1, $0xD;
	s1 =	sshrl.u32 s1, $0x2  }
0xc0: {  	s3 =	sand.u32 $0x4000, s31;
	s1 =	sadd.s32 s1, s30  }
0xc1: {  	s0 =	sor.u32 s3, s0;
	s1 =	sshll.u32 s1, $0x11  }
0xc2: {  	s0 =	sor.u32 s1, s0  }
0xc3: {  	s0 =	sadd.s32 $0x8F2B, s0  }
0xc4: {  	[sflag:s0] =	ssyncadd.remote.s32 $0x1  }
0xc5: {  	_ =	sfence.sel $0xFFFF  }
0xc6: {  	[dreg:$0x0] =	wrdreg $0xFFFFFFFF;
	(pc) =	sbr.abs _section_cstart, $3  }
0xc7: {  	[dreg:$0x1] =	wrdreg $0xFFFFFFFF  }
0xc8: {  	_ =	task.clear_ibuf [dreg:s7], $0x2FFFF;
	_ =	strace $0x9FFFFFFF  }
0xc9: {  	(tm) =	ssettm $0x7FFFFFFF  }
tec
execute0_lowered:
.L_overlay_start_1:
0x0: {  	(tag) =	ssettag $0x1  }
0x1: {  	s1 =	rddreg [dreg:$0x0]  }
0x2: {  	s0 =	srdreg.scid;
	s2 =	rddreg [dreg:$0x1]  }
0x3: {  	s8 =	stileid.u32;
	s3 =	rddreg [dreg:$0x2];
	s28 =	simm.s32 $0x4E20  }
0x4: {  	s29 =	simm.s32 $0x7620;
	s30 =	simm.s32 $0x1;
	s14 =	smul.u32 $0x280, s8  }
0x5: {  	s0 =	sand.u32 $0x1, s0;
	s4 =	sshll.u32 s8, $0x1;
	s8 =	smul.u32 $0x50000, s8  }
0x6: {  	s5 =	sor.u32 s0, s4;
	s6 =	ssub.s32 $0x2, s0;
	s0 =	smul.u32 $0x2800, s0  }
0x7: {  	s31 =	simm.s32 $0x2;
	s4 =	simm.s32 $0x0;
	s5 =	smul.u32 $0x4E2, s5  }
0x8: {  	[smem:$0x7FF] =	sst s4;
	s7 =	sshrl.u32 s6, $0x1;
	s21 =	sshrl.u32 s8, $0x2  }
0x9: {  	s15 =	sor.u32 $0x50, s14;
	s17 =	sadd.s32 $0xA0, s14;
	s18 =	sadd.s32 $0xF0, s14  }
0xa: {  	s19 =	sadd.s32 $0x140, s14;
	s20 =	sadd.s32 $0x190, s14;
	_ =	strace $0x8000004A  }
0xb: {  	s23 =	ssub.s32 s6, s7;
	s7 =	sadd.s32 s21, s3;
	s22 =	sshll.u32 s15, $0x7  }
0xc: {  	s24 =	sshll.u32 s17, $0x7;
	s10 =	sshll.u32 s18, $0x7;
	s11 =	sshll.u32 s19, $0x7  }
0xd: {  	s21 =	sadd.s32 $0x1E0, s14;
	s12 =	sshll.u32 s20, $0x7;
	s15 =	sadd.s32 s0, s15  }
0xe: {  	s17 =	sadd.s32 s0, s17;
	s18 =	sadd.s32 s0, s18;
	s19 =	sadd.s32 s0, s19  }
0xf: {  	s20 =	sadd.s32 s0, s20;
	s9 =	sadd.s32 s5, s2;
	s2 =	sadd.s32 $0x40200, s2  }
0x10: {  	s8 =	sadd.s32 s22, s3;
	s10 =	sadd.s32 s10, s3;
	s11 =	sadd.s32 s11, s3  }
0x11: {  	s13 =	sshll.u32 s21, $0x7;
	s12 =	sadd.s32 s12, s3;
	s22 =	sadd.s32 $0x230, s14  }
0x12: {  	s26 =	sshll.u32 s15, $0x4;
	s17 =	sshll.u32 s17, $0x4;
	s18 =	sshll.u32 s18, $0x4  }
0x13: {  	s19 =	sshll.u32 s19, $0x4;
	s20 =	sshll.u32 s20, $0x4;
	s21 =	sadd.s32 s0, s21  }
0x14: {  	s23 =	smax.u32 s23, $0x1;
	s5 =	sadd.s32 $0xF200, s9;
	s6 =	sadd.s32 $0x5400, s9  }
0x15: {  	s9 =	sadd.s32 s24, s3;
	s13 =	sadd.s32 s13, s3;
	s16 =	sshll.u32 s22, $0x7  }
0x16: {  	s24 =	sadd.s32 s14, s0;
	s17 =	sadd.s32 s2, s17;
	s18 =	sadd.s32 s2, s18  }
0x17: {  	s19 =	sadd.s32 s2, s19;
	s0 =	sadd.s32 s0, s22;
	s20 =	sadd.s32 s2, s20  }
0x18: {  	s21 =	sshll.u32 s21, $0x4;
	[dreg:$0x4] =	wrdreg s5;
	s14 =	sadd.s32 s16, s3  }
0x19: {  	s25 =	sshll.u32 s24, $0x4;
	s16 =	sadd.s32 s2, s26;
	s0 =	sshll.u32 s0, $0x4  }
0x1a: {  	s21 =	sadd.s32 s2, s21;
	s24 =	simm.s32 $0x3;
	s26 =	simm.s32 $0x50  }
0x1b: {  	v0 =	vimm.f32 $0.0e+00;
	s15 =	sadd.s32 s2, s25;
	s22 =	sadd.s32 s2, s0;
	s0 =	simm.s32 $0x0  }
.LBB2_1:
0x1c: {  	s2 =	rddreg [dreg:$0x4]  }
0x1d: {  	[tilespmem:s4], [sflag:$0x3] =	stream.linear.gather [hbm4b:s2+s4], $0x2710, $0x38;
	[tilespmem:$0x1DE20] =	vst v63  }
0x1e: {  	_ =	swait.ge [sflag:s24], $0x2710  }
0x1f: {  	[sflag:s24] =	ssyncset.done $0x0  }
0x20: {  	s25 =	simm.s32 $0x2710;
	[sflag:s24] =	ssyncadd.s32 $0xFFFFD8F0  }
0x21: {  	[tilespmem:s25], [sflag:$0x3] =	stream.linear.gather [hbm4b:s6+s4], $0x2710, $0x38;
	[tilespmem:$0x1DE20] =	vst v63  }
0x22: {  	_ =	swait.ge [sflag:s24], $0x2710  }
0x23: {  	[sflag:s24] =	ssyncset.done $0x0  }
0x24: {  	s2 =	simm.s32 $0x200;
	s25 =	simm.s32 $0x0;
	[sflag:s24] =	ssyncadd.s32 $0xFFFFD8F0  }
0x25: {  	[tilespmem:s28], [sflag:$0x1] =	stream.indirect.gather [hbm4b:s1+s26], $0x80, s4, s26, $0xb8;
	[tilespmem:$0x1DE20] =	vst v63  }
.LBB2_2:
0x26: {  	p0 =	sne.s32 s2, $0x9E00;
	[tilespmem:s25+$0x7690] =	vst v0  }
0x27: {  	[tilespmem:s25+$0x7620] =	vst v0  }
0x28: {  	[tilespmem:s25+$0x7630] =	vst v0  }
.Ltmp0:
0x29: {  	[tilespmem:s25+$0x7640] =	vst v0;
	(pc) =	sbr.rel @p0 .LBB2_2-.Ltmp0, $4  }
0x2a: {  	[tilespmem:s25+$0x7650] =	vst v0  }
0x2b: {  	[tilespmem:s25+$0x7660] =	vst v0  }
0x2c: {  	[tilespmem:s25+$0x7670] =	vst v0  }
0x2d: {  	[tilespmem:s25+$0x7680] =	vst v0;
	s25 =	sshra.s32 s2, $0x2;
	s2 =	sadd.s32 $0x200, s2  }
0x2e: {  	[tilespmem:s25+$0x7690] =	vst v0  }
0x2f: {  	[tilespmem:s25+$0x7620] =	vst v0  }
0x30: {  	[tilespmem:s25+$0x7630] =	vst v0  }
0x31: {  	[tilespmem:s25+$0x7640] =	vst v0  }
0x32: {  	[tilespmem:s25+$0x7650] =	vst v0  }
0x33: {  	[tilespmem:s25+$0x7660] =	vst v0  }
0x34: {  	[tilespmem:s25+$0x7670] =	vst v0  }
0x35: {  	[tilespmem:s25+$0x7680] =	vst v0  }
0x36: {  	[spmem:s7] =	stream.linear.scatter [tilespmem:s29], [sflag:$0x3], $0x2800, $0x38;
	[tilespmem:$0x1DE20] =	vst v63  }
0x37: {  	_ =	swait.ge [sflag:s24], $0x2800  }
0x38: {  	[sflag:s24] =	ssyncset.done $0x0  }
0x39: {  	[sflag:s24] =	ssyncadd.s32 $0xFFFFD800  }
0x3a: {  	[spmem:s8] =	stream.linear.scatter [tilespmem:s29], [sflag:$0x3], $0x2800, $0x38;
	[tilespmem:$0x1DE20] =	vst v63  }
0x3b: {  	_ =	swait.ge [sflag:s24], $0x2800  }
0x3c: {  	[sflag:s24] =	ssyncset.done $0x0  }
0x3d: {  	[sflag:s24] =	ssyncadd.s32 $0xFFFFD800  }
0x3e: {  	[spmem:s9] =	stream.linear.scatter [tilespmem:s29], [sflag:$0x3], $0x2800, $0x38;
	[tilespmem:$0x1DE20] =	vst v63  }
0x3f: {  	_ =	swait.ge [sflag:s24], $0x2800  }
0x40: {  	[sflag:s24] =	ssyncset.done $0x0  }
0x41: {  	[sflag:s24] =	ssyncadd.s32 $0xFFFFD800  }
0x42: {  	[spmem:s10] =	stream.linear.scatter [tilespmem:s29], [sflag:$0x3], $0x2800, $0x38;
	[tilespmem:$0x1DE20] =	vst v63  }
0x43: {  	_ =	swait.ge [sflag:s24], $0x2800  }
0x44: {  	[sflag:s24] =	ssyncset.done $0x0  }
0x45: {  	[sflag:s24] =	ssyncadd.s32 $0xFFFFD800  }
0x46: {  	[spmem:s11] =	stream.linear.scatter [tilespmem:s29], [sflag:$0x3], $0x2800, $0x38;
	[tilespmem:$0x1DE20] =	vst v63  }
0x47: {  	_ =	swait.ge [sflag:s24], $0x2800  }
0x48: {  	[sflag:s24] =	ssyncset.done $0x0  }
0x49: {  	[sflag:s24] =	ssyncadd.s32 $0xFFFFD800  }
0x4a: {  	[spmem:s12] =	stream.linear.scatter [tilespmem:s29], [sflag:$0x3], $0x2800, $0x38;
	[tilespmem:$0x1DE20] =	vst v63  }
0x4b: {  	_ =	swait.ge [sflag:s24], $0x2800  }
0x4c: {  	[sflag:s24] =	ssyncset.done $0x0  }
0x4d: {  	[sflag:s24] =	ssyncadd.s32 $0xFFFFD800  }
0x4e: {  	[spmem:s13] =	stream.linear.scatter [tilespmem:s29], [sflag:$0x3], $0x2800, $0x38;
	[tilespmem:$0x1DE20] =	vst v63  }
0x4f: {  	_ =	swait.ge [sflag:s24], $0x2800  }
0x50: {  	[sflag:s24] =	ssyncset.done $0x0  }
0x51: {  	[sflag:s24] =	ssyncadd.s32 $0xFFFFD800  }
0x52: {  	[spmem:s14] =	stream.linear.scatter [tilespmem:s29], [sflag:$0x3], $0x2800, $0x38;
	[tilespmem:$0x1DE20] =	vst v63  }
0x53: {  	_ =	swait.ge [sflag:s24], $0x2800  }
0x54: {  	[sflag:s24] =	ssyncset.done $0x0  }
0x55: {  	[sflag:s24] =	ssyncadd.s32 $0xFFFFD800  }
0x56: {  	[bflag:$0x0] =	sbarrier.arrive $0xFFFF  }
0x57: {  	_ =	swait.ge [sflag:s30], $0x2800  }
0x58: {  	[sflag:s30] =	ssyncset.done $0x0  }
0x59: {  	s2 =	simm.s32 $0x50;
	[sflag:s30] =	ssyncadd.s32 $0xFFFFD800  }
0x5a: {  	[tilespmem:s29], [sflag:$0x2] =	stream.indirect.gather [hbm4b:s1+s26], $0x80, s2, s26, $0xb8;
	[tilespmem:$0x1DE20] =	vst v63  }
0x5b: {  	s25 =	simm.s32 $0x2710  }
0x5c: {  	[spmem:s3] =	stream.indirect.scatter.add.f32 [tilespmem:s28], [sflag:$0x3], $0x80, s25, s26, $0xb8;
	[tilespmem:$0x1DE20] =	vst v63  }
0x5d: {  	_ =	swait.ge [sflag:s24], $0x2800  }
0x5e: {  	[sflag:s24] =	ssyncset.done $0x0  }
0x5f: {  	s5 =	simm.s32 $0xA0;
	[sflag:s24] =	ssyncadd.s32 $0xFFFFD800  }
0x60: {  	[tilespmem:s28], [sflag:$0x1] =	stream.indirect.gather [hbm4b:s1+s26], $0x80, s5, s26, $0xb8;
	[tilespmem:$0x1DE20] =	vst v63  }
0x61: {  	_ =	swait.ge [sflag:s31], $0x2800  }
0x62: {  	[sflag:s31] =	ssyncset.done $0x0  }
0x63: {  	s25 =	simm.s32 $0x2760;
	[sflag:s31] =	ssyncadd.s32 $0xFFFFD800  }
0x64: {  	[spmem:s3] =	stream.indirect.scatter.add.f32 [tilespmem:s29], [sflag:$0x3], $0x80, s25, s26, $0xb8;
	[tilespmem:$0x1DE20] =	vst v63  }
0x65: {  	_ =	swait.ge [sflag:s24], $0x2800  }
0x66: {  	s25 =	simm.s32 $0x280;
	[sflag:s24] =	ssyncset.done $0x0  }
.LBB2_4:
0x67: {  	p0 =	sne.s32 s25, $0x9880  }
0x68: {  	[sflag:s24] =	ssyncadd.s32 $0xFFFFD800;
	s2 =	smov.u32 s25;
	s25 =	sadd.s32 $0x280, s25  }
0x69: {  	_ =	swait.ge [sflag:s30], $0x2800  }
0x6a: {  	s2 =	sshra.s32 s2, $0x2;
	[sflag:s30] =	ssyncset.done $0x0  }
0x6b: {  	s5 =	sadd.s32 $0x50, s2;
	[sflag:s30] =	ssyncadd.s32 $0xFFFFD800  }
0x6c: {  	[tilespmem:s29], [sflag:$0x2] =	stream.indirect.gather [hbm4b:s1+s26], $0x80, s5, s26, $0xb8;
	[tilespmem:$0x1DE20] =	vst v63  }
0x6d: {  	s5 =	sadd.s32 $0x2710, s2  }
0x6e: {  	[spmem:s3] =	stream.indirect.scatter.add.f32 [tilespmem:s28], [sflag:$0x3], $0x80, s5, s26, $0xb8;
	[tilespmem:$0x1DE20] =	vst v63  }
0x6f: {  	_ =	swait.ge [sflag:s24], $0x2800  }
0x70: {  	[sflag:s24] =	ssyncset.done $0x0  }
0x71: {  	s5 =	sadd.s32 $0xA0, s2;
	[sflag:s24] =	ssyncadd.s32 $0xFFFFD800  }
0x72: {  	[tilespmem:s28], [sflag:$0x1] =	stream.indirect.gather [hbm4b:s1+s26], $0x80, s5, s26, $0xb8;
	[tilespmem:$0x1DE20] =	vst v63  }
0x73: {  	_ =	swait.ge [sflag:s31], $0x2800  }
.Ltmp1:
0x74: {  	[sflag:s31] =	ssyncset.done $0x0;
	(pc) =	sbr.rel @p0 .LBB2_4-.Ltmp1, $4  }
0x75: {  	s2 =	sadd.s32 $0x2760, s2;
	[sflag:s31] =	ssyncadd.s32 $0xFFFFD800  }
0x76: {  	[spmem:s3] =	stream.indirect.scatter.add.f32 [tilespmem:s29], [sflag:$0x3], $0x80, s2, s26, $0xb8;
	[tilespmem:$0x1DE20] =	vst v63  }
0x77: {  	_ =	swait.ge [sflag:s24], $0x2800  }
0x78: {  	[sflag:s24] =	ssyncset.done $0x0  }
0x79: {  	[sflag:s24] =	ssyncadd.s32 $0xFFFFD800  }
0x7a: {  	_ =	swait.ge [sflag:s30], $0x2800  }
0x7b: {  	[sflag:s30] =	ssyncset.done $0x0  }
0x7c: {  	s2 =	simm.s32 $0x4DD0;
	[sflag:s30] =	ssyncadd.s32 $0xFFFFD800  }
0x7d: {  	[spmem:s3] =	stream.indirect.scatter.add.f32 [tilespmem:s28], [sflag:$0x3], $0x80, s2, s26, $0xb8;
	[tilespmem:$0x1DE20] =	vst v63  }
0x7e: {  	_ =	swait.ge [sflag:s24], $0x2800  }
0x7f: {  	[sflag:s24] =	ssyncset.done $0x0  }
0x80: {  	[sflag:s24] =	ssyncadd.s32 $0xFFFFD800  }
0x81: {  	[bflag:$0x0] =	sbarrier.arrive $0xFFFF  }
0x82: {  	[tilespmem:s28], [sflag:$0x3] =	stream.linear.gather [spmem:s7], $0x2800, $0x38;
	[tilespmem:$0x1DE20] =	vst v63  }
0x83: {  	_ =	swait.ge [sflag:s24], $0x2800  }
0x84: {  	[sflag:s24] =	ssyncset.done $0x0  }
0x85: {  	[sflag:s24] =	ssyncadd.s32 $0xFFFFD800  }
0x86: {  	[hbm4b:s15+s4] =	stream.linear.scatter [tilespmem:s28], [sflag:$0x3], $0x2800, $0x38;
	[tilespmem:$0x1DE20] =	vst v63  }
0x87: {  	_ =	swait.ge [sflag:s24], $0x2800  }
0x88: {  	[sflag:s24] =	ssyncset.done $0x0  }
0x89: {  	[sflag:s24] =	ssyncadd.s32 $0xFFFFD800  }
0x8a: {  	[tilespmem:s28], [sflag:$0x3] =	stream.linear.gather [spmem:s8], $0x2800, $0x38;
	[tilespmem:$0x1DE20] =	vst v63  }
0x8b: {  	_ =	swait.ge [sflag:s24], $0x2800  }
0x8c: {  	[sflag:s24] =	ssyncset.done $0x0  }
0x8d: {  	[sflag:s24] =	ssyncadd.s32 $0xFFFFD800  }
0x8e: {  	[hbm4b:s16+s4] =	stream.linear.scatter [tilespmem:s28], [sflag:$0x3], $0x2800, $0x38;
	[tilespmem:$0x1DE20] =	vst v63  }
0x8f: {  	_ =	swait.ge [sflag:s24], $0x2800  }
0x90: {  	[sflag:s24] =	ssyncset.done $0x0  }
0x91: {  	[sflag:s24] =	ssyncadd.s32 $0xFFFFD800  }
0x92: {  	[tilespmem:s28], [sflag:$0x3] =	stream.linear.gather [spmem:s9], $0x2800, $0x38;
	[tilespmem:$0x1DE20] =	vst v63  }
0x93: {  	_ =	swait.ge [sflag:s24], $0x2800  }
0x94: {  	[sflag:s24] =	ssyncset.done $0x0  }
0x95: {  	[sflag:s24] =	ssyncadd.s32 $0xFFFFD800  }
0x96: {  	[hbm4b:s17+s4] =	stream.linear.scatter [tilespmem:s28], [sflag:$0x3], $0x2800, $0x38;
	[tilespmem:$0x1DE20] =	vst v63  }
0x97: {  	_ =	swait.ge [sflag:s24], $0x2800  }
0x98: {  	[sflag:s24] =	ssyncset.done $0x0  }
0x99: {  	[sflag:s24] =	ssyncadd.s32 $0xFFFFD800  }
0x9a: {  	[tilespmem:s28], [sflag:$0x3] =	stream.linear.gather [spmem:s10], $0x2800, $0x38;
	[tilespmem:$0x1DE20] =	vst v63  }
0x9b: {  	_ =	swait.ge [sflag:s24], $0x2800  }
0x9c: {  	[sflag:s24] =	ssyncset.done $0x0  }
0x9d: {  	[sflag:s24] =	ssyncadd.s32 $0xFFFFD800  }
0x9e: {  	[hbm4b:s18+s4] =	stream.linear.scatter [tilespmem:s28], [sflag:$0x3], $0x2800, $0x38;
	[tilespmem:$0x1DE20] =	vst v63  }
0x9f: {  	_ =	swait.ge [sflag:s24], $0x2800  }
0xa0: {  	[sflag:s24] =	ssyncset.done $0x0  }
0xa1: {  	[sflag:s24] =	ssyncadd.s32 $0xFFFFD800  }
0xa2: {  	[tilespmem:s28], [sflag:$0x3] =	stream.linear.gather [spmem:s11], $0x2800, $0x38;
	[tilespmem:$0x1DE20] =	vst v63  }
0xa3: {  	_ =	swait.ge [sflag:s24], $0x2800  }
0xa4: {  	[sflag:s24] =	ssyncset.done $0x0  }
0xa5: {  	[sflag:s24] =	ssyncadd.s32 $0xFFFFD800  }
0xa6: {  	[hbm4b:s19+s4] =	stream.linear.scatter [tilespmem:s28], [sflag:$0x3], $0x2800, $0x38;
	[tilespmem:$0x1DE20] =	vst v63  }
0xa7: {  	_ =	swait.ge [sflag:s24], $0x2800  }
0xa8: {  	[sflag:s24] =	ssyncset.done $0x0  }
0xa9: {  	[sflag:s24] =	ssyncadd.s32 $0xFFFFD800  }
0xaa: {  	[tilespmem:s28], [sflag:$0x3] =	stream.linear.gather [spmem:s12], $0x2800, $0x38;
	[tilespmem:$0x1DE20] =	vst v63  }
0xab: {  	_ =	swait.ge [sflag:s24], $0x2800  }
0xac: {  	[sflag:s24] =	ssyncset.done $0x0  }
0xad: {  	[sflag:s24] =	ssyncadd.s32 $0xFFFFD800  }
0xae: {  	[hbm4b:s20+s4] =	stream.linear.scatter [tilespmem:s28], [sflag:$0x3], $0x2800, $0x38;
	[tilespmem:$0x1DE20] =	vst v63  }
0xaf: {  	_ =	swait.ge [sflag:s24], $0x2800  }
0xb0: {  	[sflag:s24] =	ssyncset.done $0x0  }
0xb1: {  	[sflag:s24] =	ssyncadd.s32 $0xFFFFD800  }
0xb2: {  	[tilespmem:s28], [sflag:$0x3] =	stream.linear.gather [spmem:s13], $0x2800, $0x38;
	[tilespmem:$0x1DE20] =	vst v63  }
0xb3: {  	_ =	swait.ge [sflag:s24], $0x2800  }
0xb4: {  	[sflag:s24] =	ssyncset.done $0x0  }
0xb5: {  	[sflag:s24] =	ssyncadd.s32 $0xFFFFD800  }
0xb6: {  	[hbm4b:s21+s4] =	stream.linear.scatter [tilespmem:s28], [sflag:$0x3], $0x2800, $0x38;
	[tilespmem:$0x1DE20] =	vst v63  }
0xb7: {  	_ =	swait.ge [sflag:s24], $0x2800  }
0xb8: {  	[sflag:s24] =	ssyncset.done $0x0  }
0xb9: {  	[sflag:s24] =	ssyncadd.s32 $0xFFFFD800  }
0xba: {  	[tilespmem:s28], [sflag:$0x3] =	stream.linear.gather [spmem:s14], $0x2800, $0x38;
	[tilespmem:$0x1DE20] =	vst v63  }
0xbb: {  	s0 =	sadd.s32 $0x1, s0;
	_ =	swait.ge [sflag:s24], $0x2800  }
0xbc: {  	p0 =	sne.s32 s0, s23;
	[sflag:s24] =	ssyncset.done $0x0  }
.Ltmp2:
0xbd: {  	[sflag:s24] =	ssyncadd.s32 $0xFFFFD800;
	(pc) =	sbr.rel @p0 .LBB2_1-.Ltmp2, $4  }
0xbe: {  	[hbm4b:s22+s4] =	stream.linear.scatter [tilespmem:s28], [sflag:$0x3], $0x2800, $0x38;
	[tilespmem:$0x1DE20] =	vst v63  }
0xbf: {  	_ =	swait.ge [sflag:s24], $0x2800  }
0xc0: {  	[sflag:s24] =	ssyncset.done $0x0  }
0xc1: {  	[sflag:s24] =	ssyncadd.s32 $0xFFFFD800  }
0xc2: {  	_ =	sfence.sel $0x180000  }
0xc3: {  	[bflag:$0x0] =	sbarrier.arrive $0xFFFF  }
0xc4: {  	_ =	strace $0x9000004A  }
0xc5: {  	s0 =	stileid.u32;
	[bflag:$0x2] =	sbarrier.arrive $0xFFFF  }
0xc6: {  	p0 =	sne.s32 s0, $0x0;
	s0 =	rddreg [dreg:$0x3]  }
0xc7: {  	s0 =	sadd.s32 @!p0 $0x100000, s0  }
0xc8: {  	[sflag:s0] =	ssyncadd.tile.s32 @!p0 $0x1;
	_ =	shalt  }
.Lfunc_end2:
_tile_overlayer_lowered:
.L_overlay_start_2:
0xc9: {  	(tag) =	ssettag $0x2  }
0xca: {  	s0 =	rddreg [dreg:$0x0];
	s2 =	stileid.u32  }
0xcb: {  	s1 =	rddreg [dreg:$0x1];
	p0 =	sne.s32 s2, $0x0  }
0xcc: {  	s3 =	rddreg [dreg:$0x2];
	[bflag:$0x3] =	sbarrier.arrive $0xFFFF;
	s2 =	simm.s32 @!p0 $0x1C03  }
0xcd: {  	[timem:s3], [sflag:s2] =	dma.local @!p0 [hbm:s0], s1  }
0xce: {  	s0 =	simm.s32 @!p0 $0x3  }
0xcf: {  	_ =	swait.ge @!p0 [sflag:s0], s1  }
0xd0: {  	s1 =	ssub.s32 @!p0 $0x0, s1;
	[sflag:s0] =	ssyncset.done @!p0 $0x0  }
0xd1: {  	[sflag:s0] =	ssyncadd.s32 @!p0 s1  }
0xd2: {  	[bflag:$0x3] =	sbarrier.arrive $0xFFFF  }
0xd3: {  	_ =	shalt  }

// kernel: kernel.18.cloned.1.call-start
scs
__scs_entry_jumppad:
0x0: {  	(pc) =	sbr.rel $0x88, $3  }
0x1: {  	(tag) =	ssettag $0x0;
	lr =	simm.s32 $0x1  }
0x2: {  	[smem:$0x3F91] =	sst lr;
	_ =	strace $0xD0000000  }
0x3: {  	_ = 	snop  }
0x4: {  	_ = 	snop  }
0x5: {  	_ = 	snop  }
0x6: {  	_ = 	snop  }
0x7: {  	_ = 	snop  }
__scs_overlays_trampoline_lowered:
0x8: {  	[smem:$0x3FA0] =	sst s0  }
0x9: {  	[smem:$0x3FA1] =	sst s1  }
0xa: {  	[smem:$0x3FA2] =	sst s2  }
0xb: {  	[smem:$0x3FA3] =	sst s3  }
0xc: {  	[smem:$0x3FA4] =	sst s4  }
0xd: {  	[smem:$0x3FA5] =	sst s5  }
0xe: {  	[smem:$0x3FA6] =	sst s6  }
0xf: {  	[smem:$0x3FA7] =	sst s7  }
0x10: {  	[smem:$0x3FA8] =	sst s8  }
0x11: {  	[smem:$0x3FA9] =	sst s9;
	s0 =	simm.s32 @!p0 $0x0  }
0x12: {  	s1 =	sld [smem:$0x3F8F];
	s0 =	simm.s32 @p0 $0x1  }
0x13: {  	[smem:$0x3FAA] =	sst s0;
	s0 =	simm.s32 @!p1 $0x0  }
0x14: {  	s2 =	sld [smem:$0x3F8E];
	s0 =	simm.s32 @p1 $0x1  }
0x15: {  	[smem:$0x3FAB] =	sst s0;
	s0 =	simm.s32 @!p2 $0x0  }
0x16: {  	s3 =	sld [smem:$0x3FDB];
	s0 =	simm.s32 @p2 $0x1  }
0x17: {  	s4 =	simm.s32 $0x1BF5;
	[smem:$0x3FAD] =	sst s0  }
0x18: {  	s0 =	sld [smem:$0x3F90];
	_ =	swait.ge [sflag:s4], $0x0  }
0x19: {  	s7 =	sld [smem:$0x3F91]  }
0x1a: {  	s8 =	sadd.s32 $0xFFFFE003, lr  }
0x1b: {  	s9 =	sadd.s32 $0xFFFFFEF7, lr;
	s5 =	simm.s32 $0xFFFFFFFF;
	p2 =	slt.u32 s8, $0xFFFFF086  }
0x1c: {  	p1 =	slt.u32 s9, $0xF7A;
	s5 =	simm.s32 @!p2 $0x0  }
0x1d: {  	s5 =	simm.s32 @p1 $0x1;
	p0 =	seq.s32 s7, s2  }
0x1e: {  	s7 =	smul.u32 @!p0 $0xF7A, s2;
	p2 =	seq.s32 @!p0 s5, $0x0  }
0x1f: {  	s9 =	smul.u32 $0xF7A, s1;
	s8 =	simm.s32 @!p0 $0x1BF5;
	p2 =	por !p2, p0  }
0x20: {  	[sflag:s8] =	ssyncset.s32 @!p0 $0xFFFFF086;
	s6 =	sadd.s32 @!p0 s3, s7;
	s7 =	simm.s32 @!p0 $0x108  }
0x21: {  	s3 =	sadd.s32 s3, s9;
	s6 =	sadd.s32 @!p0 $0x88, s6;
	s7 =	simm.s32 @p2 $0x1082  }
0x22: {  	[simem:s7], [sflag:s8] =	dma.local @!p0 [hbm:s6], $0xF7A  }
0x23: {  	s9 =	sor.u32 $0xD0000000, s2;
	s6 =	simm.s32 $0x108;
	_ =	swait.ge @!p0 [sflag:s8], $0x0  }
0x24: {  	s3 =	sadd.s32 $0x88, s3;
	s6 =	simm.s32 @!p1 $0x1082;
	[sflag:s4] =	ssyncset.s32 $0xFFFFF086  }
0x25: {  	[simem:s6], [sflag:s4] =	dma.local [hbm:s3], $0xF7A  }
0x26: {  	[smem:$0x3F91] =	sst s1;
	(tag) =	ssettag s2;
	_ =	strace s9  }
0x27: {  	s1 =	sld [smem:$0x3FA1]  }
0x28: {  	s2 =	sld [smem:$0x3FA2]  }
0x29: {  	s4 =	sld [smem:$0x3FA4]  }
0x2a: {  	p0 =	seq.s32 s5, $0x0;
	s5 =	sld [smem:$0x3FA5]  }
0x2b: {  	s6 =	sld [smem:$0x3FA6]  }
0x2c: {  	s7 =	sld [smem:$0x3FA7]  }
0x2d: {  	s3 =	simm.s32 $0x108;
	s8 =	sld [smem:$0x3FA8]  }
0x2e: {  	s3 =	simm.s32 @!p0 $0x1082;
	s9 =	sld [smem:$0x3FA9]  }
0x2f: {  	lr =	sadd.s32 s0, s3;
	s0 =	sld [smem:$0x3FA0]  }
0x30: {  	s3 =	sld [smem:$0x3FA3]  }
0x31: {  	[smem:$0x3FAC] =	sst s10  }
0x32: {  	s10 =	sld [smem:$0x3FAA];
	_ =	sdelay $0x3  }
0x33: {  	p0 =	seq.s32 s10, $0x1;
	s10 =	sld [smem:$0x3FAC];
	_ =	sdelay $0x3  }
0x34: {  	[smem:$0x3FAC] =	sst s10  }
0x35: {  	s10 =	sld [smem:$0x3FAB];
	_ =	sdelay $0x3  }
0x36: {  	p1 =	seq.s32 s10, $0x1;
	s10 =	sld [smem:$0x3FAC];
	_ =	sdelay $0x3  }
0x37: {  	[smem:$0x3FAC] =	sst s10  }
0x38: {  	s10 =	sld [smem:$0x3FAD]  }
0x39: {  	_ = 	snop;
	(pc) =	sbr.ind lr, $3  }
0x3a: {  	_ = 	snop  }
0x3b: {  	_ = 	snop  }
0x3c: {  	p2 =	seq.s32 s10, $0x1;
	s10 =	sld [smem:$0x3FAC]  }
0x3d: {  	_ =	shalt  }
0x3e: {  	_ =	shalt  }
0x3f: {  	_ =	shalt  }
0x40: {  	_ =	shalt  }
0x41: {  	_ =	shalt  }
0x42: {  	_ =	shalt  }
0x43: {  	_ =	shalt  }
0x44: {  	_ =	shalt  }
0x45: {  	_ =	shalt  }
0x46: {  	_ =	shalt  }
0x47: {  	_ =	shalt  }
0x48: {  	_ =	shalt  }
0x49: {  	_ =	shalt  }
0x4a: {  	_ =	shalt  }
0x4b: {  	_ =	shalt  }
0x4c: {  	_ =	shalt  }
0x4d: {  	_ =	shalt  }
0x4e: {  	_ =	shalt  }
0x4f: {  	_ =	shalt  }
0x50: {  	_ =	shalt  }
0x51: {  	_ =	shalt  }
0x52: {  	_ =	shalt  }
0x53: {  	_ =	shalt  }
0x54: {  	_ =	shalt  }
0x55: {  	_ =	shalt  }
0x56: {  	_ =	shalt  }
0x57: {  	_ =	shalt  }
0x58: {  	_ =	shalt  }
0x59: {  	_ =	shalt  }
0x5a: {  	_ =	shalt  }
0x5b: {  	_ =	shalt  }
0x5c: {  	_ =	shalt  }
0x5d: {  	_ =	shalt  }
0x5e: {  	_ =	shalt  }
0x5f: {  	_ =	shalt  }
0x60: {  	_ =	shalt  }
0x61: {  	_ =	shalt  }
0x62: {  	_ =	shalt  }
0x63: {  	_ =	shalt  }
0x64: {  	_ =	shalt  }
0x65: {  	_ =	shalt  }
0x66: {  	_ =	shalt  }
0x67: {  	_ =	shalt  }
0x68: {  	_ =	shalt  }
0x69: {  	_ =	shalt  }
0x6a: {  	_ =	shalt  }
0x6b: {  	_ =	shalt  }
0x6c: {  	_ =	shalt  }
0x6d: {  	_ =	shalt  }
0x6e: {  	_ =	shalt  }
0x6f: {  	_ =	shalt  }
0x70: {  	_ =	shalt  }
0x71: {  	_ =	shalt  }
0x72: {  	_ =	shalt  }
0x73: {  	_ =	shalt  }
0x74: {  	_ =	shalt  }
0x75: {  	_ =	shalt  }
0x76: {  	_ =	shalt  }
0x77: {  	_ =	shalt  }
0x78: {  	_ =	shalt  }
0x79: {  	_ =	shalt  }
0x7a: {  	_ =	shalt  }
0x7b: {  	_ =	shalt  }
0x7c: {  	_ =	shalt  }
0x7d: {  	_ =	shalt  }
0x7e: {  	_ =	shalt  }
0x7f: {  	_ =	shalt  }
0x80: {  	_ =	shalt  }
0x81: {  	_ =	shalt  }
0x82: {  	_ =	shalt  }
0x83: {  	_ =	shalt  }
0x84: {  	_ =	shalt  }
0x85: {  	_ =	shalt  }
0x86: {  	_ =	shalt  }
0x87: {  	_ =	shalt  }
.Lfunc_end0:
.L_simem_size_0:
called_computation.2_lowered:
.L_overlay_start_0:
0x88: {  	s2 =	sld [smem:$0x3FD9]  }
0x89: {  	s3 =	sld [smem:$0x3FFE];
	_ =	sdelay $0x1  }
0x8a: {  	s1 =	srdreg.scid  }
0x8b: {  	s0 =	sand.u32 $0x1, s1  }
0x8c: {  	s14 =	sshll.u32 s0, $0xA;
	s2 =	sadd.s32 s3, s2  }
0x8d: {  	s2 =	sadd.s32 s2, s14  }
0x8e: {  	[smem:$0x3FB8] =	sst s2  }
0x8f: {  	_ = 	snop  }
0x90: {  	s2 =	sld [smem:$0x3FD0];
	_ =	sdelay $0x2  }
0x91: {  	s15 =	simm.s32 $0xA;
	s4 =	simm.s32 $0x10  }
0x92: {  	[smem:s4], [sflag:s15] =	dma.local [hbm:s2], $0x1  }
0x93: {  	_ =	swait.eq [sflag:s15], $0x1  }
0x94: {  	[sflag:s15] =	ssyncset.done $0x0  }
0x95: {  	[sflag:s15] =	ssyncadd.s32 $0xFFFFFFFF  }
0x96: {  	s16 =	sld [smem:$0x17];
	(tm) =	ssettm $0x1  }
0x97: {  	s17 =	sld [smem:$0x3FFB];
	_ =	sdelay $0x3  }
0x98: {  	_ =	strace s17  }
0x99: {  	s3 =	sld [smem:$0x3FFC];
	_ =	sdelay $0x3  }
0x9a: {  	_ =	strace s3  }
0x9b: {  	s3 =	sld [smem:$0x3FFD];
	_ =	sdelay $0x3  }
0x9c: {  	_ =	strace s3  }
0x9d: {  	_ =	strace $0x8FFFFFFF  }
0x9e: {  	s18 =	sld [smem:$0x3FDB];
	_ =	sdelay $0x1  }
0x9f: {  	s19 =	simm.s32 $_scs_section_size  }
0xa0: {  	s5 =	simm.s32 $_size__tile_overlayer_lowered;
	s6 =	simm.s32 $_tile_overlayer_lowered  }
0xa1: {  	s22 =	simm.s32 $0x1BFF;
	s21 =	sshll.u32 s6, $0x1;
	s3 =	sadd.s32 s19, s18  }
0xa2: {  	s7 =	simm.s32 $0x0;
	s20 =	sshll.u32 s5, $0x1;
	s5 =	sadd.s32 s21, s3  }
0xa3: {  	[timem:s7], [sflag:s22] =	dma.local [hbm:s5], s20  }
0xa4: {  	_ =	swait.ge [sflag:s22], s20  }
0xa5: {  	s4 =	ssub.s32 $0x0, s20;
	[sflag:s22] =	ssyncset.done $0x0  }
0xa6: {  	[sflag:s22] =	ssyncadd.s32 s4;
	_ =	sdelay $0x1  }
0xa7: {  	s23 =	simm.s32 $0x1B8B  }
0xa8: {  	_ =	swait.ge [sflag:s23], $0x1  }
0xa9: {  	[sflag:s23] =	ssyncset.done $0x0  }
0xaa: {  	s25 =	simm.s32 $0x1B8E;
	s24 =	sld [smem:$0x3FFE];
	[sflag:s23] =	ssyncadd.s32 $0xFFFFFFFF  }
0xab: {  	s26 =	simm.s32 $execute0_lowered;
	[smem:$0x3FD2] =	sst s25  }
0xac: {  	s5 =	sshll.u32 s26, $0x1;
	_ =	strace $0x8000004C;
	[dreg:$0x1] =	wrdreg $0xFFFFFFFF  }
0xad: {  	s28 =	simm.s32 $_size_execute0_lowered;
	s3 =	sadd.s32 s3, s5;
	[dreg:$0x0] =	wrdreg $0x0  }
0xae: {  	s5 =	sshll.u32 s28, $0x1;
	[dreg:$0x2] =	wrdreg s3  }
0xaf: {  	[dreg:$0x3] =	wrdreg s5  }
0xb0: {  	[dreg:$0x4] =	wrdreg $0xC0  }
0xb1: {  	_ =	task [dreg:s7], $0x5FFFF  }
0xb2: {  	[dreg:$0x1] =	wrdreg $0xFFFFFFFF  }
0xb3: {  	[dreg:$0x0] =	wrdreg $0x60  }
0xb4: {  	[dreg:$0x2] =	wrdreg s16  }
0xb5: {  	[dreg:$0x3] =	wrdreg s24  }
0xb6: {  	[dreg:$0x4] =	wrdreg $0x9E200  }
0xb7: {  	[dreg:$0x5] =	wrdreg $0x9  }
0xb8: {  	_ =	task.clear_ibuf [dreg:s7], $0x6FFFF;
	_ =	strace $0x9000004C  }
0xb9: {  	s29 =	simm.s32 $0x9;
	_ =	strace $0x8000004E  }
0xba: {  	_ =	swait.ge [sflag:s29], $0x1  }
0xbb: {  	[sflag:s29] =	ssyncadd.s32 $0xFFFFFFFF  }
0xbc: {  	_ =	strace $0x9000004E  }
0xbd: {  	_ =	sfence  }
0xbe: {  	s30 =	sld [smem:$0x0];
	_ =	sdelay $0x2  }
0xbf: {  	s31 =	sshll.u32 s1, $0xD;
	s1 =	sshrl.u32 s1, $0x2  }
0xc0: {  	s3 =	sand.u32 $0x4000, s31;
	s1 =	sadd.s32 s1, s30  }
0xc1: {  	s0 =	sor.u32 s3, s0;
	s1 =	sshll.u32 s1, $0x11  }
0xc2: {  	s0 =	sor.u32 s1, s0  }
0xc3: {  	s0 =	sadd.s32 $0x8F2B, s0  }
0xc4: {  	[sflag:s0] =	ssyncadd.remote.s32 $0x1  }
0xc5: {  	_ =	sfence.sel $0xFFFF  }
0xc6: {  	[dreg:$0x0] =	wrdreg $0xFFFFFFFF;
	(pc) =	sbr.abs _section_cstart, $3  }
0xc7: {  	[dreg:$0x1] =	wrdreg $0xFFFFFFFF  }
0xc8: {  	_ =	task.clear_ibuf [dreg:s7], $0x2FFFF;
	_ =	strace $0x9FFFFFFF  }
0xc9: {  	(tm) =	ssettm $0x7FFFFFFF  }
tec
execute0_lowered:
.L_overlay_start_1:
0x0: {  	(tag) =	ssettag $0x1  }
0x1: {  	s1 =	rddreg [dreg:$0x0]  }
0x2: {  	s0 =	srdreg.scid;
	s2 =	rddreg [dreg:$0x1]  }
0x3: {  	s8 =	stileid.u32;
	s3 =	rddreg [dreg:$0x2];
	s28 =	simm.s32 $0x4E20  }
0x4: {  	s29 =	simm.s32 $0x7620;
	s30 =	simm.s32 $0x1;
	s14 =	smul.u32 $0x280, s8  }
0x5: {  	s0 =	sand.u32 $0x1, s0;
	s4 =	sshll.u32 s8, $0x1;
	s8 =	smul.u32 $0x50000, s8  }
0x6: {  	s5 =	sor.u32 s0, s4;
	s6 =	ssub.s32 $0x2, s0;
	s0 =	smul.u32 $0x2800, s0  }
0x7: {  	s31 =	simm.s32 $0x2;
	s4 =	simm.s32 $0x0;
	s5 =	smul.u32 $0x4E2, s5  }
0x8: {  	[smem:$0x7FF] =	sst s4;
	s7 =	sshrl.u32 s6, $0x1;
	s21 =	sshrl.u32 s8, $0x2  }
0x9: {  	s15 =	sor.u32 $0x50, s14;
	s17 =	sadd.s32 $0xA0, s14;
	s18 =	sadd.s32 $0xF0, s14  }
0xa: {  	s19 =	sadd.s32 $0x140, s14;
	s20 =	sadd.s32 $0x190, s14;
	_ =	strace $0x8000004D  }
0xb: {  	s23 =	ssub.s32 s6, s7;
	s7 =	sadd.s32 s21, s3;
	s22 =	sshll.u32 s15, $0x7  }
0xc: {  	s24 =	sshll.u32 s17, $0x7;
	s10 =	sshll.u32 s18, $0x7;
	s11 =	sshll.u32 s19, $0x7  }
0xd: {  	s21 =	sadd.s32 $0x1E0, s14;
	s12 =	sshll.u32 s20, $0x7;
	s15 =	sadd.s32 s0, s15  }
0xe: {  	s17 =	sadd.s32 s0, s17;
	s18 =	sadd.s32 s0, s18;
	s19 =	sadd.s32 s0, s19  }
0xf: {  	s20 =	sadd.s32 s0, s20;
	s9 =	sadd.s32 s5, s2;
	s2 =	sadd.s32 $0x67600, s2  }
0x10: {  	s8 =	sadd.s32 s22, s3;
	s10 =	sadd.s32 s10, s3;
	s11 =	sadd.s32 s11, s3  }
0x11: {  	s13 =	sshll.u32 s21, $0x7;
	s12 =	sadd.s32 s12, s3;
	s22 =	sadd.s32 $0x230, s14  }
0x12: {  	s26 =	sshll.u32 s15, $0x4;
	s17 =	sshll.u32 s17, $0x4;
	s18 =	sshll.u32 s18, $0x4  }
0x13: {  	s19 =	sshll.u32 s19, $0x4;
	s20 =	sshll.u32 s20, $0x4;
	s21 =	sadd.s32 s0, s21  }
0x14: {  	s23 =	smax.u32 s23, $0x1;
	s5 =	sadd.s32 $0xF200, s9;
	s6 =	sadd.s32 $0x5400, s9  }
0x15: {  	s9 =	sadd.s32 s24, s3;
	s13 =	sadd.s32 s13, s3;
	s16 =	sshll.u32 s22, $0x7  }
0x16: {  	s24 =	sadd.s32 s14, s0;
	s17 =	sadd.s32 s2, s17;
	s18 =	sadd.s32 s2, s18  }
0x17: {  	s19 =	sadd.s32 s2, s19;
	s0 =	sadd.s32 s0, s22;
	s20 =	sadd.s32 s2, s20  }
0x18: {  	s21 =	sshll.u32 s21, $0x4;
	[dreg:$0x4] =	wrdreg s5;
	s14 =	sadd.s32 s16, s3  }
0x19: {  	s25 =	sshll.u32 s24, $0x4;
	s16 =	sadd.s32 s2, s26;
	s0 =	sshll.u32 s0, $0x4  }
0x1a: {  	s21 =	sadd.s32 s2, s21;
	s24 =	simm.s32 $0x3;
	s26 =	simm.s32 $0x50  }
0x1b: {  	v0 =	vimm.f32 $0.0e+00;
	s15 =	sadd.s32 s2, s25;
	s22 =	sadd.s32 s2, s0;
	s0 =	simm.s32 $0x0  }
.LBB2_1:
0x1c: {  	s2 =	rddreg [dreg:$0x4]  }
0x1d: {  	[tilespmem:s4], [sflag:$0x3] =	stream.linear.gather [hbm4b:s2+s4], $0x2710, $0x38;
	[tilespmem:$0x1DE20] =	vst v63  }
0x1e: {  	_ =	swait.ge [sflag:s24], $0x2710  }
0x1f: {  	[sflag:s24] =	ssyncset.done $0x0  }
0x20: {  	s25 =	simm.s32 $0x2710;
	[sflag:s24] =	ssyncadd.s32 $0xFFFFD8F0  }
0x21: {  	[tilespmem:s25], [sflag:$0x3] =	stream.linear.gather [hbm4b:s6+s4], $0x2710, $0x38;
	[tilespmem:$0x1DE20] =	vst v63  }
0x22: {  	_ =	swait.ge [sflag:s24], $0x2710  }
0x23: {  	[sflag:s24] =	ssyncset.done $0x0  }
0x24: {  	s2 =	simm.s32 $0x200;
	s25 =	simm.s32 $0x0;
	[sflag:s24] =	ssyncadd.s32 $0xFFFFD8F0  }
0x25: {  	[tilespmem:s28], [sflag:$0x1] =	stream.indirect.gather [hbm4b:s1+s26], $0x80, s4, s26, $0xb8;
	[tilespmem:$0x1DE20] =	vst v63  }
.LBB2_2:
0x26: {  	p0 =	sne.s32 s2, $0x9E00;
	[tilespmem:s25+$0x7690] =	vst v0  }
0x27: {  	[tilespmem:s25+$0x7620] =	vst v0  }
0x28: {  	[tilespmem:s25+$0x7630] =	vst v0  }
.Ltmp0:
0x29: {  	[tilespmem:s25+$0x7640] =	vst v0;
	(pc) =	sbr.rel @p0 .LBB2_2-.Ltmp0, $4  }
0x2a: {  	[tilespmem:s25+$0x7650] =	vst v0  }
0x2b: {  	[tilespmem:s25+$0x7660] =	vst v0  }
0x2c: {  	[tilespmem:s25+$0x7670] =	vst v0  }
0x2d: {  	[tilespmem:s25+$0x7680] =	vst v0;
	s25 =	sshra.s32 s2, $0x2;
	s2 =	sadd.s32 $0x200, s2  }
0x2e: {  	[tilespmem:s25+$0x7690] =	vst v0  }
0x2f: {  	[tilespmem:s25+$0x7620] =	vst v0  }
0x30: {  	[tilespmem:s25+$0x7630] =	vst v0  }
0x31: {  	[tilespmem:s25+$0x7640] =	vst v0  }
0x32: {  	[tilespmem:s25+$0x7650] =	vst v0  }
0x33: {  	[tilespmem:s25+$0x7660] =	vst v0  }
0x34: {  	[tilespmem:s25+$0x7670] =	vst v0  }
0x35: {  	[tilespmem:s25+$0x7680] =	vst v0  }
0x36: {  	[spmem:s7] =	stream.linear.scatter [tilespmem:s29], [sflag:$0x3], $0x2800, $0x38;
	[tilespmem:$0x1DE20] =	vst v63  }
0x37: {  	_ =	swait.ge [sflag:s24], $0x2800  }
0x38: {  	[sflag:s24] =	ssyncset.done $0x0  }
0x39: {  	[sflag:s24] =	ssyncadd.s32 $0xFFFFD800  }
0x3a: {  	[spmem:s8] =	stream.linear.scatter [tilespmem:s29], [sflag:$0x3], $0x2800, $0x38;
	[tilespmem:$0x1DE20] =	vst v63  }
0x3b: {  	_ =	swait.ge [sflag:s24], $0x2800  }
0x3c: {  	[sflag:s24] =	ssyncset.done $0x0  }
0x3d: {  	[sflag:s24] =	ssyncadd.s32 $0xFFFFD800  }
0x3e: {  	[spmem:s9] =	stream.linear.scatter [tilespmem:s29], [sflag:$0x3], $0x2800, $0x38;
	[tilespmem:$0x1DE20] =	vst v63  }
0x3f: {  	_ =	swait.ge [sflag:s24], $0x2800  }
0x40: {  	[sflag:s24] =	ssyncset.done $0x0  }
0x41: {  	[sflag:s24] =	ssyncadd.s32 $0xFFFFD800  }
0x42: {  	[spmem:s10] =	stream.linear.scatter [tilespmem:s29], [sflag:$0x3], $0x2800, $0x38;
	[tilespmem:$0x1DE20] =	vst v63  }
0x43: {  	_ =	swait.ge [sflag:s24], $0x2800  }
0x44: {  	[sflag:s24] =	ssyncset.done $0x0  }
0x45: {  	[sflag:s24] =	ssyncadd.s32 $0xFFFFD800  }
0x46: {  	[spmem:s11] =	stream.linear.scatter [tilespmem:s29], [sflag:$0x3], $0x2800, $0x38;
	[tilespmem:$0x1DE20] =	vst v63  }
0x47: {  	_ =	swait.ge [sflag:s24], $0x2800  }
0x48: {  	[sflag:s24] =	ssyncset.done $0x0  }
0x49: {  	[sflag:s24] =	ssyncadd.s32 $0xFFFFD800  }
0x4a: {  	[spmem:s12] =	stream.linear.scatter [tilespmem:s29], [sflag:$0x3], $0x2800, $0x38;
	[tilespmem:$0x1DE20] =	vst v63  }
0x4b: {  	_ =	swait.ge [sflag:s24], $0x2800  }
0x4c: {  	[sflag:s24] =	ssyncset.done $0x0  }
0x4d: {  	[sflag:s24] =	ssyncadd.s32 $0xFFFFD800  }
0x4e: {  	[spmem:s13] =	stream.linear.scatter [tilespmem:s29], [sflag:$0x3], $0x2800, $0x38;
	[tilespmem:$0x1DE20] =	vst v63  }
0x4f: {  	_ =	swait.ge [sflag:s24], $0x2800  }
0x50: {  	[sflag:s24] =	ssyncset.done $0x0  }
0x51: {  	[sflag:s24] =	ssyncadd.s32 $0xFFFFD800  }
0x52: {  	[spmem:s14] =	stream.linear.scatter [tilespmem:s29], [sflag:$0x3], $0x2800, $0x38;
	[tilespmem:$0x1DE20] =	vst v63  }
0x53: {  	_ =	swait.ge [sflag:s24], $0x2800  }
0x54: {  	[sflag:s24] =	ssyncset.done $0x0  }
0x55: {  	[sflag:s24] =	ssyncadd.s32 $0xFFFFD800  }
0x56: {  	[bflag:$0x0] =	sbarrier.arrive $0xFFFF  }
0x57: {  	_ =	swait.ge [sflag:s30], $0x2800  }
0x58: {  	[sflag:s30] =	ssyncset.done $0x0  }
0x59: {  	s2 =	simm.s32 $0x50;
	[sflag:s30] =	ssyncadd.s32 $0xFFFFD800  }
0x5a: {  	[tilespmem:s29], [sflag:$0x2] =	stream.indirect.gather [hbm4b:s1+s26], $0x80, s2, s26, $0xb8;
	[tilespmem:$0x1DE20] =	vst v63  }
0x5b: {  	s25 =	simm.s32 $0x2710  }
0x5c: {  	[spmem:s3] =	stream.indirect.scatter.add.f32 [tilespmem:s28], [sflag:$0x3], $0x80, s25, s26, $0xb8;
	[tilespmem:$0x1DE20] =	vst v63  }
0x5d: {  	_ =	swait.ge [sflag:s24], $0x2800  }
0x5e: {  	[sflag:s24] =	ssyncset.done $0x0  }
0x5f: {  	s5 =	simm.s32 $0xA0;
	[sflag:s24] =	ssyncadd.s32 $0xFFFFD800  }
0x60: {  	[tilespmem:s28], [sflag:$0x1] =	stream.indirect.gather [hbm4b:s1+s26], $0x80, s5, s26, $0xb8;
	[tilespmem:$0x1DE20] =	vst v63  }
0x61: {  	_ =	swait.ge [sflag:s31], $0x2800  }
0x62: {  	[sflag:s31] =	ssyncset.done $0x0  }
0x63: {  	s25 =	simm.s32 $0x2760;
	[sflag:s31] =	ssyncadd.s32 $0xFFFFD800  }
0x64: {  	[spmem:s3] =	stream.indirect.scatter.add.f32 [tilespmem:s29], [sflag:$0x3], $0x80, s25, s26, $0xb8;
	[tilespmem:$0x1DE20] =	vst v63  }
0x65: {  	_ =	swait.ge [sflag:s24], $0x2800  }
0x66: {  	s25 =	simm.s32 $0x280;
	[sflag:s24] =	ssyncset.done $0x0  }
.LBB2_4:
0x67: {  	p0 =	sne.s32 s25, $0x9880  }
0x68: {  	[sflag:s24] =	ssyncadd.s32 $0xFFFFD800;
	s2 =	smov.u32 s25;
	s25 =	sadd.s32 $0x280, s25  }
0x69: {  	_ =	swait.ge [sflag:s30], $0x2800  }
0x6a: {  	s2 =	sshra.s32 s2, $0x2;
	[sflag:s30] =	ssyncset.done $0x0  }
0x6b: {  	s5 =	sadd.s32 $0x50, s2;
	[sflag:s30] =	ssyncadd.s32 $0xFFFFD800  }
0x6c: {  	[tilespmem:s29], [sflag:$0x2] =	stream.indirect.gather [hbm4b:s1+s26], $0x80, s5, s26, $0xb8;
	[tilespmem:$0x1DE20] =	vst v63  }
0x6d: {  	s5 =	sadd.s32 $0x2710, s2  }
0x6e: {  	[spmem:s3] =	stream.indirect.scatter.add.f32 [tilespmem:s28], [sflag:$0x3], $0x80, s5, s26, $0xb8;
	[tilespmem:$0x1DE20] =	vst v63  }
0x6f: {  	_ =	swait.ge [sflag:s24], $0x2800  }
0x70: {  	[sflag:s24] =	ssyncset.done $0x0  }
0x71: {  	s5 =	sadd.s32 $0xA0, s2;
	[sflag:s24] =	ssyncadd.s32 $0xFFFFD800  }
0x72: {  	[tilespmem:s28], [sflag:$0x1] =	stream.indirect.gather [hbm4b:s1+s26], $0x80, s5, s26, $0xb8;
	[tilespmem:$0x1DE20] =	vst v63  }
0x73: {  	_ =	swait.ge [sflag:s31], $0x2800  }
.Ltmp1:
0x74: {  	[sflag:s31] =	ssyncset.done $0x0;
	(pc) =	sbr.rel @p0 .LBB2_4-.Ltmp1, $4  }
0x75: {  	s2 =	sadd.s32 $0x2760, s2;
	[sflag:s31] =	ssyncadd.s32 $0xFFFFD800  }
0x76: {  	[spmem:s3] =	stream.indirect.scatter.add.f32 [tilespmem:s29], [sflag:$0x3], $0x80, s2, s26, $0xb8;
	[tilespmem:$0x1DE20] =	vst v63  }
0x77: {  	_ =	swait.ge [sflag:s24], $0x2800  }
0x78: {  	[sflag:s24] =	ssyncset.done $0x0  }
0x79: {  	[sflag:s24] =	ssyncadd.s32 $0xFFFFD800  }
0x7a: {  	_ =	swait.ge [sflag:s30], $0x2800  }
0x7b: {  	[sflag:s30] =	ssyncset.done $0x0  }
0x7c: {  	s2 =	simm.s32 $0x4DD0;
	[sflag:s30] =	ssyncadd.s32 $0xFFFFD800  }
0x7d: {  	[spmem:s3] =	stream.indirect.scatter.add.f32 [tilespmem:s28], [sflag:$0x3], $0x80, s2, s26, $0xb8;
	[tilespmem:$0x1DE20] =	vst v63  }
0x7e: {  	_ =	swait.ge [sflag:s24], $0x2800  }
0x7f: {  	[sflag:s24] =	ssyncset.done $0x0  }
0x80: {  	[sflag:s24] =	ssyncadd.s32 $0xFFFFD800  }
0x81: {  	[bflag:$0x0] =	sbarrier.arrive $0xFFFF  }
0x82: {  	[tilespmem:s28], [sflag:$0x3] =	stream.linear.gather [spmem:s7], $0x2800, $0x38;
	[tilespmem:$0x1DE20] =	vst v63  }
0x83: {  	_ =	swait.ge [sflag:s24], $0x2800  }
0x84: {  	[sflag:s24] =	ssyncset.done $0x0  }
0x85: {  	[sflag:s24] =	ssyncadd.s32 $0xFFFFD800  }
0x86: {  	[hbm4b:s15+s4] =	stream.linear.scatter [tilespmem:s28], [sflag:$0x3], $0x2800, $0x38;
	[tilespmem:$0x1DE20] =	vst v63  }
0x87: {  	_ =	swait.ge [sflag:s24], $0x2800  }
0x88: {  	[sflag:s24] =	ssyncset.done $0x0  }
0x89: {  	[sflag:s24] =	ssyncadd.s32 $0xFFFFD800  }
0x8a: {  	[tilespmem:s28], [sflag:$0x3] =	stream.linear.gather [spmem:s8], $0x2800, $0x38;
	[tilespmem:$0x1DE20] =	vst v63  }
0x8b: {  	_ =	swait.ge [sflag:s24], $0x2800  }
0x8c: {  	[sflag:s24] =	ssyncset.done $0x0  }
0x8d: {  	[sflag:s24] =	ssyncadd.s32 $0xFFFFD800  }
0x8e: {  	[hbm4b:s16+s4] =	stream.linear.scatter [tilespmem:s28], [sflag:$0x3], $0x2800, $0x38;
	[tilespmem:$0x1DE20] =	vst v63  }
0x8f: {  	_ =	swait.ge [sflag:s24], $0x2800  }
0x90: {  	[sflag:s24] =	ssyncset.done $0x0  }
0x91: {  	[sflag:s24] =	ssyncadd.s32 $0xFFFFD800  }
0x92: {  	[tilespmem:s28], [sflag:$0x3] =	stream.linear.gather [spmem:s9], $0x2800, $0x38;
	[tilespmem:$0x1DE20] =	vst v63  }
0x93: {  	_ =	swait.ge [sflag:s24], $0x2800  }
0x94: {  	[sflag:s24] =	ssyncset.done $0x0  }
0x95: {  	[sflag:s24] =	ssyncadd.s32 $0xFFFFD800  }
0x96: {  	[hbm4b:s17+s4] =	stream.linear.scatter [tilespmem:s28], [sflag:$0x3], $0x2800, $0x38;
	[tilespmem:$0x1DE20] =	vst v63  }
0x97: {  	_ =	swait.ge [sflag:s24], $0x2800  }
0x98: {  	[sflag:s24] =	ssyncset.done $0x0  }
0x99: {  	[sflag:s24] =	ssyncadd.s32 $0xFFFFD800  }
0x9a: {  	[tilespmem:s28], [sflag:$0x3] =	stream.linear.gather [spmem:s10], $0x2800, $0x38;
	[tilespmem:$0x1DE20] =	vst v63  }
0x9b: {  	_ =	swait.ge [sflag:s24], $0x2800  }
0x9c: {  	[sflag:s24] =	ssyncset.done $0x0  }
0x9d: {  	[sflag:s24] =	ssyncadd.s32 $0xFFFFD800  }
0x9e: {  	[hbm4b:s18+s4] =	stream.linear.scatter [tilespmem:s28], [sflag:$0x3], $0x2800, $0x38;
	[tilespmem:$0x1DE20] =	vst v63  }
0x9f: {  	_ =	swait.ge [sflag:s24], $0x2800  }
0xa0: {  	[sflag:s24] =	ssyncset.done $0x0  }
0xa1: {  	[sflag:s24] =	ssyncadd.s32 $0xFFFFD800  }
0xa2: {  	[tilespmem:s28], [sflag:$0x3] =	stream.linear.gather [spmem:s11], $0x2800, $0x38;
	[tilespmem:$0x1DE20] =	vst v63  }
0xa3: {  	_ =	swait.ge [sflag:s24], $0x2800  }
0xa4: {  	[sflag:s24] =	ssyncset.done $0x0  }
0xa5: {  	[sflag:s24] =	ssyncadd.s32 $0xFFFFD800  }
0xa6: {  	[hbm4b:s19+s4] =	stream.linear.scatter [tilespmem:s28], [sflag:$0x3], $0x2800, $0x38;
	[tilespmem:$0x1DE20] =	vst v63  }
0xa7: {  	_ =	swait.ge [sflag:s24], $0x2800  }
0xa8: {  	[sflag:s24] =	ssyncset.done $0x0  }
0xa9: {  	[sflag:s24] =	ssyncadd.s32 $0xFFFFD800  }
0xaa: {  	[tilespmem:s28], [sflag:$0x3] =	stream.linear.gather [spmem:s12], $0x2800, $0x38;
	[tilespmem:$0x1DE20] =	vst v63  }
0xab: {  	_ =	swait.ge [sflag:s24], $0x2800  }
0xac: {  	[sflag:s24] =	ssyncset.done $0x0  }
0xad: {  	[sflag:s24] =	ssyncadd.s32 $0xFFFFD800  }
0xae: {  	[hbm4b:s20+s4] =	stream.linear.scatter [tilespmem:s28], [sflag:$0x3], $0x2800, $0x38;
	[tilespmem:$0x1DE20] =	vst v63  }
0xaf: {  	_ =	swait.ge [sflag:s24], $0x2800  }
0xb0: {  	[sflag:s24] =	ssyncset.done $0x0  }
0xb1: {  	[sflag:s24] =	ssyncadd.s32 $0xFFFFD800  }
0xb2: {  	[tilespmem:s28], [sflag:$0x3] =	stream.linear.gather [spmem:s13], $0x2800, $0x38;
	[tilespmem:$0x1DE20] =	vst v63  }
0xb3: {  	_ =	swait.ge [sflag:s24], $0x2800  }
0xb4: {  	[sflag:s24] =	ssyncset.done $0x0  }
0xb5: {  	[sflag:s24] =	ssyncadd.s32 $0xFFFFD800  }
0xb6: {  	[hbm4b:s21+s4] =	stream.linear.scatter [tilespmem:s28], [sflag:$0x3], $0x2800, $0x38;
	[tilespmem:$0x1DE20] =	vst v63  }
0xb7: {  	_ =	swait.ge [sflag:s24], $0x2800  }
0xb8: {  	[sflag:s24] =	ssyncset.done $0x0  }
0xb9: {  	[sflag:s24] =	ssyncadd.s32 $0xFFFFD800  }
0xba: {  	[tilespmem:s28], [sflag:$0x3] =	stream.linear.gather [spmem:s14], $0x2800, $0x38;
	[tilespmem:$0x1DE20] =	vst v63  }
0xbb: {  	s0 =	sadd.s32 $0x1, s0;
	_ =	swait.ge [sflag:s24], $0x2800  }
0xbc: {  	p0 =	sne.s32 s0, s23;
	[sflag:s24] =	ssyncset.done $0x0  }
.Ltmp2:
0xbd: {  	[sflag:s24] =	ssyncadd.s32 $0xFFFFD800;
	(pc) =	sbr.rel @p0 .LBB2_1-.Ltmp2, $4  }
0xbe: {  	[hbm4b:s22+s4] =	stream.linear.scatter [tilespmem:s28], [sflag:$0x3], $0x2800, $0x38;
	[tilespmem:$0x1DE20] =	vst v63  }
0xbf: {  	_ =	swait.ge [sflag:s24], $0x2800  }
0xc0: {  	[sflag:s24] =	ssyncset.done $0x0  }
0xc1: {  	[sflag:s24] =	ssyncadd.s32 $0xFFFFD800  }
0xc2: {  	_ =	sfence.sel $0x180000  }
0xc3: {  	[bflag:$0x0] =	sbarrier.arrive $0xFFFF  }
0xc4: {  	_ =	strace $0x9000004D  }
0xc5: {  	s0 =	stileid.u32;
	[bflag:$0x2] =	sbarrier.arrive $0xFFFF  }
0xc6: {  	p0 =	sne.s32 s0, $0x0;
	s0 =	rddreg [dreg:$0x3]  }
0xc7: {  	s0 =	sadd.s32 @!p0 $0x100000, s0  }
0xc8: {  	[sflag:s0] =	ssyncadd.tile.s32 @!p0 $0x1;
	_ =	shalt  }
.Lfunc_end2:
_tile_overlayer_lowered:
.L_overlay_start_2:
0xc9: {  	(tag) =	ssettag $0x2  }
0xca: {  	s0 =	rddreg [dreg:$0x0];
	s2 =	stileid.u32  }
0xcb: {  	s1 =	rddreg [dreg:$0x1];
	p0 =	sne.s32 s2, $0x0  }
0xcc: {  	s3 =	rddreg [dreg:$0x2];
	[bflag:$0x3] =	sbarrier.arrive $0xFFFF;
	s2 =	simm.s32 @!p0 $0x1C03  }
0xcd: {  	[timem:s3], [sflag:s2] =	dma.local @!p0 [hbm:s0], s1  }
0xce: {  	s0 =	simm.s32 @!p0 $0x3  }
0xcf: {  	_ =	swait.ge @!p0 [sflag:s0], s1  }
0xd0: {  	s1 =	ssub.s32 @!p0 $0x0, s1;
	[sflag:s0] =	ssyncset.done @!p0 $0x0  }
0xd1: {  	[sflag:s0] =	ssyncadd.s32 @!p0 s1  }
0xd2: {  	[bflag:$0x3] =	sbarrier.arrive $0xFFFF  }
0xd3: {  	_ =	shalt  }

// kernel: kernel.21.cloned.1.call-start
scs
__scs_entry_jumppad:
0x0: {  	(pc) =	sbr.rel $0x88, $3  }
0x1: {  	(tag) =	ssettag $0x0;
	lr =	simm.s32 $0x1  }
0x2: {  	[smem:$0x3F91] =	sst lr;
	_ =	strace $0xD0000000  }
0x3: {  	_ = 	snop  }
0x4: {  	_ = 	snop  }
0x5: {  	_ = 	snop  }
0x6: {  	_ = 	snop  }
0x7: {  	_ = 	snop  }
__scs_overlays_trampoline_lowered:
0x8: {  	[smem:$0x3FA0] =	sst s0  }
0x9: {  	[smem:$0x3FA1] =	sst s1  }
0xa: {  	[smem:$0x3FA2] =	sst s2  }
0xb: {  	[smem:$0x3FA3] =	sst s3  }
0xc: {  	[smem:$0x3FA4] =	sst s4  }
0xd: {  	[smem:$0x3FA5] =	sst s5  }
0xe: {  	[smem:$0x3FA6] =	sst s6  }
0xf: {  	[smem:$0x3FA7] =	sst s7  }
0x10: {  	[smem:$0x3FA8] =	sst s8  }
0x11: {  	[smem:$0x3FA9] =	sst s9;
	s0 =	simm.s32 @!p0 $0x0  }
0x12: {  	s1 =	sld [smem:$0x3F8F];
	s0 =	simm.s32 @p0 $0x1  }
0x13: {  	[smem:$0x3FAA] =	sst s0;
	s0 =	simm.s32 @!p1 $0x0  }
0x14: {  	s2 =	sld [smem:$0x3F8E];
	s0 =	simm.s32 @p1 $0x1  }
0x15: {  	[smem:$0x3FAB] =	sst s0;
	s0 =	simm.s32 @!p2 $0x0  }
0x16: {  	s3 =	sld [smem:$0x3FDB];
	s0 =	simm.s32 @p2 $0x1  }
0x17: {  	s4 =	simm.s32 $0x1BF5;
	[smem:$0x3FAD] =	sst s0  }
0x18: {  	s0 =	sld [smem:$0x3F90];
	_ =	swait.ge [sflag:s4], $0x0  }
0x19: {  	s7 =	sld [smem:$0x3F91]  }
0x1a: {  	s8 =	sadd.s32 $0xFFFFE003, lr  }
0x1b: {  	s9 =	sadd.s32 $0xFFFFFEF7, lr;
	s5 =	simm.s32 $0xFFFFFFFF;
	p2 =	slt.u32 s8, $0xFFFFF086  }
0x1c: {  	p1 =	slt.u32 s9, $0xF7A;
	s5 =	simm.s32 @!p2 $0x0  }
0x1d: {  	s5 =	simm.s32 @p1 $0x1;
	p0 =	seq.s32 s7, s2  }
0x1e: {  	s7 =	smul.u32 @!p0 $0xF7A, s2;
	p2 =	seq.s32 @!p0 s5, $0x0  }
0x1f: {  	s9 =	smul.u32 $0xF7A, s1;
	s8 =	simm.s32 @!p0 $0x1BF5;
	p2 =	por !p2, p0  }
0x20: {  	[sflag:s8] =	ssyncset.s32 @!p0 $0xFFFFF086;
	s6 =	sadd.s32 @!p0 s3, s7;
	s7 =	simm.s32 @!p0 $0x108  }
0x21: {  	s3 =	sadd.s32 s3, s9;
	s6 =	sadd.s32 @!p0 $0x88, s6;
	s7 =	simm.s32 @p2 $0x1082  }
0x22: {  	[simem:s7], [sflag:s8] =	dma.local @!p0 [hbm:s6], $0xF7A  }
0x23: {  	s9 =	sor.u32 $0xD0000000, s2;
	s6 =	simm.s32 $0x108;
	_ =	swait.ge @!p0 [sflag:s8], $0x0  }
0x24: {  	s3 =	sadd.s32 $0x88, s3;
	s6 =	simm.s32 @!p1 $0x1082;
	[sflag:s4] =	ssyncset.s32 $0xFFFFF086  }
0x25: {  	[simem:s6], [sflag:s4] =	dma.local [hbm:s3], $0xF7A  }
0x26: {  	[smem:$0x3F91] =	sst s1;
	(tag) =	ssettag s2;
	_ =	strace s9  }
0x27: {  	s1 =	sld [smem:$0x3FA1]  }
0x28: {  	s2 =	sld [smem:$0x3FA2]  }
0x29: {  	s4 =	sld [smem:$0x3FA4]  }
0x2a: {  	p0 =	seq.s32 s5, $0x0;
	s5 =	sld [smem:$0x3FA5]  }
0x2b: {  	s6 =	sld [smem:$0x3FA6]  }
0x2c: {  	s7 =	sld [smem:$0x3FA7]  }
0x2d: {  	s3 =	simm.s32 $0x108;
	s8 =	sld [smem:$0x3FA8]  }
0x2e: {  	s3 =	simm.s32 @!p0 $0x1082;
	s9 =	sld [smem:$0x3FA9]  }
0x2f: {  	lr =	sadd.s32 s0, s3;
	s0 =	sld [smem:$0x3FA0]  }
0x30: {  	s3 =	sld [smem:$0x3FA3]  }
0x31: {  	[smem:$0x3FAC] =	sst s10  }
0x32: {  	s10 =	sld [smem:$0x3FAA];
	_ =	sdelay $0x3  }
0x33: {  	p0 =	seq.s32 s10, $0x1;
	s10 =	sld [smem:$0x3FAC];
	_ =	sdelay $0x3  }
0x34: {  	[smem:$0x3FAC] =	sst s10  }
0x35: {  	s10 =	sld [smem:$0x3FAB];
	_ =	sdelay $0x3  }
0x36: {  	p1 =	seq.s32 s10, $0x1;
	s10 =	sld [smem:$0x3FAC];
	_ =	sdelay $0x3  }
0x37: {  	[smem:$0x3FAC] =	sst s10  }
0x38: {  	s10 =	sld [smem:$0x3FAD]  }
0x39: {  	_ = 	snop;
	(pc) =	sbr.ind lr, $3  }
0x3a: {  	_ = 	snop  }
0x3b: {  	_ = 	snop  }
0x3c: {  	p2 =	seq.s32 s10, $0x1;
	s10 =	sld [smem:$0x3FAC]  }
0x3d: {  	_ =	shalt  }
0x3e: {  	_ =	shalt  }
0x3f: {  	_ =	shalt  }
0x40: {  	_ =	shalt  }
0x41: {  	_ =	shalt  }
0x42: {  	_ =	shalt  }
0x43: {  	_ =	shalt  }
0x44: {  	_ =	shalt  }
0x45: {  	_ =	shalt  }
0x46: {  	_ =	shalt  }
0x47: {  	_ =	shalt  }
0x48: {  	_ =	shalt  }
0x49: {  	_ =	shalt  }
0x4a: {  	_ =	shalt  }
0x4b: {  	_ =	shalt  }
0x4c: {  	_ =	shalt  }
0x4d: {  	_ =	shalt  }
0x4e: {  	_ =	shalt  }
0x4f: {  	_ =	shalt  }
0x50: {  	_ =	shalt  }
0x51: {  	_ =	shalt  }
0x52: {  	_ =	shalt  }
0x53: {  	_ =	shalt  }
0x54: {  	_ =	shalt  }
0x55: {  	_ =	shalt  }
0x56: {  	_ =	shalt  }
0x57: {  	_ =	shalt  }
0x58: {  	_ =	shalt  }
0x59: {  	_ =	shalt  }
0x5a: {  	_ =	shalt  }
0x5b: {  	_ =	shalt  }
0x5c: {  	_ =	shalt  }
0x5d: {  	_ =	shalt  }
0x5e: {  	_ =	shalt  }
0x5f: {  	_ =	shalt  }
0x60: {  	_ =	shalt  }
0x61: {  	_ =	shalt  }
0x62: {  	_ =	shalt  }
0x63: {  	_ =	shalt  }
0x64: {  	_ =	shalt  }
0x65: {  	_ =	shalt  }
0x66: {  	_ =	shalt  }
0x67: {  	_ =	shalt  }
0x68: {  	_ =	shalt  }
0x69: {  	_ =	shalt  }
0x6a: {  	_ =	shalt  }
0x6b: {  	_ =	shalt  }
0x6c: {  	_ =	shalt  }
0x6d: {  	_ =	shalt  }
0x6e: {  	_ =	shalt  }
0x6f: {  	_ =	shalt  }
0x70: {  	_ =	shalt  }
0x71: {  	_ =	shalt  }
0x72: {  	_ =	shalt  }
0x73: {  	_ =	shalt  }
0x74: {  	_ =	shalt  }
0x75: {  	_ =	shalt  }
0x76: {  	_ =	shalt  }
0x77: {  	_ =	shalt  }
0x78: {  	_ =	shalt  }
0x79: {  	_ =	shalt  }
0x7a: {  	_ =	shalt  }
0x7b: {  	_ =	shalt  }
0x7c: {  	_ =	shalt  }
0x7d: {  	_ =	shalt  }
0x7e: {  	_ =	shalt  }
0x7f: {  	_ =	shalt  }
0x80: {  	_ =	shalt  }
0x81: {  	_ =	shalt  }
0x82: {  	_ =	shalt  }
0x83: {  	_ =	shalt  }
0x84: {  	_ =	shalt  }
0x85: {  	_ =	shalt  }
0x86: {  	_ =	shalt  }
0x87: {  	_ =	shalt  }
.Lfunc_end0:
.L_simem_size_0:
called_computation.3_lowered:
.L_overlay_start_0:
0x88: {  	s2 =	sld [smem:$0x3FD9]  }
0x89: {  	s3 =	sld [smem:$0x3FFE];
	_ =	sdelay $0x1  }
0x8a: {  	s1 =	srdreg.scid  }
0x8b: {  	s0 =	sand.u32 $0x1, s1  }
0x8c: {  	s14 =	sshll.u32 s0, $0xA;
	s2 =	sadd.s32 s3, s2  }
0x8d: {  	s2 =	sadd.s32 s2, s14  }
0x8e: {  	[smem:$0x3FB8] =	sst s2  }
0x8f: {  	_ = 	snop  }
0x90: {  	s2 =	sld [smem:$0x3FD0];
	_ =	sdelay $0x2  }
0x91: {  	s15 =	simm.s32 $0xA;
	s4 =	simm.s32 $0x10  }
0x92: {  	[smem:s4], [sflag:s15] =	dma.local [hbm:s2], $0x1  }
0x93: {  	_ =	swait.eq [sflag:s15], $0x1  }
0x94: {  	[sflag:s15] =	ssyncset.done $0x0  }
0x95: {  	[sflag:s15] =	ssyncadd.s32 $0xFFFFFFFF  }
0x96: {  	s16 =	sld [smem:$0x10];
	(tm) =	ssettm $0x1  }
0x97: {  	s17 =	sld [smem:$0x3FFB];
	_ =	sdelay $0x3  }
0x98: {  	_ =	strace s17  }
0x99: {  	s3 =	sld [smem:$0x3FFC];
	_ =	sdelay $0x3  }
0x9a: {  	_ =	strace s3  }
0x9b: {  	s3 =	sld [smem:$0x3FFD];
	_ =	sdelay $0x3  }
0x9c: {  	_ =	strace s3  }
0x9d: {  	_ =	strace $0x8FFFFFFF  }
0x9e: {  	s18 =	sld [smem:$0x3FDB];
	_ =	sdelay $0x1  }
0x9f: {  	s19 =	simm.s32 $_scs_section_size  }
0xa0: {  	s5 =	simm.s32 $_size__tile_overlayer_lowered;
	s6 =	simm.s32 $_tile_overlayer_lowered  }
0xa1: {  	s22 =	simm.s32 $0x1BFF;
	s21 =	sshll.u32 s6, $0x1;
	s3 =	sadd.s32 s19, s18  }
0xa2: {  	s7 =	simm.s32 $0x0;
	s20 =	sshll.u32 s5, $0x1;
	s5 =	sadd.s32 s21, s3  }
0xa3: {  	[timem:s7], [sflag:s22] =	dma.local [hbm:s5], s20  }
0xa4: {  	_ =	swait.ge [sflag:s22], s20  }
0xa5: {  	s4 =	ssub.s32 $0x0, s20;
	[sflag:s22] =	ssyncset.done $0x0  }
0xa6: {  	[sflag:s22] =	ssyncadd.s32 s4;
	_ =	sdelay $0x1  }
0xa7: {  	s23 =	simm.s32 $0x1B8B  }
0xa8: {  	_ =	swait.ge [sflag:s23], $0x1  }
0xa9: {  	[sflag:s23] =	ssyncset.done $0x0  }
0xaa: {  	s25 =	simm.s32 $0x1B8E;
	s24 =	sld [smem:$0x3FFE];
	[sflag:s23] =	ssyncadd.s32 $0xFFFFFFFF  }
0xab: {  	s26 =	simm.s32 $execute0_lowered;
	[smem:$0x3FD2] =	sst s25  }
0xac: {  	s5 =	sshll.u32 s26, $0x1;
	_ =	strace $0x8000004F;
	[dreg:$0x1] =	wrdreg $0xFFFFFFFF  }
0xad: {  	s28 =	simm.s32 $_size_execute0_lowered;
	s3 =	sadd.s32 s3, s5;
	[dreg:$0x0] =	wrdreg $0x0  }
0xae: {  	s5 =	sshll.u32 s28, $0x1;
	[dreg:$0x2] =	wrdreg s3  }
0xaf: {  	[dreg:$0x3] =	wrdreg s5  }
0xb0: {  	[dreg:$0x4] =	wrdreg $0xC0  }
0xb1: {  	_ =	task [dreg:s7], $0x5FFFF  }
0xb2: {  	[dreg:$0x1] =	wrdreg $0xFFFFFFFF  }
0xb3: {  	[dreg:$0x0] =	wrdreg $0x60  }
0xb4: {  	[dreg:$0x2] =	wrdreg s16  }
0xb5: {  	[dreg:$0x3] =	wrdreg s24  }
0xb6: {  	[dreg:$0x4] =	wrdreg $0x58200  }
0xb7: {  	[dreg:$0x5] =	wrdreg $0x9  }
0xb8: {  	_ =	task.clear_ibuf [dreg:s7], $0x6FFFF;
	_ =	strace $0x9000004F  }
0xb9: {  	s29 =	simm.s32 $0x9;
	_ =	strace $0x80000051  }
0xba: {  	_ =	swait.ge [sflag:s29], $0x1  }
0xbb: {  	[sflag:s29] =	ssyncadd.s32 $0xFFFFFFFF  }
0xbc: {  	_ =	strace $0x90000051  }
0xbd: {  	_ =	sfence  }
0xbe: {  	s30 =	sld [smem:$0x0];
	_ =	sdelay $0x2  }
0xbf: {  	s31 =	sshll.u32 s1, $0xD;
	s1 =	sshrl.u32 s1, $0x2  }
0xc0: {  	s3 =	sand.u32 $0x4000, s31;
	s1 =	sadd.s32 s1, s30  }
0xc1: {  	s0 =	sor.u32 s3, s0;
	s1 =	sshll.u32 s1, $0x11  }
0xc2: {  	s0 =	sor.u32 s1, s0  }
0xc3: {  	s0 =	sadd.s32 $0x8F2B, s0  }
0xc4: {  	[sflag:s0] =	ssyncadd.remote.s32 $0x1  }
0xc5: {  	_ =	sfence.sel $0xFFFF  }
0xc6: {  	[dreg:$0x0] =	wrdreg $0xFFFFFFFF;
	(pc) =	sbr.abs _section_cstart, $3  }
0xc7: {  	[dreg:$0x1] =	wrdreg $0xFFFFFFFF  }
0xc8: {  	_ =	task.clear_ibuf [dreg:s7], $0x2FFFF;
	_ =	strace $0x9FFFFFFF  }
0xc9: {  	(tm) =	ssettm $0x7FFFFFFF  }
tec
execute0_lowered:
.L_overlay_start_1:
0x0: {  	(tag) =	ssettag $0x1  }
0x1: {  	s1 =	rddreg [dreg:$0x0]  }
0x2: {  	s0 =	srdreg.scid;
	s2 =	rddreg [dreg:$0x1]  }
0x3: {  	s8 =	stileid.u32;
	s3 =	rddreg [dreg:$0x2];
	s28 =	simm.s32 $0x4E20  }
0x4: {  	s29 =	simm.s32 $0x5320;
	s30 =	simm.s32 $0x1;
	s14 =	smul.u32 $0x280, s8  }
0x5: {  	s0 =	sand.u32 $0x1, s0;
	s4 =	sshll.u32 s8, $0x1;
	s8 =	smul.u32 $0xA000, s8  }
0x6: {  	s5 =	sor.u32 s0, s4;
	s6 =	ssub.s32 $0x2, s0;
	s0 =	smul.u32 $0x2800, s0  }
0x7: {  	s31 =	simm.s32 $0x2;
	s4 =	simm.s32 $0x0;
	s5 =	smul.u32 $0x4E2, s5  }
0x8: {  	[smem:$0x7FF] =	sst s4;
	s7 =	sshrl.u32 s6, $0x1;
	s21 =	sshrl.u32 s8, $0x2  }
0x9: {  	s15 =	sor.u32 $0x50, s14;
	s17 =	sadd.s32 $0xA0, s14;
	s18 =	sadd.s32 $0xF0, s14  }
0xa: {  	s19 =	sadd.s32 $0x140, s14;
	s20 =	sadd.s32 $0x190, s14;
	_ =	strace $0x80000050  }
0xb: {  	s23 =	ssub.s32 s6, s7;
	s7 =	sadd.s32 s21, s3;
	s22 =	sshll.u32 s15, $0x4  }
0xc: {  	s24 =	sshll.u32 s17, $0x4;
	s10 =	sshll.u32 s18, $0x4;
	s11 =	sshll.u32 s19, $0x4  }
0xd: {  	s21 =	sadd.s32 $0x1E0, s14;
	s12 =	sshll.u32 s20, $0x4;
	s15 =	sadd.s32 s0, s15  }
0xe: {  	s17 =	sadd.s32 s0, s17;
	s18 =	sadd.s32 s0, s18;
	s19 =	sadd.s32 s0, s19  }
0xf: {  	s20 =	sadd.s32 s0, s20;
	s9 =	sadd.s32 s5, s2;
	s2 =	sadd.s32 $0x67600, s2  }
0x10: {  	s8 =	sadd.s32 s22, s3;
	s10 =	sadd.s32 s10, s3;
	s11 =	sadd.s32 s11, s3  }
0x11: {  	s13 =	sshll.u32 s21, $0x4;
	s12 =	sadd.s32 s12, s3;
	s22 =	sadd.s32 $0x230, s14  }
0x12: {  	s26 =	sshll.u32 s15, $0x1;
	s17 =	sshll.u32 s17, $0x1;
	s18 =	sshll.u32 s18, $0x1  }
0x13: {  	s19 =	sshll.u32 s19, $0x1;
	s20 =	sshll.u32 s20, $0x1;
	s21 =	sadd.s32 s0, s21  }
0x14: {  	s23 =	smax.u32 s23, $0x1;
	s5 =	sadd.s32 $0xF200, s9;
	s6 =	sadd.s32 $0x5400, s9  }
0x15: {  	s9 =	sadd.s32 s24, s3;
	s13 =	sadd.s32 s13, s3;
	s16 =	sshll.u32 s22, $0x4  }
0x16: {  	s24 =	sadd.s32 s14, s0;
	s17 =	sadd.s32 s2, s17;
	s18 =	sadd.s32 s2, s18  }
0x17: {  	s19 =	sadd.s32 s2, s19;
	s0 =	sadd.s32 s0, s22;
	s20 =	sadd.s32 s2, s20  }
0x18: {  	s21 =	sshll.u32 s21, $0x1;
	[dreg:$0x4] =	wrdreg s5;
	s14 =	sadd.s32 s16, s3  }
0x19: {  	s25 =	sshll.u32 s24, $0x1;
	s16 =	sadd.s32 s2, s26;
	s0 =	sshll.u32 s0, $0x1  }
0x1a: {  	s21 =	sadd.s32 s2, s21;
	s24 =	simm.s32 $0x3;
	s26 =	simm.s32 $0x50  }
0x1b: {  	v0 =	vimm.f32 $0.0e+00;
	s15 =	sadd.s32 s2, s25;
	s22 =	sadd.s32 s2, s0;
	s0 =	simm.s32 $0x0  }
.LBB2_1:
0x1c: {  	s2 =	rddreg [dreg:$0x4]  }
0x1d: {  	[tilespmem:s4], [sflag:$0x3] =	stream.linear.gather [hbm4b:s2+s4], $0x2710, $0x38;
	[tilespmem:$0x8020] =	vst v63  }
0x1e: {  	_ =	swait.ge [sflag:s24], $0x2710  }
0x1f: {  	[sflag:s24] =	ssyncset.done $0x0  }
0x20: {  	s25 =	simm.s32 $0x2710;
	[sflag:s24] =	ssyncadd.s32 $0xFFFFD8F0  }
0x21: {  	[tilespmem:s25], [sflag:$0x3] =	stream.linear.gather [hbm4b:s6+s4], $0x2710, $0x38;
	[tilespmem:$0x8020] =	vst v63  }
0x22: {  	_ =	swait.ge [sflag:s24], $0x2710  }
0x23: {  	[sflag:s24] =	ssyncset.done $0x0  }
0x24: {  	s2 =	simm.s32 $0x0;
	s25 =	simm.s32 $0x40;
	[sflag:s24] =	ssyncadd.s32 $0xFFFFD8F0  }
0x25: {  	[tilespmem:s28], [sflag:$0x1] =	stream.indirect.gather [hbm4b:s1+s26], $0x10, s4, s26, $0xb8;
	[tilespmem:$0x8020] =	vst v63  }
.LBB2_2:
0x26: {  	p0 =	sne.s32 s25, $0x13C0;
	[tilespmem:s2+$0x5320] =	vst v0;
	s2 =	smov.u32 s25;
	s25 =	sadd.s32 $0x40, s25  }
.Ltmp0:
0x27: {  	(pc) =	sbr.rel @p0 .LBB2_2-.Ltmp0, $2  }
0x28: {  	_ =	sdelay $0x2  }
0x29: {  	s2 =	sshra.s32 s2, $0x2  }
0x2a: {  	[tilespmem:s2+$0x5320] =	vst v0  }
0x2b: {  	[spmem:s7] =	stream.linear.scatter [tilespmem:s29], [sflag:$0x3], $0x500, $0x38;
	[tilespmem:$0x8020] =	vst v63  }
0x2c: {  	_ =	swait.ge [sflag:s24], $0x500  }
0x2d: {  	[sflag:s24] =	ssyncset.done $0x0  }
0x2e: {  	[sflag:s24] =	ssyncadd.s32 $0xFFFFFB00  }
0x2f: {  	[spmem:s8] =	stream.linear.scatter [tilespmem:s29], [sflag:$0x3], $0x500, $0x38;
	[tilespmem:$0x8020] =	vst v63  }
0x30: {  	_ =	swait.ge [sflag:s24], $0x500  }
0x31: {  	[sflag:s24] =	ssyncset.done $0x0  }
0x32: {  	[sflag:s24] =	ssyncadd.s32 $0xFFFFFB00  }
0x33: {  	[spmem:s9] =	stream.linear.scatter [tilespmem:s29], [sflag:$0x3], $0x500, $0x38;
	[tilespmem:$0x8020] =	vst v63  }
0x34: {  	_ =	swait.ge [sflag:s24], $0x500  }
0x35: {  	[sflag:s24] =	ssyncset.done $0x0  }
0x36: {  	[sflag:s24] =	ssyncadd.s32 $0xFFFFFB00  }
0x37: {  	[spmem:s10] =	stream.linear.scatter [tilespmem:s29], [sflag:$0x3], $0x500, $0x38;
	[tilespmem:$0x8020] =	vst v63  }
0x38: {  	_ =	swait.ge [sflag:s24], $0x500  }
0x39: {  	[sflag:s24] =	ssyncset.done $0x0  }
0x3a: {  	[sflag:s24] =	ssyncadd.s32 $0xFFFFFB00  }
0x3b: {  	[spmem:s11] =	stream.linear.scatter [tilespmem:s29], [sflag:$0x3], $0x500, $0x38;
	[tilespmem:$0x8020] =	vst v63  }
0x3c: {  	_ =	swait.ge [sflag:s24], $0x500  }
0x3d: {  	[sflag:s24] =	ssyncset.done $0x0  }
0x3e: {  	[sflag:s24] =	ssyncadd.s32 $0xFFFFFB00  }
0x3f: {  	[spmem:s12] =	stream.linear.scatter [tilespmem:s29], [sflag:$0x3], $0x500, $0x38;
	[tilespmem:$0x8020] =	vst v63  }
0x40: {  	_ =	swait.ge [sflag:s24], $0x500  }
0x41: {  	[sflag:s24] =	ssyncset.done $0x0  }
0x42: {  	[sflag:s24] =	ssyncadd.s32 $0xFFFFFB00  }
0x43: {  	[spmem:s13] =	stream.linear.scatter [tilespmem:s29], [sflag:$0x3], $0x500, $0x38;
	[tilespmem:$0x8020] =	vst v63  }
0x44: {  	_ =	swait.ge [sflag:s24], $0x500  }
0x45: {  	[sflag:s24] =	ssyncset.done $0x0  }
0x46: {  	[sflag:s24] =	ssyncadd.s32 $0xFFFFFB00  }
0x47: {  	[spmem:s14] =	stream.linear.scatter [tilespmem:s29], [sflag:$0x3], $0x500, $0x38;
	[tilespmem:$0x8020] =	vst v63  }
0x48: {  	_ =	swait.ge [sflag:s24], $0x500  }
0x49: {  	[sflag:s24] =	ssyncset.done $0x0  }
0x4a: {  	[sflag:s24] =	ssyncadd.s32 $0xFFFFFB00  }
0x4b: {  	[bflag:$0x0] =	sbarrier.arrive $0xFFFF  }
0x4c: {  	_ =	swait.ge [sflag:s30], $0x500  }
0x4d: {  	[sflag:s30] =	ssyncset.done $0x0  }
0x4e: {  	s5 =	simm.s32 $0x50;
	[sflag:s30] =	ssyncadd.s32 $0xFFFFFB00  }
0x4f: {  	[tilespmem:s29], [sflag:$0x2] =	stream.indirect.gather [hbm4b:s1+s26], $0x10, s5, s26, $0xb8;
	[tilespmem:$0x8020] =	vst v63  }
0x50: {  	s25 =	simm.s32 $0x2710  }
0x51: {  	[spmem:s3] =	stream.indirect.scatter.add.f32 [tilespmem:s28], [sflag:$0x3], $0x10, s25, s26, $0xb8;
	[tilespmem:$0x8020] =	vst v63  }
0x52: {  	_ =	swait.ge [sflag:s24], $0x500  }
0x53: {  	[sflag:s24] =	ssyncset.done $0x0  }
0x54: {  	s5 =	simm.s32 $0xA0;
	[sflag:s24] =	ssyncadd.s32 $0xFFFFFB00  }
0x55: {  	[tilespmem:s28], [sflag:$0x1] =	stream.indirect.gather [hbm4b:s1+s26], $0x10, s5, s26, $0xb8;
	[tilespmem:$0x8020] =	vst v63  }
0x56: {  	_ =	swait.ge [sflag:s31], $0x500  }
0x57: {  	[sflag:s31] =	ssyncset.done $0x0  }
0x58: {  	s25 =	simm.s32 $0x2760;
	[sflag:s31] =	ssyncadd.s32 $0xFFFFFB00  }
0x59: {  	[spmem:s3] =	stream.indirect.scatter.add.f32 [tilespmem:s29], [sflag:$0x3], $0x10, s25, s26, $0xb8;
	[tilespmem:$0x8020] =	vst v63  }
0x5a: {  	_ =	swait.ge [sflag:s24], $0x500  }
0x5b: {  	s25 =	simm.s32 $0x280;
	[sflag:s24] =	ssyncset.done $0x0  }
.LBB2_4:
0x5c: {  	p0 =	sne.s32 s25, $0x9880  }
0x5d: {  	[sflag:s24] =	ssyncadd.s32 $0xFFFFFB00;
	s2 =	smov.u32 s25;
	s25 =	sadd.s32 $0x280, s25  }
0x5e: {  	_ =	swait.ge [sflag:s30], $0x500  }
0x5f: {  	s2 =	sshra.s32 s2, $0x2;
	[sflag:s30] =	ssyncset.done $0x0  }
0x60: {  	s5 =	sadd.s32 $0x50, s2;
	[sflag:s30] =	ssyncadd.s32 $0xFFFFFB00  }
0x61: {  	[tilespmem:s29], [sflag:$0x2] =	stream.indirect.gather [hbm4b:s1+s26], $0x10, s5, s26, $0xb8;
	[tilespmem:$0x8020] =	vst v63  }
0x62: {  	s5 =	sadd.s32 $0x2710, s2  }
0x63: {  	[spmem:s3] =	stream.indirect.scatter.add.f32 [tilespmem:s28], [sflag:$0x3], $0x10, s5, s26, $0xb8;
	[tilespmem:$0x8020] =	vst v63  }
0x64: {  	_ =	swait.ge [sflag:s24], $0x500  }
0x65: {  	[sflag:s24] =	ssyncset.done $0x0  }
0x66: {  	s5 =	sadd.s32 $0xA0, s2;
	[sflag:s24] =	ssyncadd.s32 $0xFFFFFB00  }
0x67: {  	[tilespmem:s28], [sflag:$0x1] =	stream.indirect.gather [hbm4b:s1+s26], $0x10, s5, s26, $0xb8;
	[tilespmem:$0x8020] =	vst v63  }
0x68: {  	_ =	swait.ge [sflag:s31], $0x500  }
.Ltmp1:
0x69: {  	[sflag:s31] =	ssyncset.done $0x0;
	(pc) =	sbr.rel @p0 .LBB2_4-.Ltmp1, $4  }
0x6a: {  	s2 =	sadd.s32 $0x2760, s2;
	[sflag:s31] =	ssyncadd.s32 $0xFFFFFB00  }
0x6b: {  	[spmem:s3] =	stream.indirect.scatter.add.f32 [tilespmem:s29], [sflag:$0x3], $0x10, s2, s26, $0xb8;
	[tilespmem:$0x8020] =	vst v63  }
0x6c: {  	_ =	swait.ge [sflag:s24], $0x500  }
0x6d: {  	[sflag:s24] =	ssyncset.done $0x0  }
0x6e: {  	[sflag:s24] =	ssyncadd.s32 $0xFFFFFB00  }
0x6f: {  	_ =	swait.ge [sflag:s30], $0x500  }
0x70: {  	[sflag:s30] =	ssyncset.done $0x0  }
0x71: {  	s2 =	simm.s32 $0x4DD0;
	[sflag:s30] =	ssyncadd.s32 $0xFFFFFB00  }
0x72: {  	[spmem:s3] =	stream.indirect.scatter.add.f32 [tilespmem:s28], [sflag:$0x3], $0x10, s2, s26, $0xb8;
	[tilespmem:$0x8020] =	vst v63  }
0x73: {  	_ =	swait.ge [sflag:s24], $0x500  }
0x74: {  	[sflag:s24] =	ssyncset.done $0x0  }
0x75: {  	[sflag:s24] =	ssyncadd.s32 $0xFFFFFB00  }
0x76: {  	[bflag:$0x0] =	sbarrier.arrive $0xFFFF  }
0x77: {  	[tilespmem:s28], [sflag:$0x3] =	stream.linear.gather [spmem:s7], $0x500, $0x38;
	[tilespmem:$0x8020] =	vst v63  }
0x78: {  	_ =	swait.ge [sflag:s24], $0x500  }
0x79: {  	[sflag:s24] =	ssyncset.done $0x0  }
0x7a: {  	[sflag:s24] =	ssyncadd.s32 $0xFFFFFB00  }
0x7b: {  	[hbm4b:s15+s4] =	stream.linear.scatter [tilespmem:s28], [sflag:$0x3], $0x500, $0x38;
	[tilespmem:$0x8020] =	vst v63  }
0x7c: {  	_ =	swait.ge [sflag:s24], $0x500  }
0x7d: {  	[sflag:s24] =	ssyncset.done $0x0  }
0x7e: {  	[sflag:s24] =	ssyncadd.s32 $0xFFFFFB00  }
0x7f: {  	[tilespmem:s28], [sflag:$0x3] =	stream.linear.gather [spmem:s8], $0x500, $0x38;
	[tilespmem:$0x8020] =	vst v63  }
0x80: {  	_ =	swait.ge [sflag:s24], $0x500  }
0x81: {  	[sflag:s24] =	ssyncset.done $0x0  }
0x82: {  	[sflag:s24] =	ssyncadd.s32 $0xFFFFFB00  }
0x83: {  	[hbm4b:s16+s4] =	stream.linear.scatter [tilespmem:s28], [sflag:$0x3], $0x500, $0x38;
	[tilespmem:$0x8020] =	vst v63  }
0x84: {  	_ =	swait.ge [sflag:s24], $0x500  }
0x85: {  	[sflag:s24] =	ssyncset.done $0x0  }
0x86: {  	[sflag:s24] =	ssyncadd.s32 $0xFFFFFB00  }
0x87: {  	[tilespmem:s28], [sflag:$0x3] =	stream.linear.gather [spmem:s9], $0x500, $0x38;
	[tilespmem:$0x8020] =	vst v63  }
0x88: {  	_ =	swait.ge [sflag:s24], $0x500  }
0x89: {  	[sflag:s24] =	ssyncset.done $0x0  }
0x8a: {  	[sflag:s24] =	ssyncadd.s32 $0xFFFFFB00  }
0x8b: {  	[hbm4b:s17+s4] =	stream.linear.scatter [tilespmem:s28], [sflag:$0x3], $0x500, $0x38;
	[tilespmem:$0x8020] =	vst v63  }
0x8c: {  	_ =	swait.ge [sflag:s24], $0x500  }
0x8d: {  	[sflag:s24] =	ssyncset.done $0x0  }
0x8e: {  	[sflag:s24] =	ssyncadd.s32 $0xFFFFFB00  }
0x8f: {  	[tilespmem:s28], [sflag:$0x3] =	stream.linear.gather [spmem:s10], $0x500, $0x38;
	[tilespmem:$0x8020] =	vst v63  }
0x90: {  	_ =	swait.ge [sflag:s24], $0x500  }
0x91: {  	[sflag:s24] =	ssyncset.done $0x0  }
0x92: {  	[sflag:s24] =	ssyncadd.s32 $0xFFFFFB00  }
0x93: {  	[hbm4b:s18+s4] =	stream.linear.scatter [tilespmem:s28], [sflag:$0x3], $0x500, $0x38;
	[tilespmem:$0x8020] =	vst v63  }
0x94: {  	_ =	swait.ge [sflag:s24], $0x500  }
0x95: {  	[sflag:s24] =	ssyncset.done $0x0  }
0x96: {  	[sflag:s24] =	ssyncadd.s32 $0xFFFFFB00  }
0x97: {  	[tilespmem:s28], [sflag:$0x3] =	stream.linear.gather [spmem:s11], $0x500, $0x38;
	[tilespmem:$0x8020] =	vst v63  }
0x98: {  	_ =	swait.ge [sflag:s24], $0x500  }
0x99: {  	[sflag:s24] =	ssyncset.done $0x0  }
0x9a: {  	[sflag:s24] =	ssyncadd.s32 $0xFFFFFB00  }
0x9b: {  	[hbm4b:s19+s4] =	stream.linear.scatter [tilespmem:s28], [sflag:$0x3], $0x500, $0x38;
	[tilespmem:$0x8020] =	vst v63  }
0x9c: {  	_ =	swait.ge [sflag:s24], $0x500  }
0x9d: {  	[sflag:s24] =	ssyncset.done $0x0  }
0x9e: {  	[sflag:s24] =	ssyncadd.s32 $0xFFFFFB00  }
0x9f: {  	[tilespmem:s28], [sflag:$0x3] =	stream.linear.gather [spmem:s12], $0x500, $0x38;
	[tilespmem:$0x8020] =	vst v63  }
0xa0: {  	_ =	swait.ge [sflag:s24], $0x500  }
0xa1: {  	[sflag:s24] =	ssyncset.done $0x0  }
0xa2: {  	[sflag:s24] =	ssyncadd.s32 $0xFFFFFB00  }
0xa3: {  	[hbm4b:s20+s4] =	stream.linear.scatter [tilespmem:s28], [sflag:$0x3], $0x500, $0x38;
	[tilespmem:$0x8020] =	vst v63  }
0xa4: {  	_ =	swait.ge [sflag:s24], $0x500  }
0xa5: {  	[sflag:s24] =	ssyncset.done $0x0  }
0xa6: {  	[sflag:s24] =	ssyncadd.s32 $0xFFFFFB00  }
0xa7: {  	[tilespmem:s28], [sflag:$0x3] =	stream.linear.gather [spmem:s13], $0x500, $0x38;
	[tilespmem:$0x8020] =	vst v63  }
0xa8: {  	_ =	swait.ge [sflag:s24], $0x500  }
0xa9: {  	[sflag:s24] =	ssyncset.done $0x0  }
0xaa: {  	[sflag:s24] =	ssyncadd.s32 $0xFFFFFB00  }
0xab: {  	[hbm4b:s21+s4] =	stream.linear.scatter [tilespmem:s28], [sflag:$0x3], $0x500, $0x38;
	[tilespmem:$0x8020] =	vst v63  }
0xac: {  	_ =	swait.ge [sflag:s24], $0x500  }
0xad: {  	[sflag:s24] =	ssyncset.done $0x0  }
0xae: {  	[sflag:s24] =	ssyncadd.s32 $0xFFFFFB00  }
0xaf: {  	[tilespmem:s28], [sflag:$0x3] =	stream.linear.gather [spmem:s14], $0x500, $0x38;
	[tilespmem:$0x8020] =	vst v63  }
0xb0: {  	s0 =	sadd.s32 $0x1, s0;
	_ =	swait.ge [sflag:s24], $0x500  }
0xb1: {  	p0 =	sne.s32 s0, s23;
	[sflag:s24] =	ssyncset.done $0x0  }
.Ltmp2:
0xb2: {  	[sflag:s24] =	ssyncadd.s32 $0xFFFFFB00;
	(pc) =	sbr.rel @p0 .LBB2_1-.Ltmp2, $4  }
0xb3: {  	[hbm4b:s22+s4] =	stream.linear.scatter [tilespmem:s28], [sflag:$0x3], $0x500, $0x38;
	[tilespmem:$0x8020] =	vst v63  }
0xb4: {  	_ =	swait.ge [sflag:s24], $0x500  }
0xb5: {  	[sflag:s24] =	ssyncset.done $0x0  }
0xb6: {  	[sflag:s24] =	ssyncadd.s32 $0xFFFFFB00  }
0xb7: {  	_ =	sfence.sel $0x180000  }
0xb8: {  	[bflag:$0x0] =	sbarrier.arrive $0xFFFF  }
0xb9: {  	_ =	strace $0x90000050  }
0xba: {  	s0 =	stileid.u32;
	[bflag:$0x2] =	sbarrier.arrive $0xFFFF  }
0xbb: {  	p0 =	sne.s32 s0, $0x0;
	s0 =	rddreg [dreg:$0x3]  }
0xbc: {  	s0 =	sadd.s32 @!p0 $0x100000, s0  }
0xbd: {  	[sflag:s0] =	ssyncadd.tile.s32 @!p0 $0x1;
	_ =	shalt  }
.Lfunc_end2:
_tile_overlayer_lowered:
.L_overlay_start_2:
0xbe: {  	(tag) =	ssettag $0x2  }
0xbf: {  	s0 =	rddreg [dreg:$0x0];
	s2 =	stileid.u32  }
0xc0: {  	s1 =	rddreg [dreg:$0x1];
	p0 =	sne.s32 s2, $0x0  }
0xc1: {  	s3 =	rddreg [dreg:$0x2];
	[bflag:$0x3] =	sbarrier.arrive $0xFFFF;
	s2 =	simm.s32 @!p0 $0x1C03  }
0xc2: {  	[timem:s3], [sflag:s2] =	dma.local @!p0 [hbm:s0], s1  }
0xc3: {  	s0 =	simm.s32 @!p0 $0x3  }
0xc4: {  	_ =	swait.ge @!p0 [sflag:s0], s1  }
0xc5: {  	s1 =	ssub.s32 @!p0 $0x0, s1;
	[sflag:s0] =	ssyncset.done @!p0 $0x0  }
0xc6: {  	[sflag:s0] =	ssyncadd.s32 @!p0 s1  }
0xc7: {  	[bflag:$0x3] =	sbarrier.arrive $0xFFFF  }
0xc8: {  	_ =	shalt  }

// kernel: kernel.24.cloned.1.call-start
scs
__scs_entry_jumppad:
0x0: {  	(pc) =	sbr.rel $0x88, $3  }
0x1: {  	(tag) =	ssettag $0x0;
	lr =	simm.s32 $0x1  }
0x2: {  	[smem:$0x3F91] =	sst lr;
	_ =	strace $0xD0000000  }
0x3: {  	_ = 	snop  }
0x4: {  	_ = 	snop  }
0x5: {  	_ = 	snop  }
0x6: {  	_ = 	snop  }
0x7: {  	_ = 	snop  }
__scs_overlays_trampoline_lowered:
0x8: {  	[smem:$0x3FA0] =	sst s0  }
0x9: {  	[smem:$0x3FA1] =	sst s1  }
0xa: {  	[smem:$0x3FA2] =	sst s2  }
0xb: {  	[smem:$0x3FA3] =	sst s3  }
0xc: {  	[smem:$0x3FA4] =	sst s4  }
0xd: {  	[smem:$0x3FA5] =	sst s5  }
0xe: {  	[smem:$0x3FA6] =	sst s6  }
0xf: {  	[smem:$0x3FA7] =	sst s7  }
0x10: {  	[smem:$0x3FA8] =	sst s8  }
0x11: {  	[smem:$0x3FA9] =	sst s9;
	s0 =	simm.s32 @!p0 $0x0  }
0x12: {  	s1 =	sld [smem:$0x3F8F];
	s0 =	simm.s32 @p0 $0x1  }
0x13: {  	[smem:$0x3FAA] =	sst s0;
	s0 =	simm.s32 @!p1 $0x0  }
0x14: {  	s2 =	sld [smem:$0x3F8E];
	s0 =	simm.s32 @p1 $0x1  }
0x15: {  	[smem:$0x3FAB] =	sst s0;
	s0 =	simm.s32 @!p2 $0x0  }
0x16: {  	s3 =	sld [smem:$0x3FDB];
	s0 =	simm.s32 @p2 $0x1  }
0x17: {  	s4 =	simm.s32 $0x1BF5;
	[smem:$0x3FAD] =	sst s0  }
0x18: {  	s0 =	sld [smem:$0x3F90];
	_ =	swait.ge [sflag:s4], $0x0  }
0x19: {  	s7 =	sld [smem:$0x3F91]  }
0x1a: {  	s8 =	sadd.s32 $0xFFFFE003, lr  }
0x1b: {  	s9 =	sadd.s32 $0xFFFFFEF7, lr;
	s5 =	simm.s32 $0xFFFFFFFF;
	p2 =	slt.u32 s8, $0xFFFFF086  }
0x1c: {  	p1 =	slt.u32 s9, $0xF7A;
	s5 =	simm.s32 @!p2 $0x0  }
0x1d: {  	s5 =	simm.s32 @p1 $0x1;
	p0 =	seq.s32 s7, s2  }
0x1e: {  	s7 =	smul.u32 @!p0 $0xF7A, s2;
	p2 =	seq.s32 @!p0 s5, $0x0  }
0x1f: {  	s9 =	smul.u32 $0xF7A, s1;
	s8 =	simm.s32 @!p0 $0x1BF5;
	p2 =	por !p2, p0  }
0x20: {  	[sflag:s8] =	ssyncset.s32 @!p0 $0xFFFFF086;
	s6 =	sadd.s32 @!p0 s3, s7;
	s7 =	simm.s32 @!p0 $0x108  }
0x21: {  	s3 =	sadd.s32 s3, s9;
	s6 =	sadd.s32 @!p0 $0x88, s6;
	s7 =	simm.s32 @p2 $0x1082  }
0x22: {  	[simem:s7], [sflag:s8] =	dma.local @!p0 [hbm:s6], $0xF7A  }
0x23: {  	s9 =	sor.u32 $0xD0000000, s2;
	s6 =	simm.s32 $0x108;
	_ =	swait.ge @!p0 [sflag:s8], $0x0  }
0x24: {  	s3 =	sadd.s32 $0x88, s3;
	s6 =	simm.s32 @!p1 $0x1082;
	[sflag:s4] =	ssyncset.s32 $0xFFFFF086  }
0x25: {  	[simem:s6], [sflag:s4] =	dma.local [hbm:s3], $0xF7A  }
0x26: {  	[smem:$0x3F91] =	sst s1;
	(tag) =	ssettag s2;
	_ =	strace s9  }
0x27: {  	s1 =	sld [smem:$0x3FA1]  }
0x28: {  	s2 =	sld [smem:$0x3FA2]  }
0x29: {  	s4 =	sld [smem:$0x3FA4]  }
0x2a: {  	p0 =	seq.s32 s5, $0x0;
	s5 =	sld [smem:$0x3FA5]  }
0x2b: {  	s6 =	sld [smem:$0x3FA6]  }
0x2c: {  	s7 =	sld [smem:$0x3FA7]  }
0x2d: {  	s3 =	simm.s32 $0x108;
	s8 =	sld [smem:$0x3FA8]  }
0x2e: {  	s3 =	simm.s32 @!p0 $0x1082;
	s9 =	sld [smem:$0x3FA9]  }
0x2f: {  	lr =	sadd.s32 s0, s3;
	s0 =	sld [smem:$0x3FA0]  }
0x30: {  	s3 =	sld [smem:$0x3FA3]  }
0x31: {  	[smem:$0x3FAC] =	sst s10  }
0x32: {  	s10 =	sld [smem:$0x3FAA];
	_ =	sdelay $0x3  }
0x33: {  	p0 =	seq.s32 s10, $0x1;
	s10 =	sld [smem:$0x3FAC];
	_ =	sdelay $0x3  }
0x34: {  	[smem:$0x3FAC] =	sst s10  }
0x35: {  	s10 =	sld [smem:$0x3FAB];
	_ =	sdelay $0x3  }
0x36: {  	p1 =	seq.s32 s10, $0x1;
	s10 =	sld [smem:$0x3FAC];
	_ =	sdelay $0x3  }
0x37: {  	[smem:$0x3FAC] =	sst s10  }
0x38: {  	s10 =	sld [smem:$0x3FAD]  }
0x39: {  	_ = 	snop;
	(pc) =	sbr.ind lr, $3  }
0x3a: {  	_ = 	snop  }
0x3b: {  	_ = 	snop  }
0x3c: {  	p2 =	seq.s32 s10, $0x1;
	s10 =	sld [smem:$0x3FAC]  }
0x3d: {  	_ =	shalt  }
0x3e: {  	_ =	shalt  }
0x3f: {  	_ =	shalt  }
0x40: {  	_ =	shalt  }
0x41: {  	_ =	shalt  }
0x42: {  	_ =	shalt  }
0x43: {  	_ =	shalt  }
0x44: {  	_ =	shalt  }
0x45: {  	_ =	shalt  }
0x46: {  	_ =	shalt  }
0x47: {  	_ =	shalt  }
0x48: {  	_ =	shalt  }
0x49: {  	_ =	shalt  }
0x4a: {  	_ =	shalt  }
0x4b: {  	_ =	shalt  }
0x4c: {  	_ =	shalt  }
0x4d: {  	_ =	shalt  }
0x4e: {  	_ =	shalt  }
0x4f: {  	_ =	shalt  }
0x50: {  	_ =	shalt  }
0x51: {  	_ =	shalt  }
0x52: {  	_ =	shalt  }
0x53: {  	_ =	shalt  }
0x54: {  	_ =	shalt  }
0x55: {  	_ =	shalt  }
0x56: {  	_ =	shalt  }
0x57: {  	_ =	shalt  }
0x58: {  	_ =	shalt  }
0x59: {  	_ =	shalt  }
0x5a: {  	_ =	shalt  }
0x5b: {  	_ =	shalt  }
0x5c: {  	_ =	shalt  }
0x5d: {  	_ =	shalt  }
0x5e: {  	_ =	shalt  }
0x5f: {  	_ =	shalt  }
0x60: {  	_ =	shalt  }
0x61: {  	_ =	shalt  }
0x62: {  	_ =	shalt  }
0x63: {  	_ =	shalt  }
0x64: {  	_ =	shalt  }
0x65: {  	_ =	shalt  }
0x66: {  	_ =	shalt  }
0x67: {  	_ =	shalt  }
0x68: {  	_ =	shalt  }
0x69: {  	_ =	shalt  }
0x6a: {  	_ =	shalt  }
0x6b: {  	_ =	shalt  }
0x6c: {  	_ =	shalt  }
0x6d: {  	_ =	shalt  }
0x6e: {  	_ =	shalt  }
0x6f: {  	_ =	shalt  }
0x70: {  	_ =	shalt  }
0x71: {  	_ =	shalt  }
0x72: {  	_ =	shalt  }
0x73: {  	_ =	shalt  }
0x74: {  	_ =	shalt  }
0x75: {  	_ =	shalt  }
0x76: {  	_ =	shalt  }
0x77: {  	_ =	shalt  }
0x78: {  	_ =	shalt  }
0x79: {  	_ =	shalt  }
0x7a: {  	_ =	shalt  }
0x7b: {  	_ =	shalt  }
0x7c: {  	_ =	shalt  }
0x7d: {  	_ =	shalt  }
0x7e: {  	_ =	shalt  }
0x7f: {  	_ =	shalt  }
0x80: {  	_ =	shalt  }
0x81: {  	_ =	shalt  }
0x82: {  	_ =	shalt  }
0x83: {  	_ =	shalt  }
0x84: {  	_ =	shalt  }
0x85: {  	_ =	shalt  }
0x86: {  	_ =	shalt  }
0x87: {  	_ =	shalt  }
.Lfunc_end0:
.L_simem_size_0:
called_computation.4_lowered:
.L_overlay_start_0:
0x88: {  	s2 =	sld [smem:$0x3FD9]  }
0x89: {  	s3 =	sld [smem:$0x3FFE];
	_ =	sdelay $0x1  }
0x8a: {  	s1 =	srdreg.scid  }
0x8b: {  	s0 =	sand.u32 $0x1, s1  }
0x8c: {  	s16 =	sshll.u32 s0, $0xA;
	s2 =	sadd.s32 s3, s2  }
0x8d: {  	s2 =	sadd.s32 s2, s16  }
0x8e: {  	[smem:$0x3FB8] =	sst s2  }
0x8f: {  	_ = 	snop  }
0x90: {  	(tm) =	ssettm $0x1  }
0x91: {  	s17 =	sld [smem:$0x3FFB];
	_ =	sdelay $0x3  }
0x92: {  	_ =	strace s17  }
0x93: {  	s2 =	sld [smem:$0x3FFC];
	_ =	sdelay $0x3  }
0x94: {  	_ =	strace s2  }
0x95: {  	s2 =	sld [smem:$0x3FFD];
	_ =	sdelay $0x3  }
0x96: {  	_ =	strace s2  }
0x97: {  	_ =	strace $0x8FFFFFFF  }
0x98: {  	s18 =	sld [smem:$0x3FDB];
	_ =	sdelay $0x1  }
0x99: {  	s19 =	simm.s32 $_scs_section_size  }
0x9a: {  	s4 =	simm.s32 $_size__tile_overlayer_lowered;
	s5 =	simm.s32 $_tile_overlayer_lowered  }
0x9b: {  	s22 =	simm.s32 $0x1BFF;
	s21 =	sshll.u32 s5, $0x1;
	s2 =	sadd.s32 s19, s18  }
0x9c: {  	s6 =	simm.s32 $0x0;
	s20 =	sshll.u32 s4, $0x1;
	s4 =	sadd.s32 s21, s2  }
0x9d: {  	[timem:s6], [sflag:s22] =	dma.local [hbm:s4], s20  }
0x9e: {  	_ =	swait.ge [sflag:s22], s20  }
0x9f: {  	s3 =	ssub.s32 $0x0, s20;
	[sflag:s22] =	ssyncset.done $0x0  }
0xa0: {  	[sflag:s22] =	ssyncadd.s32 s3;
	_ =	sdelay $0x1  }
0xa1: {  	s23 =	simm.s32 $0x1B8B  }
0xa2: {  	_ =	swait.ge [sflag:s23], $0x1  }
0xa3: {  	[sflag:s23] =	ssyncset.done $0x0  }
0xa4: {  	s25 =	simm.s32 $0x1B8E;
	s24 =	sld [smem:$0x3FFE];
	[sflag:s23] =	ssyncadd.s32 $0xFFFFFFFF  }
0xa5: {  	s26 =	simm.s32 $execute0_lowered;
	[smem:$0x3FD2] =	sst s25  }
0xa6: {  	s4 =	sshll.u32 s26, $0x1;
	_ =	strace $0x80000052;
	[dreg:$0x1] =	wrdreg $0xFFFFFFFF  }
0xa7: {  	s28 =	simm.s32 $_size_execute0_lowered;
	s2 =	sadd.s32 s2, s4;
	[dreg:$0x0] =	wrdreg $0x0  }
0xa8: {  	s4 =	sshll.u32 s28, $0x1;
	[dreg:$0x2] =	wrdreg s2  }
0xa9: {  	[dreg:$0x3] =	wrdreg s4  }
0xaa: {  	[dreg:$0x4] =	wrdreg $0xC0  }
0xab: {  	_ =	task [dreg:s6], $0x5FFFF  }
0xac: {  	[dreg:$0x1] =	wrdreg $0xFFFFFFFF  }
0xad: {  	[dreg:$0x0] =	wrdreg $0x60  }
0xae: {  	[dreg:$0x2] =	wrdreg s24  }
0xaf: {  	[dreg:$0x3] =	wrdreg $0x9  }
0xb0: {  	_ =	task.clear_ibuf [dreg:s6], $0x4FFFF;
	_ =	strace $0x90000052  }
0xb1: {  	s29 =	simm.s32 $0x9;
	_ =	strace $0x80000054  }
0xb2: {  	_ =	swait.ge [sflag:s29], $0x1  }
0xb3: {  	[sflag:s29] =	ssyncadd.s32 $0xFFFFFFFF  }
0xb4: {  	_ =	strace $0x90000054  }
0xb5: {  	_ =	sfence  }
0xb6: {  	s30 =	sld [smem:$0x0];
	_ =	sdelay $0x2  }
0xb7: {  	s31 =	sshll.u32 s1, $0xD;
	s1 =	sshrl.u32 s1, $0x2  }
0xb8: {  	s3 =	sand.u32 $0x4000, s31;
	s1 =	sadd.s32 s1, s30  }
0xb9: {  	s0 =	sor.u32 s3, s0;
	s1 =	sshll.u32 s1, $0x11  }
0xba: {  	s0 =	sor.u32 s1, s0  }
0xbb: {  	s0 =	sadd.s32 $0x8F2B, s0  }
0xbc: {  	[sflag:s0] =	ssyncadd.remote.s32 $0x1  }
0xbd: {  	_ =	sfence.sel $0xFFFF  }
0xbe: {  	[dreg:$0x0] =	wrdreg $0xFFFFFFFF;
	(pc) =	sbr.abs _section_cstart, $3  }
0xbf: {  	[dreg:$0x1] =	wrdreg $0xFFFFFFFF  }
0xc0: {  	_ =	task.clear_ibuf [dreg:s6], $0x2FFFF;
	_ =	strace $0x9FFFFFFF  }
0xc1: {  	(tm) =	ssettm $0x7FFFFFFF  }
tec
execute0_lowered:
.L_overlay_start_1:
0x0: {  	(tag) =	ssettag $0x1  }
0x1: {  	s4 =	rddreg [dreg:$0x0]  }
0x2: {  	s0 =	rddreg [dreg:$0x1];
	s2 =	simm.s32 $0x0;
	s5 =	srdreg.scid  }
0x3: {  	s1 =	stileid.u32;
	s11 =	simm.s32 $0x80;
	s12 =	simm.s32 $0x400  }
0x4: {  	s13 =	simm.s32 $0x16000;
	s14 =	simm.s32 $0x16400;
	s15 =	simm.s32 $0x16800  }
0x5: {  	s16 =	simm.s32 $0x16C00;
	s17 =	simm.s32 $0x17000;
	s18 =	simm.s32 $0x0  }
0x6: {  	[smem:$0x7FF] =	sst s2;
	s5 =	sand.u32 $0x1, s5;
	s6 =	sshll.u32 s1, $0x8  }
0x7: {  	s7 =	sshrl.u32 s1, $0x2;
	s8 =	sshll.u32 s5, $0x7;
	s6 =	sand.u32 $0x300, s6  }
0x8: {  	s3 =	sadd.s32 $0x67800, s4;
	s29 =	sshll.u32 s7, $0xD;
	s6 =	sor.u32 s8, s6  }
0x9: {  	_ =	strace $0x80000053;
	s7 =	sshll.u32 s7, $0xA;
	s8 =	sor.u32 s29, s6  }
0xa: {  	s5 =	ssub.s32 $0x2, s5;
	s6 =	sor.u32 s7, s6;
	s30 =	sshrl.u32 s8, $0x3  }
0xb: {  	s31 =	sshrl.u32 s5, $0x1;
	s6 =	sshrl.u32 s6, $0x3;
	s7 =	sadd.s32 s30, s4  }
0xc: {  	s10 =	ssub.s32 s5, s31;
	s9 =	sadd.s32 s6, s4;
	s4 =	sadd.s32 $0x98800, s7  }
0xd: {  	s5 =	sadd.s32 $0x99800, s7;
	s6 =	sadd.s32 $0x9A800, s7;
	s7 =	sadd.s32 $0x9B800, s7  }
0xe: {  	s8 =	sadd.s32 $0x6A400, s9;
	s9 =	smax.u32 s10, $0x1;
	s10 =	simm.s32 $0x1  }
.LBB2_1:
0xf: {  	[tilespmem:s2], [sflag:$0x1] =	stream.linear.gather [hbm4b:s3+s2], $0x16000, $0x38;
	[tilespmem:$0x17080] =	vst v63  }
0x10: {  	_ =	swait.ge [sflag:s10], $0x16000  }
0x11: {  	[sflag:s10] =	ssyncset.done $0x0  }
0x12: {  	[sflag:s10] =	ssyncadd.s32 $0xFFFEA000  }
0x13: {  	[tilespmem:s13], [sflag:$0x1] =	stream.strided.gather [hbm4b:s4+s11], $0x400, s12, s11, $0x38;
	[tilespmem:$0x17080] =	vst v63  }
0x14: {  	_ =	swait.ge [sflag:s10], $0x400  }
0x15: {  	[sflag:s10] =	ssyncset.done $0x0  }
0x16: {  	[sflag:s10] =	ssyncadd.s32 $0xFFFFFC00  }
0x17: {  	[tilespmem:s14], [sflag:$0x1] =	stream.strided.gather [hbm4b:s5+s11], $0x400, s12, s11, $0x38;
	[tilespmem:$0x17080] =	vst v63  }
0x18: {  	_ =	swait.ge [sflag:s10], $0x400  }
0x19: {  	[sflag:s10] =	ssyncset.done $0x0  }
0x1a: {  	[sflag:s10] =	ssyncadd.s32 $0xFFFFFC00  }
0x1b: {  	[tilespmem:s15], [sflag:$0x1] =	stream.strided.gather [hbm4b:s6+s11], $0x400, s12, s11, $0x38;
	[tilespmem:$0x17080] =	vst v63  }
0x1c: {  	_ =	swait.ge [sflag:s10], $0x400  }
0x1d: {  	[sflag:s10] =	ssyncset.done $0x0  }
0x1e: {  	[sflag:s10] =	ssyncadd.s32 $0xFFFFFC00  }
0x1f: {  	[tilespmem:s16], [sflag:$0x1] =	stream.strided.gather [hbm4b:s7+s11], $0x400, s12, s11, $0x38;
	[tilespmem:$0x17080] =	vst v63  }
0x20: {  	_ =	swait.ge [sflag:s10], $0x400  }
0x21: {  	[sflag:s10] =	ssyncset.done $0x0  }
0x22: {  	s19 =	simm.s32 $0x0;
	[sflag:s10] =	ssyncadd.s32 $0xFFFFFC00  }
0x23: {  	v0 =	vld [tilespmem:s19+$0x16000]  }
0x24: {  	v1 =	vld [tilespmem:s19+$0x16400]  }
0x25: {  	v2 =	vld [tilespmem:s19+$0x16800]  }
0x26: {  	v3 =	vld [tilespmem:s19+$0x16C00];
	_ =	sdelay $0x3  }
0x27: {  	v0 =	vmul.u32 $0x9, v0;
	v1 =	vmul.u32 $0x3, v1  }
0x28: {  	v2 =	vmul.u32 $0x9, v2;
	v3 =	vmul.u32 $0x3, v3  }
0x29: {  	s31 =	simm.s32 $0x10;
	v0 =	vadd.s32 v0, v1  }
0x2a: {  	v4 =	vld [tilespmem:s31+$0x16000];
	v1 =	vadd.s32 v2, v3  }
0x2b: {  	v5 =	vld [tilespmem:s31+$0x16800];
	v3 =	vadd.s32 $0x1, v0  }
0x2c: {  	v7 =	vld [tilespmem:s31+$0x16C00];
	v6 =	vadd.s32 $0x1, v1  }
0x2d: {  	v2 =	vld [tilespmem:s31+$0x16400];
	v8 =	vadd.s32 $0x2, v0  }
0x2e: {  	v10 =	vadd.s32 $0x2, v1;
	v9 =	vld.idx.msk [tilespmem:v0+s2+$0x0], $0xffff  }
0x2f: {  	v12 =	vld.idx.msk [tilespmem:v1+s2+$0x0], $0xffff  }
0x30: {  	v1 =	vld.idx.msk [tilespmem:v3+s2+$0x0], $0xffff  }
0x31: {  	v3 =	vld.idx.msk [tilespmem:v6+s2+$0x0], $0xffff  }
0x32: {  	v11 =	vmul.u32 $0x9, v4;
	v0 =	vld.idx.msk [tilespmem:v8+s2+$0x0], $0xffff;
	v8 =	vmul.u32 $0x3, v2  }
0x33: {  	s20 =	simm.s32 $0x20;
	v5 =	vmul.u32 $0x9, v5;
	v7 =	vmul.u32 $0x3, v7;
	v2 =	vld.idx.msk [tilespmem:v10+s2+$0x0], $0xffff  }
0x34: {  	v6 =	vld [tilespmem:s20+$0x16000];
	v11 =	vadd.s32 v11, v8  }
0x35: {  	v10 =	vld [tilespmem:s20+$0x16400];
	v8 =	vadd.s32 v5, v7;
	v5 =	vadd.s32 $0x1, v11;
	v12 =	vsub.f32 v9, v12  }
0x36: {  	s19 =	simm.s32 $0xC0;
	v4 =	vimm.f32 $0.0e+00;
	v7 =	vadd.s32 $0x1, v8;
	v9 =	vld [tilespmem:s20+$0x16800]  }
.LBB2_2:
0x37: {  	p0 =	sne.s32 s19, $0xEC0;
	v13 =	vld [tilespmem:s20+$0x16C00];
	v14 =	vadd.s32 $0x2, v11;
	v12 =	vmul.f32 v12, v12;
	v1 =	vsub.f32 v1, v3  }
0x38: {  	v16 =	vadd.s32 $0x2, v8;
	v15 =	vld.idx.msk [tilespmem:v11+s2+$0x0], $0xffff  }
0x39: {  	v0 =	vsub.f32 v0, v2;
	v17 =	vld.idx.msk [tilespmem:v8+s2+$0x0], $0xffff;
	v4 =	vadd.f32 v12, v4;
	v8 =	vmul.f32 v1, v1  }
0x3a: {  	v2 =	vmul.u32 $0x9, v6;
	v1 =	vld.idx.msk [tilespmem:v5+s2+$0x0], $0xffff  }
0x3b: {  	v5 =	vmul.u32 $0x3, v10;
	v6 =	vmul.f32 v0, v0;
	v3 =	vld.idx.msk [tilespmem:v7+s2+$0x0], $0xffff;
	v4 =	vadd.f32 v8, v4  }
.Ltmp0:
0x3c: {  	v7 =	vmul.u32 $0x9, v9;
	v8 =	vmul.u32 $0x3, v13;
	v0 =	vld.idx.msk [tilespmem:v14+s2+$0x0], $0xffff;
	(pc) =	sbr.rel @p0 .LBB2_2-.Ltmp0, $4  }
0x3d: {  	s20 =	sshra.s32 s19, $0x2;
	v11 =	vadd.s32 v2, v5;
	v2 =	vld.idx.msk [tilespmem:v16+s2+$0x0], $0xffff;
	v4 =	vadd.f32 v6, v4  }
0x3e: {  	v6 =	vld [tilespmem:s20+$0x16000];
	v8 =	vadd.s32 v7, v8  }
0x3f: {  	v5 =	vadd.s32 $0x1, v11;
	v12 =	vsub.f32 v15, v17;
	v10 =	vld [tilespmem:s20+$0x16400]  }
0x40: {  	s19 =	sadd.s32 $0x40, s19;
	v7 =	vadd.s32 $0x1, v8;
	v9 =	vld [tilespmem:s20+$0x16800]  }
0x41: {  	v13 =	vld [tilespmem:s20+$0x16C00];
	_ =	sdelay $0x3  }
0x42: {  	v14 =	vadd.s32 $0x2, v11;
	v6 =	vmul.u32 $0x9, v6;
	v10 =	vmul.u32 $0x3, v10  }
0x43: {  	v41 =	vld.idx.msk [tilespmem:v11+s2+$0x0], $0xffff;
	v15 =	vadd.s32 $0x2, v8;
	v9 =	vmul.u32 $0x9, v9;
	v13 =	vmul.u32 $0x3, v13  }
0x44: {  	v43 =	vld.idx.msk [tilespmem:v8+s2+$0x0], $0xffff;
	v6 =	vadd.s32 v6, v10  }
0x45: {  	v1 =	vsub.f32 v1, v3;
	v42 =	vmul.f32 v12, v12;
	v5 =	vld.idx.msk [tilespmem:v5+s2+$0x0], $0xffff;
	v9 =	vadd.s32 v9, v13  }
0x46: {  	v44 =	vld.idx.msk [tilespmem:v7+s2+$0x0], $0xffff;
	v0 =	vsub.f32 v0, v2;
	v45 =	vadd.s32 $0x1, v6  }
0x47: {  	v3 =	vadd.f32 v42, v4;
	v1 =	vmul.f32 v1, v1;
	v46 =	vld.idx.msk [tilespmem:v14+s2+$0x0], $0xffff;
	v47 =	vadd.s32 $0x1, v9  }
0x48: {  	v0 =	vmul.f32 v0, v0;
	v48 =	vld.idx.msk [tilespmem:v15+s2+$0x0], $0xffff;
	v49 =	vadd.s32 $0x2, v6  }
0x49: {  	v1 =	vadd.f32 v1, v3;
	v8 =	vsub.f32 v41, v43;
	v50 =	vadd.s32 $0x2, v9;
	v6 =	vld.idx.msk [tilespmem:v6+s2+$0x0], $0xffff  }
0x4a: {  	v9 =	vld.idx.msk [tilespmem:v9+s2+$0x0], $0xffff  }
0x4b: {  	v4 =	vsub.f32 v5, v44;
	v0 =	vadd.f32 v0, v1;
	v51 =	vmul.f32 v8, v8;
	v52 =	vld.idx.msk [tilespmem:v45+s2+$0x0], $0xffff  }
0x4c: {  	v53 =	vld.idx.msk [tilespmem:v47+s2+$0x0], $0xffff  }
0x4d: {  	v54 =	vmul.f32 v4, v4;
	v0 =	vadd.f32 v51, v0;
	v2 =	vsub.f32 v46, v48;
	v55 =	vld.idx.msk [tilespmem:v49+s2+$0x0], $0xffff  }
0x4e: {  	v56 =	vld.idx.msk [tilespmem:v50+s2+$0x0], $0xffff  }
0x4f: {  	v0 =	vadd.f32 v54, v0;
	v57 =	vmul.f32 v2, v2;
	v58 =	vsub.f32 v6, v9;
	_ =	sdelay $0x1  }
0x50: {  	v0 =	vadd.f32 v57, v0;
	v60 =	vsub.f32 v52, v53;
	v59 =	vmul.f32 v58, v58;
	_ =	sdelay $0x1  }
0x51: {  	v62 =	vsub.f32 v55, v56;
	v61 =	vmul.f32 v60, v60;
	v0 =	vadd.f32 v59, v0;
	_ =	sdelay $0x1  }
0x52: {  	v63 =	vmul.f32 v62, v62;
	v0 =	vadd.f32 v61, v0;
	_ =	sdelay $0x1  }
0x53: {  	s18 =	sadd.s32 $0x1, s18;
	v0 =	vadd.f32 v63, v0  }
0x54: {  	p0 =	sne.s32 s18, s9  }
.Ltmp1:
0x55: {  	[tilespmem:$0x17000] =	vst v0;
	(pc) =	sbr.rel @p0 .LBB2_1-.Ltmp1, $4  }
0x56: {  	[hbm4b:s8+s2] =	stream.linear.scatter [tilespmem:s17], [sflag:$0x1], $0x80, $0x38;
	[tilespmem:$0x17080] =	vst v63  }
0x57: {  	_ =	swait.ge [sflag:s10], $0x80  }
0x58: {  	[sflag:s10] =	ssyncset.done $0x0  }
0x59: {  	[sflag:s10] =	ssyncadd.s32 $0xFFFFFF80  }
0x5a: {  	_ =	sfence.sel $0x180000  }
0x5b: {  	[bflag:$0x0] =	sbarrier.arrive $0xFFFF  }
0x5c: {  	p0 =	sne.s32 s1, $0x0;
	_ =	strace $0x90000053  }
0x5d: {  	s0 =	sadd.s32 @!p0 $0x100000, s0;
	[bflag:$0x2] =	sbarrier.arrive $0xFFFF  }
0x5e: {  	[sflag:s0] =	ssyncadd.tile.s32 @!p0 $0x1;
	_ =	shalt  }
.Lfunc_end2:
_tile_overlayer_lowered:
.L_overlay_start_2:
0x5f: {  	(tag) =	ssettag $0x2  }
0x60: {  	s0 =	rddreg [dreg:$0x0];
	s2 =	stileid.u32  }
0x61: {  	s1 =	rddreg [dreg:$0x1];
	p0 =	sne.s32 s2, $0x0  }
0x62: {  	s3 =	rddreg [dreg:$0x2];
	[bflag:$0x3] =	sbarrier.arrive $0xFFFF;
	s2 =	simm.s32 @!p0 $0x1C01  }
0x63: {  	[timem:s3], [sflag:s2] =	dma.local @!p0 [hbm:s0], s1  }
0x64: {  	s0 =	simm.s32 @!p0 $0x1  }
0x65: {  	_ =	swait.ge @!p0 [sflag:s0], s1  }
0x66: {  	s1 =	ssub.s32 @!p0 $0x0, s1;
	[sflag:s0] =	ssyncset.done @!p0 $0x0  }
0x67: {  	[sflag:s0] =	ssyncadd.s32 @!p0 s1  }
0x68: {  	[bflag:$0x3] =	sbarrier.arrive $0xFFFF  }
0x69: {  	_ =	shalt  }

</sc_bundles>
